<compile_context>
chip_gen: v7x
topology: tpu7x:2x2x1
jax: 0.10.2.dev20260603
libtpu: 0.0.44.dev20260713+nightly
codegen_flags: <defaults>
</compile_context>

<pallas_src>
import jax
import jax.numpy as jnp
from jax import lax
import jax.experimental.pallas as pl
from jax.experimental.pallas import tpu as pltpu
from jax.experimental.pallas import tpu_sc as plsc

N = 10000
E = 320000
D = 128

NC = 2
NS = 16

CHUNK = 80
EPT = E // NS
NCH = 256
EPT_PAD = NCH * CHUNK
SB = 32
NSB = NCH // SB
DUMP = N
NPAD = 10240
ZR = NPAD // NS
NPAD_DEG = 10240
ZRD = NPAD_DEG // NS
WR = 624
WREM = N - WR * NS

_MESH = dict(core_axis_name="c", subcore_axis_name="s", num_cores=NC,
             num_subcores=NS)


def _deg_body(dstb, zeros1, deg_out, idx_v, ones_v, acc, dsem0, dsem1):
    c = lax.axis_index("c")
    s = lax.axis_index("s")
    pltpu.sync_copy(zeros1, acc.at[pl.ds(s * ZRD, ZRD)])
    for k in range(CHUNK // 16):
        ones_v[pl.ds(k * 16, 16)] = jnp.ones((16,), jnp.float32)
    pltpu.sync_copy(dstb.at[c].at[s], idx_v)
    plsc.subcore_barrier()

    @pl.loop(0, NCH, step=2)
    def _(j):
        cp0 = pltpu.async_copy(ones_v, acc.at[idx_v.at[j]], dsem0, add=True)
        cp1 = pltpu.async_copy(ones_v, acc.at[idx_v.at[j + 1]], dsem1, add=True)
        cp0.wait()
        cp1.wait()

    plsc.subcore_barrier()
    pltpu.sync_copy(acc.at[pl.ds(s * ZRD, ZRD)], deg_out.at[c].at[pl.ds(s * ZRD, ZRD)])


def _agg_body(mpp, srcb, dstb, zeros2, agg_out, sidx, didx, r0, r1, r2, r3,
              acc, g0, g1, g2, g3, s0, s1, s2, s3):
    c = lax.axis_index("c")
    s = lax.axis_index("s")
    pltpu.sync_copy(zeros2, acc.at[pl.ds(s * ZR, ZR)])
    mpc = mpp.at[c]
    my_src = srcb.at[c].at[s]
    my_dst = dstb.at[c].at[s]
    plsc.subcore_barrier()
    rows = [r0, r1, r2, r3]
    gsem = [g0, g1, g2, g3]
    ssem = [s0, s1, s2, s3]

    def gwait(j, b):
        pltpu.make_async_copy(mpc.at[sidx.at[j]], rows[b], gsem[b]).wait()

    def ggo(j, b):
        pltpu.async_copy(mpc.at[sidx.at[j]], rows[b], gsem[b])

    def swait(j, b):
        pltpu.make_async_copy(rows[b], acc.at[didx.at[j]], ssem[b]).wait()

    def sgo(j, b):
        pltpu.async_copy(rows[b], acc.at[didx.at[j]], ssem[b], add=True)

    @pl.loop(0, NSB)
    def _(t):
        pltpu.sync_copy(my_src.at[pl.ds(t * SB, SB)], sidx)
        pltpu.sync_copy(my_dst.at[pl.ds(t * SB, SB)], didx)
        for b in range(4):
            ggo(b, b)
        gwait(0, 0); sgo(0, 0)
        gwait(1, 1); sgo(1, 1)
        gwait(2, 2); sgo(2, 2); swait(0, 0); ggo(4, 0)
        gwait(3, 3); sgo(3, 3); swait(1, 1); ggo(5, 1)

        @pl.loop(4, SB - 4, step=4)
        def _(j):
            for b in range(4):
                jj = j + b
                gwait(jj, b)
                sgo(jj, b)
                swait(jj - 2, (b + 2) % 4)
                ggo(jj + 2, (b + 2) % 4)

        gwait(SB - 4, 0); sgo(SB - 4, 0); swait(SB - 6, 2); ggo(SB - 2, 2)
        gwait(SB - 3, 1); sgo(SB - 3, 1); swait(SB - 5, 3); ggo(SB - 1, 3)
        gwait(SB - 2, 2); sgo(SB - 2, 2); swait(SB - 4, 0)
        gwait(SB - 1, 3); sgo(SB - 1, 3); swait(SB - 3, 1)
        swait(SB - 2, 2)
        swait(SB - 1, 3)

    plsc.subcore_barrier()
    pltpu.sync_copy(acc.at[pl.ds(s * WR, WR)], agg_out.at[c].at[pl.ds(s * WR, WR)])

    @pl.when(s == NS - 1)
    def _():
        pltpu.sync_copy(acc.at[pl.ds(WR * NS, WREM)],
                        agg_out.at[c].at[pl.ds(WR * NS, WREM)])


_deg_kernel = pl.kernel(
    _deg_body,
    out_type=jax.ShapeDtypeStruct((NC, NPAD_DEG), jnp.float32),
    mesh=plsc.VectorSubcoreMesh(**_MESH),
    scratch_types=[
        pltpu.VMEM((NCH, CHUNK), jnp.int32),
        pltpu.VMEM((CHUNK,), jnp.float32),
        pltpu.VMEM_SHARED((NPAD_DEG,), jnp.float32),
        pltpu.SemaphoreType.DMA,
        pltpu.SemaphoreType.DMA,
    ],
)

_agg_kernel = pl.kernel(
    _agg_body,
    out_type=jax.ShapeDtypeStruct((NC, N, D), jnp.float32),
    mesh=plsc.VectorSubcoreMesh(**_MESH),
    scratch_types=[
        pltpu.VMEM((SB, CHUNK), jnp.int32),
        pltpu.VMEM((SB, CHUNK), jnp.int32),
        pltpu.VMEM((CHUNK, D), jnp.float32),
        pltpu.VMEM((CHUNK, D), jnp.float32),
        pltpu.VMEM((CHUNK, D), jnp.float32),
        pltpu.VMEM((CHUNK, D), jnp.float32),
        pltpu.VMEM_SHARED((NPAD, D), jnp.float32),
    ] + [pltpu.SemaphoreType.DMA] * 8,
)


BLK = 1000
GRID = N // BLK


def _tc1_body(x_ref, w0_ref, w1_ref, dv_ref, mp_ref):
    xb = x_ref[...]
    dv = dv_ref[...]
    mp_ref[0] = dv[0] * jnp.dot(xb, w0_ref[...], preferred_element_type=jnp.float32)
    mp_ref[1] = dv[1] * jnp.dot(xb, w1_ref[...], preferred_element_type=jnp.float32)


def _tc2_body(agg_ref, mp_ref, dv_ref, b_ref, w0_ref, w1_ref, mp2_ref):
    agg = agg_ref[...]
    mp = mp_ref[...]
    dv = dv_ref[...]
    b = b_ref[...]
    h = dv[0] * (agg[0] + mp[0]) + b[0] + dv[1] * (agg[1] + mp[1]) + b[1]
    h = jnp.maximum(h, 0.0)
    mp2_ref[0] = dv[0] * jnp.dot(h, w0_ref[...], preferred_element_type=jnp.float32)
    mp2_ref[1] = dv[1] * jnp.dot(h, w1_ref[...], preferred_element_type=jnp.float32)


def _tc3_body(agg_ref, mp_ref, dv_ref, b_ref, out_ref):
    agg = agg_ref[...]
    mp = mp_ref[...]
    dv = dv_ref[...]
    b = b_ref[...]
    out_ref[...] = (dv[0] * (agg[0] + mp[0]) + b[0]
                    + dv[1] * (agg[1] + mp[1]) + b[1])


_spec_x = pl.BlockSpec((BLK, D), lambda i: (i, 0))
_spec_w = pl.BlockSpec((D, D), lambda i: (0, 0))
_spec_dv = pl.BlockSpec((NC, BLK, 1), lambda i: (0, i, 0))
_spec_mp = pl.BlockSpec((NC, BLK, D), lambda i: (0, i, 0))
_spec_b = pl.BlockSpec((NC, 1, D), lambda i: (0, 0, 0))
_spec_out = pl.BlockSpec((BLK, D), lambda i: (i, 0))

_tc1 = pl.pallas_call(
    _tc1_body,
    grid=(GRID,),
    in_specs=[_spec_x, _spec_w, _spec_w, _spec_dv],
    out_specs=_spec_mp,
    out_shape=jax.ShapeDtypeStruct((NC, N, D), jnp.float32),
)

_tc2 = pl.pallas_call(
    _tc2_body,
    grid=(GRID,),
    in_specs=[_spec_mp, _spec_mp, _spec_dv, _spec_b, _spec_w, _spec_w],
    out_specs=_spec_mp,
    out_shape=jax.ShapeDtypeStruct((NC, N, D), jnp.float32),
)

_tc3 = pl.pallas_call(
    _tc3_body,
    grid=(GRID,),
    in_specs=[_spec_mp, _spec_mp, _spec_dv, _spec_b],
    out_specs=_spec_out,
    out_shape=jax.ShapeDtypeStruct((N, D), jnp.float32),
)


def _prep_edges(ei):
    src = ei[0].reshape(NS, EPT)
    dst = ei[1].reshape(NS, EPT)
    pad = EPT_PAD - EPT
    src = jnp.pad(src, ((0, 0), (0, pad)))
    dst = jnp.pad(dst, ((0, 0), (0, pad)), constant_values=DUMP)
    return src.reshape(NS, NCH, CHUNK), dst.reshape(NS, NCH, CHUNK)


def kernel(x, edge_index_0, edge_index_1, W1_0, b1_0, W1_1, b1_1,
           W2_0, b2_0, W2_1, b2_1):
    s0, d0 = _prep_edges(edge_index_0)
    s1, d1 = _prep_edges(edge_index_1)
    srcb = jnp.stack([s0, s1])
    dstb = jnp.stack([d0, d1])
    zeros1 = jnp.zeros((ZRD,), jnp.float32)
    zeros2 = jnp.zeros((ZR, D), jnp.float32)

    degc = _deg_kernel(dstb, zeros1)
    dinv = lax.rsqrt(degc[:, :N] + 1.0)
    dv = dinv[:, :, None]

    b1s = jnp.stack([b1_0, b1_1]).reshape(NC, 1, D)
    b2s = jnp.stack([b2_0, b2_1]).reshape(NC, 1, D)

    mp1 = _tc1(x, W1_0, W1_1, dv)
    agg1 = _agg_kernel(mp1, srcb, dstb, zeros2)
    mp2 = _tc2(agg1, mp1, dv, b1s, W2_0, W2_1)
    agg2 = _agg_kernel(mp2, srcb, dstb, zeros2)
    return _tc3(agg2, mp2, dv, b2s)

# --- scband reference (transcript-rebuilt; emitter-appended) ---
"""Pipeline reference for scband-rgcn-model-77506979823953 (READ-ONLY COPY).

The authoritative reference and input builder live on the scoring server;
editing this copy changes nothing except your own understanding.
"""

import jax, jax.numpy as jnp
import numpy as np

N = 10000
E = 320000
D_IN = 128
D_HID = 128
D_OUT = 128


def gcn_conv(x, edge_index, W, b):
    # Faithful GCNConv: add self-loops, symmetric deg^-1/2 normalization,
    # linear transform, scatter-add aggregation at dst, plus bias.
    n = x.shape[0]
    loop = jnp.arange(n, dtype=edge_index.dtype)
    src = jnp.concatenate([edge_index[0], loop])
    dst = jnp.concatenate([edge_index[1], loop])
    xw = x @ W
    deg = jnp.zeros((n,), dtype=x.dtype).at[dst].add(1.0)
    dinv = jnp.where(deg > 0, jax.lax.rsqrt(deg), 0.0)
    norm = dinv[src] * dinv[dst]
    msgs = xw[src] * norm[:, None]
    out = jnp.zeros((n, W.shape[1]), dtype=x.dtype).at[dst].add(msgs)
    return out + b


def setup_inputs(seed: int = 0) -> dict:
    key = jax.random.key(seed)
    ks = jax.random.split(key, 12)
    inp = {}
    inp["x"] = jax.random.normal(ks[0], (N, D_IN), dtype=jnp.float32)
    inp["edge_index_0"] = jax.random.randint(ks[1], (2, E), 0, N, dtype=jnp.int32)
    inp["edge_index_1"] = jax.random.randint(ks[2], (2, E), 0, N, dtype=jnp.int32)
    s1 = float(np.sqrt(6.0 / (D_IN + D_HID)))
    s2 = float(np.sqrt(6.0 / (D_HID + D_OUT)))
    inp["W1_0"] = jax.random.uniform(ks[3], (D_IN, D_HID), jnp.float32, -s1, s1)
    inp["b1_0"] = jnp.zeros((D_HID,), dtype=jnp.float32)
    inp["W1_1"] = jax.random.uniform(ks[4], (D_IN, D_HID), jnp.float32, -s1, s1)
    inp["b1_1"] = jnp.zeros((D_HID,), dtype=jnp.float32)
    inp["W2_0"] = jax.random.uniform(ks[5], (D_HID, D_OUT), jnp.float32, -s2, s2)
    inp["b2_0"] = jnp.zeros((D_OUT,), dtype=jnp.float32)
    inp["W2_1"] = jax.random.uniform(ks[6], (D_HID, D_OUT), jnp.float32, -s2, s2)
    inp["b2_1"] = jnp.zeros((D_OUT,), dtype=jnp.float32)
    return inp


def reference(x, edge_index_0, edge_index_1, W1_0, b1_0, W1_1, b1_1, W2_0, b2_0, W2_1, b2_1):
    # Layer-1: sum of GCNConv over L=2 rewiring graphs, then ReLU
    h = gcn_conv(x, edge_index_0, W1_0, b1_0) + gcn_conv(x, edge_index_1, W1_1, b1_1)
    h = jax.nn.relu(h)
    # Layer-2: sum of GCNConv over L=2 rewiring graphs
    out = gcn_conv(h, edge_index_0, W2_0, b2_0) + gcn_conv(h, edge_index_1, W2_1, b2_1)
    return out

if __name__ == "__main__":
    import jax
    _d = setup_inputs()
    print(jax.jit(kernel)(*tuple(_d.values())))

</pallas_src>

<mosaic_0001>
#map = affine_map<(d0, d1) -> (0, 0, 0, 0)>
#map1 = affine_map<(d0, d1) -> (0)>
#map2 = affine_map<(d0, d1) -> (0, 0)>
module attributes {stable_mosaic.version = 14 : i64} {
  func.func @_deg_body(%arg0: i32, %arg1: i32, %arg2: memref<2x16x256x80xi32, #tpu.memory_space<hbm>>, %arg3: memref<640xf32, #tpu.memory_space<hbm>>, %arg4: memref<2x10240xf32, #tpu.memory_space<hbm>>, %arg5: memref<256x80xi32, #tpu.memory_space<vmem>>, %arg6: memref<80xf32, #tpu.memory_space<vmem>>, %arg7: memref<10240xf32, #tpu.memory_space<vmem_shared>>, %arg8: memref<!tpu.dma_semaphore, #tpu.memory_space<semaphore_mem>>, %arg9: memref<!tpu.dma_semaphore, #tpu.memory_space<semaphore_mem>>) attributes {dimension_semantics = [#tpu.dimension_semantics<core_parallel>, #tpu.dimension_semantics<subcore_parallel>], iteration_bounds = array<i64: 2, 16>, scalar_prefetch = 0 : i64, scratch_operands = 5 : i64, tpu.core_type = #tpu.core_type<sc_vector_subcore>, window_params = [{transform_indices = #map}, {transform_indices = #map1}, {transform_indices = #map2}]} {
    %mul3A = arith.constant 640 : i32
    %mul3A_0 = arith.muli %arg1, %mul3A : i32
    "tpu.region"() ({
      %run_scoped3A = tpu.sem_alloc : memref<!tpu.dma_semaphore, #tpu.memory_space<semaphore_mem>>
      %dma_start3A = tpu.memref_slice %arg7[%mul3A_0] : memref<10240xf32, #tpu.memory_space<vmem_shared>> -> memref<640xf32, #tpu.memory_space<vmem_shared>>
      tpu.enqueue_dma source(%arg3 : memref<640xf32, #tpu.memory_space<hbm>>) target(%dma_start3A : memref<640xf32, #tpu.memory_space<vmem_shared>>) target_semaphore(%run_scoped3A : memref<!tpu.dma_semaphore, #tpu.memory_space<semaphore_mem>>)
      %dma_wait3A = tpu.memref_slice %arg7[%mul3A_0] : memref<10240xf32, #tpu.memory_space<vmem_shared>> -> memref<640xf32, #tpu.memory_space<vmem_shared>>
      tpu.wait_dma2 semaphore(%run_scoped3A : memref<!tpu.dma_semaphore, #tpu.memory_space<semaphore_mem>>) src(%arg3 : memref<640xf32, #tpu.memory_space<hbm>>) dst(%dma_wait3A : memref<640xf32, #tpu.memory_space<vmem_shared>>)
      tpu.yield
    }) : () -> ()
    %broadcast_in_dim3A = arith.constant 1.000000e+00 : f32
    %broadcast_in_dim3A_1 = vector.broadcast %broadcast_in_dim3A : f32 to vector<16xf32>
    %swap3A = arith.constant 0 : index
    %swap3A_2 = tpu.vector_load %arg6[%swap3A] {strides = array<i32>} : memref<80xf32, #tpu.memory_space<vmem>>, vector<16xf32>,
    %swap3A_3 = vector.shape_cast %swap3A_2 : vector<16xf32> to vector<16xf32>
    %swap3A_4 = vector.shape_cast %broadcast_in_dim3A_1 : vector<16xf32> to vector<16xf32>
    tpu.vector_store %arg6[%swap3A], %swap3A_4 {strides = array<i32>} : memref<80xf32, #tpu.memory_space<vmem>>, vector<16xf32>,
    %broadcast_in_dim3A_5 = arith.constant 1.000000e+00 : f32
    %broadcast_in_dim3A_6 = vector.broadcast %broadcast_in_dim3A_5 : f32 to vector<16xf32>
    %swap3A_7 = arith.constant 16 : index
    %swap3A_8 = tpu.vector_load %arg6[%swap3A_7] {strides = array<i32>} : memref<80xf32, #tpu.memory_space<vmem>>, vector<16xf32>,
    %swap3A_9 = vector.shape_cast %swap3A_8 : vector<16xf32> to vector<16xf32>
    %swap3A_10 = vector.shape_cast %broadcast_in_dim3A_6 : vector<16xf32> to vector<16xf32>
    tpu.vector_store %arg6[%swap3A_7], %swap3A_10 {strides = array<i32>} : memref<80xf32, #tpu.memory_space<vmem>>, vector<16xf32>,
    %broadcast_in_dim3A_11 = arith.constant 1.000000e+00 : f32
    %broadcast_in_dim3A_12 = vector.broadcast %broadcast_in_dim3A_11 : f32 to vector<16xf32>
    %swap3A_13 = arith.constant 32 : index
    %swap3A_14 = tpu.vector_load %arg6[%swap3A_13] {strides = array<i32>} : memref<80xf32, #tpu.memory_space<vmem>>, vector<16xf32>,
    %swap3A_15 = vector.shape_cast %swap3A_14 : vector<16xf32> to vector<16xf32>
    %swap3A_16 = vector.shape_cast %broadcast_in_dim3A_12 : vector<16xf32> to vector<16xf32>
    tpu.vector_store %arg6[%swap3A_13], %swap3A_16 {strides = array<i32>} : memref<80xf32, #tpu.memory_space<vmem>>, vector<16xf32>,
    %broadcast_in_dim3A_17 = arith.constant 1.000000e+00 : f32
    %broadcast_in_dim3A_18 = vector.broadcast %broadcast_in_dim3A_17 : f32 to vector<16xf32>
    %swap3A_19 = arith.constant 48 : index
    %swap3A_20 = tpu.vector_load %arg6[%swap3A_19] {strides = array<i32>} : memref<80xf32, #tpu.memory_space<vmem>>, vector<16xf32>,
    %swap3A_21 = vector.shape_cast %swap3A_20 : vector<16xf32> to vector<16xf32>
    %swap3A_22 = vector.shape_cast %broadcast_in_dim3A_18 : vector<16xf32> to vector<16xf32>
    tpu.vector_store %arg6[%swap3A_19], %swap3A_22 {strides = array<i32>} : memref<80xf32, #tpu.memory_space<vmem>>, vector<16xf32>,
    %broadcast_in_dim3A_23 = arith.constant 1.000000e+00 : f32
    %broadcast_in_dim3A_24 = vector.broadcast %broadcast_in_dim3A_23 : f32 to vector<16xf32>
    %swap3A_25 = arith.constant 64 : index
    %swap3A_26 = tpu.vector_load %arg6[%swap3A_25] {strides = array<i32>} : memref<80xf32, #tpu.memory_space<vmem>>, vector<16xf32>,
    %swap3A_27 = vector.shape_cast %swap3A_26 : vector<16xf32> to vector<16xf32>
    %swap3A_28 = vector.shape_cast %broadcast_in_dim3A_24 : vector<16xf32> to vector<16xf32>
    tpu.vector_store %arg6[%swap3A_25], %swap3A_28 {strides = array<i32>} : memref<80xf32, #tpu.memory_space<vmem>>, vector<16xf32>,
    "tpu.region"() ({
      %run_scoped3A = tpu.sem_alloc : memref<!tpu.dma_semaphore, #tpu.memory_space<semaphore_mem>>
      %dma_start3A = arith.constant 0 : i32
      %dma_start3A_38 = arith.constant 0 : i32
      %dma_start3A_39 = arith.constant 0 : i32
      %dma_start3A_40 = tpu.memref_slice %arg2[%arg0, %dma_start3A, %dma_start3A_38, %dma_start3A_39] : memref<2x16x256x80xi32, #tpu.memory_space<hbm>> -> memref<1x16x256x80xi32, #tpu.memory_space<hbm>>
      %dma_start3A_41 = tpu.memref_squeeze %dma_start3A_40 : memref<1x16x256x80xi32, #tpu.memory_space<hbm>> -> memref<16x256x80xi32, #tpu.memory_space<hbm>>
      %dma_start3A_42 = arith.constant 0 : i32
      %dma_start3A_43 = arith.constant 0 : i32
      %dma_start3A_44 = tpu.memref_slice %dma_start3A_41[%arg1, %dma_start3A_42, %dma_start3A_43] : memref<16x256x80xi32, #tpu.memory_space<hbm>> -> memref<1x256x80xi32, #tpu.memory_space<hbm>>
      %dma_start3A_45 = tpu.memref_squeeze %dma_start3A_44 : memref<1x256x80xi32, #tpu.memory_space<hbm>> -> memref<256x80xi32, #tpu.memory_space<hbm>>
      %dma_start3A_46 = arith.constant 0 : i32
      %dma_start3A_47 = arith.constant 0 : i32
      %dma_start3A_48 = arith.constant 0 : i32
      %dma_start3A_49 = tpu.memref_slice %arg2[%arg0, %dma_start3A_46, %dma_start3A_47, %dma_start3A_48] : memref<2x16x256x80xi32, #tpu.memory_space<hbm>> -> memref<1x16x256x80xi32, #tpu.memory_space<hbm>>
      %dma_start3A_50 = tpu.memref_squeeze %dma_start3A_49 : memref<1x16x256x80xi32, #tpu.memory_space<hbm>> -> memref<16x256x80xi32, #tpu.memory_space<hbm>>
      %dma_start3A_51 = arith.constant 0 : i32
      %dma_start3A_52 = arith.constant 0 : i32
      %dma_start3A_53 = tpu.memref_slice %dma_start3A_50[%arg1, %dma_start3A_51, %dma_start3A_52] : memref<16x256x80xi32, #tpu.memory_space<hbm>> -> memref<1x256x80xi32, #tpu.memory_space<hbm>>
      %dma_start3A_54 = tpu.memref_squeeze %dma_start3A_53 : memref<1x256x80xi32, #tpu.memory_space<hbm>> -> memref<256x80xi32, #tpu.memory_space<hbm>>
      tpu.enqueue_dma source(%dma_start3A_54 : memref<256x80xi32, #tpu.memory_space<hbm>>) target(%arg5 : memref<256x80xi32, #tpu.memory_space<vmem>>) target_semaphore(%run_scoped3A : memref<!tpu.dma_semaphore, #tpu.memory_space<semaphore_mem>>)
      %dma_wait3A = arith.constant 0 : i32
      %dma_wait3A_55 = arith.constant 0 : i32
      %dma_wait3A_56 = arith.constant 0 : i32
      %dma_wait3A_57 = tpu.memref_slice %arg2[%arg0, %dma_wait3A, %dma_wait3A_55, %dma_wait3A_56] : memref<2x16x256x80xi32, #tpu.memory_space<hbm>> -> memref<1x16x256x80xi32, #tpu.memory_space<hbm>>
      %dma_wait3A_58 = tpu.memref_squeeze %dma_wait3A_57 : memref<1x16x256x80xi32, #tpu.memory_space<hbm>> -> memref<16x256x80xi32, #tpu.memory_space<hbm>>
      %dma_wait3A_59 = arith.constant 0 : i32
      %dma_wait3A_60 = arith.constant 0 : i32
      %dma_wait3A_61 = tpu.memref_slice %dma_wait3A_58[%arg1, %dma_wait3A_59, %dma_wait3A_60] : memref<16x256x80xi32, #tpu.memory_space<hbm>> -> memref<1x256x80xi32, #tpu.memory_space<hbm>>
      %dma_wait3A_62 = tpu.memref_squeeze %dma_wait3A_61 : memref<1x256x80xi32, #tpu.memory_space<hbm>> -> memref<256x80xi32, #tpu.memory_space<hbm>>
      %dma_wait3A_63 = arith.constant 0 : i32
      %dma_wait3A_64 = arith.constant 0 : i32
      %dma_wait3A_65 = arith.constant 0 : i32
      %dma_wait3A_66 = tpu.memref_slice %arg2[%arg0, %dma_wait3A_63, %dma_wait3A_64, %dma_wait3A_65] : memref<2x16x256x80xi32, #tpu.memory_space<hbm>> -> memref<1x16x256x80xi32, #tpu.memory_space<hbm>>
      %dma_wait3A_67 = tpu.memref_squeeze %dma_wait3A_66 : memref<1x16x256x80xi32, #tpu.memory_space<hbm>> -> memref<16x256x80xi32, #tpu.memory_space<hbm>>
      %dma_wait3A_68 = arith.constant 0 : i32
      %dma_wait3A_69 = arith.constant 0 : i32
      %dma_wait3A_70 = tpu.memref_slice %dma_wait3A_67[%arg1, %dma_wait3A_68, %dma_wait3A_69] : memref<16x256x80xi32, #tpu.memory_space<hbm>> -> memref<1x256x80xi32, #tpu.memory_space<hbm>>
      %dma_wait3A_71 = tpu.memref_squeeze %dma_wait3A_70 : memref<1x256x80xi32, #tpu.memory_space<hbm>> -> memref<256x80xi32, #tpu.memory_space<hbm>>
      tpu.wait_dma2 semaphore(%run_scoped3A : memref<!tpu.dma_semaphore, #tpu.memory_space<semaphore_mem>>) src(%dma_wait3A_71 : memref<256x80xi32, #tpu.memory_space<hbm>>) dst(%arg5 : memref<256x80xi32, #tpu.memory_space<vmem>>)
      tpu.yield
    }) : () -> ()
    %barrier3A = arith.constant 0 : index
    tpu.barrier barrier_id(%barrier3A)
    %scan3A = arith.constant 0 : i32
    %scan3A_29 = arith.constant 128 : i32
    %scan3A_30 = arith.addi %scan3A, %scan3A_29 : i32
    %scan3A_31 = arith.constant 1 : i32
    scf.for %scan3A_38 = %scan3A to %scan3A_30 step %scan3A_31  : i32 {
      %mul3A_39 = arith.constant 2 : i32
      %mul3A_40 = arith.muli %scan3A_38, %mul3A_39 : i32
      %add3A = arith.constant 0 : i32
      %add3A_41 = arith.addi %add3A, %mul3A_40 : i32
      %dma_start3A = arith.constant 0 : i32
      %dma_start3A_42 = tpu.memref_slice %arg5[%add3A_41, %dma_start3A] : memref<256x80xi32, #tpu.memory_space<vmem>> -> memref<1x80xi32, #tpu.memory_space<vmem>>
      %dma_start3A_43 = tpu.memref_squeeze %dma_start3A_42 : memref<1x80xi32, #tpu.memory_space<vmem>> -> memref<80xi32, #tpu.memory_space<vmem>>
      %dma_start3A_44 = arith.constant 0 : i32
      %dma_start3A_45 = tpu.memref_slice %arg7[%dma_start3A_44] : memref<10240xf32, #tpu.memory_space<vmem_shared>> -> memref<10240xf32, #tpu.memory_space<vmem_shared>>
      tpu.enqueue_indirect_dma source(%arg6 : memref<80xf32, #tpu.memory_space<vmem>>) target(%dma_start3A_45 : memref<10240xf32, #tpu.memory_space<vmem_shared>>) offsets(%dma_start3A_43 : memref<80xi32, #tpu.memory_space<vmem>>) semaphore(%arg8 : memref<!tpu.dma_semaphore, #tpu.memory_space<semaphore_mem>>) {add = true}
      %add3A_46 = arith.constant 1 : i32
      %add3A_47 = arith.addi %add3A_41, %add3A_46 : i32
      %dma_start3A_48 = arith.constant 0 : i32
      %dma_start3A_49 = tpu.memref_slice %arg5[%add3A_47, %dma_start3A_48] : memref<256x80xi32, #tpu.memory_space<vmem>> -> memref<1x80xi32, #tpu.memory_space<vmem>>
      %dma_start3A_50 = tpu.memref_squeeze %dma_start3A_49 : memref<1x80xi32, #tpu.memory_space<vmem>> -> memref<80xi32, #tpu.memory_space<vmem>>
      %dma_start3A_51 = arith.constant 0 : i32
      %dma_start3A_52 = tpu.memref_slice %arg7[%dma_start3A_51] : memref<10240xf32, #tpu.memory_space<vmem_shared>> -> memref<10240xf32, #tpu.memory_space<vmem_shared>>
      tpu.enqueue_indirect_dma source(%arg6 : memref<80xf32, #tpu.memory_space<vmem>>) target(%dma_start3A_52 : memref<10240xf32, #tpu.memory_space<vmem_shared>>) offsets(%dma_start3A_50 : memref<80xi32, #tpu.memory_space<vmem>>) semaphore(%arg9 : memref<!tpu.dma_semaphore, #tpu.memory_space<semaphore_mem>>) {add = true}
      %dma_wait3A = arith.constant 0 : i32
      %dma_wait3A_53 = tpu.memref_slice %arg5[%add3A_41, %dma_wait3A] : memref<256x80xi32, #tpu.memory_space<vmem>> -> memref<1x80xi32, #tpu.memory_space<vmem>>
      %dma_wait3A_54 = tpu.memref_squeeze %dma_wait3A_53 : memref<1x80xi32, #tpu.memory_space<vmem>> -> memref<80xi32, #tpu.memory_space<vmem>>
      %dma_wait3A_55 = arith.constant 0 : i32
      %dma_wait3A_56 = tpu.memref_slice %arg7[%dma_wait3A_55] : memref<10240xf32, #tpu.memory_space<vmem_shared>> -> memref<10240xf32, #tpu.memory_space<vmem_shared>>
      tpu.wait_indirect_dma semaphore(%arg8 : memref<!tpu.dma_semaphore, #tpu.memory_space<semaphore_mem>>) src(%arg6 : memref<80xf32, #tpu.memory_space<vmem>>) dst(%dma_wait3A_56 : memref<10240xf32, #tpu.memory_space<vmem_shared>>)
      %dma_wait3A_57 = arith.constant 0 : i32
      %dma_wait3A_58 = tpu.memref_slice %arg5[%add3A_47, %dma_wait3A_57] : memref<256x80xi32, #tpu.memory_space<vmem>> -> memref<1x80xi32, #tpu.memory_space<vmem>>
      %dma_wait3A_59 = tpu.memref_squeeze %dma_wait3A_58 : memref<1x80xi32, #tpu.memory_space<vmem>> -> memref<80xi32, #tpu.memory_space<vmem>>
      %dma_wait3A_60 = arith.constant 0 : i32
      %dma_wait3A_61 = tpu.memref_slice %arg7[%dma_wait3A_60] : memref<10240xf32, #tpu.memory_space<vmem_shared>> -> memref<10240xf32, #tpu.memory_space<vmem_shared>>
      tpu.wait_indirect_dma semaphore(%arg9 : memref<!tpu.dma_semaphore, #tpu.memory_space<semaphore_mem>>) src(%arg6 : memref<80xf32, #tpu.memory_space<vmem>>) dst(%dma_wait3A_61 : memref<10240xf32, #tpu.memory_space<vmem_shared>>)
    }
    %scan3A_32 = arith.constant 128 : i32
    %barrier3A_33 = arith.constant 0 : index
    tpu.barrier barrier_id(%barrier3A_33)
    %mul3A_34 = arith.constant 640 : i32
    %mul3A_35 = arith.muli %arg1, %mul3A_34 : i32
    %mul3A_36 = arith.constant 640 : i32
    %mul3A_37 = arith.muli %arg1, %mul3A_36 : i32
    "tpu.region"() ({
      %run_scoped3A = tpu.sem_alloc : memref<!tpu.dma_semaphore, #tpu.memory_space<semaphore_mem>>
      %dma_start3A = arith.constant 0 : i32
      %dma_start3A_38 = tpu.memref_slice %arg4[%arg0, %dma_start3A] : memref<2x10240xf32, #tpu.memory_space<hbm>> -> memref<1x10240xf32, #tpu.memory_space<hbm>>
      %dma_start3A_39 = tpu.memref_squeeze %dma_start3A_38 : memref<1x10240xf32, #tpu.memory_space<hbm>> -> memref<10240xf32, #tpu.memory_space<hbm>>
      %dma_start3A_40 = tpu.memref_slice %dma_start3A_39[%mul3A_37] : memref<10240xf32, #tpu.memory_space<hbm>> -> memref<640xf32, #tpu.memory_space<hbm>>
      %dma_start3A_41 = tpu.memref_slice %arg7[%mul3A_35] : memref<10240xf32, #tpu.memory_space<vmem_shared>> -> memref<640xf32, #tpu.memory_space<vmem_shared>>
      tpu.enqueue_dma source(%dma_start3A_41 : memref<640xf32, #tpu.memory_space<vmem_shared>>) target(%dma_start3A_40 : memref<640xf32, #tpu.memory_space<hbm>>) target_semaphore(%run_scoped3A : memref<!tpu.dma_semaphore, #tpu.memory_space<semaphore_mem>>)
      %dma_wait3A = arith.constant 0 : i32
      %dma_wait3A_42 = tpu.memref_slice %arg4[%arg0, %dma_wait3A] : memref<2x10240xf32, #tpu.memory_space<hbm>> -> memref<1x10240xf32, #tpu.memory_space<hbm>>
      %dma_wait3A_43 = tpu.memref_squeeze %dma_wait3A_42 : memref<1x10240xf32, #tpu.memory_space<hbm>> -> memref<10240xf32, #tpu.memory_space<hbm>>
      %dma_wait3A_44 = tpu.memref_slice %dma_wait3A_43[%mul3A_37] : memref<10240xf32, #tpu.memory_space<hbm>> -> memref<640xf32, #tpu.memory_space<hbm>>
      %dma_wait3A_45 = tpu.memref_slice %arg7[%mul3A_35] : memref<10240xf32, #tpu.memory_space<vmem_shared>> -> memref<640xf32, #tpu.memory_space<vmem_shared>>
      tpu.wait_dma2 semaphore(%run_scoped3A : memref<!tpu.dma_semaphore, #tpu.memory_space<semaphore_mem>>) src(%dma_wait3A_45 : memref<640xf32, #tpu.memory_space<vmem_shared>>) dst(%dma_wait3A_44 : memref<640xf32, #tpu.memory_space<hbm>>)
      tpu.yield
    }) : () -> ()
    return
  }
}

#map = affine_map<(d0, d1) -> (0, 0, 0)>
#map1 = affine_map<(d0, d1) -> (0, 0, 0, 0)>
#map2 = affine_map<(d0, d1) -> (0, 0)>
module attributes {stable_mosaic.version = 14 : i64} {
  func.func @_agg_body(%arg0: i32, %arg1: i32, %arg2: memref<2x10000x128xf32, #tpu.memory_space<hbm>>, %arg3: memref<2x16x256x80xi32, #tpu.memory_space<hbm>>, %arg4: memref<2x16x256x80xi32, #tpu.memory_space<hbm>>, %arg5: memref<640x128xf32, #tpu.memory_space<hbm>>, %arg6: memref<2x10000x128xf32, #tpu.memory_space<hbm>>, %arg7: memref<32x80xi32, #tpu.memory_space<vmem>>, %arg8: memref<32x80xi32, #tpu.memory_space<vmem>>, %arg9: memref<80x128xf32, #tpu.memory_space<vmem>>, %arg10: memref<80x128xf32, #tpu.memory_space<vmem>>, %arg11: memref<80x128xf32, #tpu.memory_space<vmem>>, %arg12: memref<80x128xf32, #tpu.memory_space<vmem>>, %arg13: memref<10240x128xf32, #tpu.memory_space<vmem_shared>>, %arg14: memref<!tpu.dma_semaphore, #tpu.memory_space<semaphore_mem>>, %arg15: memref<!tpu.dma_semaphore, #tpu.memory_space<semaphore_mem>>, %arg16: memref<!tpu.dma_semaphore, #tpu.memory_space<semaphore_mem>>, %arg17: memref<!tpu.dma_semaphore, #tpu.memory_space<semaphore_mem>>, %arg18: memref<!tpu.dma_semaphore, #tpu.memory_space<semaphore_mem>>, %arg19: memref<!tpu.dma_semaphore, #tpu.memory_space<semaphore_mem>>, %arg20: memref<!tpu.dma_semaphore, #tpu.memory_space<semaphore_mem>>, %arg21: memref<!tpu.dma_semaphore, #tpu.memory_space<semaphore_mem>>) attributes {dimension_semantics = [#tpu.dimension_semantics<core_parallel>, #tpu.dimension_semantics<subcore_parallel>], iteration_bounds = array<i64: 2, 16>, scalar_prefetch = 0 : i64, scratch_operands = 15 : i64, tpu.core_type = #tpu.core_type<sc_vector_subcore>, window_params = [{transform_indices = #map}, {transform_indices = #map1}, {transform_indices = #map1}, {transform_indices = #map2}, {transform_indices = #map}]} {
    %mul3A = arith.constant 640 : i32
    %mul3A_0 = arith.muli %arg1, %mul3A : i32
    "tpu.region"() ({
      %run_scoped3A = tpu.sem_alloc : memref<!tpu.dma_semaphore, #tpu.memory_space<semaphore_mem>>
      %dma_start3A = arith.constant 0 : i32
      %dma_start3A_12 = tpu.memref_slice %arg13[%mul3A_0, %dma_start3A] : memref<10240x128xf32, #tpu.memory_space<vmem_shared>> -> memref<640x128xf32, #tpu.memory_space<vmem_shared>>
      tpu.enqueue_dma source(%arg5 : memref<640x128xf32, #tpu.memory_space<hbm>>) target(%dma_start3A_12 : memref<640x128xf32, #tpu.memory_space<vmem_shared>>) target_semaphore(%run_scoped3A : memref<!tpu.dma_semaphore, #tpu.memory_space<semaphore_mem>>)
      %dma_wait3A = arith.constant 0 : i32
      %dma_wait3A_13 = tpu.memref_slice %arg13[%mul3A_0, %dma_wait3A] : memref<10240x128xf32, #tpu.memory_space<vmem_shared>> -> memref<640x128xf32, #tpu.memory_space<vmem_shared>>
      tpu.wait_dma2 semaphore(%run_scoped3A : memref<!tpu.dma_semaphore, #tpu.memory_space<semaphore_mem>>) src(%arg5 : memref<640x128xf32, #tpu.memory_space<hbm>>) dst(%dma_wait3A_13 : memref<640x128xf32, #tpu.memory_space<vmem_shared>>)
      tpu.yield
    }) : () -> ()
    %barrier3A = arith.constant 0 : index
    tpu.barrier barrier_id(%barrier3A)
    %scan3A = arith.constant 0 : i32
    %scan3A_1 = arith.constant 8 : i32
    %scan3A_2 = arith.addi %scan3A, %scan3A_1 : i32
    %scan3A_3 = arith.constant 1 : i32
    scf.for %scan3A_12 = %scan3A to %scan3A_2 step %scan3A_3  : i32 {
      %mul3A_13 = arith.constant 1 : i32
      %mul3A_14 = arith.muli %scan3A_12, %mul3A_13 : i32
      %add3A = arith.constant 0 : i32
      %add3A_15 = arith.addi %add3A, %mul3A_14 : i32
      %mul3A_16 = arith.constant 32 : i32
      %mul3A_17 = arith.muli %add3A_15, %mul3A_16 : i32
      "tpu.region"() ({
        %run_scoped3A = tpu.sem_alloc : memref<!tpu.dma_semaphore, #tpu.memory_space<semaphore_mem>>
        %dma_start3A_311 = arith.constant 0 : i32
        %dma_start3A_312 = arith.constant 0 : i32
        %dma_start3A_313 = arith.constant 0 : i32
        %dma_start3A_314 = tpu.memref_slice %arg3[%arg0, %dma_start3A_311, %dma_start3A_312, %dma_start3A_313] : memref<2x16x256x80xi32, #tpu.memory_space<hbm>> -> memref<1x16x256x80xi32, #tpu.memory_space<hbm>>
        %dma_start3A_315 = tpu.memref_squeeze %dma_start3A_314 : memref<1x16x256x80xi32, #tpu.memory_space<hbm>> -> memref<16x256x80xi32, #tpu.memory_space<hbm>>
        %dma_start3A_316 = arith.constant 0 : i32
        %dma_start3A_317 = arith.constant 0 : i32
        %dma_start3A_318 = tpu.memref_slice %dma_start3A_315[%arg1, %dma_start3A_316, %dma_start3A_317] : memref<16x256x80xi32, #tpu.memory_space<hbm>> -> memref<1x256x80xi32, #tpu.memory_space<hbm>>
        %dma_start3A_319 = tpu.memref_squeeze %dma_start3A_318 : memref<1x256x80xi32, #tpu.memory_space<hbm>> -> memref<256x80xi32, #tpu.memory_space<hbm>>
        %dma_start3A_320 = arith.constant 0 : i32
        %dma_start3A_321 = tpu.memref_slice %dma_start3A_319[%mul3A_17, %dma_start3A_320] : memref<256x80xi32, #tpu.memory_space<hbm>> -> memref<32x80xi32, #tpu.memory_space<hbm>>
        %dma_start3A_322 = arith.constant 0 : i32
        %dma_start3A_323 = arith.constant 0 : i32
        %dma_start3A_324 = arith.constant 0 : i32
        %dma_start3A_325 = tpu.memref_slice %arg3[%arg0, %dma_start3A_322, %dma_start3A_323, %dma_start3A_324] : memref<2x16x256x80xi32, #tpu.memory_space<hbm>> -> memref<1x16x256x80xi32, #tpu.memory_space<hbm>>
        %dma_start3A_326 = tpu.memref_squeeze %dma_start3A_325 : memref<1x16x256x80xi32, #tpu.memory_space<hbm>> -> memref<16x256x80xi32, #tpu.memory_space<hbm>>
        %dma_start3A_327 = arith.constant 0 : i32
        %dma_start3A_328 = arith.constant 0 : i32
        %dma_start3A_329 = tpu.memref_slice %dma_start3A_326[%arg1, %dma_start3A_327, %dma_start3A_328] : memref<16x256x80xi32, #tpu.memory_space<hbm>> -> memref<1x256x80xi32, #tpu.memory_space<hbm>>
        %dma_start3A_330 = tpu.memref_squeeze %dma_start3A_329 : memref<1x256x80xi32, #tpu.memory_space<hbm>> -> memref<256x80xi32, #tpu.memory_space<hbm>>
        %dma_start3A_331 = arith.constant 0 : i32
        %dma_start3A_332 = tpu.memref_slice %dma_start3A_330[%mul3A_17, %dma_start3A_331] : memref<256x80xi32, #tpu.memory_space<hbm>> -> memref<32x80xi32, #tpu.memory_space<hbm>>
        tpu.enqueue_dma source(%dma_start3A_332 : memref<32x80xi32, #tpu.memory_space<hbm>>) target(%arg7 : memref<32x80xi32, #tpu.memory_space<vmem>>) target_semaphore(%run_scoped3A : memref<!tpu.dma_semaphore, #tpu.memory_space<semaphore_mem>>)
        %dma_wait3A_333 = arith.constant 0 : i32
        %dma_wait3A_334 = arith.constant 0 : i32
        %dma_wait3A_335 = arith.constant 0 : i32
        %dma_wait3A_336 = tpu.memref_slice %arg3[%arg0, %dma_wait3A_333, %dma_wait3A_334, %dma_wait3A_335] : memref<2x16x256x80xi32, #tpu.memory_space<hbm>> -> memref<1x16x256x80xi32, #tpu.memory_space<hbm>>
        %dma_wait3A_337 = tpu.memref_squeeze %dma_wait3A_336 : memref<1x16x256x80xi32, #tpu.memory_space<hbm>> -> memref<16x256x80xi32, #tpu.memory_space<hbm>>
        %dma_wait3A_338 = arith.constant 0 : i32
        %dma_wait3A_339 = arith.constant 0 : i32
        %dma_wait3A_340 = tpu.memref_slice %dma_wait3A_337[%arg1, %dma_wait3A_338, %dma_wait3A_339] : memref<16x256x80xi32, #tpu.memory_space<hbm>> -> memref<1x256x80xi32, #tpu.memory_space<hbm>>
        %dma_wait3A_341 = tpu.memref_squeeze %dma_wait3A_340 : memref<1x256x80xi32, #tpu.memory_space<hbm>> -> memref<256x80xi32, #tpu.memory_space<hbm>>
        %dma_wait3A_342 = arith.constant 0 : i32
        %dma_wait3A_343 = tpu.memref_slice %dma_wait3A_341[%mul3A_17, %dma_wait3A_342] : memref<256x80xi32, #tpu.memory_space<hbm>> -> memref<32x80xi32, #tpu.memory_space<hbm>>
        %dma_wait3A_344 = arith.constant 0 : i32
        %dma_wait3A_345 = arith.constant 0 : i32
        %dma_wait3A_346 = arith.constant 0 : i32
        %dma_wait3A_347 = tpu.memref_slice %arg3[%arg0, %dma_wait3A_344, %dma_wait3A_345, %dma_wait3A_346] : memref<2x16x256x80xi32, #tpu.memory_space<hbm>> -> memref<1x16x256x80xi32, #tpu.memory_space<hbm>>
        %dma_wait3A_348 = tpu.memref_squeeze %dma_wait3A_347 : memref<1x16x256x80xi32, #tpu.memory_space<hbm>> -> memref<16x256x80xi32, #tpu.memory_space<hbm>>
        %dma_wait3A_349 = arith.constant 0 : i32
        %dma_wait3A_350 = arith.constant 0 : i32
        %dma_wait3A_351 = tpu.memref_slice %dma_wait3A_348[%arg1, %dma_wait3A_349, %dma_wait3A_350] : memref<16x256x80xi32, #tpu.memory_space<hbm>> -> memref<1x256x80xi32, #tpu.memory_space<hbm>>
        %dma_wait3A_352 = tpu.memref_squeeze %dma_wait3A_351 : memref<1x256x80xi32, #tpu.memory_space<hbm>> -> memref<256x80xi32, #tpu.memory_space<hbm>>
        %dma_wait3A_353 = arith.constant 0 : i32
        %dma_wait3A_354 = tpu.memref_slice %dma_wait3A_352[%mul3A_17, %dma_wait3A_353] : memref<256x80xi32, #tpu.memory_space<hbm>> -> memref<32x80xi32, #tpu.memory_space<hbm>>
        tpu.wait_dma2 semaphore(%run_scoped3A : memref<!tpu.dma_semaphore, #tpu.memory_space<semaphore_mem>>) src(%dma_wait3A_354 : memref<32x80xi32, #tpu.memory_space<hbm>>) dst(%arg7 : memref<32x80xi32, #tpu.memory_space<vmem>>)
        tpu.yield
      }) : () -> ()
      %mul3A_18 = arith.constant 32 : i32
      %mul3A_19 = arith.muli %add3A_15, %mul3A_18 : i32
      "tpu.region"() ({
        %run_scoped3A = tpu.sem_alloc : memref<!tpu.dma_semaphore, #tpu.memory_space<semaphore_mem>>
        %dma_start3A_311 = arith.constant 0 : i32
        %dma_start3A_312 = arith.constant 0 : i32
        %dma_start3A_313 = arith.constant 0 : i32
        %dma_start3A_314 = tpu.memref_slice %arg4[%arg0, %dma_start3A_311, %dma_start3A_312, %dma_start3A_313] : memref<2x16x256x80xi32, #tpu.memory_space<hbm>> -> memref<1x16x256x80xi32, #tpu.memory_space<hbm>>
        %dma_start3A_315 = tpu.memref_squeeze %dma_start3A_314 : memref<1x16x256x80xi32, #tpu.memory_space<hbm>> -> memref<16x256x80xi32, #tpu.memory_space<hbm>>
        %dma_start3A_316 = arith.constant 0 : i32
        %dma_start3A_317 = arith.constant 0 : i32
        %dma_start3A_318 = tpu.memref_slice %dma_start3A_315[%arg1, %dma_start3A_316, %dma_start3A_317] : memref<16x256x80xi32, #tpu.memory_space<hbm>> -> memref<1x256x80xi32, #tpu.memory_space<hbm>>
        %dma_start3A_319 = tpu.memref_squeeze %dma_start3A_318 : memref<1x256x80xi32, #tpu.memory_space<hbm>> -> memref<256x80xi32, #tpu.memory_space<hbm>>
        %dma_start3A_320 = arith.constant 0 : i32
        %dma_start3A_321 = tpu.memref_slice %dma_start3A_319[%mul3A_19, %dma_start3A_320] : memref<256x80xi32, #tpu.memory_space<hbm>> -> memref<32x80xi32, #tpu.memory_space<hbm>>
        %dma_start3A_322 = arith.constant 0 : i32
        %dma_start3A_323 = arith.constant 0 : i32
        %dma_start3A_324 = arith.constant 0 : i32
        %dma_start3A_325 = tpu.memref_slice %arg4[%arg0, %dma_start3A_322, %dma_start3A_323, %dma_start3A_324] : memref<2x16x256x80xi32, #tpu.memory_space<hbm>> -> memref<1x16x256x80xi32, #tpu.memory_space<hbm>>
        %dma_start3A_326 = tpu.memref_squeeze %dma_start3A_325 : memref<1x16x256x80xi32, #tpu.memory_space<hbm>> -> memref<16x256x80xi32, #tpu.memory_space<hbm>>
        %dma_start3A_327 = arith.constant 0 : i32
        %dma_start3A_328 = arith.constant 0 : i32
        %dma_start3A_329 = tpu.memref_slice %dma_start3A_326[%arg1, %dma_start3A_327, %dma_start3A_328] : memref<16x256x80xi32, #tpu.memory_space<hbm>> -> memref<1x256x80xi32, #tpu.memory_space<hbm>>
        %dma_start3A_330 = tpu.memref_squeeze %dma_start3A_329 : memref<1x256x80xi32, #tpu.memory_space<hbm>> -> memref<256x80xi32, #tpu.memory_space<hbm>>
        %dma_start3A_331 = arith.constant 0 : i32
        %dma_start3A_332 = tpu.memref_slice %dma_start3A_330[%mul3A_19, %dma_start3A_331] : memref<256x80xi32, #tpu.memory_space<hbm>> -> memref<32x80xi32, #tpu.memory_space<hbm>>
        tpu.enqueue_dma source(%dma_start3A_332 : memref<32x80xi32, #tpu.memory_space<hbm>>) target(%arg8 : memref<32x80xi32, #tpu.memory_space<vmem>>) target_semaphore(%run_scoped3A : memref<!tpu.dma_semaphore, #tpu.memory_space<semaphore_mem>>)
        %dma_wait3A_333 = arith.constant 0 : i32
        %dma_wait3A_334 = arith.constant 0 : i32
        %dma_wait3A_335 = arith.constant 0 : i32
        %dma_wait3A_336 = tpu.memref_slice %arg4[%arg0, %dma_wait3A_333, %dma_wait3A_334, %dma_wait3A_335] : memref<2x16x256x80xi32, #tpu.memory_space<hbm>> -> memref<1x16x256x80xi32, #tpu.memory_space<hbm>>
        %dma_wait3A_337 = tpu.memref_squeeze %dma_wait3A_336 : memref<1x16x256x80xi32, #tpu.memory_space<hbm>> -> memref<16x256x80xi32, #tpu.memory_space<hbm>>
        %dma_wait3A_338 = arith.constant 0 : i32
        %dma_wait3A_339 = arith.constant 0 : i32
        %dma_wait3A_340 = tpu.memref_slice %dma_wait3A_337[%arg1, %dma_wait3A_338, %dma_wait3A_339] : memref<16x256x80xi32, #tpu.memory_space<hbm>> -> memref<1x256x80xi32, #tpu.memory_space<hbm>>
        %dma_wait3A_341 = tpu.memref_squeeze %dma_wait3A_340 : memref<1x256x80xi32, #tpu.memory_space<hbm>> -> memref<256x80xi32, #tpu.memory_space<hbm>>
        %dma_wait3A_342 = arith.constant 0 : i32
        %dma_wait3A_343 = tpu.memref_slice %dma_wait3A_341[%mul3A_19, %dma_wait3A_342] : memref<256x80xi32, #tpu.memory_space<hbm>> -> memref<32x80xi32, #tpu.memory_space<hbm>>
        %dma_wait3A_344 = arith.constant 0 : i32
        %dma_wait3A_345 = arith.constant 0 : i32
        %dma_wait3A_346 = arith.constant 0 : i32
        %dma_wait3A_347 = tpu.memref_slice %arg4[%arg0, %dma_wait3A_344, %dma_wait3A_345, %dma_wait3A_346] : memref<2x16x256x80xi32, #tpu.memory_space<hbm>> -> memref<1x16x256x80xi32, #tpu.memory_space<hbm>>
        %dma_wait3A_348 = tpu.memref_squeeze %dma_wait3A_347 : memref<1x16x256x80xi32, #tpu.memory_space<hbm>> -> memref<16x256x80xi32, #tpu.memory_space<hbm>>
        %dma_wait3A_349 = arith.constant 0 : i32
        %dma_wait3A_350 = arith.constant 0 : i32
        %dma_wait3A_351 = tpu.memref_slice %dma_wait3A_348[%arg1, %dma_wait3A_349, %dma_wait3A_350] : memref<16x256x80xi32, #tpu.memory_space<hbm>> -> memref<1x256x80xi32, #tpu.memory_space<hbm>>
        %dma_wait3A_352 = tpu.memref_squeeze %dma_wait3A_351 : memref<1x256x80xi32, #tpu.memory_space<hbm>> -> memref<256x80xi32, #tpu.memory_space<hbm>>
        %dma_wait3A_353 = arith.constant 0 : i32
        %dma_wait3A_354 = tpu.memref_slice %dma_wait3A_352[%mul3A_19, %dma_wait3A_353] : memref<256x80xi32, #tpu.memory_space<hbm>> -> memref<32x80xi32, #tpu.memory_space<hbm>>
        tpu.wait_dma2 semaphore(%run_scoped3A : memref<!tpu.dma_semaphore, #tpu.memory_space<semaphore_mem>>) src(%dma_wait3A_354 : memref<32x80xi32, #tpu.memory_space<hbm>>) dst(%arg8 : memref<32x80xi32, #tpu.memory_space<vmem>>)
        tpu.yield
      }) : () -> ()
      %dma_start3A = arith.constant 0 : i32
      %dma_start3A_20 = arith.constant 0 : i32
      %dma_start3A_21 = tpu.memref_slice %arg7[%dma_start3A, %dma_start3A_20] : memref<32x80xi32, #tpu.memory_space<vmem>> -> memref<1x80xi32, #tpu.memory_space<vmem>>
      %dma_start3A_22 = tpu.memref_squeeze %dma_start3A_21 : memref<1x80xi32, #tpu.memory_space<vmem>> -> memref<80xi32, #tpu.memory_space<vmem>>
      %dma_start3A_23 = arith.constant 0 : i32
      %dma_start3A_24 = arith.constant 0 : i32
      %dma_start3A_25 = tpu.memref_slice %arg2[%arg0, %dma_start3A_23, %dma_start3A_24] : memref<2x10000x128xf32, #tpu.memory_space<hbm>> -> memref<1x10000x128xf32, #tpu.memory_space<hbm>>
      %dma_start3A_26 = tpu.memref_squeeze %dma_start3A_25 : memref<1x10000x128xf32, #tpu.memory_space<hbm>> -> memref<10000x128xf32, #tpu.memory_space<hbm>>
      %dma_start3A_27 = arith.constant 0 : i32
      %dma_start3A_28 = arith.constant 0 : i32
      %dma_start3A_29 = tpu.memref_slice %dma_start3A_26[%dma_start3A_27, %dma_start3A_28] : memref<10000x128xf32, #tpu.memory_space<hbm>> -> memref<10000x128xf32, #tpu.memory_space<hbm>>
      tpu.enqueue_indirect_dma source(%dma_start3A_29 : memref<10000x128xf32, #tpu.memory_space<hbm>>) target(%arg9 : memref<80x128xf32, #tpu.memory_space<vmem>>) offsets(%dma_start3A_22 : memref<80xi32, #tpu.memory_space<vmem>>) semaphore(%arg14 : memref<!tpu.dma_semaphore, #tpu.memory_space<semaphore_mem>>)
      %dma_start3A_30 = arith.constant 1 : i32
      %dma_start3A_31 = arith.constant 0 : i32
      %dma_start3A_32 = tpu.memref_slice %arg7[%dma_start3A_30, %dma_start3A_31] : memref<32x80xi32, #tpu.memory_space<vmem>> -> memref<1x80xi32, #tpu.memory_space<vmem>>
      %dma_start3A_33 = tpu.memref_squeeze %dma_start3A_32 : memref<1x80xi32, #tpu.memory_space<vmem>> -> memref<80xi32, #tpu.memory_space<vmem>>
      %dma_start3A_34 = arith.constant 0 : i32
      %dma_start3A_35 = arith.constant 0 : i32
      %dma_start3A_36 = tpu.memref_slice %arg2[%arg0, %dma_start3A_34, %dma_start3A_35] : memref<2x10000x128xf32, #tpu.memory_space<hbm>> -> memref<1x10000x128xf32, #tpu.memory_space<hbm>>
      %dma_start3A_37 = tpu.memref_squeeze %dma_start3A_36 : memref<1x10000x128xf32, #tpu.memory_space<hbm>> -> memref<10000x128xf32, #tpu.memory_space<hbm>>
      %dma_start3A_38 = arith.constant 0 : i32
      %dma_start3A_39 = arith.constant 0 : i32
      %dma_start3A_40 = tpu.memref_slice %dma_start3A_37[%dma_start3A_38, %dma_start3A_39] : memref<10000x128xf32, #tpu.memory_space<hbm>> -> memref<10000x128xf32, #tpu.memory_space<hbm>>
      tpu.enqueue_indirect_dma source(%dma_start3A_40 : memref<10000x128xf32, #tpu.memory_space<hbm>>) target(%arg10 : memref<80x128xf32, #tpu.memory_space<vmem>>) offsets(%dma_start3A_33 : memref<80xi32, #tpu.memory_space<vmem>>) semaphore(%arg15 : memref<!tpu.dma_semaphore, #tpu.memory_space<semaphore_mem>>)
      %dma_start3A_41 = arith.constant 2 : i32
      %dma_start3A_42 = arith.constant 0 : i32
      %dma_start3A_43 = tpu.memref_slice %arg7[%dma_start3A_41, %dma_start3A_42] : memref<32x80xi32, #tpu.memory_space<vmem>> -> memref<1x80xi32, #tpu.memory_space<vmem>>
      %dma_start3A_44 = tpu.memref_squeeze %dma_start3A_43 : memref<1x80xi32, #tpu.memory_space<vmem>> -> memref<80xi32, #tpu.memory_space<vmem>>
      %dma_start3A_45 = arith.constant 0 : i32
      %dma_start3A_46 = arith.constant 0 : i32
      %dma_start3A_47 = tpu.memref_slice %arg2[%arg0, %dma_start3A_45, %dma_start3A_46] : memref<2x10000x128xf32, #tpu.memory_space<hbm>> -> memref<1x10000x128xf32, #tpu.memory_space<hbm>>
      %dma_start3A_48 = tpu.memref_squeeze %dma_start3A_47 : memref<1x10000x128xf32, #tpu.memory_space<hbm>> -> memref<10000x128xf32, #tpu.memory_space<hbm>>
      %dma_start3A_49 = arith.constant 0 : i32
      %dma_start3A_50 = arith.constant 0 : i32
      %dma_start3A_51 = tpu.memref_slice %dma_start3A_48[%dma_start3A_49, %dma_start3A_50] : memref<10000x128xf32, #tpu.memory_space<hbm>> -> memref<10000x128xf32, #tpu.memory_space<hbm>>
      tpu.enqueue_indirect_dma source(%dma_start3A_51 : memref<10000x128xf32, #tpu.memory_space<hbm>>) target(%arg11 : memref<80x128xf32, #tpu.memory_space<vmem>>) offsets(%dma_start3A_44 : memref<80xi32, #tpu.memory_space<vmem>>) semaphore(%arg16 : memref<!tpu.dma_semaphore, #tpu.memory_space<semaphore_mem>>)
      %dma_start3A_52 = arith.constant 3 : i32
      %dma_start3A_53 = arith.constant 0 : i32
      %dma_start3A_54 = tpu.memref_slice %arg7[%dma_start3A_52, %dma_start3A_53] : memref<32x80xi32, #tpu.memory_space<vmem>> -> memref<1x80xi32, #tpu.memory_space<vmem>>
      %dma_start3A_55 = tpu.memref_squeeze %dma_start3A_54 : memref<1x80xi32, #tpu.memory_space<vmem>> -> memref<80xi32, #tpu.memory_space<vmem>>
      %dma_start3A_56 = arith.constant 0 : i32
      %dma_start3A_57 = arith.constant 0 : i32
      %dma_start3A_58 = tpu.memref_slice %arg2[%arg0, %dma_start3A_56, %dma_start3A_57] : memref<2x10000x128xf32, #tpu.memory_space<hbm>> -> memref<1x10000x128xf32, #tpu.memory_space<hbm>>
      %dma_start3A_59 = tpu.memref_squeeze %dma_start3A_58 : memref<1x10000x128xf32, #tpu.memory_space<hbm>> -> memref<10000x128xf32, #tpu.memory_space<hbm>>
      %dma_start3A_60 = arith.constant 0 : i32
      %dma_start3A_61 = arith.constant 0 : i32
      %dma_start3A_62 = tpu.memref_slice %dma_start3A_59[%dma_start3A_60, %dma_start3A_61] : memref<10000x128xf32, #tpu.memory_space<hbm>> -> memref<10000x128xf32, #tpu.memory_space<hbm>>
      tpu.enqueue_indirect_dma source(%dma_start3A_62 : memref<10000x128xf32, #tpu.memory_space<hbm>>) target(%arg12 : memref<80x128xf32, #tpu.memory_space<vmem>>) offsets(%dma_start3A_55 : memref<80xi32, #tpu.memory_space<vmem>>) semaphore(%arg17 : memref<!tpu.dma_semaphore, #tpu.memory_space<semaphore_mem>>)
      %dma_wait3A = arith.constant 0 : i32
      %dma_wait3A_63 = arith.constant 0 : i32
      %dma_wait3A_64 = tpu.memref_slice %arg7[%dma_wait3A, %dma_wait3A_63] : memref<32x80xi32, #tpu.memory_space<vmem>> -> memref<1x80xi32, #tpu.memory_space<vmem>>
      %dma_wait3A_65 = tpu.memref_squeeze %dma_wait3A_64 : memref<1x80xi32, #tpu.memory_space<vmem>> -> memref<80xi32, #tpu.memory_space<vmem>>
      %dma_wait3A_66 = arith.constant 0 : i32
      %dma_wait3A_67 = arith.constant 0 : i32
      %dma_wait3A_68 = tpu.memref_slice %arg2[%arg0, %dma_wait3A_66, %dma_wait3A_67] : memref<2x10000x128xf32, #tpu.memory_space<hbm>> -> memref<1x10000x128xf32, #tpu.memory_space<hbm>>
      %dma_wait3A_69 = tpu.memref_squeeze %dma_wait3A_68 : memref<1x10000x128xf32, #tpu.memory_space<hbm>> -> memref<10000x128xf32, #tpu.memory_space<hbm>>
      %dma_wait3A_70 = arith.constant 0 : i32
      %dma_wait3A_71 = arith.constant 0 : i32
      %dma_wait3A_72 = tpu.memref_slice %dma_wait3A_69[%dma_wait3A_70, %dma_wait3A_71] : memref<10000x128xf32, #tpu.memory_space<hbm>> -> memref<10000x128xf32, #tpu.memory_space<hbm>>
      tpu.wait_indirect_dma semaphore(%arg14 : memref<!tpu.dma_semaphore, #tpu.memory_space<semaphore_mem>>) src(%dma_wait3A_72 : memref<10000x128xf32, #tpu.memory_space<hbm>>) dst(%arg9 : memref<80x128xf32, #tpu.memory_space<vmem>>)
      %dma_start3A_73 = arith.constant 0 : i32
      %dma_start3A_74 = arith.constant 0 : i32
      %dma_start3A_75 = tpu.memref_slice %arg8[%dma_start3A_73, %dma_start3A_74] : memref<32x80xi32, #tpu.memory_space<vmem>> -> memref<1x80xi32, #tpu.memory_space<vmem>>
      %dma_start3A_76 = tpu.memref_squeeze %dma_start3A_75 : memref<1x80xi32, #tpu.memory_space<vmem>> -> memref<80xi32, #tpu.memory_space<vmem>>
      %dma_start3A_77 = arith.constant 0 : i32
      %dma_start3A_78 = arith.constant 0 : i32
      %dma_start3A_79 = tpu.memref_slice %arg13[%dma_start3A_77, %dma_start3A_78] : memref<10240x128xf32, #tpu.memory_space<vmem_shared>> -> memref<10240x128xf32, #tpu.memory_space<vmem_shared>>
      tpu.enqueue_indirect_dma source(%arg9 : memref<80x128xf32, #tpu.memory_space<vmem>>) target(%dma_start3A_79 : memref<10240x128xf32, #tpu.memory_space<vmem_shared>>) offsets(%dma_start3A_76 : memref<80xi32, #tpu.memory_space<vmem>>) semaphore(%arg18 : memref<!tpu.dma_semaphore, #tpu.memory_space<semaphore_mem>>) {add = true}
      %dma_wait3A_80 = arith.constant 1 : i32
      %dma_wait3A_81 = arith.constant 0 : i32
      %dma_wait3A_82 = tpu.memref_slice %arg7[%dma_wait3A_80, %dma_wait3A_81] : memref<32x80xi32, #tpu.memory_space<vmem>> -> memref<1x80xi32, #tpu.memory_space<vmem>>
      %dma_wait3A_83 = tpu.memref_squeeze %dma_wait3A_82 : memref<1x80xi32, #tpu.memory_space<vmem>> -> memref<80xi32, #tpu.memory_space<vmem>>
      %dma_wait3A_84 = arith.constant 0 : i32
      %dma_wait3A_85 = arith.constant 0 : i32
      %dma_wait3A_86 = tpu.memref_slice %arg2[%arg0, %dma_wait3A_84, %dma_wait3A_85] : memref<2x10000x128xf32, #tpu.memory_space<hbm>> -> memref<1x10000x128xf32, #tpu.memory_space<hbm>>
      %dma_wait3A_87 = tpu.memref_squeeze %dma_wait3A_86 : memref<1x10000x128xf32, #tpu.memory_space<hbm>> -> memref<10000x128xf32, #tpu.memory_space<hbm>>
      %dma_wait3A_88 = arith.constant 0 : i32
      %dma_wait3A_89 = arith.constant 0 : i32
      %dma_wait3A_90 = tpu.memref_slice %dma_wait3A_87[%dma_wait3A_88, %dma_wait3A_89] : memref<10000x128xf32, #tpu.memory_space<hbm>> -> memref<10000x128xf32, #tpu.memory_space<hbm>>
      tpu.wait_indirect_dma semaphore(%arg15 : memref<!tpu.dma_semaphore, #tpu.memory_space<semaphore_mem>>) src(%dma_wait3A_90 : memref<10000x128xf32, #tpu.memory_space<hbm>>) dst(%arg10 : memref<80x128xf32, #tpu.memory_space<vmem>>)
      %dma_start3A_91 = arith.constant 1 : i32
      %dma_start3A_92 = arith.constant 0 : i32
      %dma_start3A_93 = tpu.memref_slice %arg8[%dma_start3A_91, %dma_start3A_92] : memref<32x80xi32, #tpu.memory_space<vmem>> -> memref<1x80xi32, #tpu.memory_space<vmem>>
      %dma_start3A_94 = tpu.memref_squeeze %dma_start3A_93 : memref<1x80xi32, #tpu.memory_space<vmem>> -> memref<80xi32, #tpu.memory_space<vmem>>
      %dma_start3A_95 = arith.constant 0 : i32
      %dma_start3A_96 = arith.constant 0 : i32
      %dma_start3A_97 = tpu.memref_slice %arg13[%dma_start3A_95, %dma_start3A_96] : memref<10240x128xf32, #tpu.memory_space<vmem_shared>> -> memref<10240x128xf32, #tpu.memory_space<vmem_shared>>
      tpu.enqueue_indirect_dma source(%arg10 : memref<80x128xf32, #tpu.memory_space<vmem>>) target(%dma_start3A_97 : memref<10240x128xf32, #tpu.memory_space<vmem_shared>>) offsets(%dma_start3A_94 : memref<80xi32, #tpu.memory_space<vmem>>) semaphore(%arg19 : memref<!tpu.dma_semaphore, #tpu.memory_space<semaphore_mem>>) {add = true}
      %dma_wait3A_98 = arith.constant 2 : i32
      %dma_wait3A_99 = arith.constant 0 : i32
      %dma_wait3A_100 = tpu.memref_slice %arg7[%dma_wait3A_98, %dma_wait3A_99] : memref<32x80xi32, #tpu.memory_space<vmem>> -> memref<1x80xi32, #tpu.memory_space<vmem>>
      %dma_wait3A_101 = tpu.memref_squeeze %dma_wait3A_100 : memref<1x80xi32, #tpu.memory_space<vmem>> -> memref<80xi32, #tpu.memory_space<vmem>>
      %dma_wait3A_102 = arith.constant 0 : i32
      %dma_wait3A_103 = arith.constant 0 : i32
      %dma_wait3A_104 = tpu.memref_slice %arg2[%arg0, %dma_wait3A_102, %dma_wait3A_103] : memref<2x10000x128xf32, #tpu.memory_space<hbm>> -> memref<1x10000x128xf32, #tpu.memory_space<hbm>>
      %dma_wait3A_105 = tpu.memref_squeeze %dma_wait3A_104 : memref<1x10000x128xf32, #tpu.memory_space<hbm>> -> memref<10000x128xf32, #tpu.memory_space<hbm>>
      %dma_wait3A_106 = arith.constant 0 : i32
      %dma_wait3A_107 = arith.constant 0 : i32
      %dma_wait3A_108 = tpu.memref_slice %dma_wait3A_105[%dma_wait3A_106, %dma_wait3A_107] : memref<10000x128xf32, #tpu.memory_space<hbm>> -> memref<10000x128xf32, #tpu.memory_space<hbm>>
      tpu.wait_indirect_dma semaphore(%arg16 : memref<!tpu.dma_semaphore, #tpu.memory_space<semaphore_mem>>) src(%dma_wait3A_108 : memref<10000x128xf32, #tpu.memory_space<hbm>>) dst(%arg11 : memref<80x128xf32, #tpu.memory_space<vmem>>)
      %dma_start3A_109 = arith.constant 2 : i32
      %dma_start3A_110 = arith.constant 0 : i32
      %dma_start3A_111 = tpu.memref_slice %arg8[%dma_start3A_109, %dma_start3A_110] : memref<32x80xi32, #tpu.memory_space<vmem>> -> memref<1x80xi32, #tpu.memory_space<vmem>>
      %dma_start3A_112 = tpu.memref_squeeze %dma_start3A_111 : memref<1x80xi32, #tpu.memory_space<vmem>> -> memref<80xi32, #tpu.memory_space<vmem>>
      %dma_start3A_113 = arith.constant 0 : i32
      %dma_start3A_114 = arith.constant 0 : i32
      %dma_start3A_115 = tpu.memref_slice %arg13[%dma_start3A_113, %dma_start3A_114] : memref<10240x128xf32, #tpu.memory_space<vmem_shared>> -> memref<10240x128xf32, #tpu.memory_space<vmem_shared>>
      tpu.enqueue_indirect_dma source(%arg11 : memref<80x128xf32, #tpu.memory_space<vmem>>) target(%dma_start3A_115 : memref<10240x128xf32, #tpu.memory_space<vmem_shared>>) offsets(%dma_start3A_112 : memref<80xi32, #tpu.memory_space<vmem>>) semaphore(%arg20 : memref<!tpu.dma_semaphore, #tpu.memory_space<semaphore_mem>>) {add = true}
      %dma_wait3A_116 = arith.constant 0 : i32
      %dma_wait3A_117 = arith.constant 0 : i32
      %dma_wait3A_118 = tpu.memref_slice %arg8[%dma_wait3A_116, %dma_wait3A_117] : memref<32x80xi32, #tpu.memory_space<vmem>> -> memref<1x80xi32, #tpu.memory_space<vmem>>
      %dma_wait3A_119 = tpu.memref_squeeze %dma_wait3A_118 : memref<1x80xi32, #tpu.memory_space<vmem>> -> memref<80xi32, #tpu.memory_space<vmem>>
      %dma_wait3A_120 = arith.constant 0 : i32
      %dma_wait3A_121 = arith.constant 0 : i32
      %dma_wait3A_122 = tpu.memref_slice %arg13[%dma_wait3A_120, %dma_wait3A_121] : memref<10240x128xf32, #tpu.memory_space<vmem_shared>> -> memref<10240x128xf32, #tpu.memory_space<vmem_shared>>
      tpu.wait_indirect_dma semaphore(%arg18 : memref<!tpu.dma_semaphore, #tpu.memory_space<semaphore_mem>>) src(%arg9 : memref<80x128xf32, #tpu.memory_space<vmem>>) dst(%dma_wait3A_122 : memref<10240x128xf32, #tpu.memory_space<vmem_shared>>)
      %dma_start3A_123 = arith.constant 4 : i32
      %dma_start3A_124 = arith.constant 0 : i32
      %dma_start3A_125 = tpu.memref_slice %arg7[%dma_start3A_123, %dma_start3A_124] : memref<32x80xi32, #tpu.memory_space<vmem>> -> memref<1x80xi32, #tpu.memory_space<vmem>>
      %dma_start3A_126 = tpu.memref_squeeze %dma_start3A_125 : memref<1x80xi32, #tpu.memory_space<vmem>> -> memref<80xi32, #tpu.memory_space<vmem>>
      %dma_start3A_127 = arith.constant 0 : i32
      %dma_start3A_128 = arith.constant 0 : i32
      %dma_start3A_129 = tpu.memref_slice %arg2[%arg0, %dma_start3A_127, %dma_start3A_128] : memref<2x10000x128xf32, #tpu.memory_space<hbm>> -> memref<1x10000x128xf32, #tpu.memory_space<hbm>>
      %dma_start3A_130 = tpu.memref_squeeze %dma_start3A_129 : memref<1x10000x128xf32, #tpu.memory_space<hbm>> -> memref<10000x128xf32, #tpu.memory_space<hbm>>
      %dma_start3A_131 = arith.constant 0 : i32
      %dma_start3A_132 = arith.constant 0 : i32
      %dma_start3A_133 = tpu.memref_slice %dma_start3A_130[%dma_start3A_131, %dma_start3A_132] : memref<10000x128xf32, #tpu.memory_space<hbm>> -> memref<10000x128xf32, #tpu.memory_space<hbm>>
      tpu.enqueue_indirect_dma source(%dma_start3A_133 : memref<10000x128xf32, #tpu.memory_space<hbm>>) target(%arg9 : memref<80x128xf32, #tpu.memory_space<vmem>>) offsets(%dma_start3A_126 : memref<80xi32, #tpu.memory_space<vmem>>) semaphore(%arg14 : memref<!tpu.dma_semaphore, #tpu.memory_space<semaphore_mem>>)
      %dma_wait3A_134 = arith.constant 3 : i32
      %dma_wait3A_135 = arith.constant 0 : i32
      %dma_wait3A_136 = tpu.memref_slice %arg7[%dma_wait3A_134, %dma_wait3A_135] : memref<32x80xi32, #tpu.memory_space<vmem>> -> memref<1x80xi32, #tpu.memory_space<vmem>>
      %dma_wait3A_137 = tpu.memref_squeeze %dma_wait3A_136 : memref<1x80xi32, #tpu.memory_space<vmem>> -> memref<80xi32, #tpu.memory_space<vmem>>
      %dma_wait3A_138 = arith.constant 0 : i32
      %dma_wait3A_139 = arith.constant 0 : i32
      %dma_wait3A_140 = tpu.memref_slice %arg2[%arg0, %dma_wait3A_138, %dma_wait3A_139] : memref<2x10000x128xf32, #tpu.memory_space<hbm>> -> memref<1x10000x128xf32, #tpu.memory_space<hbm>>
      %dma_wait3A_141 = tpu.memref_squeeze %dma_wait3A_140 : memref<1x10000x128xf32, #tpu.memory_space<hbm>> -> memref<10000x128xf32, #tpu.memory_space<hbm>>
      %dma_wait3A_142 = arith.constant 0 : i32
      %dma_wait3A_143 = arith.constant 0 : i32
      %dma_wait3A_144 = tpu.memref_slice %dma_wait3A_141[%dma_wait3A_142, %dma_wait3A_143] : memref<10000x128xf32, #tpu.memory_space<hbm>> -> memref<10000x128xf32, #tpu.memory_space<hbm>>
      tpu.wait_indirect_dma semaphore(%arg17 : memref<!tpu.dma_semaphore, #tpu.memory_space<semaphore_mem>>) src(%dma_wait3A_144 : memref<10000x128xf32, #tpu.memory_space<hbm>>) dst(%arg12 : memref<80x128xf32, #tpu.memory_space<vmem>>)
      %dma_start3A_145 = arith.constant 3 : i32
      %dma_start3A_146 = arith.constant 0 : i32
      %dma_start3A_147 = tpu.memref_slice %arg8[%dma_start3A_145, %dma_start3A_146] : memref<32x80xi32, #tpu.memory_space<vmem>> -> memref<1x80xi32, #tpu.memory_space<vmem>>
      %dma_start3A_148 = tpu.memref_squeeze %dma_start3A_147 : memref<1x80xi32, #tpu.memory_space<vmem>> -> memref<80xi32, #tpu.memory_space<vmem>>
      %dma_start3A_149 = arith.constant 0 : i32
      %dma_start3A_150 = arith.constant 0 : i32
      %dma_start3A_151 = tpu.memref_slice %arg13[%dma_start3A_149, %dma_start3A_150] : memref<10240x128xf32, #tpu.memory_space<vmem_shared>> -> memref<10240x128xf32, #tpu.memory_space<vmem_shared>>
      tpu.enqueue_indirect_dma source(%arg12 : memref<80x128xf32, #tpu.memory_space<vmem>>) target(%dma_start3A_151 : memref<10240x128xf32, #tpu.memory_space<vmem_shared>>) offsets(%dma_start3A_148 : memref<80xi32, #tpu.memory_space<vmem>>) semaphore(%arg21 : memref<!tpu.dma_semaphore, #tpu.memory_space<semaphore_mem>>) {add = true}
      %dma_wait3A_152 = arith.constant 1 : i32
      %dma_wait3A_153 = arith.constant 0 : i32
      %dma_wait3A_154 = tpu.memref_slice %arg8[%dma_wait3A_152, %dma_wait3A_153] : memref<32x80xi32, #tpu.memory_space<vmem>> -> memref<1x80xi32, #tpu.memory_space<vmem>>
      %dma_wait3A_155 = tpu.memref_squeeze %dma_wait3A_154 : memref<1x80xi32, #tpu.memory_space<vmem>> -> memref<80xi32, #tpu.memory_space<vmem>>
      %dma_wait3A_156 = arith.constant 0 : i32
      %dma_wait3A_157 = arith.constant 0 : i32
      %dma_wait3A_158 = tpu.memref_slice %arg13[%dma_wait3A_156, %dma_wait3A_157] : memref<10240x128xf32, #tpu.memory_space<vmem_shared>> -> memref<10240x128xf32, #tpu.memory_space<vmem_shared>>
      tpu.wait_indirect_dma semaphore(%arg19 : memref<!tpu.dma_semaphore, #tpu.memory_space<semaphore_mem>>) src(%arg10 : memref<80x128xf32, #tpu.memory_space<vmem>>) dst(%dma_wait3A_158 : memref<10240x128xf32, #tpu.memory_space<vmem_shared>>)
      %dma_start3A_159 = arith.constant 5 : i32
      %dma_start3A_160 = arith.constant 0 : i32
      %dma_start3A_161 = tpu.memref_slice %arg7[%dma_start3A_159, %dma_start3A_160] : memref<32x80xi32, #tpu.memory_space<vmem>> -> memref<1x80xi32, #tpu.memory_space<vmem>>
      %dma_start3A_162 = tpu.memref_squeeze %dma_start3A_161 : memref<1x80xi32, #tpu.memory_space<vmem>> -> memref<80xi32, #tpu.memory_space<vmem>>
      %dma_start3A_163 = arith.constant 0 : i32
      %dma_start3A_164 = arith.constant 0 : i32
      %dma_start3A_165 = tpu.memref_slice %arg2[%arg0, %dma_start3A_163, %dma_start3A_164] : memref<2x10000x128xf32, #tpu.memory_space<hbm>> -> memref<1x10000x128xf32, #tpu.memory_space<hbm>>
      %dma_start3A_166 = tpu.memref_squeeze %dma_start3A_165 : memref<1x10000x128xf32, #tpu.memory_space<hbm>> -> memref<10000x128xf32, #tpu.memory_space<hbm>>
      %dma_start3A_167 = arith.constant 0 : i32
      %dma_start3A_168 = arith.constant 0 : i32
      %dma_start3A_169 = tpu.memref_slice %dma_start3A_166[%dma_start3A_167, %dma_start3A_168] : memref<10000x128xf32, #tpu.memory_space<hbm>> -> memref<10000x128xf32, #tpu.memory_space<hbm>>
      tpu.enqueue_indirect_dma source(%dma_start3A_169 : memref<10000x128xf32, #tpu.memory_space<hbm>>) target(%arg10 : memref<80x128xf32, #tpu.memory_space<vmem>>) offsets(%dma_start3A_162 : memref<80xi32, #tpu.memory_space<vmem>>) semaphore(%arg15 : memref<!tpu.dma_semaphore, #tpu.memory_space<semaphore_mem>>)
      %scan3A_170 = arith.constant 0 : i32
      %scan3A_171 = arith.constant 6 : i32
      %scan3A_172 = arith.addi %scan3A_170, %scan3A_171 : i32
      %scan3A_173 = arith.constant 1 : i32
      scf.for %scan3A_311 = %scan3A_170 to %scan3A_172 step %scan3A_173  : i32 {
        %mul3A_312 = arith.constant 4 : i32
        %mul3A_313 = arith.muli %scan3A_311, %mul3A_312 : i32
        %add3A_314 = arith.constant 4 : i32
        %add3A_315 = arith.addi %add3A_314, %mul3A_313 : i32
        %add3A_316 = arith.constant 0 : i32
        %add3A_317 = arith.addi %add3A_315, %add3A_316 : i32
        %dma_wait3A_318 = arith.constant 0 : i32
        %dma_wait3A_319 = tpu.memref_slice %arg7[%add3A_317, %dma_wait3A_318] : memref<32x80xi32, #tpu.memory_space<vmem>> -> memref<1x80xi32, #tpu.memory_space<vmem>>
        %dma_wait3A_320 = tpu.memref_squeeze %dma_wait3A_319 : memref<1x80xi32, #tpu.memory_space<vmem>> -> memref<80xi32, #tpu.memory_space<vmem>>
        %dma_wait3A_321 = arith.constant 0 : i32
        %dma_wait3A_322 = arith.constant 0 : i32
        %dma_wait3A_323 = tpu.memref_slice %arg2[%arg0, %dma_wait3A_321, %dma_wait3A_322] : memref<2x10000x128xf32, #tpu.memory_space<hbm>> -> memref<1x10000x128xf32, #tpu.memory_space<hbm>>
        %dma_wait3A_324 = tpu.memref_squeeze %dma_wait3A_323 : memref<1x10000x128xf32, #tpu.memory_space<hbm>> -> memref<10000x128xf32, #tpu.memory_space<hbm>>
        %dma_wait3A_325 = arith.constant 0 : i32
        %dma_wait3A_326 = arith.constant 0 : i32
        %dma_wait3A_327 = tpu.memref_slice %dma_wait3A_324[%dma_wait3A_325, %dma_wait3A_326] : memref<10000x128xf32, #tpu.memory_space<hbm>> -> memref<10000x128xf32, #tpu.memory_space<hbm>>
        tpu.wait_indirect_dma semaphore(%arg14 : memref<!tpu.dma_semaphore, #tpu.memory_space<semaphore_mem>>) src(%dma_wait3A_327 : memref<10000x128xf32, #tpu.memory_space<hbm>>) dst(%arg9 : memref<80x128xf32, #tpu.memory_space<vmem>>)
        %dma_start3A_328 = arith.constant 0 : i32
        %dma_start3A_329 = tpu.memref_slice %arg8[%add3A_317, %dma_start3A_328] : memref<32x80xi32, #tpu.memory_space<vmem>> -> memref<1x80xi32, #tpu.memory_space<vmem>>
        %dma_start3A_330 = tpu.memref_squeeze %dma_start3A_329 : memref<1x80xi32, #tpu.memory_space<vmem>> -> memref<80xi32, #tpu.memory_space<vmem>>
        %dma_start3A_331 = arith.constant 0 : i32
        %dma_start3A_332 = arith.constant 0 : i32
        %dma_start3A_333 = tpu.memref_slice %arg13[%dma_start3A_331, %dma_start3A_332] : memref<10240x128xf32, #tpu.memory_space<vmem_shared>> -> memref<10240x128xf32, #tpu.memory_space<vmem_shared>>
        tpu.enqueue_indirect_dma source(%arg9 : memref<80x128xf32, #tpu.memory_space<vmem>>) target(%dma_start3A_333 : memref<10240x128xf32, #tpu.memory_space<vmem_shared>>) offsets(%dma_start3A_330 : memref<80xi32, #tpu.memory_space<vmem>>) semaphore(%arg18 : memref<!tpu.dma_semaphore, #tpu.memory_space<semaphore_mem>>) {add = true}
        %sub3A = arith.constant 2 : i32
        %sub3A_334 = arith.subi %add3A_317, %sub3A : i32
        %dma_wait3A_335 = arith.constant 0 : i32
        %dma_wait3A_336 = tpu.memref_slice %arg8[%sub3A_334, %dma_wait3A_335] : memref<32x80xi32, #tpu.memory_space<vmem>> -> memref<1x80xi32, #tpu.memory_space<vmem>>
        %dma_wait3A_337 = tpu.memref_squeeze %dma_wait3A_336 : memref<1x80xi32, #tpu.memory_space<vmem>> -> memref<80xi32, #tpu.memory_space<vmem>>
        %dma_wait3A_338 = arith.constant 0 : i32
        %dma_wait3A_339 = arith.constant 0 : i32
        %dma_wait3A_340 = tpu.memref_slice %arg13[%dma_wait3A_338, %dma_wait3A_339] : memref<10240x128xf32, #tpu.memory_space<vmem_shared>> -> memref<10240x128xf32, #tpu.memory_space<vmem_shared>>
        tpu.wait_indirect_dma semaphore(%arg20 : memref<!tpu.dma_semaphore, #tpu.memory_space<semaphore_mem>>) src(%arg11 : memref<80x128xf32, #tpu.memory_space<vmem>>) dst(%dma_wait3A_340 : memref<10240x128xf32, #tpu.memory_space<vmem_shared>>)
        %add3A_341 = arith.constant 2 : i32
        %add3A_342 = arith.addi %add3A_317, %add3A_341 : i32
        %dma_start3A_343 = arith.constant 0 : i32
        %dma_start3A_344 = tpu.memref_slice %arg7[%add3A_342, %dma_start3A_343] : memref<32x80xi32, #tpu.memory_space<vmem>> -> memref<1x80xi32, #tpu.memory_space<vmem>>
        %dma_start3A_345 = tpu.memref_squeeze %dma_start3A_344 : memref<1x80xi32, #tpu.memory_space<vmem>> -> memref<80xi32, #tpu.memory_space<vmem>>
        %dma_start3A_346 = arith.constant 0 : i32
        %dma_start3A_347 = arith.constant 0 : i32
        %dma_start3A_348 = tpu.memref_slice %arg2[%arg0, %dma_start3A_346, %dma_start3A_347] : memref<2x10000x128xf32, #tpu.memory_space<hbm>> -> memref<1x10000x128xf32, #tpu.memory_space<hbm>>
        %dma_start3A_349 = tpu.memref_squeeze %dma_start3A_348 : memref<1x10000x128xf32, #tpu.memory_space<hbm>> -> memref<10000x128xf32, #tpu.memory_space<hbm>>
        %dma_start3A_350 = arith.constant 0 : i32
        %dma_start3A_351 = arith.constant 0 : i32
        %dma_start3A_352 = tpu.memref_slice %dma_start3A_349[%dma_start3A_350, %dma_start3A_351] : memref<10000x128xf32, #tpu.memory_space<hbm>> -> memref<10000x128xf32, #tpu.memory_space<hbm>>
        tpu.enqueue_indirect_dma source(%dma_start3A_352 : memref<10000x128xf32, #tpu.memory_space<hbm>>) target(%arg11 : memref<80x128xf32, #tpu.memory_space<vmem>>) offsets(%dma_start3A_345 : memref<80xi32, #tpu.memory_space<vmem>>) semaphore(%arg16 : memref<!tpu.dma_semaphore, #tpu.memory_space<semaphore_mem>>)
        %add3A_353 = arith.constant 1 : i32
        %add3A_354 = arith.addi %add3A_315, %add3A_353 : i32
        %dma_wait3A_355 = arith.constant 0 : i32
        %dma_wait3A_356 = tpu.memref_slice %arg7[%add3A_354, %dma_wait3A_355] : memref<32x80xi32, #tpu.memory_space<vmem>> -> memref<1x80xi32, #tpu.memory_space<vmem>>
        %dma_wait3A_357 = tpu.memref_squeeze %dma_wait3A_356 : memref<1x80xi32, #tpu.memory_space<vmem>> -> memref<80xi32, #tpu.memory_space<vmem>>
        %dma_wait3A_358 = arith.constant 0 : i32
        %dma_wait3A_359 = arith.constant 0 : i32
        %dma_wait3A_360 = tpu.memref_slice %arg2[%arg0, %dma_wait3A_358, %dma_wait3A_359] : memref<2x10000x128xf32, #tpu.memory_space<hbm>> -> memref<1x10000x128xf32, #tpu.memory_space<hbm>>
        %dma_wait3A_361 = tpu.memref_squeeze %dma_wait3A_360 : memref<1x10000x128xf32, #tpu.memory_space<hbm>> -> memref<10000x128xf32, #tpu.memory_space<hbm>>
        %dma_wait3A_362 = arith.constant 0 : i32
        %dma_wait3A_363 = arith.constant 0 : i32
        %dma_wait3A_364 = tpu.memref_slice %dma_wait3A_361[%dma_wait3A_362, %dma_wait3A_363] : memref<10000x128xf32, #tpu.memory_space<hbm>> -> memref<10000x128xf32, #tpu.memory_space<hbm>>
        tpu.wait_indirect_dma semaphore(%arg15 : memref<!tpu.dma_semaphore, #tpu.memory_space<semaphore_mem>>) src(%dma_wait3A_364 : memref<10000x128xf32, #tpu.memory_space<hbm>>) dst(%arg10 : memref<80x128xf32, #tpu.memory_space<vmem>>)
        %dma_start3A_365 = arith.constant 0 : i32
        %dma_start3A_366 = tpu.memref_slice %arg8[%add3A_354, %dma_start3A_365] : memref<32x80xi32, #tpu.memory_space<vmem>> -> memref<1x80xi32, #tpu.memory_space<vmem>>
        %dma_start3A_367 = tpu.memref_squeeze %dma_start3A_366 : memref<1x80xi32, #tpu.memory_space<vmem>> -> memref<80xi32, #tpu.memory_space<vmem>>
        %dma_start3A_368 = arith.constant 0 : i32
        %dma_start3A_369 = arith.constant 0 : i32
        %dma_start3A_370 = tpu.memref_slice %arg13[%dma_start3A_368, %dma_start3A_369] : memref<10240x128xf32, #tpu.memory_space<vmem_shared>> -> memref<10240x128xf32, #tpu.memory_space<vmem_shared>>
        tpu.enqueue_indirect_dma source(%arg10 : memref<80x128xf32, #tpu.memory_space<vmem>>) target(%dma_start3A_370 : memref<10240x128xf32, #tpu.memory_space<vmem_shared>>) offsets(%dma_start3A_367 : memref<80xi32, #tpu.memory_space<vmem>>) semaphore(%arg19 : memref<!tpu.dma_semaphore, #tpu.memory_space<semaphore_mem>>) {add = true}
        %sub3A_371 = arith.constant 2 : i32
        %sub3A_372 = arith.subi %add3A_354, %sub3A_371 : i32
        %dma_wait3A_373 = arith.constant 0 : i32
        %dma_wait3A_374 = tpu.memref_slice %arg8[%sub3A_372, %dma_wait3A_373] : memref<32x80xi32, #tpu.memory_space<vmem>> -> memref<1x80xi32, #tpu.memory_space<vmem>>
        %dma_wait3A_375 = tpu.memref_squeeze %dma_wait3A_374 : memref<1x80xi32, #tpu.memory_space<vmem>> -> memref<80xi32, #tpu.memory_space<vmem>>
        %dma_wait3A_376 = arith.constant 0 : i32
        %dma_wait3A_377 = arith.constant 0 : i32
        %dma_wait3A_378 = tpu.memref_slice %arg13[%dma_wait3A_376, %dma_wait3A_377] : memref<10240x128xf32, #tpu.memory_space<vmem_shared>> -> memref<10240x128xf32, #tpu.memory_space<vmem_shared>>
        tpu.wait_indirect_dma semaphore(%arg21 : memref<!tpu.dma_semaphore, #tpu.memory_space<semaphore_mem>>) src(%arg12 : memref<80x128xf32, #tpu.memory_space<vmem>>) dst(%dma_wait3A_378 : memref<10240x128xf32, #tpu.memory_space<vmem_shared>>)
        %add3A_379 = arith.constant 2 : i32
        %add3A_380 = arith.addi %add3A_354, %add3A_379 : i32
        %dma_start3A_381 = arith.constant 0 : i32
        %dma_start3A_382 = tpu.memref_slice %arg7[%add3A_380, %dma_start3A_381] : memref<32x80xi32, #tpu.memory_space<vmem>> -> memref<1x80xi32, #tpu.memory_space<vmem>>
        %dma_start3A_383 = tpu.memref_squeeze %dma_start3A_382 : memref<1x80xi32, #tpu.memory_space<vmem>> -> memref<80xi32, #tpu.memory_space<vmem>>
        %dma_start3A_384 = arith.constant 0 : i32
        %dma_start3A_385 = arith.constant 0 : i32
        %dma_start3A_386 = tpu.memref_slice %arg2[%arg0, %dma_start3A_384, %dma_start3A_385] : memref<2x10000x128xf32, #tpu.memory_space<hbm>> -> memref<1x10000x128xf32, #tpu.memory_space<hbm>>
        %dma_start3A_387 = tpu.memref_squeeze %dma_start3A_386 : memref<1x10000x128xf32, #tpu.memory_space<hbm>> -> memref<10000x128xf32, #tpu.memory_space<hbm>>
        %dma_start3A_388 = arith.constant 0 : i32
        %dma_start3A_389 = arith.constant 0 : i32
        %dma_start3A_390 = tpu.memref_slice %dma_start3A_387[%dma_start3A_388, %dma_start3A_389] : memref<10000x128xf32, #tpu.memory_space<hbm>> -> memref<10000x128xf32, #tpu.memory_space<hbm>>
        tpu.enqueue_indirect_dma source(%dma_start3A_390 : memref<10000x128xf32, #tpu.memory_space<hbm>>) target(%arg12 : memref<80x128xf32, #tpu.memory_space<vmem>>) offsets(%dma_start3A_383 : memref<80xi32, #tpu.memory_space<vmem>>) semaphore(%arg17 : memref<!tpu.dma_semaphore, #tpu.memory_space<semaphore_mem>>)
        %add3A_391 = arith.constant 2 : i32
        %add3A_392 = arith.addi %add3A_315, %add3A_391 : i32
        %dma_wait3A_393 = arith.constant 0 : i32
        %dma_wait3A_394 = tpu.memref_slice %arg7[%add3A_392, %dma_wait3A_393] : memref<32x80xi32, #tpu.memory_space<vmem>> -> memref<1x80xi32, #tpu.memory_space<vmem>>
        %dma_wait3A_395 = tpu.memref_squeeze %dma_wait3A_394 : memref<1x80xi32, #tpu.memory_space<vmem>> -> memref<80xi32, #tpu.memory_space<vmem>>
        %dma_wait3A_396 = arith.constant 0 : i32
        %dma_wait3A_397 = arith.constant 0 : i32
        %dma_wait3A_398 = tpu.memref_slice %arg2[%arg0, %dma_wait3A_396, %dma_wait3A_397] : memref<2x10000x128xf32, #tpu.memory_space<hbm>> -> memref<1x10000x128xf32, #tpu.memory_space<hbm>>
        %dma_wait3A_399 = tpu.memref_squeeze %dma_wait3A_398 : memref<1x10000x128xf32, #tpu.memory_space<hbm>> -> memref<10000x128xf32, #tpu.memory_space<hbm>>
        %dma_wait3A_400 = arith.constant 0 : i32
        %dma_wait3A_401 = arith.constant 0 : i32
        %dma_wait3A_402 = tpu.memref_slice %dma_wait3A_399[%dma_wait3A_400, %dma_wait3A_401] : memref<10000x128xf32, #tpu.memory_space<hbm>> -> memref<10000x128xf32, #tpu.memory_space<hbm>>
        tpu.wait_indirect_dma semaphore(%arg16 : memref<!tpu.dma_semaphore, #tpu.memory_space<semaphore_mem>>) src(%dma_wait3A_402 : memref<10000x128xf32, #tpu.memory_space<hbm>>) dst(%arg11 : memref<80x128xf32, #tpu.memory_space<vmem>>)
        %dma_start3A_403 = arith.constant 0 : i32
        %dma_start3A_404 = tpu.memref_slice %arg8[%add3A_392, %dma_start3A_403] : memref<32x80xi32, #tpu.memory_space<vmem>> -> memref<1x80xi32, #tpu.memory_space<vmem>>
        %dma_start3A_405 = tpu.memref_squeeze %dma_start3A_404 : memref<1x80xi32, #tpu.memory_space<vmem>> -> memref<80xi32, #tpu.memory_space<vmem>>
        %dma_start3A_406 = arith.constant 0 : i32
        %dma_start3A_407 = arith.constant 0 : i32
        %dma_start3A_408 = tpu.memref_slice %arg13[%dma_start3A_406, %dma_start3A_407] : memref<10240x128xf32, #tpu.memory_space<vmem_shared>> -> memref<10240x128xf32, #tpu.memory_space<vmem_shared>>
        tpu.enqueue_indirect_dma source(%arg11 : memref<80x128xf32, #tpu.memory_space<vmem>>) target(%dma_start3A_408 : memref<10240x128xf32, #tpu.memory_space<vmem_shared>>) offsets(%dma_start3A_405 : memref<80xi32, #tpu.memory_space<vmem>>) semaphore(%arg20 : memref<!tpu.dma_semaphore, #tpu.memory_space<semaphore_mem>>) {add = true}
        %sub3A_409 = arith.constant 2 : i32
        %sub3A_410 = arith.subi %add3A_392, %sub3A_409 : i32
        %dma_wait3A_411 = arith.constant 0 : i32
        %dma_wait3A_412 = tpu.memref_slice %arg8[%sub3A_410, %dma_wait3A_411] : memref<32x80xi32, #tpu.memory_space<vmem>> -> memref<1x80xi32, #tpu.memory_space<vmem>>
        %dma_wait3A_413 = tpu.memref_squeeze %dma_wait3A_412 : memref<1x80xi32, #tpu.memory_space<vmem>> -> memref<80xi32, #tpu.memory_space<vmem>>
        %dma_wait3A_414 = arith.constant 0 : i32
        %dma_wait3A_415 = arith.constant 0 : i32
        %dma_wait3A_416 = tpu.memref_slice %arg13[%dma_wait3A_414, %dma_wait3A_415] : memref<10240x128xf32, #tpu.memory_space<vmem_shared>> -> memref<10240x128xf32, #tpu.memory_space<vmem_shared>>
        tpu.wait_indirect_dma semaphore(%arg18 : memref<!tpu.dma_semaphore, #tpu.memory_space<semaphore_mem>>) src(%arg9 : memref<80x128xf32, #tpu.memory_space<vmem>>) dst(%dma_wait3A_416 : memref<10240x128xf32, #tpu.memory_space<vmem_shared>>)
        %add3A_417 = arith.constant 2 : i32
        %add3A_418 = arith.addi %add3A_392, %add3A_417 : i32
        %dma_start3A_419 = arith.constant 0 : i32
        %dma_start3A_420 = tpu.memref_slice %arg7[%add3A_418, %dma_start3A_419] : memref<32x80xi32, #tpu.memory_space<vmem>> -> memref<1x80xi32, #tpu.memory_space<vmem>>
        %dma_start3A_421 = tpu.memref_squeeze %dma_start3A_420 : memref<1x80xi32, #tpu.memory_space<vmem>> -> memref<80xi32, #tpu.memory_space<vmem>>
        %dma_start3A_422 = arith.constant 0 : i32
        %dma_start3A_423 = arith.constant 0 : i32
        %dma_start3A_424 = tpu.memref_slice %arg2[%arg0, %dma_start3A_422, %dma_start3A_423] : memref<2x10000x128xf32, #tpu.memory_space<hbm>> -> memref<1x10000x128xf32, #tpu.memory_space<hbm>>
        %dma_start3A_425 = tpu.memref_squeeze %dma_start3A_424 : memref<1x10000x128xf32, #tpu.memory_space<hbm>> -> memref<10000x128xf32, #tpu.memory_space<hbm>>
        %dma_start3A_426 = arith.constant 0 : i32
        %dma_start3A_427 = arith.constant 0 : i32
        %dma_start3A_428 = tpu.memref_slice %dma_start3A_425[%dma_start3A_426, %dma_start3A_427] : memref<10000x128xf32, #tpu.memory_space<hbm>> -> memref<10000x128xf32, #tpu.memory_space<hbm>>
        tpu.enqueue_indirect_dma source(%dma_start3A_428 : memref<10000x128xf32, #tpu.memory_space<hbm>>) target(%arg9 : memref<80x128xf32, #tpu.memory_space<vmem>>) offsets(%dma_start3A_421 : memref<80xi32, #tpu.memory_space<vmem>>) semaphore(%arg14 : memref<!tpu.dma_semaphore, #tpu.memory_space<semaphore_mem>>)
        %add3A_429 = arith.constant 3 : i32
        %add3A_430 = arith.addi %add3A_315, %add3A_429 : i32
        %dma_wait3A_431 = arith.constant 0 : i32
        %dma_wait3A_432 = tpu.memref_slice %arg7[%add3A_430, %dma_wait3A_431] : memref<32x80xi32, #tpu.memory_space<vmem>> -> memref<1x80xi32, #tpu.memory_space<vmem>>
        %dma_wait3A_433 = tpu.memref_squeeze %dma_wait3A_432 : memref<1x80xi32, #tpu.memory_space<vmem>> -> memref<80xi32, #tpu.memory_space<vmem>>
        %dma_wait3A_434 = arith.constant 0 : i32
        %dma_wait3A_435 = arith.constant 0 : i32
        %dma_wait3A_436 = tpu.memref_slice %arg2[%arg0, %dma_wait3A_434, %dma_wait3A_435] : memref<2x10000x128xf32, #tpu.memory_space<hbm>> -> memref<1x10000x128xf32, #tpu.memory_space<hbm>>
        %dma_wait3A_437 = tpu.memref_squeeze %dma_wait3A_436 : memref<1x10000x128xf32, #tpu.memory_space<hbm>> -> memref<10000x128xf32, #tpu.memory_space<hbm>>
        %dma_wait3A_438 = arith.constant 0 : i32
        %dma_wait3A_439 = arith.constant 0 : i32
        %dma_wait3A_440 = tpu.memref_slice %dma_wait3A_437[%dma_wait3A_438, %dma_wait3A_439] : memref<10000x128xf32, #tpu.memory_space<hbm>> -> memref<10000x128xf32, #tpu.memory_space<hbm>>
        tpu.wait_indirect_dma semaphore(%arg17 : memref<!tpu.dma_semaphore, #tpu.memory_space<semaphore_mem>>) src(%dma_wait3A_440 : memref<10000x128xf32, #tpu.memory_space<hbm>>) dst(%arg12 : memref<80x128xf32, #tpu.memory_space<vmem>>)
        %dma_start3A_441 = arith.constant 0 : i32
        %dma_start3A_442 = tpu.memref_slice %arg8[%add3A_430, %dma_start3A_441] : memref<32x80xi32, #tpu.memory_space<vmem>> -> memref<1x80xi32, #tpu.memory_space<vmem>>
        %dma_start3A_443 = tpu.memref_squeeze %dma_start3A_442 : memref<1x80xi32, #tpu.memory_space<vmem>> -> memref<80xi32, #tpu.memory_space<vmem>>
        %dma_start3A_444 = arith.constant 0 : i32
        %dma_start3A_445 = arith.constant 0 : i32
        %dma_start3A_446 = tpu.memref_slice %arg13[%dma_start3A_444, %dma_start3A_445] : memref<10240x128xf32, #tpu.memory_space<vmem_shared>> -> memref<10240x128xf32, #tpu.memory_space<vmem_shared>>
        tpu.enqueue_indirect_dma source(%arg12 : memref<80x128xf32, #tpu.memory_space<vmem>>) target(%dma_start3A_446 : memref<10240x128xf32, #tpu.memory_space<vmem_shared>>) offsets(%dma_start3A_443 : memref<80xi32, #tpu.memory_space<vmem>>) semaphore(%arg21 : memref<!tpu.dma_semaphore, #tpu.memory_space<semaphore_mem>>) {add = true}
        %sub3A_447 = arith.constant 2 : i32
        %sub3A_448 = arith.subi %add3A_430, %sub3A_447 : i32
        %dma_wait3A_449 = arith.constant 0 : i32
        %dma_wait3A_450 = tpu.memref_slice %arg8[%sub3A_448, %dma_wait3A_449] : memref<32x80xi32, #tpu.memory_space<vmem>> -> memref<1x80xi32, #tpu.memory_space<vmem>>
        %dma_wait3A_451 = tpu.memref_squeeze %dma_wait3A_450 : memref<1x80xi32, #tpu.memory_space<vmem>> -> memref<80xi32, #tpu.memory_space<vmem>>
        %dma_wait3A_452 = arith.constant 0 : i32
        %dma_wait3A_453 = arith.constant 0 : i32
        %dma_wait3A_454 = tpu.memref_slice %arg13[%dma_wait3A_452, %dma_wait3A_453] : memref<10240x128xf32, #tpu.memory_space<vmem_shared>> -> memref<10240x128xf32, #tpu.memory_space<vmem_shared>>
        tpu.wait_indirect_dma semaphore(%arg19 : memref<!tpu.dma_semaphore, #tpu.memory_space<semaphore_mem>>) src(%arg10 : memref<80x128xf32, #tpu.memory_space<vmem>>) dst(%dma_wait3A_454 : memref<10240x128xf32, #tpu.memory_space<vmem_shared>>)
        %add3A_455 = arith.constant 2 : i32
        %add3A_456 = arith.addi %add3A_430, %add3A_455 : i32
        %dma_start3A_457 = arith.constant 0 : i32
        %dma_start3A_458 = tpu.memref_slice %arg7[%add3A_456, %dma_start3A_457] : memref<32x80xi32, #tpu.memory_space<vmem>> -> memref<1x80xi32, #tpu.memory_space<vmem>>
        %dma_start3A_459 = tpu.memref_squeeze %dma_start3A_458 : memref<1x80xi32, #tpu.memory_space<vmem>> -> memref<80xi32, #tpu.memory_space<vmem>>
        %dma_start3A_460 = arith.constant 0 : i32
        %dma_start3A_461 = arith.constant 0 : i32
        %dma_start3A_462 = tpu.memref_slice %arg2[%arg0, %dma_start3A_460, %dma_start3A_461] : memref<2x10000x128xf32, #tpu.memory_space<hbm>> -> memref<1x10000x128xf32, #tpu.memory_space<hbm>>
        %dma_start3A_463 = tpu.memref_squeeze %dma_start3A_462 : memref<1x10000x128xf32, #tpu.memory_space<hbm>> -> memref<10000x128xf32, #tpu.memory_space<hbm>>
        %dma_start3A_464 = arith.constant 0 : i32
        %dma_start3A_465 = arith.constant 0 : i32
        %dma_start3A_466 = tpu.memref_slice %dma_start3A_463[%dma_start3A_464, %dma_start3A_465] : memref<10000x128xf32, #tpu.memory_space<hbm>> -> memref<10000x128xf32, #tpu.memory_space<hbm>>
        tpu.enqueue_indirect_dma source(%dma_start3A_466 : memref<10000x128xf32, #tpu.memory_space<hbm>>) target(%arg10 : memref<80x128xf32, #tpu.memory_space<vmem>>) offsets(%dma_start3A_459 : memref<80xi32, #tpu.memory_space<vmem>>) semaphore(%arg15 : memref<!tpu.dma_semaphore, #tpu.memory_space<semaphore_mem>>)
      }
      %scan3A_174 = arith.constant 6 : i32
      %dma_wait3A_175 = arith.constant 28 : i32
      %dma_wait3A_176 = arith.constant 0 : i32
      %dma_wait3A_177 = tpu.memref_slice %arg7[%dma_wait3A_175, %dma_wait3A_176] : memref<32x80xi32, #tpu.memory_space<vmem>> -> memref<1x80xi32, #tpu.memory_space<vmem>>
      %dma_wait3A_178 = tpu.memref_squeeze %dma_wait3A_177 : memref<1x80xi32, #tpu.memory_space<vmem>> -> memref<80xi32, #tpu.memory_space<vmem>>
      %dma_wait3A_179 = arith.constant 0 : i32
      %dma_wait3A_180 = arith.constant 0 : i32
      %dma_wait3A_181 = tpu.memref_slice %arg2[%arg0, %dma_wait3A_179, %dma_wait3A_180] : memref<2x10000x128xf32, #tpu.memory_space<hbm>> -> memref<1x10000x128xf32, #tpu.memory_space<hbm>>
      %dma_wait3A_182 = tpu.memref_squeeze %dma_wait3A_181 : memref<1x10000x128xf32, #tpu.memory_space<hbm>> -> memref<10000x128xf32, #tpu.memory_space<hbm>>
      %dma_wait3A_183 = arith.constant 0 : i32
      %dma_wait3A_184 = arith.constant 0 : i32
      %dma_wait3A_185 = tpu.memref_slice %dma_wait3A_182[%dma_wait3A_183, %dma_wait3A_184] : memref<10000x128xf32, #tpu.memory_space<hbm>> -> memref<10000x128xf32, #tpu.memory_space<hbm>>
      tpu.wait_indirect_dma semaphore(%arg14 : memref<!tpu.dma_semaphore, #tpu.memory_space<semaphore_mem>>) src(%dma_wait3A_185 : memref<10000x128xf32, #tpu.memory_space<hbm>>) dst(%arg9 : memref<80x128xf32, #tpu.memory_space<vmem>>)
      %dma_start3A_186 = arith.constant 28 : i32
      %dma_start3A_187 = arith.constant 0 : i32
      %dma_start3A_188 = tpu.memref_slice %arg8[%dma_start3A_186, %dma_start3A_187] : memref<32x80xi32, #tpu.memory_space<vmem>> -> memref<1x80xi32, #tpu.memory_space<vmem>>
      %dma_start3A_189 = tpu.memref_squeeze %dma_start3A_188 : memref<1x80xi32, #tpu.memory_space<vmem>> -> memref<80xi32, #tpu.memory_space<vmem>>
      %dma_start3A_190 = arith.constant 0 : i32
      %dma_start3A_191 = arith.constant 0 : i32
      %dma_start3A_192 = tpu.memref_slice %arg13[%dma_start3A_190, %dma_start3A_191] : memref<10240x128xf32, #tpu.memory_space<vmem_shared>> -> memref<10240x128xf32, #tpu.memory_space<vmem_shared>>
      tpu.enqueue_indirect_dma source(%arg9 : memref<80x128xf32, #tpu.memory_space<vmem>>) target(%dma_start3A_192 : memref<10240x128xf32, #tpu.memory_space<vmem_shared>>) offsets(%dma_start3A_189 : memref<80xi32, #tpu.memory_space<vmem>>) semaphore(%arg18 : memref<!tpu.dma_semaphore, #tpu.memory_space<semaphore_mem>>) {add = true}
      %dma_wait3A_193 = arith.constant 26 : i32
      %dma_wait3A_194 = arith.constant 0 : i32
      %dma_wait3A_195 = tpu.memref_slice %arg8[%dma_wait3A_193, %dma_wait3A_194] : memref<32x80xi32, #tpu.memory_space<vmem>> -> memref<1x80xi32, #tpu.memory_space<vmem>>
      %dma_wait3A_196 = tpu.memref_squeeze %dma_wait3A_195 : memref<1x80xi32, #tpu.memory_space<vmem>> -> memref<80xi32, #tpu.memory_space<vmem>>
      %dma_wait3A_197 = arith.constant 0 : i32
      %dma_wait3A_198 = arith.constant 0 : i32
      %dma_wait3A_199 = tpu.memref_slice %arg13[%dma_wait3A_197, %dma_wait3A_198] : memref<10240x128xf32, #tpu.memory_space<vmem_shared>> -> memref<10240x128xf32, #tpu.memory_space<vmem_shared>>
      tpu.wait_indirect_dma semaphore(%arg20 : memref<!tpu.dma_semaphore, #tpu.memory_space<semaphore_mem>>) src(%arg11 : memref<80x128xf32, #tpu.memory_space<vmem>>) dst(%dma_wait3A_199 : memref<10240x128xf32, #tpu.memory_space<vmem_shared>>)
      %dma_start3A_200 = arith.constant 30 : i32
      %dma_start3A_201 = arith.constant 0 : i32
      %dma_start3A_202 = tpu.memref_slice %arg7[%dma_start3A_200, %dma_start3A_201] : memref<32x80xi32, #tpu.memory_space<vmem>> -> memref<1x80xi32, #tpu.memory_space<vmem>>
      %dma_start3A_203 = tpu.memref_squeeze %dma_start3A_202 : memref<1x80xi32, #tpu.memory_space<vmem>> -> memref<80xi32, #tpu.memory_space<vmem>>
      %dma_start3A_204 = arith.constant 0 : i32
      %dma_start3A_205 = arith.constant 0 : i32
      %dma_start3A_206 = tpu.memref_slice %arg2[%arg0, %dma_start3A_204, %dma_start3A_205] : memref<2x10000x128xf32, #tpu.memory_space<hbm>> -> memref<1x10000x128xf32, #tpu.memory_space<hbm>>
      %dma_start3A_207 = tpu.memref_squeeze %dma_start3A_206 : memref<1x10000x128xf32, #tpu.memory_space<hbm>> -> memref<10000x128xf32, #tpu.memory_space<hbm>>
      %dma_start3A_208 = arith.constant 0 : i32
      %dma_start3A_209 = arith.constant 0 : i32
      %dma_start3A_210 = tpu.memref_slice %dma_start3A_207[%dma_start3A_208, %dma_start3A_209] : memref<10000x128xf32, #tpu.memory_space<hbm>> -> memref<10000x128xf32, #tpu.memory_space<hbm>>
      tpu.enqueue_indirect_dma source(%dma_start3A_210 : memref<10000x128xf32, #tpu.memory_space<hbm>>) target(%arg11 : memref<80x128xf32, #tpu.memory_space<vmem>>) offsets(%dma_start3A_203 : memref<80xi32, #tpu.memory_space<vmem>>) semaphore(%arg16 : memref<!tpu.dma_semaphore, #tpu.memory_space<semaphore_mem>>)
      %dma_wait3A_211 = arith.constant 29 : i32
      %dma_wait3A_212 = arith.constant 0 : i32
      %dma_wait3A_213 = tpu.memref_slice %arg7[%dma_wait3A_211, %dma_wait3A_212] : memref<32x80xi32, #tpu.memory_space<vmem>> -> memref<1x80xi32, #tpu.memory_space<vmem>>
      %dma_wait3A_214 = tpu.memref_squeeze %dma_wait3A_213 : memref<1x80xi32, #tpu.memory_space<vmem>> -> memref<80xi32, #tpu.memory_space<vmem>>
      %dma_wait3A_215 = arith.constant 0 : i32
      %dma_wait3A_216 = arith.constant 0 : i32
      %dma_wait3A_217 = tpu.memref_slice %arg2[%arg0, %dma_wait3A_215, %dma_wait3A_216] : memref<2x10000x128xf32, #tpu.memory_space<hbm>> -> memref<1x10000x128xf32, #tpu.memory_space<hbm>>
      %dma_wait3A_218 = tpu.memref_squeeze %dma_wait3A_217 : memref<1x10000x128xf32, #tpu.memory_space<hbm>> -> memref<10000x128xf32, #tpu.memory_space<hbm>>
      %dma_wait3A_219 = arith.constant 0 : i32
      %dma_wait3A_220 = arith.constant 0 : i32
      %dma_wait3A_221 = tpu.memref_slice %dma_wait3A_218[%dma_wait3A_219, %dma_wait3A_220] : memref<10000x128xf32, #tpu.memory_space<hbm>> -> memref<10000x128xf32, #tpu.memory_space<hbm>>
      tpu.wait_indirect_dma semaphore(%arg15 : memref<!tpu.dma_semaphore, #tpu.memory_space<semaphore_mem>>) src(%dma_wait3A_221 : memref<10000x128xf32, #tpu.memory_space<hbm>>) dst(%arg10 : memref<80x128xf32, #tpu.memory_space<vmem>>)
      %dma_start3A_222 = arith.constant 29 : i32
      %dma_start3A_223 = arith.constant 0 : i32
      %dma_start3A_224 = tpu.memref_slice %arg8[%dma_start3A_222, %dma_start3A_223] : memref<32x80xi32, #tpu.memory_space<vmem>> -> memref<1x80xi32, #tpu.memory_space<vmem>>
      %dma_start3A_225 = tpu.memref_squeeze %dma_start3A_224 : memref<1x80xi32, #tpu.memory_space<vmem>> -> memref<80xi32, #tpu.memory_space<vmem>>
      %dma_start3A_226 = arith.constant 0 : i32
      %dma_start3A_227 = arith.constant 0 : i32
      %dma_start3A_228 = tpu.memref_slice %arg13[%dma_start3A_226, %dma_start3A_227] : memref<10240x128xf32, #tpu.memory_space<vmem_shared>> -> memref<10240x128xf32, #tpu.memory_space<vmem_shared>>
      tpu.enqueue_indirect_dma source(%arg10 : memref<80x128xf32, #tpu.memory_space<vmem>>) target(%dma_start3A_228 : memref<10240x128xf32, #tpu.memory_space<vmem_shared>>) offsets(%dma_start3A_225 : memref<80xi32, #tpu.memory_space<vmem>>) semaphore(%arg19 : memref<!tpu.dma_semaphore, #tpu.memory_space<semaphore_mem>>) {add = true}
      %dma_wait3A_229 = arith.constant 27 : i32
      %dma_wait3A_230 = arith.constant 0 : i32
      %dma_wait3A_231 = tpu.memref_slice %arg8[%dma_wait3A_229, %dma_wait3A_230] : memref<32x80xi32, #tpu.memory_space<vmem>> -> memref<1x80xi32, #tpu.memory_space<vmem>>
      %dma_wait3A_232 = tpu.memref_squeeze %dma_wait3A_231 : memref<1x80xi32, #tpu.memory_space<vmem>> -> memref<80xi32, #tpu.memory_space<vmem>>
      %dma_wait3A_233 = arith.constant 0 : i32
      %dma_wait3A_234 = arith.constant 0 : i32
      %dma_wait3A_235 = tpu.memref_slice %arg13[%dma_wait3A_233, %dma_wait3A_234] : memref<10240x128xf32, #tpu.memory_space<vmem_shared>> -> memref<10240x128xf32, #tpu.memory_space<vmem_shared>>
      tpu.wait_indirect_dma semaphore(%arg21 : memref<!tpu.dma_semaphore, #tpu.memory_space<semaphore_mem>>) src(%arg12 : memref<80x128xf32, #tpu.memory_space<vmem>>) dst(%dma_wait3A_235 : memref<10240x128xf32, #tpu.memory_space<vmem_shared>>)
      %dma_start3A_236 = arith.constant 31 : i32
      %dma_start3A_237 = arith.constant 0 : i32
      %dma_start3A_238 = tpu.memref_slice %arg7[%dma_start3A_236, %dma_start3A_237] : memref<32x80xi32, #tpu.memory_space<vmem>> -> memref<1x80xi32, #tpu.memory_space<vmem>>
      %dma_start3A_239 = tpu.memref_squeeze %dma_start3A_238 : memref<1x80xi32, #tpu.memory_space<vmem>> -> memref<80xi32, #tpu.memory_space<vmem>>
      %dma_start3A_240 = arith.constant 0 : i32
      %dma_start3A_241 = arith.constant 0 : i32
      %dma_start3A_242 = tpu.memref_slice %arg2[%arg0, %dma_start3A_240, %dma_start3A_241] : memref<2x10000x128xf32, #tpu.memory_space<hbm>> -> memref<1x10000x128xf32, #tpu.memory_space<hbm>>
      %dma_start3A_243 = tpu.memref_squeeze %dma_start3A_242 : memref<1x10000x128xf32, #tpu.memory_space<hbm>> -> memref<10000x128xf32, #tpu.memory_space<hbm>>
      %dma_start3A_244 = arith.constant 0 : i32
      %dma_start3A_245 = arith.constant 0 : i32
      %dma_start3A_246 = tpu.memref_slice %dma_start3A_243[%dma_start3A_244, %dma_start3A_245] : memref<10000x128xf32, #tpu.memory_space<hbm>> -> memref<10000x128xf32, #tpu.memory_space<hbm>>
      tpu.enqueue_indirect_dma source(%dma_start3A_246 : memref<10000x128xf32, #tpu.memory_space<hbm>>) target(%arg12 : memref<80x128xf32, #tpu.memory_space<vmem>>) offsets(%dma_start3A_239 : memref<80xi32, #tpu.memory_space<vmem>>) semaphore(%arg17 : memref<!tpu.dma_semaphore, #tpu.memory_space<semaphore_mem>>)
      %dma_wait3A_247 = arith.constant 30 : i32
      %dma_wait3A_248 = arith.constant 0 : i32
      %dma_wait3A_249 = tpu.memref_slice %arg7[%dma_wait3A_247, %dma_wait3A_248] : memref<32x80xi32, #tpu.memory_space<vmem>> -> memref<1x80xi32, #tpu.memory_space<vmem>>
      %dma_wait3A_250 = tpu.memref_squeeze %dma_wait3A_249 : memref<1x80xi32, #tpu.memory_space<vmem>> -> memref<80xi32, #tpu.memory_space<vmem>>
      %dma_wait3A_251 = arith.constant 0 : i32
      %dma_wait3A_252 = arith.constant 0 : i32
      %dma_wait3A_253 = tpu.memref_slice %arg2[%arg0, %dma_wait3A_251, %dma_wait3A_252] : memref<2x10000x128xf32, #tpu.memory_space<hbm>> -> memref<1x10000x128xf32, #tpu.memory_space<hbm>>
      %dma_wait3A_254 = tpu.memref_squeeze %dma_wait3A_253 : memref<1x10000x128xf32, #tpu.memory_space<hbm>> -> memref<10000x128xf32, #tpu.memory_space<hbm>>
      %dma_wait3A_255 = arith.constant 0 : i32
      %dma_wait3A_256 = arith.constant 0 : i32
      %dma_wait3A_257 = tpu.memref_slice %dma_wait3A_254[%dma_wait3A_255, %dma_wait3A_256] : memref<10000x128xf32, #tpu.memory_space<hbm>> -> memref<10000x128xf32, #tpu.memory_space<hbm>>
      tpu.wait_indirect_dma semaphore(%arg16 : memref<!tpu.dma_semaphore, #tpu.memory_space<semaphore_mem>>) src(%dma_wait3A_257 : memref<10000x128xf32, #tpu.memory_space<hbm>>) dst(%arg11 : memref<80x128xf32, #tpu.memory_space<vmem>>)
      %dma_start3A_258 = arith.constant 30 : i32
      %dma_start3A_259 = arith.constant 0 : i32
      %dma_start3A_260 = tpu.memref_slice %arg8[%dma_start3A_258, %dma_start3A_259] : memref<32x80xi32, #tpu.memory_space<vmem>> -> memref<1x80xi32, #tpu.memory_space<vmem>>
      %dma_start3A_261 = tpu.memref_squeeze %dma_start3A_260 : memref<1x80xi32, #tpu.memory_space<vmem>> -> memref<80xi32, #tpu.memory_space<vmem>>
      %dma_start3A_262 = arith.constant 0 : i32
      %dma_start3A_263 = arith.constant 0 : i32
      %dma_start3A_264 = tpu.memref_slice %arg13[%dma_start3A_262, %dma_start3A_263] : memref<10240x128xf32, #tpu.memory_space<vmem_shared>> -> memref<10240x128xf32, #tpu.memory_space<vmem_shared>>
      tpu.enqueue_indirect_dma source(%arg11 : memref<80x128xf32, #tpu.memory_space<vmem>>) target(%dma_start3A_264 : memref<10240x128xf32, #tpu.memory_space<vmem_shared>>) offsets(%dma_start3A_261 : memref<80xi32, #tpu.memory_space<vmem>>) semaphore(%arg20 : memref<!tpu.dma_semaphore, #tpu.memory_space<semaphore_mem>>) {add = true}
      %dma_wait3A_265 = arith.constant 28 : i32
      %dma_wait3A_266 = arith.constant 0 : i32
      %dma_wait3A_267 = tpu.memref_slice %arg8[%dma_wait3A_265, %dma_wait3A_266] : memref<32x80xi32, #tpu.memory_space<vmem>> -> memref<1x80xi32, #tpu.memory_space<vmem>>
      %dma_wait3A_268 = tpu.memref_squeeze %dma_wait3A_267 : memref<1x80xi32, #tpu.memory_space<vmem>> -> memref<80xi32, #tpu.memory_space<vmem>>
      %dma_wait3A_269 = arith.constant 0 : i32
      %dma_wait3A_270 = arith.constant 0 : i32
      %dma_wait3A_271 = tpu.memref_slice %arg13[%dma_wait3A_269, %dma_wait3A_270] : memref<10240x128xf32, #tpu.memory_space<vmem_shared>> -> memref<10240x128xf32, #tpu.memory_space<vmem_shared>>
      tpu.wait_indirect_dma semaphore(%arg18 : memref<!tpu.dma_semaphore, #tpu.memory_space<semaphore_mem>>) src(%arg9 : memref<80x128xf32, #tpu.memory_space<vmem>>) dst(%dma_wait3A_271 : memref<10240x128xf32, #tpu.memory_space<vmem_shared>>)
      %dma_wait3A_272 = arith.constant 31 : i32
      %dma_wait3A_273 = arith.constant 0 : i32
      %dma_wait3A_274 = tpu.memref_slice %arg7[%dma_wait3A_272, %dma_wait3A_273] : memref<32x80xi32, #tpu.memory_space<vmem>> -> memref<1x80xi32, #tpu.memory_space<vmem>>
      %dma_wait3A_275 = tpu.memref_squeeze %dma_wait3A_274 : memref<1x80xi32, #tpu.memory_space<vmem>> -> memref<80xi32, #tpu.memory_space<vmem>>
      %dma_wait3A_276 = arith.constant 0 : i32
      %dma_wait3A_277 = arith.constant 0 : i32
      %dma_wait3A_278 = tpu.memref_slice %arg2[%arg0, %dma_wait3A_276, %dma_wait3A_277] : memref<2x10000x128xf32, #tpu.memory_space<hbm>> -> memref<1x10000x128xf32, #tpu.memory_space<hbm>>
      %dma_wait3A_279 = tpu.memref_squeeze %dma_wait3A_278 : memref<1x10000x128xf32, #tpu.memory_space<hbm>> -> memref<10000x128xf32, #tpu.memory_space<hbm>>
      %dma_wait3A_280 = arith.constant 0 : i32
      %dma_wait3A_281 = arith.constant 0 : i32
      %dma_wait3A_282 = tpu.memref_slice %dma_wait3A_279[%dma_wait3A_280, %dma_wait3A_281] : memref<10000x128xf32, #tpu.memory_space<hbm>> -> memref<10000x128xf32, #tpu.memory_space<hbm>>
      tpu.wait_indirect_dma semaphore(%arg17 : memref<!tpu.dma_semaphore, #tpu.memory_space<semaphore_mem>>) src(%dma_wait3A_282 : memref<10000x128xf32, #tpu.memory_space<hbm>>) dst(%arg12 : memref<80x128xf32, #tpu.memory_space<vmem>>)
      %dma_start3A_283 = arith.constant 31 : i32
      %dma_start3A_284 = arith.constant 0 : i32
      %dma_start3A_285 = tpu.memref_slice %arg8[%dma_start3A_283, %dma_start3A_284] : memref<32x80xi32, #tpu.memory_space<vmem>> -> memref<1x80xi32, #tpu.memory_space<vmem>>
      %dma_start3A_286 = tpu.memref_squeeze %dma_start3A_285 : memref<1x80xi32, #tpu.memory_space<vmem>> -> memref<80xi32, #tpu.memory_space<vmem>>
      %dma_start3A_287 = arith.constant 0 : i32
      %dma_start3A_288 = arith.constant 0 : i32
      %dma_start3A_289 = tpu.memref_slice %arg13[%dma_start3A_287, %dma_start3A_288] : memref<10240x128xf32, #tpu.memory_space<vmem_shared>> -> memref<10240x128xf32, #tpu.memory_space<vmem_shared>>
      tpu.enqueue_indirect_dma source(%arg12 : memref<80x128xf32, #tpu.memory_space<vmem>>) target(%dma_start3A_289 : memref<10240x128xf32, #tpu.memory_space<vmem_shared>>) offsets(%dma_start3A_286 : memref<80xi32, #tpu.memory_space<vmem>>) semaphore(%arg21 : memref<!tpu.dma_semaphore, #tpu.memory_space<semaphore_mem>>) {add = true}
      %dma_wait3A_290 = arith.constant 29 : i32
      %dma_wait3A_291 = arith.constant 0 : i32
      %dma_wait3A_292 = tpu.memref_slice %arg8[%dma_wait3A_290, %dma_wait3A_291] : memref<32x80xi32, #tpu.memory_space<vmem>> -> memref<1x80xi32, #tpu.memory_space<vmem>>
      %dma_wait3A_293 = tpu.memref_squeeze %dma_wait3A_292 : memref<1x80xi32, #tpu.memory_space<vmem>> -> memref<80xi32, #tpu.memory_space<vmem>>
      %dma_wait3A_294 = arith.constant 0 : i32
      %dma_wait3A_295 = arith.constant 0 : i32
      %dma_wait3A_296 = tpu.memref_slice %arg13[%dma_wait3A_294, %dma_wait3A_295] : memref<10240x128xf32, #tpu.memory_space<vmem_shared>> -> memref<10240x128xf32, #tpu.memory_space<vmem_shared>>
      tpu.wait_indirect_dma semaphore(%arg19 : memref<!tpu.dma_semaphore, #tpu.memory_space<semaphore_mem>>) src(%arg10 : memref<80x128xf32, #tpu.memory_space<vmem>>) dst(%dma_wait3A_296 : memref<10240x128xf32, #tpu.memory_space<vmem_shared>>)
      %dma_wait3A_297 = arith.constant 30 : i32
      %dma_wait3A_298 = arith.constant 0 : i32
      %dma_wait3A_299 = tpu.memref_slice %arg8[%dma_wait3A_297, %dma_wait3A_298] : memref<32x80xi32, #tpu.memory_space<vmem>> -> memref<1x80xi32, #tpu.memory_space<vmem>>
      %dma_wait3A_300 = tpu.memref_squeeze %dma_wait3A_299 : memref<1x80xi32, #tpu.memory_space<vmem>> -> memref<80xi32, #tpu.memory_space<vmem>>
      %dma_wait3A_301 = arith.constant 0 : i32
      %dma_wait3A_302 = arith.constant 0 : i32
      %dma_wait3A_303 = tpu.memref_slice %arg13[%dma_wait3A_301, %dma_wait3A_302] : memref<10240x128xf32, #tpu.memory_space<vmem_shared>> -> memref<10240x128xf32, #tpu.memory_space<vmem_shared>>
      tpu.wait_indirect_dma semaphore(%arg20 : memref<!tpu.dma_semaphore, #tpu.memory_space<semaphore_mem>>) src(%arg11 : memref<80x128xf32, #tpu.memory_space<vmem>>) dst(%dma_wait3A_303 : memref<10240x128xf32, #tpu.memory_space<vmem_shared>>)
      %dma_wait3A_304 = arith.constant 31 : i32
      %dma_wait3A_305 = arith.constant 0 : i32
      %dma_wait3A_306 = tpu.memref_slice %arg8[%dma_wait3A_304, %dma_wait3A_305] : memref<32x80xi32, #tpu.memory_space<vmem>> -> memref<1x80xi32, #tpu.memory_space<vmem>>
      %dma_wait3A_307 = tpu.memref_squeeze %dma_wait3A_306 : memref<1x80xi32, #tpu.memory_space<vmem>> -> memref<80xi32, #tpu.memory_space<vmem>>
      %dma_wait3A_308 = arith.constant 0 : i32
      %dma_wait3A_309 = arith.constant 0 : i32
      %dma_wait3A_310 = tpu.memref_slice %arg13[%dma_wait3A_308, %dma_wait3A_309] : memref<10240x128xf32, #tpu.memory_space<vmem_shared>> -> memref<10240x128xf32, #tpu.memory_space<vmem_shared>>
      tpu.wait_indirect_dma semaphore(%arg21 : memref<!tpu.dma_semaphore, #tpu.memory_space<semaphore_mem>>) src(%arg12 : memref<80x128xf32, #tpu.memory_space<vmem>>) dst(%dma_wait3A_310 : memref<10240x128xf32, #tpu.memory_space<vmem_shared>>)
    }
    %scan3A_4 = arith.constant 8 : i32
    %barrier3A_5 = arith.constant 0 : index
    tpu.barrier barrier_id(%barrier3A_5)
    %mul3A_6 = arith.constant 624 : i32
    %mul3A_7 = arith.muli %arg1, %mul3A_6 : i32
    %mul3A_8 = arith.constant 624 : i32
    %mul3A_9 = arith.muli %arg1, %mul3A_8 : i32
    "tpu.region"() ({
      %run_scoped3A = tpu.sem_alloc : memref<!tpu.dma_semaphore, #tpu.memory_space<semaphore_mem>>
      %dma_start3A = arith.constant 0 : i32
      %dma_start3A_12 = arith.constant 0 : i32
      %dma_start3A_13 = tpu.memref_slice %arg6[%arg0, %dma_start3A, %dma_start3A_12] : memref<2x10000x128xf32, #tpu.memory_space<hbm>> -> memref<1x10000x128xf32, #tpu.memory_space<hbm>>
      %dma_start3A_14 = tpu.memref_squeeze %dma_start3A_13 : memref<1x10000x128xf32, #tpu.memory_space<hbm>> -> memref<10000x128xf32, #tpu.memory_space<hbm>>
      %dma_start3A_15 = arith.constant 0 : i32
      %dma_start3A_16 = tpu.memref_slice %dma_start3A_14[%mul3A_9, %dma_start3A_15] : memref<10000x128xf32, #tpu.memory_space<hbm>> -> memref<624x128xf32, #tpu.memory_space<hbm>>
      %dma_start3A_17 = arith.constant 0 : i32
      %dma_start3A_18 = tpu.memref_slice %arg13[%mul3A_7, %dma_start3A_17] : memref<10240x128xf32, #tpu.memory_space<vmem_shared>> -> memref<624x128xf32, #tpu.memory_space<vmem_shared>>
      tpu.enqueue_dma source(%dma_start3A_18 : memref<624x128xf32, #tpu.memory_space<vmem_shared>>) target(%dma_start3A_16 : memref<624x128xf32, #tpu.memory_space<hbm>>) target_semaphore(%run_scoped3A : memref<!tpu.dma_semaphore, #tpu.memory_space<semaphore_mem>>)
      %dma_wait3A = arith.constant 0 : i32
      %dma_wait3A_19 = arith.constant 0 : i32
      %dma_wait3A_20 = tpu.memref_slice %arg6[%arg0, %dma_wait3A, %dma_wait3A_19] : memref<2x10000x128xf32, #tpu.memory_space<hbm>> -> memref<1x10000x128xf32, #tpu.memory_space<hbm>>
      %dma_wait3A_21 = tpu.memref_squeeze %dma_wait3A_20 : memref<1x10000x128xf32, #tpu.memory_space<hbm>> -> memref<10000x128xf32, #tpu.memory_space<hbm>>
      %dma_wait3A_22 = arith.constant 0 : i32
      %dma_wait3A_23 = tpu.memref_slice %dma_wait3A_21[%mul3A_9, %dma_wait3A_22] : memref<10000x128xf32, #tpu.memory_space<hbm>> -> memref<624x128xf32, #tpu.memory_space<hbm>>
      %dma_wait3A_24 = arith.constant 0 : i32
      %dma_wait3A_25 = tpu.memref_slice %arg13[%mul3A_7, %dma_wait3A_24] : memref<10240x128xf32, #tpu.memory_space<vmem_shared>> -> memref<624x128xf32, #tpu.memory_space<vmem_shared>>
      tpu.wait_dma2 semaphore(%run_scoped3A : memref<!tpu.dma_semaphore, #tpu.memory_space<semaphore_mem>>) src(%dma_wait3A_25 : memref<624x128xf32, #tpu.memory_space<vmem_shared>>) dst(%dma_wait3A_23 : memref<624x128xf32, #tpu.memory_space<hbm>>)
      tpu.yield
    }) : () -> ()
    %eq3A = arith.constant 15 : i32
    %eq3A_10 = arith.cmpi eq, %arg1, %eq3A : i32
    %convert_element_type3A = arith.extui %eq3A_10 : i1 to i32
    %cond3A = arith.constant 0 : i32
    %cond3A_11 = arith.cmpi ne, %convert_element_type3A, %cond3A : i32
    scf.if %cond3A_11 {
      "tpu.region"() ({
        %run_scoped3A = tpu.sem_alloc : memref<!tpu.dma_semaphore, #tpu.memory_space<semaphore_mem>>
        %dma_start3A = arith.constant 0 : i32
        %dma_start3A_12 = arith.constant 0 : i32
        %dma_start3A_13 = tpu.memref_slice %arg6[%arg0, %dma_start3A, %dma_start3A_12] : memref<2x10000x128xf32, #tpu.memory_space<hbm>> -> memref<1x10000x128xf32, #tpu.memory_space<hbm>>
        %dma_start3A_14 = tpu.memref_squeeze %dma_start3A_13 : memref<1x10000x128xf32, #tpu.memory_space<hbm>> -> memref<10000x128xf32, #tpu.memory_space<hbm>>
        %dma_start3A_15 = arith.constant 9984 : i32
        %dma_start3A_16 = arith.constant 0 : i32
        %dma_start3A_17 = tpu.memref_slice %dma_start3A_14[%dma_start3A_15, %dma_start3A_16] : memref<10000x128xf32, #tpu.memory_space<hbm>> -> memref<16x128xf32, #tpu.memory_space<hbm>>
        %dma_start3A_18 = arith.constant 9984 : i32
        %dma_start3A_19 = arith.constant 0 : i32
        %dma_start3A_20 = tpu.memref_slice %arg13[%dma_start3A_18, %dma_start3A_19] : memref<10240x128xf32, #tpu.memory_space<vmem_shared>> -> memref<16x128xf32, #tpu.memory_space<vmem_shared>>
        tpu.enqueue_dma source(%dma_start3A_20 : memref<16x128xf32, #tpu.memory_space<vmem_shared>>) target(%dma_start3A_17 : memref<16x128xf32, #tpu.memory_space<hbm>>) target_semaphore(%run_scoped3A : memref<!tpu.dma_semaphore, #tpu.memory_space<semaphore_mem>>)
        %dma_wait3A = arith.constant 0 : i32
        %dma_wait3A_21 = arith.constant 0 : i32
        %dma_wait3A_22 = tpu.memref_slice %arg6[%arg0, %dma_wait3A, %dma_wait3A_21] : memref<2x10000x128xf32, #tpu.memory_space<hbm>> -> memref<1x10000x128xf32, #tpu.memory_space<hbm>>
        %dma_wait3A_23 = tpu.memref_squeeze %dma_wait3A_22 : memref<1x10000x128xf32, #tpu.memory_space<hbm>> -> memref<10000x128xf32, #tpu.memory_space<hbm>>
        %dma_wait3A_24 = arith.constant 9984 : i32
        %dma_wait3A_25 = arith.constant 0 : i32
        %dma_wait3A_26 = tpu.memref_slice %dma_wait3A_23[%dma_wait3A_24, %dma_wait3A_25] : memref<10000x128xf32, #tpu.memory_space<hbm>> -> memref<16x128xf32, #tpu.memory_space<hbm>>
        %dma_wait3A_27 = arith.constant 9984 : i32
        %dma_wait3A_28 = arith.constant 0 : i32
        %dma_wait3A_29 = tpu.memref_slice %arg13[%dma_wait3A_27, %dma_wait3A_28] : memref<10240x128xf32, #tpu.memory_space<vmem_shared>> -> memref<16x128xf32, #tpu.memory_space<vmem_shared>>
        tpu.wait_dma2 semaphore(%run_scoped3A : memref<!tpu.dma_semaphore, #tpu.memory_space<semaphore_mem>>) src(%dma_wait3A_29 : memref<16x128xf32, #tpu.memory_space<vmem_shared>>) dst(%dma_wait3A_26 : memref<16x128xf32, #tpu.memory_space<hbm>>)
        tpu.yield
      }) : () -> ()
    } else {
    }
    return
  }
}

#map = affine_map<(d0, d1) -> (0, 0, 0)>
#map1 = affine_map<(d0, d1) -> (0, 0, 0, 0)>
#map2 = affine_map<(d0, d1) -> (0, 0)>
module attributes {stable_mosaic.version = 14 : i64} {
  func.func @_agg_body(%arg0: i32, %arg1: i32, %arg2: memref<2x10000x128xf32, #tpu.memory_space<hbm>>, %arg3: memref<2x16x256x80xi32, #tpu.memory_space<hbm>>, %arg4: memref<2x16x256x80xi32, #tpu.memory_space<hbm>>, %arg5: memref<640x128xf32, #tpu.memory_space<hbm>>, %arg6: memref<2x10000x128xf32, #tpu.memory_space<hbm>>, %arg7: memref<32x80xi32, #tpu.memory_space<vmem>>, %arg8: memref<32x80xi32, #tpu.memory_space<vmem>>, %arg9: memref<80x128xf32, #tpu.memory_space<vmem>>, %arg10: memref<80x128xf32, #tpu.memory_space<vmem>>, %arg11: memref<80x128xf32, #tpu.memory_space<vmem>>, %arg12: memref<80x128xf32, #tpu.memory_space<vmem>>, %arg13: memref<10240x128xf32, #tpu.memory_space<vmem_shared>>, %arg14: memref<!tpu.dma_semaphore, #tpu.memory_space<semaphore_mem>>, %arg15: memref<!tpu.dma_semaphore, #tpu.memory_space<semaphore_mem>>, %arg16: memref<!tpu.dma_semaphore, #tpu.memory_space<semaphore_mem>>, %arg17: memref<!tpu.dma_semaphore, #tpu.memory_space<semaphore_mem>>, %arg18: memref<!tpu.dma_semaphore, #tpu.memory_space<semaphore_mem>>, %arg19: memref<!tpu.dma_semaphore, #tpu.memory_space<semaphore_mem>>, %arg20: memref<!tpu.dma_semaphore, #tpu.memory_space<semaphore_mem>>, %arg21: memref<!tpu.dma_semaphore, #tpu.memory_space<semaphore_mem>>) attributes {dimension_semantics = [#tpu.dimension_semantics<core_parallel>, #tpu.dimension_semantics<subcore_parallel>], iteration_bounds = array<i64: 2, 16>, scalar_prefetch = 0 : i64, scratch_operands = 15 : i64, tpu.core_type = #tpu.core_type<sc_vector_subcore>, window_params = [{transform_indices = #map}, {transform_indices = #map1}, {transform_indices = #map1}, {transform_indices = #map2}, {transform_indices = #map}]} {
    %mul3A = arith.constant 640 : i32
    %mul3A_0 = arith.muli %arg1, %mul3A : i32
    "tpu.region"() ({
      %run_scoped3A = tpu.sem_alloc : memref<!tpu.dma_semaphore, #tpu.memory_space<semaphore_mem>>
      %dma_start3A = arith.constant 0 : i32
      %dma_start3A_12 = tpu.memref_slice %arg13[%mul3A_0, %dma_start3A] : memref<10240x128xf32, #tpu.memory_space<vmem_shared>> -> memref<640x128xf32, #tpu.memory_space<vmem_shared>>
      tpu.enqueue_dma source(%arg5 : memref<640x128xf32, #tpu.memory_space<hbm>>) target(%dma_start3A_12 : memref<640x128xf32, #tpu.memory_space<vmem_shared>>) target_semaphore(%run_scoped3A : memref<!tpu.dma_semaphore, #tpu.memory_space<semaphore_mem>>)
      %dma_wait3A = arith.constant 0 : i32
      %dma_wait3A_13 = tpu.memref_slice %arg13[%mul3A_0, %dma_wait3A] : memref<10240x128xf32, #tpu.memory_space<vmem_shared>> -> memref<640x128xf32, #tpu.memory_space<vmem_shared>>
      tpu.wait_dma2 semaphore(%run_scoped3A : memref<!tpu.dma_semaphore, #tpu.memory_space<semaphore_mem>>) src(%arg5 : memref<640x128xf32, #tpu.memory_space<hbm>>) dst(%dma_wait3A_13 : memref<640x128xf32, #tpu.memory_space<vmem_shared>>)
      tpu.yield
    }) : () -> ()
    %barrier3A = arith.constant 0 : index
    tpu.barrier barrier_id(%barrier3A)
    %scan3A = arith.constant 0 : i32
    %scan3A_1 = arith.constant 8 : i32
    %scan3A_2 = arith.addi %scan3A, %scan3A_1 : i32
    %scan3A_3 = arith.constant 1 : i32
    scf.for %scan3A_12 = %scan3A to %scan3A_2 step %scan3A_3  : i32 {
      %mul3A_13 = arith.constant 1 : i32
      %mul3A_14 = arith.muli %scan3A_12, %mul3A_13 : i32
      %add3A = arith.constant 0 : i32
      %add3A_15 = arith.addi %add3A, %mul3A_14 : i32
      %mul3A_16 = arith.constant 32 : i32
      %mul3A_17 = arith.muli %add3A_15, %mul3A_16 : i32
      "tpu.region"() ({
        %run_scoped3A = tpu.sem_alloc : memref<!tpu.dma_semaphore, #tpu.memory_space<semaphore_mem>>
        %dma_start3A_311 = arith.constant 0 : i32
        %dma_start3A_312 = arith.constant 0 : i32
        %dma_start3A_313 = arith.constant 0 : i32
        %dma_start3A_314 = tpu.memref_slice %arg3[%arg0, %dma_start3A_311, %dma_start3A_312, %dma_start3A_313] : memref<2x16x256x80xi32, #tpu.memory_space<hbm>> -> memref<1x16x256x80xi32, #tpu.memory_space<hbm>>
        %dma_start3A_315 = tpu.memref_squeeze %dma_start3A_314 : memref<1x16x256x80xi32, #tpu.memory_space<hbm>> -> memref<16x256x80xi32, #tpu.memory_space<hbm>>
        %dma_start3A_316 = arith.constant 0 : i32
        %dma_start3A_317 = arith.constant 0 : i32
        %dma_start3A_318 = tpu.memref_slice %dma_start3A_315[%arg1, %dma_start3A_316, %dma_start3A_317] : memref<16x256x80xi32, #tpu.memory_space<hbm>> -> memref<1x256x80xi32, #tpu.memory_space<hbm>>
        %dma_start3A_319 = tpu.memref_squeeze %dma_start3A_318 : memref<1x256x80xi32, #tpu.memory_space<hbm>> -> memref<256x80xi32, #tpu.memory_space<hbm>>
        %dma_start3A_320 = arith.constant 0 : i32
        %dma_start3A_321 = tpu.memref_slice %dma_start3A_319[%mul3A_17, %dma_start3A_320] : memref<256x80xi32, #tpu.memory_space<hbm>> -> memref<32x80xi32, #tpu.memory_space<hbm>>
        %dma_start3A_322 = arith.constant 0 : i32
        %dma_start3A_323 = arith.constant 0 : i32
        %dma_start3A_324 = arith.constant 0 : i32
        %dma_start3A_325 = tpu.memref_slice %arg3[%arg0, %dma_start3A_322, %dma_start3A_323, %dma_start3A_324] : memref<2x16x256x80xi32, #tpu.memory_space<hbm>> -> memref<1x16x256x80xi32, #tpu.memory_space<hbm>>
        %dma_start3A_326 = tpu.memref_squeeze %dma_start3A_325 : memref<1x16x256x80xi32, #tpu.memory_space<hbm>> -> memref<16x256x80xi32, #tpu.memory_space<hbm>>
        %dma_start3A_327 = arith.constant 0 : i32
        %dma_start3A_328 = arith.constant 0 : i32
        %dma_start3A_329 = tpu.memref_slice %dma_start3A_326[%arg1, %dma_start3A_327, %dma_start3A_328] : memref<16x256x80xi32, #tpu.memory_space<hbm>> -> memref<1x256x80xi32, #tpu.memory_space<hbm>>
        %dma_start3A_330 = tpu.memref_squeeze %dma_start3A_329 : memref<1x256x80xi32, #tpu.memory_space<hbm>> -> memref<256x80xi32, #tpu.memory_space<hbm>>
        %dma_start3A_331 = arith.constant 0 : i32
        %dma_start3A_332 = tpu.memref_slice %dma_start3A_330[%mul3A_17, %dma_start3A_331] : memref<256x80xi32, #tpu.memory_space<hbm>> -> memref<32x80xi32, #tpu.memory_space<hbm>>
        tpu.enqueue_dma source(%dma_start3A_332 : memref<32x80xi32, #tpu.memory_space<hbm>>) target(%arg7 : memref<32x80xi32, #tpu.memory_space<vmem>>) target_semaphore(%run_scoped3A : memref<!tpu.dma_semaphore, #tpu.memory_space<semaphore_mem>>)
        %dma_wait3A_333 = arith.constant 0 : i32
        %dma_wait3A_334 = arith.constant 0 : i32
        %dma_wait3A_335 = arith.constant 0 : i32
        %dma_wait3A_336 = tpu.memref_slice %arg3[%arg0, %dma_wait3A_333, %dma_wait3A_334, %dma_wait3A_335] : memref<2x16x256x80xi32, #tpu.memory_space<hbm>> -> memref<1x16x256x80xi32, #tpu.memory_space<hbm>>
        %dma_wait3A_337 = tpu.memref_squeeze %dma_wait3A_336 : memref<1x16x256x80xi32, #tpu.memory_space<hbm>> -> memref<16x256x80xi32, #tpu.memory_space<hbm>>
        %dma_wait3A_338 = arith.constant 0 : i32
        %dma_wait3A_339 = arith.constant 0 : i32
        %dma_wait3A_340 = tpu.memref_slice %dma_wait3A_337[%arg1, %dma_wait3A_338, %dma_wait3A_339] : memref<16x256x80xi32, #tpu.memory_space<hbm>> -> memref<1x256x80xi32, #tpu.memory_space<hbm>>
        %dma_wait3A_341 = tpu.memref_squeeze %dma_wait3A_340 : memref<1x256x80xi32, #tpu.memory_space<hbm>> -> memref<256x80xi32, #tpu.memory_space<hbm>>
        %dma_wait3A_342 = arith.constant 0 : i32
        %dma_wait3A_343 = tpu.memref_slice %dma_wait3A_341[%mul3A_17, %dma_wait3A_342] : memref<256x80xi32, #tpu.memory_space<hbm>> -> memref<32x80xi32, #tpu.memory_space<hbm>>
        %dma_wait3A_344 = arith.constant 0 : i32
        %dma_wait3A_345 = arith.constant 0 : i32
        %dma_wait3A_346 = arith.constant 0 : i32
        %dma_wait3A_347 = tpu.memref_slice %arg3[%arg0, %dma_wait3A_344, %dma_wait3A_345, %dma_wait3A_346] : memref<2x16x256x80xi32, #tpu.memory_space<hbm>> -> memref<1x16x256x80xi32, #tpu.memory_space<hbm>>
        %dma_wait3A_348 = tpu.memref_squeeze %dma_wait3A_347 : memref<1x16x256x80xi32, #tpu.memory_space<hbm>> -> memref<16x256x80xi32, #tpu.memory_space<hbm>>
        %dma_wait3A_349 = arith.constant 0 : i32
        %dma_wait3A_350 = arith.constant 0 : i32
        %dma_wait3A_351 = tpu.memref_slice %dma_wait3A_348[%arg1, %dma_wait3A_349, %dma_wait3A_350] : memref<16x256x80xi32, #tpu.memory_space<hbm>> -> memref<1x256x80xi32, #tpu.memory_space<hbm>>
        %dma_wait3A_352 = tpu.memref_squeeze %dma_wait3A_351 : memref<1x256x80xi32, #tpu.memory_space<hbm>> -> memref<256x80xi32, #tpu.memory_space<hbm>>
        %dma_wait3A_353 = arith.constant 0 : i32
        %dma_wait3A_354 = tpu.memref_slice %dma_wait3A_352[%mul3A_17, %dma_wait3A_353] : memref<256x80xi32, #tpu.memory_space<hbm>> -> memref<32x80xi32, #tpu.memory_space<hbm>>
        tpu.wait_dma2 semaphore(%run_scoped3A : memref<!tpu.dma_semaphore, #tpu.memory_space<semaphore_mem>>) src(%dma_wait3A_354 : memref<32x80xi32, #tpu.memory_space<hbm>>) dst(%arg7 : memref<32x80xi32, #tpu.memory_space<vmem>>)
        tpu.yield
      }) : () -> ()
      %mul3A_18 = arith.constant 32 : i32
      %mul3A_19 = arith.muli %add3A_15, %mul3A_18 : i32
      "tpu.region"() ({
        %run_scoped3A = tpu.sem_alloc : memref<!tpu.dma_semaphore, #tpu.memory_space<semaphore_mem>>
        %dma_start3A_311 = arith.constant 0 : i32
        %dma_start3A_312 = arith.constant 0 : i32
        %dma_start3A_313 = arith.constant 0 : i32
        %dma_start3A_314 = tpu.memref_slice %arg4[%arg0, %dma_start3A_311, %dma_start3A_312, %dma_start3A_313] : memref<2x16x256x80xi32, #tpu.memory_space<hbm>> -> memref<1x16x256x80xi32, #tpu.memory_space<hbm>>
        %dma_start3A_315 = tpu.memref_squeeze %dma_start3A_314 : memref<1x16x256x80xi32, #tpu.memory_space<hbm>> -> memref<16x256x80xi32, #tpu.memory_space<hbm>>
        %dma_start3A_316 = arith.constant 0 : i32
        %dma_start3A_317 = arith.constant 0 : i32
        %dma_start3A_318 = tpu.memref_slice %dma_start3A_315[%arg1, %dma_start3A_316, %dma_start3A_317] : memref<16x256x80xi32, #tpu.memory_space<hbm>> -> memref<1x256x80xi32, #tpu.memory_space<hbm>>
        %dma_start3A_319 = tpu.memref_squeeze %dma_start3A_318 : memref<1x256x80xi32, #tpu.memory_space<hbm>> -> memref<256x80xi32, #tpu.memory_space<hbm>>
        %dma_start3A_320 = arith.constant 0 : i32
        %dma_start3A_321 = tpu.memref_slice %dma_start3A_319[%mul3A_19, %dma_start3A_320] : memref<256x80xi32, #tpu.memory_space<hbm>> -> memref<32x80xi32, #tpu.memory_space<hbm>>
        %dma_start3A_322 = arith.constant 0 : i32
        %dma_start3A_323 = arith.constant 0 : i32
        %dma_start3A_324 = arith.constant 0 : i32
        %dma_start3A_325 = tpu.memref_slice %arg4[%arg0, %dma_start3A_322, %dma_start3A_323, %dma_start3A_324] : memref<2x16x256x80xi32, #tpu.memory_space<hbm>> -> memref<1x16x256x80xi32, #tpu.memory_space<hbm>>
        %dma_start3A_326 = tpu.memref_squeeze %dma_start3A_325 : memref<1x16x256x80xi32, #tpu.memory_space<hbm>> -> memref<16x256x80xi32, #tpu.memory_space<hbm>>
        %dma_start3A_327 = arith.constant 0 : i32
        %dma_start3A_328 = arith.constant 0 : i32
        %dma_start3A_329 = tpu.memref_slice %dma_start3A_326[%arg1, %dma_start3A_327, %dma_start3A_328] : memref<16x256x80xi32, #tpu.memory_space<hbm>> -> memref<1x256x80xi32, #tpu.memory_space<hbm>>
        %dma_start3A_330 = tpu.memref_squeeze %dma_start3A_329 : memref<1x256x80xi32, #tpu.memory_space<hbm>> -> memref<256x80xi32, #tpu.memory_space<hbm>>
        %dma_start3A_331 = arith.constant 0 : i32
        %dma_start3A_332 = tpu.memref_slice %dma_start3A_330[%mul3A_19, %dma_start3A_331] : memref<256x80xi32, #tpu.memory_space<hbm>> -> memref<32x80xi32, #tpu.memory_space<hbm>>
        tpu.enqueue_dma source(%dma_start3A_332 : memref<32x80xi32, #tpu.memory_space<hbm>>) target(%arg8 : memref<32x80xi32, #tpu.memory_space<vmem>>) target_semaphore(%run_scoped3A : memref<!tpu.dma_semaphore, #tpu.memory_space<semaphore_mem>>)
        %dma_wait3A_333 = arith.constant 0 : i32
        %dma_wait3A_334 = arith.constant 0 : i32
        %dma_wait3A_335 = arith.constant 0 : i32
        %dma_wait3A_336 = tpu.memref_slice %arg4[%arg0, %dma_wait3A_333, %dma_wait3A_334, %dma_wait3A_335] : memref<2x16x256x80xi32, #tpu.memory_space<hbm>> -> memref<1x16x256x80xi32, #tpu.memory_space<hbm>>
        %dma_wait3A_337 = tpu.memref_squeeze %dma_wait3A_336 : memref<1x16x256x80xi32, #tpu.memory_space<hbm>> -> memref<16x256x80xi32, #tpu.memory_space<hbm>>
        %dma_wait3A_338 = arith.constant 0 : i32
        %dma_wait3A_339 = arith.constant 0 : i32
        %dma_wait3A_340 = tpu.memref_slice %dma_wait3A_337[%arg1, %dma_wait3A_338, %dma_wait3A_339] : memref<16x256x80xi32, #tpu.memory_space<hbm>> -> memref<1x256x80xi32, #tpu.memory_space<hbm>>
        %dma_wait3A_341 = tpu.memref_squeeze %dma_wait3A_340 : memref<1x256x80xi32, #tpu.memory_space<hbm>> -> memref<256x80xi32, #tpu.memory_space<hbm>>
        %dma_wait3A_342 = arith.constant 0 : i32
        %dma_wait3A_343 = tpu.memref_slice %dma_wait3A_341[%mul3A_19, %dma_wait3A_342] : memref<256x80xi32, #tpu.memory_space<hbm>> -> memref<32x80xi32, #tpu.memory_space<hbm>>
        %dma_wait3A_344 = arith.constant 0 : i32
        %dma_wait3A_345 = arith.constant 0 : i32
        %dma_wait3A_346 = arith.constant 0 : i32
        %dma_wait3A_347 = tpu.memref_slice %arg4[%arg0, %dma_wait3A_344, %dma_wait3A_345, %dma_wait3A_346] : memref<2x16x256x80xi32, #tpu.memory_space<hbm>> -> memref<1x16x256x80xi32, #tpu.memory_space<hbm>>
        %dma_wait3A_348 = tpu.memref_squeeze %dma_wait3A_347 : memref<1x16x256x80xi32, #tpu.memory_space<hbm>> -> memref<16x256x80xi32, #tpu.memory_space<hbm>>
        %dma_wait3A_349 = arith.constant 0 : i32
        %dma_wait3A_350 = arith.constant 0 : i32
        %dma_wait3A_351 = tpu.memref_slice %dma_wait3A_348[%arg1, %dma_wait3A_349, %dma_wait3A_350] : memref<16x256x80xi32, #tpu.memory_space<hbm>> -> memref<1x256x80xi32, #tpu.memory_space<hbm>>
        %dma_wait3A_352 = tpu.memref_squeeze %dma_wait3A_351 : memref<1x256x80xi32, #tpu.memory_space<hbm>> -> memref<256x80xi32, #tpu.memory_space<hbm>>
        %dma_wait3A_353 = arith.constant 0 : i32
        %dma_wait3A_354 = tpu.memref_slice %dma_wait3A_352[%mul3A_19, %dma_wait3A_353] : memref<256x80xi32, #tpu.memory_space<hbm>> -> memref<32x80xi32, #tpu.memory_space<hbm>>
        tpu.wait_dma2 semaphore(%run_scoped3A : memref<!tpu.dma_semaphore, #tpu.memory_space<semaphore_mem>>) src(%dma_wait3A_354 : memref<32x80xi32, #tpu.memory_space<hbm>>) dst(%arg8 : memref<32x80xi32, #tpu.memory_space<vmem>>)
        tpu.yield
      }) : () -> ()
      %dma_start3A = arith.constant 0 : i32
      %dma_start3A_20 = arith.constant 0 : i32
      %dma_start3A_21 = tpu.memref_slice %arg7[%dma_start3A, %dma_start3A_20] : memref<32x80xi32, #tpu.memory_space<vmem>> -> memref<1x80xi32, #tpu.memory_space<vmem>>
      %dma_start3A_22 = tpu.memref_squeeze %dma_start3A_21 : memref<1x80xi32, #tpu.memory_space<vmem>> -> memref<80xi32, #tpu.memory_space<vmem>>
      %dma_start3A_23 = arith.constant 0 : i32
      %dma_start3A_24 = arith.constant 0 : i32
      %dma_start3A_25 = tpu.memref_slice %arg2[%arg0, %dma_start3A_23, %dma_start3A_24] : memref<2x10000x128xf32, #tpu.memory_space<hbm>> -> memref<1x10000x128xf32, #tpu.memory_space<hbm>>
      %dma_start3A_26 = tpu.memref_squeeze %dma_start3A_25 : memref<1x10000x128xf32, #tpu.memory_space<hbm>> -> memref<10000x128xf32, #tpu.memory_space<hbm>>
      %dma_start3A_27 = arith.constant 0 : i32
      %dma_start3A_28 = arith.constant 0 : i32
      %dma_start3A_29 = tpu.memref_slice %dma_start3A_26[%dma_start3A_27, %dma_start3A_28] : memref<10000x128xf32, #tpu.memory_space<hbm>> -> memref<10000x128xf32, #tpu.memory_space<hbm>>
      tpu.enqueue_indirect_dma source(%dma_start3A_29 : memref<10000x128xf32, #tpu.memory_space<hbm>>) target(%arg9 : memref<80x128xf32, #tpu.memory_space<vmem>>) offsets(%dma_start3A_22 : memref<80xi32, #tpu.memory_space<vmem>>) semaphore(%arg14 : memref<!tpu.dma_semaphore, #tpu.memory_space<semaphore_mem>>)
      %dma_start3A_30 = arith.constant 1 : i32
      %dma_start3A_31 = arith.constant 0 : i32
      %dma_start3A_32 = tpu.memref_slice %arg7[%dma_start3A_30, %dma_start3A_31] : memref<32x80xi32, #tpu.memory_space<vmem>> -> memref<1x80xi32, #tpu.memory_space<vmem>>
      %dma_start3A_33 = tpu.memref_squeeze %dma_start3A_32 : memref<1x80xi32, #tpu.memory_space<vmem>> -> memref<80xi32, #tpu.memory_space<vmem>>
      %dma_start3A_34 = arith.constant 0 : i32
      %dma_start3A_35 = arith.constant 0 : i32
      %dma_start3A_36 = tpu.memref_slice %arg2[%arg0, %dma_start3A_34, %dma_start3A_35] : memref<2x10000x128xf32, #tpu.memory_space<hbm>> -> memref<1x10000x128xf32, #tpu.memory_space<hbm>>
      %dma_start3A_37 = tpu.memref_squeeze %dma_start3A_36 : memref<1x10000x128xf32, #tpu.memory_space<hbm>> -> memref<10000x128xf32, #tpu.memory_space<hbm>>
      %dma_start3A_38 = arith.constant 0 : i32
      %dma_start3A_39 = arith.constant 0 : i32
      %dma_start3A_40 = tpu.memref_slice %dma_start3A_37[%dma_start3A_38, %dma_start3A_39] : memref<10000x128xf32, #tpu.memory_space<hbm>> -> memref<10000x128xf32, #tpu.memory_space<hbm>>
      tpu.enqueue_indirect_dma source(%dma_start3A_40 : memref<10000x128xf32, #tpu.memory_space<hbm>>) target(%arg10 : memref<80x128xf32, #tpu.memory_space<vmem>>) offsets(%dma_start3A_33 : memref<80xi32, #tpu.memory_space<vmem>>) semaphore(%arg15 : memref<!tpu.dma_semaphore, #tpu.memory_space<semaphore_mem>>)
      %dma_start3A_41 = arith.constant 2 : i32
      %dma_start3A_42 = arith.constant 0 : i32
      %dma_start3A_43 = tpu.memref_slice %arg7[%dma_start3A_41, %dma_start3A_42] : memref<32x80xi32, #tpu.memory_space<vmem>> -> memref<1x80xi32, #tpu.memory_space<vmem>>
      %dma_start3A_44 = tpu.memref_squeeze %dma_start3A_43 : memref<1x80xi32, #tpu.memory_space<vmem>> -> memref<80xi32, #tpu.memory_space<vmem>>
      %dma_start3A_45 = arith.constant 0 : i32
      %dma_start3A_46 = arith.constant 0 : i32
      %dma_start3A_47 = tpu.memref_slice %arg2[%arg0, %dma_start3A_45, %dma_start3A_46] : memref<2x10000x128xf32, #tpu.memory_space<hbm>> -> memref<1x10000x128xf32, #tpu.memory_space<hbm>>
      %dma_start3A_48 = tpu.memref_squeeze %dma_start3A_47 : memref<1x10000x128xf32, #tpu.memory_space<hbm>> -> memref<10000x128xf32, #tpu.memory_space<hbm>>
      %dma_start3A_49 = arith.constant 0 : i32
      %dma_start3A_50 = arith.constant 0 : i32
      %dma_start3A_51 = tpu.memref_slice %dma_start3A_48[%dma_start3A_49, %dma_start3A_50] : memref<10000x128xf32, #tpu.memory_space<hbm>> -> memref<10000x128xf32, #tpu.memory_space<hbm>>
      tpu.enqueue_indirect_dma source(%dma_start3A_51 : memref<10000x128xf32, #tpu.memory_space<hbm>>) target(%arg11 : memref<80x128xf32, #tpu.memory_space<vmem>>) offsets(%dma_start3A_44 : memref<80xi32, #tpu.memory_space<vmem>>) semaphore(%arg16 : memref<!tpu.dma_semaphore, #tpu.memory_space<semaphore_mem>>)
      %dma_start3A_52 = arith.constant 3 : i32
      %dma_start3A_53 = arith.constant 0 : i32
      %dma_start3A_54 = tpu.memref_slice %arg7[%dma_start3A_52, %dma_start3A_53] : memref<32x80xi32, #tpu.memory_space<vmem>> -> memref<1x80xi32, #tpu.memory_space<vmem>>
      %dma_start3A_55 = tpu.memref_squeeze %dma_start3A_54 : memref<1x80xi32, #tpu.memory_space<vmem>> -> memref<80xi32, #tpu.memory_space<vmem>>
      %dma_start3A_56 = arith.constant 0 : i32
      %dma_start3A_57 = arith.constant 0 : i32
      %dma_start3A_58 = tpu.memref_slice %arg2[%arg0, %dma_start3A_56, %dma_start3A_57] : memref<2x10000x128xf32, #tpu.memory_space<hbm>> -> memref<1x10000x128xf32, #tpu.memory_space<hbm>>
      %dma_start3A_59 = tpu.memref_squeeze %dma_start3A_58 : memref<1x10000x128xf32, #tpu.memory_space<hbm>> -> memref<10000x128xf32, #tpu.memory_space<hbm>>
      %dma_start3A_60 = arith.constant 0 : i32
      %dma_start3A_61 = arith.constant 0 : i32
      %dma_start3A_62 = tpu.memref_slice %dma_start3A_59[%dma_start3A_60, %dma_start3A_61] : memref<10000x128xf32, #tpu.memory_space<hbm>> -> memref<10000x128xf32, #tpu.memory_space<hbm>>
      tpu.enqueue_indirect_dma source(%dma_start3A_62 : memref<10000x128xf32, #tpu.memory_space<hbm>>) target(%arg12 : memref<80x128xf32, #tpu.memory_space<vmem>>) offsets(%dma_start3A_55 : memref<80xi32, #tpu.memory_space<vmem>>) semaphore(%arg17 : memref<!tpu.dma_semaphore, #tpu.memory_space<semaphore_mem>>)
      %dma_wait3A = arith.constant 0 : i32
      %dma_wait3A_63 = arith.constant 0 : i32
      %dma_wait3A_64 = tpu.memref_slice %arg7[%dma_wait3A, %dma_wait3A_63] : memref<32x80xi32, #tpu.memory_space<vmem>> -> memref<1x80xi32, #tpu.memory_space<vmem>>
      %dma_wait3A_65 = tpu.memref_squeeze %dma_wait3A_64 : memref<1x80xi32, #tpu.memory_space<vmem>> -> memref<80xi32, #tpu.memory_space<vmem>>
      %dma_wait3A_66 = arith.constant 0 : i32
      %dma_wait3A_67 = arith.constant 0 : i32
      %dma_wait3A_68 = tpu.memref_slice %arg2[%arg0, %dma_wait3A_66, %dma_wait3A_67] : memref<2x10000x128xf32, #tpu.memory_space<hbm>> -> memref<1x10000x128xf32, #tpu.memory_space<hbm>>
      %dma_wait3A_69 = tpu.memref_squeeze %dma_wait3A_68 : memref<1x10000x128xf32, #tpu.memory_space<hbm>> -> memref<10000x128xf32, #tpu.memory_space<hbm>>
      %dma_wait3A_70 = arith.constant 0 : i32
      %dma_wait3A_71 = arith.constant 0 : i32
      %dma_wait3A_72 = tpu.memref_slice %dma_wait3A_69[%dma_wait3A_70, %dma_wait3A_71] : memref<10000x128xf32, #tpu.memory_space<hbm>> -> memref<10000x128xf32, #tpu.memory_space<hbm>>
      tpu.wait_indirect_dma semaphore(%arg14 : memref<!tpu.dma_semaphore, #tpu.memory_space<semaphore_mem>>) src(%dma_wait3A_72 : memref<10000x128xf32, #tpu.memory_space<hbm>>) dst(%arg9 : memref<80x128xf32, #tpu.memory_space<vmem>>)
      %dma_start3A_73 = arith.constant 0 : i32
      %dma_start3A_74 = arith.constant 0 : i32
      %dma_start3A_75 = tpu.memref_slice %arg8[%dma_start3A_73, %dma_start3A_74] : memref<32x80xi32, #tpu.memory_space<vmem>> -> memref<1x80xi32, #tpu.memory_space<vmem>>
      %dma_start3A_76 = tpu.memref_squeeze %dma_start3A_75 : memref<1x80xi32, #tpu.memory_space<vmem>> -> memref<80xi32, #tpu.memory_space<vmem>>
      %dma_start3A_77 = arith.constant 0 : i32
      %dma_start3A_78 = arith.constant 0 : i32
      %dma_start3A_79 = tpu.memref_slice %arg13[%dma_start3A_77, %dma_start3A_78] : memref<10240x128xf32, #tpu.memory_space<vmem_shared>> -> memref<10240x128xf32, #tpu.memory_space<vmem_shared>>
      tpu.enqueue_indirect_dma source(%arg9 : memref<80x128xf32, #tpu.memory_space<vmem>>) target(%dma_start3A_79 : memref<10240x128xf32, #tpu.memory_space<vmem_shared>>) offsets(%dma_start3A_76 : memref<80xi32, #tpu.memory_space<vmem>>) semaphore(%arg18 : memref<!tpu.dma_semaphore, #tpu.memory_space<semaphore_mem>>) {add = true}
      %dma_wait3A_80 = arith.constant 1 : i32
      %dma_wait3A_81 = arith.constant 0 : i32
      %dma_wait3A_82 = tpu.memref_slice %arg7[%dma_wait3A_80, %dma_wait3A_81] : memref<32x80xi32, #tpu.memory_space<vmem>> -> memref<1x80xi32, #tpu.memory_space<vmem>>
      %dma_wait3A_83 = tpu.memref_squeeze %dma_wait3A_82 : memref<1x80xi32, #tpu.memory_space<vmem>> -> memref<80xi32, #tpu.memory_space<vmem>>
      %dma_wait3A_84 = arith.constant 0 : i32
      %dma_wait3A_85 = arith.constant 0 : i32
      %dma_wait3A_86 = tpu.memref_slice %arg2[%arg0, %dma_wait3A_84, %dma_wait3A_85] : memref<2x10000x128xf32, #tpu.memory_space<hbm>> -> memref<1x10000x128xf32, #tpu.memory_space<hbm>>
      %dma_wait3A_87 = tpu.memref_squeeze %dma_wait3A_86 : memref<1x10000x128xf32, #tpu.memory_space<hbm>> -> memref<10000x128xf32, #tpu.memory_space<hbm>>
      %dma_wait3A_88 = arith.constant 0 : i32
      %dma_wait3A_89 = arith.constant 0 : i32
      %dma_wait3A_90 = tpu.memref_slice %dma_wait3A_87[%dma_wait3A_88, %dma_wait3A_89] : memref<10000x128xf32, #tpu.memory_space<hbm>> -> memref<10000x128xf32, #tpu.memory_space<hbm>>
      tpu.wait_indirect_dma semaphore(%arg15 : memref<!tpu.dma_semaphore, #tpu.memory_space<semaphore_mem>>) src(%dma_wait3A_90 : memref<10000x128xf32, #tpu.memory_space<hbm>>) dst(%arg10 : memref<80x128xf32, #tpu.memory_space<vmem>>)
      %dma_start3A_91 = arith.constant 1 : i32
      %dma_start3A_92 = arith.constant 0 : i32
      %dma_start3A_93 = tpu.memref_slice %arg8[%dma_start3A_91, %dma_start3A_92] : memref<32x80xi32, #tpu.memory_space<vmem>> -> memref<1x80xi32, #tpu.memory_space<vmem>>
      %dma_start3A_94 = tpu.memref_squeeze %dma_start3A_93 : memref<1x80xi32, #tpu.memory_space<vmem>> -> memref<80xi32, #tpu.memory_space<vmem>>
      %dma_start3A_95 = arith.constant 0 : i32
      %dma_start3A_96 = arith.constant 0 : i32
      %dma_start3A_97 = tpu.memref_slice %arg13[%dma_start3A_95, %dma_start3A_96] : memref<10240x128xf32, #tpu.memory_space<vmem_shared>> -> memref<10240x128xf32, #tpu.memory_space<vmem_shared>>
      tpu.enqueue_indirect_dma source(%arg10 : memref<80x128xf32, #tpu.memory_space<vmem>>) target(%dma_start3A_97 : memref<10240x128xf32, #tpu.memory_space<vmem_shared>>) offsets(%dma_start3A_94 : memref<80xi32, #tpu.memory_space<vmem>>) semaphore(%arg19 : memref<!tpu.dma_semaphore, #tpu.memory_space<semaphore_mem>>) {add = true}
      %dma_wait3A_98 = arith.constant 2 : i32
      %dma_wait3A_99 = arith.constant 0 : i32
      %dma_wait3A_100 = tpu.memref_slice %arg7[%dma_wait3A_98, %dma_wait3A_99] : memref<32x80xi32, #tpu.memory_space<vmem>> -> memref<1x80xi32, #tpu.memory_space<vmem>>
      %dma_wait3A_101 = tpu.memref_squeeze %dma_wait3A_100 : memref<1x80xi32, #tpu.memory_space<vmem>> -> memref<80xi32, #tpu.memory_space<vmem>>
      %dma_wait3A_102 = arith.constant 0 : i32
      %dma_wait3A_103 = arith.constant 0 : i32
      %dma_wait3A_104 = tpu.memref_slice %arg2[%arg0, %dma_wait3A_102, %dma_wait3A_103] : memref<2x10000x128xf32, #tpu.memory_space<hbm>> -> memref<1x10000x128xf32, #tpu.memory_space<hbm>>
      %dma_wait3A_105 = tpu.memref_squeeze %dma_wait3A_104 : memref<1x10000x128xf32, #tpu.memory_space<hbm>> -> memref<10000x128xf32, #tpu.memory_space<hbm>>
      %dma_wait3A_106 = arith.constant 0 : i32
      %dma_wait3A_107 = arith.constant 0 : i32
      %dma_wait3A_108 = tpu.memref_slice %dma_wait3A_105[%dma_wait3A_106, %dma_wait3A_107] : memref<10000x128xf32, #tpu.memory_space<hbm>> -> memref<10000x128xf32, #tpu.memory_space<hbm>>
      tpu.wait_indirect_dma semaphore(%arg16 : memref<!tpu.dma_semaphore, #tpu.memory_space<semaphore_mem>>) src(%dma_wait3A_108 : memref<10000x128xf32, #tpu.memory_space<hbm>>) dst(%arg11 : memref<80x128xf32, #tpu.memory_space<vmem>>)
      %dma_start3A_109 = arith.constant 2 : i32
      %dma_start3A_110 = arith.constant 0 : i32
      %dma_start3A_111 = tpu.memref_slice %arg8[%dma_start3A_109, %dma_start3A_110] : memref<32x80xi32, #tpu.memory_space<vmem>> -> memref<1x80xi32, #tpu.memory_space<vmem>>
      %dma_start3A_112 = tpu.memref_squeeze %dma_start3A_111 : memref<1x80xi32, #tpu.memory_space<vmem>> -> memref<80xi32, #tpu.memory_space<vmem>>
      %dma_start3A_113 = arith.constant 0 : i32
      %dma_start3A_114 = arith.constant 0 : i32
      %dma_start3A_115 = tpu.memref_slice %arg13[%dma_start3A_113, %dma_start3A_114] : memref<10240x128xf32, #tpu.memory_space<vmem_shared>> -> memref<10240x128xf32, #tpu.memory_space<vmem_shared>>
      tpu.enqueue_indirect_dma source(%arg11 : memref<80x128xf32, #tpu.memory_space<vmem>>) target(%dma_start3A_115 : memref<10240x128xf32, #tpu.memory_space<vmem_shared>>) offsets(%dma_start3A_112 : memref<80xi32, #tpu.memory_space<vmem>>) semaphore(%arg20 : memref<!tpu.dma_semaphore, #tpu.memory_space<semaphore_mem>>) {add = true}
      %dma_wait3A_116 = arith.constant 0 : i32
      %dma_wait3A_117 = arith.constant 0 : i32
      %dma_wait3A_118 = tpu.memref_slice %arg8[%dma_wait3A_116, %dma_wait3A_117] : memref<32x80xi32, #tpu.memory_space<vmem>> -> memref<1x80xi32, #tpu.memory_space<vmem>>
      %dma_wait3A_119 = tpu.memref_squeeze %dma_wait3A_118 : memref<1x80xi32, #tpu.memory_space<vmem>> -> memref<80xi32, #tpu.memory_space<vmem>>
      %dma_wait3A_120 = arith.constant 0 : i32
      %dma_wait3A_121 = arith.constant 0 : i32
      %dma_wait3A_122 = tpu.memref_slice %arg13[%dma_wait3A_120, %dma_wait3A_121] : memref<10240x128xf32, #tpu.memory_space<vmem_shared>> -> memref<10240x128xf32, #tpu.memory_space<vmem_shared>>
      tpu.wait_indirect_dma semaphore(%arg18 : memref<!tpu.dma_semaphore, #tpu.memory_space<semaphore_mem>>) src(%arg9 : memref<80x128xf32, #tpu.memory_space<vmem>>) dst(%dma_wait3A_122 : memref<10240x128xf32, #tpu.memory_space<vmem_shared>>)
      %dma_start3A_123 = arith.constant 4 : i32
      %dma_start3A_124 = arith.constant 0 : i32
      %dma_start3A_125 = tpu.memref_slice %arg7[%dma_start3A_123, %dma_start3A_124] : memref<32x80xi32, #tpu.memory_space<vmem>> -> memref<1x80xi32, #tpu.memory_space<vmem>>
      %dma_start3A_126 = tpu.memref_squeeze %dma_start3A_125 : memref<1x80xi32, #tpu.memory_space<vmem>> -> memref<80xi32, #tpu.memory_space<vmem>>
      %dma_start3A_127 = arith.constant 0 : i32
      %dma_start3A_128 = arith.constant 0 : i32
      %dma_start3A_129 = tpu.memref_slice %arg2[%arg0, %dma_start3A_127, %dma_start3A_128] : memref<2x10000x128xf32, #tpu.memory_space<hbm>> -> memref<1x10000x128xf32, #tpu.memory_space<hbm>>
      %dma_start3A_130 = tpu.memref_squeeze %dma_start3A_129 : memref<1x10000x128xf32, #tpu.memory_space<hbm>> -> memref<10000x128xf32, #tpu.memory_space<hbm>>
      %dma_start3A_131 = arith.constant 0 : i32
      %dma_start3A_132 = arith.constant 0 : i32
      %dma_start3A_133 = tpu.memref_slice %dma_start3A_130[%dma_start3A_131, %dma_start3A_132] : memref<10000x128xf32, #tpu.memory_space<hbm>> -> memref<10000x128xf32, #tpu.memory_space<hbm>>
      tpu.enqueue_indirect_dma source(%dma_start3A_133 : memref<10000x128xf32, #tpu.memory_space<hbm>>) target(%arg9 : memref<80x128xf32, #tpu.memory_space<vmem>>) offsets(%dma_start3A_126 : memref<80xi32, #tpu.memory_space<vmem>>) semaphore(%arg14 : memref<!tpu.dma_semaphore, #tpu.memory_space<semaphore_mem>>)
      %dma_wait3A_134 = arith.constant 3 : i32
      %dma_wait3A_135 = arith.constant 0 : i32
      %dma_wait3A_136 = tpu.memref_slice %arg7[%dma_wait3A_134, %dma_wait3A_135] : memref<32x80xi32, #tpu.memory_space<vmem>> -> memref<1x80xi32, #tpu.memory_space<vmem>>
      %dma_wait3A_137 = tpu.memref_squeeze %dma_wait3A_136 : memref<1x80xi32, #tpu.memory_space<vmem>> -> memref<80xi32, #tpu.memory_space<vmem>>
      %dma_wait3A_138 = arith.constant 0 : i32
      %dma_wait3A_139 = arith.constant 0 : i32
      %dma_wait3A_140 = tpu.memref_slice %arg2[%arg0, %dma_wait3A_138, %dma_wait3A_139] : memref<2x10000x128xf32, #tpu.memory_space<hbm>> -> memref<1x10000x128xf32, #tpu.memory_space<hbm>>
      %dma_wait3A_141 = tpu.memref_squeeze %dma_wait3A_140 : memref<1x10000x128xf32, #tpu.memory_space<hbm>> -> memref<10000x128xf32, #tpu.memory_space<hbm>>
      %dma_wait3A_142 = arith.constant 0 : i32
      %dma_wait3A_143 = arith.constant 0 : i32
      %dma_wait3A_144 = tpu.memref_slice %dma_wait3A_141[%dma_wait3A_142, %dma_wait3A_143] : memref<10000x128xf32, #tpu.memory_space<hbm>> -> memref<10000x128xf32, #tpu.memory_space<hbm>>
      tpu.wait_indirect_dma semaphore(%arg17 : memref<!tpu.dma_semaphore, #tpu.memory_space<semaphore_mem>>) src(%dma_wait3A_144 : memref<10000x128xf32, #tpu.memory_space<hbm>>) dst(%arg12 : memref<80x128xf32, #tpu.memory_space<vmem>>)
      %dma_start3A_145 = arith.constant 3 : i32
      %dma_start3A_146 = arith.constant 0 : i32
      %dma_start3A_147 = tpu.memref_slice %arg8[%dma_start3A_145, %dma_start3A_146] : memref<32x80xi32, #tpu.memory_space<vmem>> -> memref<1x80xi32, #tpu.memory_space<vmem>>
      %dma_start3A_148 = tpu.memref_squeeze %dma_start3A_147 : memref<1x80xi32, #tpu.memory_space<vmem>> -> memref<80xi32, #tpu.memory_space<vmem>>
      %dma_start3A_149 = arith.constant 0 : i32
      %dma_start3A_150 = arith.constant 0 : i32
      %dma_start3A_151 = tpu.memref_slice %arg13[%dma_start3A_149, %dma_start3A_150] : memref<10240x128xf32, #tpu.memory_space<vmem_shared>> -> memref<10240x128xf32, #tpu.memory_space<vmem_shared>>
      tpu.enqueue_indirect_dma source(%arg12 : memref<80x128xf32, #tpu.memory_space<vmem>>) target(%dma_start3A_151 : memref<10240x128xf32, #tpu.memory_space<vmem_shared>>) offsets(%dma_start3A_148 : memref<80xi32, #tpu.memory_space<vmem>>) semaphore(%arg21 : memref<!tpu.dma_semaphore, #tpu.memory_space<semaphore_mem>>) {add = true}
      %dma_wait3A_152 = arith.constant 1 : i32
      %dma_wait3A_153 = arith.constant 0 : i32
      %dma_wait3A_154 = tpu.memref_slice %arg8[%dma_wait3A_152, %dma_wait3A_153] : memref<32x80xi32, #tpu.memory_space<vmem>> -> memref<1x80xi32, #tpu.memory_space<vmem>>
      %dma_wait3A_155 = tpu.memref_squeeze %dma_wait3A_154 : memref<1x80xi32, #tpu.memory_space<vmem>> -> memref<80xi32, #tpu.memory_space<vmem>>
      %dma_wait3A_156 = arith.constant 0 : i32
      %dma_wait3A_157 = arith.constant 0 : i32
      %dma_wait3A_158 = tpu.memref_slice %arg13[%dma_wait3A_156, %dma_wait3A_157] : memref<10240x128xf32, #tpu.memory_space<vmem_shared>> -> memref<10240x128xf32, #tpu.memory_space<vmem_shared>>
      tpu.wait_indirect_dma semaphore(%arg19 : memref<!tpu.dma_semaphore, #tpu.memory_space<semaphore_mem>>) src(%arg10 : memref<80x128xf32, #tpu.memory_space<vmem>>) dst(%dma_wait3A_158 : memref<10240x128xf32, #tpu.memory_space<vmem_shared>>)
      %dma_start3A_159 = arith.constant 5 : i32
      %dma_start3A_160 = arith.constant 0 : i32
      %dma_start3A_161 = tpu.memref_slice %arg7[%dma_start3A_159, %dma_start3A_160] : memref<32x80xi32, #tpu.memory_space<vmem>> -> memref<1x80xi32, #tpu.memory_space<vmem>>
      %dma_start3A_162 = tpu.memref_squeeze %dma_start3A_161 : memref<1x80xi32, #tpu.memory_space<vmem>> -> memref<80xi32, #tpu.memory_space<vmem>>
      %dma_start3A_163 = arith.constant 0 : i32
      %dma_start3A_164 = arith.constant 0 : i32
      %dma_start3A_165 = tpu.memref_slice %arg2[%arg0, %dma_start3A_163, %dma_start3A_164] : memref<2x10000x128xf32, #tpu.memory_space<hbm>> -> memref<1x10000x128xf32, #tpu.memory_space<hbm>>
      %dma_start3A_166 = tpu.memref_squeeze %dma_start3A_165 : memref<1x10000x128xf32, #tpu.memory_space<hbm>> -> memref<10000x128xf32, #tpu.memory_space<hbm>>
      %dma_start3A_167 = arith.constant 0 : i32
      %dma_start3A_168 = arith.constant 0 : i32
      %dma_start3A_169 = tpu.memref_slice %dma_start3A_166[%dma_start3A_167, %dma_start3A_168] : memref<10000x128xf32, #tpu.memory_space<hbm>> -> memref<10000x128xf32, #tpu.memory_space<hbm>>
      tpu.enqueue_indirect_dma source(%dma_start3A_169 : memref<10000x128xf32, #tpu.memory_space<hbm>>) target(%arg10 : memref<80x128xf32, #tpu.memory_space<vmem>>) offsets(%dma_start3A_162 : memref<80xi32, #tpu.memory_space<vmem>>) semaphore(%arg15 : memref<!tpu.dma_semaphore, #tpu.memory_space<semaphore_mem>>)
      %scan3A_170 = arith.constant 0 : i32
      %scan3A_171 = arith.constant 6 : i32
      %scan3A_172 = arith.addi %scan3A_170, %scan3A_171 : i32
      %scan3A_173 = arith.constant 1 : i32
      scf.for %scan3A_311 = %scan3A_170 to %scan3A_172 step %scan3A_173  : i32 {
        %mul3A_312 = arith.constant 4 : i32
        %mul3A_313 = arith.muli %scan3A_311, %mul3A_312 : i32
        %add3A_314 = arith.constant 4 : i32
        %add3A_315 = arith.addi %add3A_314, %mul3A_313 : i32
        %add3A_316 = arith.constant 0 : i32
        %add3A_317 = arith.addi %add3A_315, %add3A_316 : i32
        %dma_wait3A_318 = arith.constant 0 : i32
        %dma_wait3A_319 = tpu.memref_slice %arg7[%add3A_317, %dma_wait3A_318] : memref<32x80xi32, #tpu.memory_space<vmem>> -> memref<1x80xi32, #tpu.memory_space<vmem>>
        %dma_wait3A_320 = tpu.memref_squeeze %dma_wait3A_319 : memref<1x80xi32, #tpu.memory_space<vmem>> -> memref<80xi32, #tpu.memory_space<vmem>>
        %dma_wait3A_321 = arith.constant 0 : i32
        %dma_wait3A_322 = arith.constant 0 : i32
        %dma_wait3A_323 = tpu.memref_slice %arg2[%arg0, %dma_wait3A_321, %dma_wait3A_322] : memref<2x10000x128xf32, #tpu.memory_space<hbm>> -> memref<1x10000x128xf32, #tpu.memory_space<hbm>>
        %dma_wait3A_324 = tpu.memref_squeeze %dma_wait3A_323 : memref<1x10000x128xf32, #tpu.memory_space<hbm>> -> memref<10000x128xf32, #tpu.memory_space<hbm>>
        %dma_wait3A_325 = arith.constant 0 : i32
        %dma_wait3A_326 = arith.constant 0 : i32
        %dma_wait3A_327 = tpu.memref_slice %dma_wait3A_324[%dma_wait3A_325, %dma_wait3A_326] : memref<10000x128xf32, #tpu.memory_space<hbm>> -> memref<10000x128xf32, #tpu.memory_space<hbm>>
        tpu.wait_indirect_dma semaphore(%arg14 : memref<!tpu.dma_semaphore, #tpu.memory_space<semaphore_mem>>) src(%dma_wait3A_327 : memref<10000x128xf32, #tpu.memory_space<hbm>>) dst(%arg9 : memref<80x128xf32, #tpu.memory_space<vmem>>)
        %dma_start3A_328 = arith.constant 0 : i32
        %dma_start3A_329 = tpu.memref_slice %arg8[%add3A_317, %dma_start3A_328] : memref<32x80xi32, #tpu.memory_space<vmem>> -> memref<1x80xi32, #tpu.memory_space<vmem>>
        %dma_start3A_330 = tpu.memref_squeeze %dma_start3A_329 : memref<1x80xi32, #tpu.memory_space<vmem>> -> memref<80xi32, #tpu.memory_space<vmem>>
        %dma_start3A_331 = arith.constant 0 : i32
        %dma_start3A_332 = arith.constant 0 : i32
        %dma_start3A_333 = tpu.memref_slice %arg13[%dma_start3A_331, %dma_start3A_332] : memref<10240x128xf32, #tpu.memory_space<vmem_shared>> -> memref<10240x128xf32, #tpu.memory_space<vmem_shared>>
        tpu.enqueue_indirect_dma source(%arg9 : memref<80x128xf32, #tpu.memory_space<vmem>>) target(%dma_start3A_333 : memref<10240x128xf32, #tpu.memory_space<vmem_shared>>) offsets(%dma_start3A_330 : memref<80xi32, #tpu.memory_space<vmem>>) semaphore(%arg18 : memref<!tpu.dma_semaphore, #tpu.memory_space<semaphore_mem>>) {add = true}
        %sub3A = arith.constant 2 : i32
        %sub3A_334 = arith.subi %add3A_317, %sub3A : i32
        %dma_wait3A_335 = arith.constant 0 : i32
        %dma_wait3A_336 = tpu.memref_slice %arg8[%sub3A_334, %dma_wait3A_335] : memref<32x80xi32, #tpu.memory_space<vmem>> -> memref<1x80xi32, #tpu.memory_space<vmem>>
        %dma_wait3A_337 = tpu.memref_squeeze %dma_wait3A_336 : memref<1x80xi32, #tpu.memory_space<vmem>> -> memref<80xi32, #tpu.memory_space<vmem>>
        %dma_wait3A_338 = arith.constant 0 : i32
        %dma_wait3A_339 = arith.constant 0 : i32
        %dma_wait3A_340 = tpu.memref_slice %arg13[%dma_wait3A_338, %dma_wait3A_339] : memref<10240x128xf32, #tpu.memory_space<vmem_shared>> -> memref<10240x128xf32, #tpu.memory_space<vmem_shared>>
        tpu.wait_indirect_dma semaphore(%arg20 : memref<!tpu.dma_semaphore, #tpu.memory_space<semaphore_mem>>) src(%arg11 : memref<80x128xf32, #tpu.memory_space<vmem>>) dst(%dma_wait3A_340 : memref<10240x128xf32, #tpu.memory_space<vmem_shared>>)
        %add3A_341 = arith.constant 2 : i32
        %add3A_342 = arith.addi %add3A_317, %add3A_341 : i32
        %dma_start3A_343 = arith.constant 0 : i32
        %dma_start3A_344 = tpu.memref_slice %arg7[%add3A_342, %dma_start3A_343] : memref<32x80xi32, #tpu.memory_space<vmem>> -> memref<1x80xi32, #tpu.memory_space<vmem>>
        %dma_start3A_345 = tpu.memref_squeeze %dma_start3A_344 : memref<1x80xi32, #tpu.memory_space<vmem>> -> memref<80xi32, #tpu.memory_space<vmem>>
        %dma_start3A_346 = arith.constant 0 : i32
        %dma_start3A_347 = arith.constant 0 : i32
        %dma_start3A_348 = tpu.memref_slice %arg2[%arg0, %dma_start3A_346, %dma_start3A_347] : memref<2x10000x128xf32, #tpu.memory_space<hbm>> -> memref<1x10000x128xf32, #tpu.memory_space<hbm>>
        %dma_start3A_349 = tpu.memref_squeeze %dma_start3A_348 : memref<1x10000x128xf32, #tpu.memory_space<hbm>> -> memref<10000x128xf32, #tpu.memory_space<hbm>>
        %dma_start3A_350 = arith.constant 0 : i32
        %dma_start3A_351 = arith.constant 0 : i32
        %dma_start3A_352 = tpu.memref_slice %dma_start3A_349[%dma_start3A_350, %dma_start3A_351] : memref<10000x128xf32, #tpu.memory_space<hbm>> -> memref<10000x128xf32, #tpu.memory_space<hbm>>
        tpu.enqueue_indirect_dma source(%dma_start3A_352 : memref<10000x128xf32, #tpu.memory_space<hbm>>) target(%arg11 : memref<80x128xf32, #tpu.memory_space<vmem>>) offsets(%dma_start3A_345 : memref<80xi32, #tpu.memory_space<vmem>>) semaphore(%arg16 : memref<!tpu.dma_semaphore, #tpu.memory_space<semaphore_mem>>)
        %add3A_353 = arith.constant 1 : i32
        %add3A_354 = arith.addi %add3A_315, %add3A_353 : i32
        %dma_wait3A_355 = arith.constant 0 : i32
        %dma_wait3A_356 = tpu.memref_slice %arg7[%add3A_354, %dma_wait3A_355] : memref<32x80xi32, #tpu.memory_space<vmem>> -> memref<1x80xi32, #tpu.memory_space<vmem>>
        %dma_wait3A_357 = tpu.memref_squeeze %dma_wait3A_356 : memref<1x80xi32, #tpu.memory_space<vmem>> -> memref<80xi32, #tpu.memory_space<vmem>>
        %dma_wait3A_358 = arith.constant 0 : i32
        %dma_wait3A_359 = arith.constant 0 : i32
        %dma_wait3A_360 = tpu.memref_slice %arg2[%arg0, %dma_wait3A_358, %dma_wait3A_359] : memref<2x10000x128xf32, #tpu.memory_space<hbm>> -> memref<1x10000x128xf32, #tpu.memory_space<hbm>>
        %dma_wait3A_361 = tpu.memref_squeeze %dma_wait3A_360 : memref<1x10000x128xf32, #tpu.memory_space<hbm>> -> memref<10000x128xf32, #tpu.memory_space<hbm>>
        %dma_wait3A_362 = arith.constant 0 : i32
        %dma_wait3A_363 = arith.constant 0 : i32
        %dma_wait3A_364 = tpu.memref_slice %dma_wait3A_361[%dma_wait3A_362, %dma_wait3A_363] : memref<10000x128xf32, #tpu.memory_space<hbm>> -> memref<10000x128xf32, #tpu.memory_space<hbm>>
        tpu.wait_indirect_dma semaphore(%arg15 : memref<!tpu.dma_semaphore, #tpu.memory_space<semaphore_mem>>) src(%dma_wait3A_364 : memref<10000x128xf32, #tpu.memory_space<hbm>>) dst(%arg10 : memref<80x128xf32, #tpu.memory_space<vmem>>)
        %dma_start3A_365 = arith.constant 0 : i32
        %dma_start3A_366 = tpu.memref_slice %arg8[%add3A_354, %dma_start3A_365] : memref<32x80xi32, #tpu.memory_space<vmem>> -> memref<1x80xi32, #tpu.memory_space<vmem>>
        %dma_start3A_367 = tpu.memref_squeeze %dma_start3A_366 : memref<1x80xi32, #tpu.memory_space<vmem>> -> memref<80xi32, #tpu.memory_space<vmem>>
        %dma_start3A_368 = arith.constant 0 : i32
        %dma_start3A_369 = arith.constant 0 : i32
        %dma_start3A_370 = tpu.memref_slice %arg13[%dma_start3A_368, %dma_start3A_369] : memref<10240x128xf32, #tpu.memory_space<vmem_shared>> -> memref<10240x128xf32, #tpu.memory_space<vmem_shared>>
        tpu.enqueue_indirect_dma source(%arg10 : memref<80x128xf32, #tpu.memory_space<vmem>>) target(%dma_start3A_370 : memref<10240x128xf32, #tpu.memory_space<vmem_shared>>) offsets(%dma_start3A_367 : memref<80xi32, #tpu.memory_space<vmem>>) semaphore(%arg19 : memref<!tpu.dma_semaphore, #tpu.memory_space<semaphore_mem>>) {add = true}
        %sub3A_371 = arith.constant 2 : i32
        %sub3A_372 = arith.subi %add3A_354, %sub3A_371 : i32
        %dma_wait3A_373 = arith.constant 0 : i32
        %dma_wait3A_374 = tpu.memref_slice %arg8[%sub3A_372, %dma_wait3A_373] : memref<32x80xi32, #tpu.memory_space<vmem>> -> memref<1x80xi32, #tpu.memory_space<vmem>>
        %dma_wait3A_375 = tpu.memref_squeeze %dma_wait3A_374 : memref<1x80xi32, #tpu.memory_space<vmem>> -> memref<80xi32, #tpu.memory_space<vmem>>
        %dma_wait3A_376 = arith.constant 0 : i32
        %dma_wait3A_377 = arith.constant 0 : i32
        %dma_wait3A_378 = tpu.memref_slice %arg13[%dma_wait3A_376, %dma_wait3A_377] : memref<10240x128xf32, #tpu.memory_space<vmem_shared>> -> memref<10240x128xf32, #tpu.memory_space<vmem_shared>>
        tpu.wait_indirect_dma semaphore(%arg21 : memref<!tpu.dma_semaphore, #tpu.memory_space<semaphore_mem>>) src(%arg12 : memref<80x128xf32, #tpu.memory_space<vmem>>) dst(%dma_wait3A_378 : memref<10240x128xf32, #tpu.memory_space<vmem_shared>>)
        %add3A_379 = arith.constant 2 : i32
        %add3A_380 = arith.addi %add3A_354, %add3A_379 : i32
        %dma_start3A_381 = arith.constant 0 : i32
        %dma_start3A_382 = tpu.memref_slice %arg7[%add3A_380, %dma_start3A_381] : memref<32x80xi32, #tpu.memory_space<vmem>> -> memref<1x80xi32, #tpu.memory_space<vmem>>
        %dma_start3A_383 = tpu.memref_squeeze %dma_start3A_382 : memref<1x80xi32, #tpu.memory_space<vmem>> -> memref<80xi32, #tpu.memory_space<vmem>>
        %dma_start3A_384 = arith.constant 0 : i32
        %dma_start3A_385 = arith.constant 0 : i32
        %dma_start3A_386 = tpu.memref_slice %arg2[%arg0, %dma_start3A_384, %dma_start3A_385] : memref<2x10000x128xf32, #tpu.memory_space<hbm>> -> memref<1x10000x128xf32, #tpu.memory_space<hbm>>
        %dma_start3A_387 = tpu.memref_squeeze %dma_start3A_386 : memref<1x10000x128xf32, #tpu.memory_space<hbm>> -> memref<10000x128xf32, #tpu.memory_space<hbm>>
        %dma_start3A_388 = arith.constant 0 : i32
        %dma_start3A_389 = arith.constant 0 : i32
        %dma_start3A_390 = tpu.memref_slice %dma_start3A_387[%dma_start3A_388, %dma_start3A_389] : memref<10000x128xf32, #tpu.memory_space<hbm>> -> memref<10000x128xf32, #tpu.memory_space<hbm>>
        tpu.enqueue_indirect_dma source(%dma_start3A_390 : memref<10000x128xf32, #tpu.memory_space<hbm>>) target(%arg12 : memref<80x128xf32, #tpu.memory_space<vmem>>) offsets(%dma_start3A_383 : memref<80xi32, #tpu.memory_space<vmem>>) semaphore(%arg17 : memref<!tpu.dma_semaphore, #tpu.memory_space<semaphore_mem>>)
        %add3A_391 = arith.constant 2 : i32
        %add3A_392 = arith.addi %add3A_315, %add3A_391 : i32
        %dma_wait3A_393 = arith.constant 0 : i32
        %dma_wait3A_394 = tpu.memref_slice %arg7[%add3A_392, %dma_wait3A_393] : memref<32x80xi32, #tpu.memory_space<vmem>> -> memref<1x80xi32, #tpu.memory_space<vmem>>
        %dma_wait3A_395 = tpu.memref_squeeze %dma_wait3A_394 : memref<1x80xi32, #tpu.memory_space<vmem>> -> memref<80xi32, #tpu.memory_space<vmem>>
        %dma_wait3A_396 = arith.constant 0 : i32
        %dma_wait3A_397 = arith.constant 0 : i32
        %dma_wait3A_398 = tpu.memref_slice %arg2[%arg0, %dma_wait3A_396, %dma_wait3A_397] : memref<2x10000x128xf32, #tpu.memory_space<hbm>> -> memref<1x10000x128xf32, #tpu.memory_space<hbm>>
        %dma_wait3A_399 = tpu.memref_squeeze %dma_wait3A_398 : memref<1x10000x128xf32, #tpu.memory_space<hbm>> -> memref<10000x128xf32, #tpu.memory_space<hbm>>
        %dma_wait3A_400 = arith.constant 0 : i32
        %dma_wait3A_401 = arith.constant 0 : i32
        %dma_wait3A_402 = tpu.memref_slice %dma_wait3A_399[%dma_wait3A_400, %dma_wait3A_401] : memref<10000x128xf32, #tpu.memory_space<hbm>> -> memref<10000x128xf32, #tpu.memory_space<hbm>>
        tpu.wait_indirect_dma semaphore(%arg16 : memref<!tpu.dma_semaphore, #tpu.memory_space<semaphore_mem>>) src(%dma_wait3A_402 : memref<10000x128xf32, #tpu.memory_space<hbm>>) dst(%arg11 : memref<80x128xf32, #tpu.memory_space<vmem>>)
        %dma_start3A_403 = arith.constant 0 : i32
        %dma_start3A_404 = tpu.memref_slice %arg8[%add3A_392, %dma_start3A_403] : memref<32x80xi32, #tpu.memory_space<vmem>> -> memref<1x80xi32, #tpu.memory_space<vmem>>
        %dma_start3A_405 = tpu.memref_squeeze %dma_start3A_404 : memref<1x80xi32, #tpu.memory_space<vmem>> -> memref<80xi32, #tpu.memory_space<vmem>>
        %dma_start3A_406 = arith.constant 0 : i32
        %dma_start3A_407 = arith.constant 0 : i32
        %dma_start3A_408 = tpu.memref_slice %arg13[%dma_start3A_406, %dma_start3A_407] : memref<10240x128xf32, #tpu.memory_space<vmem_shared>> -> memref<10240x128xf32, #tpu.memory_space<vmem_shared>>
        tpu.enqueue_indirect_dma source(%arg11 : memref<80x128xf32, #tpu.memory_space<vmem>>) target(%dma_start3A_408 : memref<10240x128xf32, #tpu.memory_space<vmem_shared>>) offsets(%dma_start3A_405 : memref<80xi32, #tpu.memory_space<vmem>>) semaphore(%arg20 : memref<!tpu.dma_semaphore, #tpu.memory_space<semaphore_mem>>) {add = true}
        %sub3A_409 = arith.constant 2 : i32
        %sub3A_410 = arith.subi %add3A_392, %sub3A_409 : i32
        %dma_wait3A_411 = arith.constant 0 : i32
        %dma_wait3A_412 = tpu.memref_slice %arg8[%sub3A_410, %dma_wait3A_411] : memref<32x80xi32, #tpu.memory_space<vmem>> -> memref<1x80xi32, #tpu.memory_space<vmem>>
        %dma_wait3A_413 = tpu.memref_squeeze %dma_wait3A_412 : memref<1x80xi32, #tpu.memory_space<vmem>> -> memref<80xi32, #tpu.memory_space<vmem>>
        %dma_wait3A_414 = arith.constant 0 : i32
        %dma_wait3A_415 = arith.constant 0 : i32
        %dma_wait3A_416 = tpu.memref_slice %arg13[%dma_wait3A_414, %dma_wait3A_415] : memref<10240x128xf32, #tpu.memory_space<vmem_shared>> -> memref<10240x128xf32, #tpu.memory_space<vmem_shared>>
        tpu.wait_indirect_dma semaphore(%arg18 : memref<!tpu.dma_semaphore, #tpu.memory_space<semaphore_mem>>) src(%arg9 : memref<80x128xf32, #tpu.memory_space<vmem>>) dst(%dma_wait3A_416 : memref<10240x128xf32, #tpu.memory_space<vmem_shared>>)
        %add3A_417 = arith.constant 2 : i32
        %add3A_418 = arith.addi %add3A_392, %add3A_417 : i32
        %dma_start3A_419 = arith.constant 0 : i32
        %dma_start3A_420 = tpu.memref_slice %arg7[%add3A_418, %dma_start3A_419] : memref<32x80xi32, #tpu.memory_space<vmem>> -> memref<1x80xi32, #tpu.memory_space<vmem>>
        %dma_start3A_421 = tpu.memref_squeeze %dma_start3A_420 : memref<1x80xi32, #tpu.memory_space<vmem>> -> memref<80xi32, #tpu.memory_space<vmem>>
        %dma_start3A_422 = arith.constant 0 : i32
        %dma_start3A_423 = arith.constant 0 : i32
        %dma_start3A_424 = tpu.memref_slice %arg2[%arg0, %dma_start3A_422, %dma_start3A_423] : memref<2x10000x128xf32, #tpu.memory_space<hbm>> -> memref<1x10000x128xf32, #tpu.memory_space<hbm>>
        %dma_start3A_425 = tpu.memref_squeeze %dma_start3A_424 : memref<1x10000x128xf32, #tpu.memory_space<hbm>> -> memref<10000x128xf32, #tpu.memory_space<hbm>>
        %dma_start3A_426 = arith.constant 0 : i32
        %dma_start3A_427 = arith.constant 0 : i32
        %dma_start3A_428 = tpu.memref_slice %dma_start3A_425[%dma_start3A_426, %dma_start3A_427] : memref<10000x128xf32, #tpu.memory_space<hbm>> -> memref<10000x128xf32, #tpu.memory_space<hbm>>
        tpu.enqueue_indirect_dma source(%dma_start3A_428 : memref<10000x128xf32, #tpu.memory_space<hbm>>) target(%arg9 : memref<80x128xf32, #tpu.memory_space<vmem>>) offsets(%dma_start3A_421 : memref<80xi32, #tpu.memory_space<vmem>>) semaphore(%arg14 : memref<!tpu.dma_semaphore, #tpu.memory_space<semaphore_mem>>)
        %add3A_429 = arith.constant 3 : i32
        %add3A_430 = arith.addi %add3A_315, %add3A_429 : i32
        %dma_wait3A_431 = arith.constant 0 : i32
        %dma_wait3A_432 = tpu.memref_slice %arg7[%add3A_430, %dma_wait3A_431] : memref<32x80xi32, #tpu.memory_space<vmem>> -> memref<1x80xi32, #tpu.memory_space<vmem>>
        %dma_wait3A_433 = tpu.memref_squeeze %dma_wait3A_432 : memref<1x80xi32, #tpu.memory_space<vmem>> -> memref<80xi32, #tpu.memory_space<vmem>>
        %dma_wait3A_434 = arith.constant 0 : i32
        %dma_wait3A_435 = arith.constant 0 : i32
        %dma_wait3A_436 = tpu.memref_slice %arg2[%arg0, %dma_wait3A_434, %dma_wait3A_435] : memref<2x10000x128xf32, #tpu.memory_space<hbm>> -> memref<1x10000x128xf32, #tpu.memory_space<hbm>>
        %dma_wait3A_437 = tpu.memref_squeeze %dma_wait3A_436 : memref<1x10000x128xf32, #tpu.memory_space<hbm>> -> memref<10000x128xf32, #tpu.memory_space<hbm>>
        %dma_wait3A_438 = arith.constant 0 : i32
        %dma_wait3A_439 = arith.constant 0 : i32
        %dma_wait3A_440 = tpu.memref_slice %dma_wait3A_437[%dma_wait3A_438, %dma_wait3A_439] : memref<10000x128xf32, #tpu.memory_space<hbm>> -> memref<10000x128xf32, #tpu.memory_space<hbm>>
        tpu.wait_indirect_dma semaphore(%arg17 : memref<!tpu.dma_semaphore, #tpu.memory_space<semaphore_mem>>) src(%dma_wait3A_440 : memref<10000x128xf32, #tpu.memory_space<hbm>>) dst(%arg12 : memref<80x128xf32, #tpu.memory_space<vmem>>)
        %dma_start3A_441 = arith.constant 0 : i32
        %dma_start3A_442 = tpu.memref_slice %arg8[%add3A_430, %dma_start3A_441] : memref<32x80xi32, #tpu.memory_space<vmem>> -> memref<1x80xi32, #tpu.memory_space<vmem>>
        %dma_start3A_443 = tpu.memref_squeeze %dma_start3A_442 : memref<1x80xi32, #tpu.memory_space<vmem>> -> memref<80xi32, #tpu.memory_space<vmem>>
        %dma_start3A_444 = arith.constant 0 : i32
        %dma_start3A_445 = arith.constant 0 : i32
        %dma_start3A_446 = tpu.memref_slice %arg13[%dma_start3A_444, %dma_start3A_445] : memref<10240x128xf32, #tpu.memory_space<vmem_shared>> -> memref<10240x128xf32, #tpu.memory_space<vmem_shared>>
        tpu.enqueue_indirect_dma source(%arg12 : memref<80x128xf32, #tpu.memory_space<vmem>>) target(%dma_start3A_446 : memref<10240x128xf32, #tpu.memory_space<vmem_shared>>) offsets(%dma_start3A_443 : memref<80xi32, #tpu.memory_space<vmem>>) semaphore(%arg21 : memref<!tpu.dma_semaphore, #tpu.memory_space<semaphore_mem>>) {add = true}
        %sub3A_447 = arith.constant 2 : i32
        %sub3A_448 = arith.subi %add3A_430, %sub3A_447 : i32
        %dma_wait3A_449 = arith.constant 0 : i32
        %dma_wait3A_450 = tpu.memref_slice %arg8[%sub3A_448, %dma_wait3A_449] : memref<32x80xi32, #tpu.memory_space<vmem>> -> memref<1x80xi32, #tpu.memory_space<vmem>>
        %dma_wait3A_451 = tpu.memref_squeeze %dma_wait3A_450 : memref<1x80xi32, #tpu.memory_space<vmem>> -> memref<80xi32, #tpu.memory_space<vmem>>
        %dma_wait3A_452 = arith.constant 0 : i32
        %dma_wait3A_453 = arith.constant 0 : i32
        %dma_wait3A_454 = tpu.memref_slice %arg13[%dma_wait3A_452, %dma_wait3A_453] : memref<10240x128xf32, #tpu.memory_space<vmem_shared>> -> memref<10240x128xf32, #tpu.memory_space<vmem_shared>>
        tpu.wait_indirect_dma semaphore(%arg19 : memref<!tpu.dma_semaphore, #tpu.memory_space<semaphore_mem>>) src(%arg10 : memref<80x128xf32, #tpu.memory_space<vmem>>) dst(%dma_wait3A_454 : memref<10240x128xf32, #tpu.memory_space<vmem_shared>>)
        %add3A_455 = arith.constant 2 : i32
        %add3A_456 = arith.addi %add3A_430, %add3A_455 : i32
        %dma_start3A_457 = arith.constant 0 : i32
        %dma_start3A_458 = tpu.memref_slice %arg7[%add3A_456, %dma_start3A_457] : memref<32x80xi32, #tpu.memory_space<vmem>> -> memref<1x80xi32, #tpu.memory_space<vmem>>
        %dma_start3A_459 = tpu.memref_squeeze %dma_start3A_458 : memref<1x80xi32, #tpu.memory_space<vmem>> -> memref<80xi32, #tpu.memory_space<vmem>>
        %dma_start3A_460 = arith.constant 0 : i32
        %dma_start3A_461 = arith.constant 0 : i32
        %dma_start3A_462 = tpu.memref_slice %arg2[%arg0, %dma_start3A_460, %dma_start3A_461] : memref<2x10000x128xf32, #tpu.memory_space<hbm>> -> memref<1x10000x128xf32, #tpu.memory_space<hbm>>
        %dma_start3A_463 = tpu.memref_squeeze %dma_start3A_462 : memref<1x10000x128xf32, #tpu.memory_space<hbm>> -> memref<10000x128xf32, #tpu.memory_space<hbm>>
        %dma_start3A_464 = arith.constant 0 : i32
        %dma_start3A_465 = arith.constant 0 : i32
        %dma_start3A_466 = tpu.memref_slice %dma_start3A_463[%dma_start3A_464, %dma_start3A_465] : memref<10000x128xf32, #tpu.memory_space<hbm>> -> memref<10000x128xf32, #tpu.memory_space<hbm>>
        tpu.enqueue_indirect_dma source(%dma_start3A_466 : memref<10000x128xf32, #tpu.memory_space<hbm>>) target(%arg10 : memref<80x128xf32, #tpu.memory_space<vmem>>) offsets(%dma_start3A_459 : memref<80xi32, #tpu.memory_space<vmem>>) semaphore(%arg15 : memref<!tpu.dma_semaphore, #tpu.memory_space<semaphore_mem>>)
      }
      %scan3A_174 = arith.constant 6 : i32
      %dma_wait3A_175 = arith.constant 28 : i32
      %dma_wait3A_176 = arith.constant 0 : i32
      %dma_wait3A_177 = tpu.memref_slice %arg7[%dma_wait3A_175, %dma_wait3A_176] : memref<32x80xi32, #tpu.memory_space<vmem>> -> memref<1x80xi32, #tpu.memory_space<vmem>>
      %dma_wait3A_178 = tpu.memref_squeeze %dma_wait3A_177 : memref<1x80xi32, #tpu.memory_space<vmem>> -> memref<80xi32, #tpu.memory_space<vmem>>
      %dma_wait3A_179 = arith.constant 0 : i32
      %dma_wait3A_180 = arith.constant 0 : i32
      %dma_wait3A_181 = tpu.memref_slice %arg2[%arg0, %dma_wait3A_179, %dma_wait3A_180] : memref<2x10000x128xf32, #tpu.memory_space<hbm>> -> memref<1x10000x128xf32, #tpu.memory_space<hbm>>
      %dma_wait3A_182 = tpu.memref_squeeze %dma_wait3A_181 : memref<1x10000x128xf32, #tpu.memory_space<hbm>> -> memref<10000x128xf32, #tpu.memory_space<hbm>>
      %dma_wait3A_183 = arith.constant 0 : i32
      %dma_wait3A_184 = arith.constant 0 : i32
      %dma_wait3A_185 = tpu.memref_slice %dma_wait3A_182[%dma_wait3A_183, %dma_wait3A_184] : memref<10000x128xf32, #tpu.memory_space<hbm>> -> memref<10000x128xf32, #tpu.memory_space<hbm>>
      tpu.wait_indirect_dma semaphore(%arg14 : memref<!tpu.dma_semaphore, #tpu.memory_space<semaphore_mem>>) src(%dma_wait3A_185 : memref<10000x128xf32, #tpu.memory_space<hbm>>) dst(%arg9 : memref<80x128xf32, #tpu.memory_space<vmem>>)
      %dma_start3A_186 = arith.constant 28 : i32
      %dma_start3A_187 = arith.constant 0 : i32
      %dma_start3A_188 = tpu.memref_slice %arg8[%dma_start3A_186, %dma_start3A_187] : memref<32x80xi32, #tpu.memory_space<vmem>> -> memref<1x80xi32, #tpu.memory_space<vmem>>
      %dma_start3A_189 = tpu.memref_squeeze %dma_start3A_188 : memref<1x80xi32, #tpu.memory_space<vmem>> -> memref<80xi32, #tpu.memory_space<vmem>>
      %dma_start3A_190 = arith.constant 0 : i32
      %dma_start3A_191 = arith.constant 0 : i32
      %dma_start3A_192 = tpu.memref_slice %arg13[%dma_start3A_190, %dma_start3A_191] : memref<10240x128xf32, #tpu.memory_space<vmem_shared>> -> memref<10240x128xf32, #tpu.memory_space<vmem_shared>>
      tpu.enqueue_indirect_dma source(%arg9 : memref<80x128xf32, #tpu.memory_space<vmem>>) target(%dma_start3A_192 : memref<10240x128xf32, #tpu.memory_space<vmem_shared>>) offsets(%dma_start3A_189 : memref<80xi32, #tpu.memory_space<vmem>>) semaphore(%arg18 : memref<!tpu.dma_semaphore, #tpu.memory_space<semaphore_mem>>) {add = true}
      %dma_wait3A_193 = arith.constant 26 : i32
      %dma_wait3A_194 = arith.constant 0 : i32
      %dma_wait3A_195 = tpu.memref_slice %arg8[%dma_wait3A_193, %dma_wait3A_194] : memref<32x80xi32, #tpu.memory_space<vmem>> -> memref<1x80xi32, #tpu.memory_space<vmem>>
      %dma_wait3A_196 = tpu.memref_squeeze %dma_wait3A_195 : memref<1x80xi32, #tpu.memory_space<vmem>> -> memref<80xi32, #tpu.memory_space<vmem>>
      %dma_wait3A_197 = arith.constant 0 : i32
      %dma_wait3A_198 = arith.constant 0 : i32
      %dma_wait3A_199 = tpu.memref_slice %arg13[%dma_wait3A_197, %dma_wait3A_198] : memref<10240x128xf32, #tpu.memory_space<vmem_shared>> -> memref<10240x128xf32, #tpu.memory_space<vmem_shared>>
      tpu.wait_indirect_dma semaphore(%arg20 : memref<!tpu.dma_semaphore, #tpu.memory_space<semaphore_mem>>) src(%arg11 : memref<80x128xf32, #tpu.memory_space<vmem>>) dst(%dma_wait3A_199 : memref<10240x128xf32, #tpu.memory_space<vmem_shared>>)
      %dma_start3A_200 = arith.constant 30 : i32
      %dma_start3A_201 = arith.constant 0 : i32
      %dma_start3A_202 = tpu.memref_slice %arg7[%dma_start3A_200, %dma_start3A_201] : memref<32x80xi32, #tpu.memory_space<vmem>> -> memref<1x80xi32, #tpu.memory_space<vmem>>
      %dma_start3A_203 = tpu.memref_squeeze %dma_start3A_202 : memref<1x80xi32, #tpu.memory_space<vmem>> -> memref<80xi32, #tpu.memory_space<vmem>>
      %dma_start3A_204 = arith.constant 0 : i32
      %dma_start3A_205 = arith.constant 0 : i32
      %dma_start3A_206 = tpu.memref_slice %arg2[%arg0, %dma_start3A_204, %dma_start3A_205] : memref<2x10000x128xf32, #tpu.memory_space<hbm>> -> memref<1x10000x128xf32, #tpu.memory_space<hbm>>
      %dma_start3A_207 = tpu.memref_squeeze %dma_start3A_206 : memref<1x10000x128xf32, #tpu.memory_space<hbm>> -> memref<10000x128xf32, #tpu.memory_space<hbm>>
      %dma_start3A_208 = arith.constant 0 : i32
      %dma_start3A_209 = arith.constant 0 : i32
      %dma_start3A_210 = tpu.memref_slice %dma_start3A_207[%dma_start3A_208, %dma_start3A_209] : memref<10000x128xf32, #tpu.memory_space<hbm>> -> memref<10000x128xf32, #tpu.memory_space<hbm>>
      tpu.enqueue_indirect_dma source(%dma_start3A_210 : memref<10000x128xf32, #tpu.memory_space<hbm>>) target(%arg11 : memref<80x128xf32, #tpu.memory_space<vmem>>) offsets(%dma_start3A_203 : memref<80xi32, #tpu.memory_space<vmem>>) semaphore(%arg16 : memref<!tpu.dma_semaphore, #tpu.memory_space<semaphore_mem>>)
      %dma_wait3A_211 = arith.constant 29 : i32
      %dma_wait3A_212 = arith.constant 0 : i32
      %dma_wait3A_213 = tpu.memref_slice %arg7[%dma_wait3A_211, %dma_wait3A_212] : memref<32x80xi32, #tpu.memory_space<vmem>> -> memref<1x80xi32, #tpu.memory_space<vmem>>
      %dma_wait3A_214 = tpu.memref_squeeze %dma_wait3A_213 : memref<1x80xi32, #tpu.memory_space<vmem>> -> memref<80xi32, #tpu.memory_space<vmem>>
      %dma_wait3A_215 = arith.constant 0 : i32
      %dma_wait3A_216 = arith.constant 0 : i32
      %dma_wait3A_217 = tpu.memref_slice %arg2[%arg0, %dma_wait3A_215, %dma_wait3A_216] : memref<2x10000x128xf32, #tpu.memory_space<hbm>> -> memref<1x10000x128xf32, #tpu.memory_space<hbm>>
      %dma_wait3A_218 = tpu.memref_squeeze %dma_wait3A_217 : memref<1x10000x128xf32, #tpu.memory_space<hbm>> -> memref<10000x128xf32, #tpu.memory_space<hbm>>
      %dma_wait3A_219 = arith.constant 0 : i32
      %dma_wait3A_220 = arith.constant 0 : i32
      %dma_wait3A_221 = tpu.memref_slice %dma_wait3A_218[%dma_wait3A_219, %dma_wait3A_220] : memref<10000x128xf32, #tpu.memory_space<hbm>> -> memref<10000x128xf32, #tpu.memory_space<hbm>>
      tpu.wait_indirect_dma semaphore(%arg15 : memref<!tpu.dma_semaphore, #tpu.memory_space<semaphore_mem>>) src(%dma_wait3A_221 : memref<10000x128xf32, #tpu.memory_space<hbm>>) dst(%arg10 : memref<80x128xf32, #tpu.memory_space<vmem>>)
      %dma_start3A_222 = arith.constant 29 : i32
      %dma_start3A_223 = arith.constant 0 : i32
      %dma_start3A_224 = tpu.memref_slice %arg8[%dma_start3A_222, %dma_start3A_223] : memref<32x80xi32, #tpu.memory_space<vmem>> -> memref<1x80xi32, #tpu.memory_space<vmem>>
      %dma_start3A_225 = tpu.memref_squeeze %dma_start3A_224 : memref<1x80xi32, #tpu.memory_space<vmem>> -> memref<80xi32, #tpu.memory_space<vmem>>
      %dma_start3A_226 = arith.constant 0 : i32
      %dma_start3A_227 = arith.constant 0 : i32
      %dma_start3A_228 = tpu.memref_slice %arg13[%dma_start3A_226, %dma_start3A_227] : memref<10240x128xf32, #tpu.memory_space<vmem_shared>> -> memref<10240x128xf32, #tpu.memory_space<vmem_shared>>
      tpu.enqueue_indirect_dma source(%arg10 : memref<80x128xf32, #tpu.memory_space<vmem>>) target(%dma_start3A_228 : memref<10240x128xf32, #tpu.memory_space<vmem_shared>>) offsets(%dma_start3A_225 : memref<80xi32, #tpu.memory_space<vmem>>) semaphore(%arg19 : memref<!tpu.dma_semaphore, #tpu.memory_space<semaphore_mem>>) {add = true}
      %dma_wait3A_229 = arith.constant 27 : i32
      %dma_wait3A_230 = arith.constant 0 : i32
      %dma_wait3A_231 = tpu.memref_slice %arg8[%dma_wait3A_229, %dma_wait3A_230] : memref<32x80xi32, #tpu.memory_space<vmem>> -> memref<1x80xi32, #tpu.memory_space<vmem>>
      %dma_wait3A_232 = tpu.memref_squeeze %dma_wait3A_231 : memref<1x80xi32, #tpu.memory_space<vmem>> -> memref<80xi32, #tpu.memory_space<vmem>>
      %dma_wait3A_233 = arith.constant 0 : i32
      %dma_wait3A_234 = arith.constant 0 : i32
      %dma_wait3A_235 = tpu.memref_slice %arg13[%dma_wait3A_233, %dma_wait3A_234] : memref<10240x128xf32, #tpu.memory_space<vmem_shared>> -> memref<10240x128xf32, #tpu.memory_space<vmem_shared>>
      tpu.wait_indirect_dma semaphore(%arg21 : memref<!tpu.dma_semaphore, #tpu.memory_space<semaphore_mem>>) src(%arg12 : memref<80x128xf32, #tpu.memory_space<vmem>>) dst(%dma_wait3A_235 : memref<10240x128xf32, #tpu.memory_space<vmem_shared>>)
      %dma_start3A_236 = arith.constant 31 : i32
      %dma_start3A_237 = arith.constant 0 : i32
      %dma_start3A_238 = tpu.memref_slice %arg7[%dma_start3A_236, %dma_start3A_237] : memref<32x80xi32, #tpu.memory_space<vmem>> -> memref<1x80xi32, #tpu.memory_space<vmem>>
      %dma_start3A_239 = tpu.memref_squeeze %dma_start3A_238 : memref<1x80xi32, #tpu.memory_space<vmem>> -> memref<80xi32, #tpu.memory_space<vmem>>
      %dma_start3A_240 = arith.constant 0 : i32
      %dma_start3A_241 = arith.constant 0 : i32
      %dma_start3A_242 = tpu.memref_slice %arg2[%arg0, %dma_start3A_240, %dma_start3A_241] : memref<2x10000x128xf32, #tpu.memory_space<hbm>> -> memref<1x10000x128xf32, #tpu.memory_space<hbm>>
      %dma_start3A_243 = tpu.memref_squeeze %dma_start3A_242 : memref<1x10000x128xf32, #tpu.memory_space<hbm>> -> memref<10000x128xf32, #tpu.memory_space<hbm>>
      %dma_start3A_244 = arith.constant 0 : i32
      %dma_start3A_245 = arith.constant 0 : i32
      %dma_start3A_246 = tpu.memref_slice %dma_start3A_243[%dma_start3A_244, %dma_start3A_245] : memref<10000x128xf32, #tpu.memory_space<hbm>> -> memref<10000x128xf32, #tpu.memory_space<hbm>>
      tpu.enqueue_indirect_dma source(%dma_start3A_246 : memref<10000x128xf32, #tpu.memory_space<hbm>>) target(%arg12 : memref<80x128xf32, #tpu.memory_space<vmem>>) offsets(%dma_start3A_239 : memref<80xi32, #tpu.memory_space<vmem>>) semaphore(%arg17 : memref<!tpu.dma_semaphore, #tpu.memory_space<semaphore_mem>>)
      %dma_wait3A_247 = arith.constant 30 : i32
      %dma_wait3A_248 = arith.constant 0 : i32
      %dma_wait3A_249 = tpu.memref_slice %arg7[%dma_wait3A_247, %dma_wait3A_248] : memref<32x80xi32, #tpu.memory_space<vmem>> -> memref<1x80xi32, #tpu.memory_space<vmem>>
      %dma_wait3A_250 = tpu.memref_squeeze %dma_wait3A_249 : memref<1x80xi32, #tpu.memory_space<vmem>> -> memref<80xi32, #tpu.memory_space<vmem>>
      %dma_wait3A_251 = arith.constant 0 : i32
      %dma_wait3A_252 = arith.constant 0 : i32
      %dma_wait3A_253 = tpu.memref_slice %arg2[%arg0, %dma_wait3A_251, %dma_wait3A_252] : memref<2x10000x128xf32, #tpu.memory_space<hbm>> -> memref<1x10000x128xf32, #tpu.memory_space<hbm>>
      %dma_wait3A_254 = tpu.memref_squeeze %dma_wait3A_253 : memref<1x10000x128xf32, #tpu.memory_space<hbm>> -> memref<10000x128xf32, #tpu.memory_space<hbm>>
      %dma_wait3A_255 = arith.constant 0 : i32
      %dma_wait3A_256 = arith.constant 0 : i32
      %dma_wait3A_257 = tpu.memref_slice %dma_wait3A_254[%dma_wait3A_255, %dma_wait3A_256] : memref<10000x128xf32, #tpu.memory_space<hbm>> -> memref<10000x128xf32, #tpu.memory_space<hbm>>
      tpu.wait_indirect_dma semaphore(%arg16 : memref<!tpu.dma_semaphore, #tpu.memory_space<semaphore_mem>>) src(%dma_wait3A_257 : memref<10000x128xf32, #tpu.memory_space<hbm>>) dst(%arg11 : memref<80x128xf32, #tpu.memory_space<vmem>>)
      %dma_start3A_258 = arith.constant 30 : i32
      %dma_start3A_259 = arith.constant 0 : i32
      %dma_start3A_260 = tpu.memref_slice %arg8[%dma_start3A_258, %dma_start3A_259] : memref<32x80xi32, #tpu.memory_space<vmem>> -> memref<1x80xi32, #tpu.memory_space<vmem>>
      %dma_start3A_261 = tpu.memref_squeeze %dma_start3A_260 : memref<1x80xi32, #tpu.memory_space<vmem>> -> memref<80xi32, #tpu.memory_space<vmem>>
      %dma_start3A_262 = arith.constant 0 : i32
      %dma_start3A_263 = arith.constant 0 : i32
      %dma_start3A_264 = tpu.memref_slice %arg13[%dma_start3A_262, %dma_start3A_263] : memref<10240x128xf32, #tpu.memory_space<vmem_shared>> -> memref<10240x128xf32, #tpu.memory_space<vmem_shared>>
      tpu.enqueue_indirect_dma source(%arg11 : memref<80x128xf32, #tpu.memory_space<vmem>>) target(%dma_start3A_264 : memref<10240x128xf32, #tpu.memory_space<vmem_shared>>) offsets(%dma_start3A_261 : memref<80xi32, #tpu.memory_space<vmem>>) semaphore(%arg20 : memref<!tpu.dma_semaphore, #tpu.memory_space<semaphore_mem>>) {add = true}
      %dma_wait3A_265 = arith.constant 28 : i32
      %dma_wait3A_266 = arith.constant 0 : i32
      %dma_wait3A_267 = tpu.memref_slice %arg8[%dma_wait3A_265, %dma_wait3A_266] : memref<32x80xi32, #tpu.memory_space<vmem>> -> memref<1x80xi32, #tpu.memory_space<vmem>>
      %dma_wait3A_268 = tpu.memref_squeeze %dma_wait3A_267 : memref<1x80xi32, #tpu.memory_space<vmem>> -> memref<80xi32, #tpu.memory_space<vmem>>
      %dma_wait3A_269 = arith.constant 0 : i32
      %dma_wait3A_270 = arith.constant 0 : i32
      %dma_wait3A_271 = tpu.memref_slice %arg13[%dma_wait3A_269, %dma_wait3A_270] : memref<10240x128xf32, #tpu.memory_space<vmem_shared>> -> memref<10240x128xf32, #tpu.memory_space<vmem_shared>>
      tpu.wait_indirect_dma semaphore(%arg18 : memref<!tpu.dma_semaphore, #tpu.memory_space<semaphore_mem>>) src(%arg9 : memref<80x128xf32, #tpu.memory_space<vmem>>) dst(%dma_wait3A_271 : memref<10240x128xf32, #tpu.memory_space<vmem_shared>>)
      %dma_wait3A_272 = arith.constant 31 : i32
      %dma_wait3A_273 = arith.constant 0 : i32
      %dma_wait3A_274 = tpu.memref_slice %arg7[%dma_wait3A_272, %dma_wait3A_273] : memref<32x80xi32, #tpu.memory_space<vmem>> -> memref<1x80xi32, #tpu.memory_space<vmem>>
      %dma_wait3A_275 = tpu.memref_squeeze %dma_wait3A_274 : memref<1x80xi32, #tpu.memory_space<vmem>> -> memref<80xi32, #tpu.memory_space<vmem>>
      %dma_wait3A_276 = arith.constant 0 : i32
      %dma_wait3A_277 = arith.constant 0 : i32
      %dma_wait3A_278 = tpu.memref_slice %arg2[%arg0, %dma_wait3A_276, %dma_wait3A_277] : memref<2x10000x128xf32, #tpu.memory_space<hbm>> -> memref<1x10000x128xf32, #tpu.memory_space<hbm>>
      %dma_wait3A_279 = tpu.memref_squeeze %dma_wait3A_278 : memref<1x10000x128xf32, #tpu.memory_space<hbm>> -> memref<10000x128xf32, #tpu.memory_space<hbm>>
      %dma_wait3A_280 = arith.constant 0 : i32
      %dma_wait3A_281 = arith.constant 0 : i32
      %dma_wait3A_282 = tpu.memref_slice %dma_wait3A_279[%dma_wait3A_280, %dma_wait3A_281] : memref<10000x128xf32, #tpu.memory_space<hbm>> -> memref<10000x128xf32, #tpu.memory_space<hbm>>
      tpu.wait_indirect_dma semaphore(%arg17 : memref<!tpu.dma_semaphore, #tpu.memory_space<semaphore_mem>>) src(%dma_wait3A_282 : memref<10000x128xf32, #tpu.memory_space<hbm>>) dst(%arg12 : memref<80x128xf32, #tpu.memory_space<vmem>>)
      %dma_start3A_283 = arith.constant 31 : i32
      %dma_start3A_284 = arith.constant 0 : i32
      %dma_start3A_285 = tpu.memref_slice %arg8[%dma_start3A_283, %dma_start3A_284] : memref<32x80xi32, #tpu.memory_space<vmem>> -> memref<1x80xi32, #tpu.memory_space<vmem>>
      %dma_start3A_286 = tpu.memref_squeeze %dma_start3A_285 : memref<1x80xi32, #tpu.memory_space<vmem>> -> memref<80xi32, #tpu.memory_space<vmem>>
      %dma_start3A_287 = arith.constant 0 : i32
      %dma_start3A_288 = arith.constant 0 : i32
      %dma_start3A_289 = tpu.memref_slice %arg13[%dma_start3A_287, %dma_start3A_288] : memref<10240x128xf32, #tpu.memory_space<vmem_shared>> -> memref<10240x128xf32, #tpu.memory_space<vmem_shared>>
      tpu.enqueue_indirect_dma source(%arg12 : memref<80x128xf32, #tpu.memory_space<vmem>>) target(%dma_start3A_289 : memref<10240x128xf32, #tpu.memory_space<vmem_shared>>) offsets(%dma_start3A_286 : memref<80xi32, #tpu.memory_space<vmem>>) semaphore(%arg21 : memref<!tpu.dma_semaphore, #tpu.memory_space<semaphore_mem>>) {add = true}
      %dma_wait3A_290 = arith.constant 29 : i32
      %dma_wait3A_291 = arith.constant 0 : i32
      %dma_wait3A_292 = tpu.memref_slice %arg8[%dma_wait3A_290, %dma_wait3A_291] : memref<32x80xi32, #tpu.memory_space<vmem>> -> memref<1x80xi32, #tpu.memory_space<vmem>>
      %dma_wait3A_293 = tpu.memref_squeeze %dma_wait3A_292 : memref<1x80xi32, #tpu.memory_space<vmem>> -> memref<80xi32, #tpu.memory_space<vmem>>
      %dma_wait3A_294 = arith.constant 0 : i32
      %dma_wait3A_295 = arith.constant 0 : i32
      %dma_wait3A_296 = tpu.memref_slice %arg13[%dma_wait3A_294, %dma_wait3A_295] : memref<10240x128xf32, #tpu.memory_space<vmem_shared>> -> memref<10240x128xf32, #tpu.memory_space<vmem_shared>>
      tpu.wait_indirect_dma semaphore(%arg19 : memref<!tpu.dma_semaphore, #tpu.memory_space<semaphore_mem>>) src(%arg10 : memref<80x128xf32, #tpu.memory_space<vmem>>) dst(%dma_wait3A_296 : memref<10240x128xf32, #tpu.memory_space<vmem_shared>>)
      %dma_wait3A_297 = arith.constant 30 : i32
      %dma_wait3A_298 = arith.constant 0 : i32
      %dma_wait3A_299 = tpu.memref_slice %arg8[%dma_wait3A_297, %dma_wait3A_298] : memref<32x80xi32, #tpu.memory_space<vmem>> -> memref<1x80xi32, #tpu.memory_space<vmem>>
      %dma_wait3A_300 = tpu.memref_squeeze %dma_wait3A_299 : memref<1x80xi32, #tpu.memory_space<vmem>> -> memref<80xi32, #tpu.memory_space<vmem>>
      %dma_wait3A_301 = arith.constant 0 : i32
      %dma_wait3A_302 = arith.constant 0 : i32
      %dma_wait3A_303 = tpu.memref_slice %arg13[%dma_wait3A_301, %dma_wait3A_302] : memref<10240x128xf32, #tpu.memory_space<vmem_shared>> -> memref<10240x128xf32, #tpu.memory_space<vmem_shared>>
      tpu.wait_indirect_dma semaphore(%arg20 : memref<!tpu.dma_semaphore, #tpu.memory_space<semaphore_mem>>) src(%arg11 : memref<80x128xf32, #tpu.memory_space<vmem>>) dst(%dma_wait3A_303 : memref<10240x128xf32, #tpu.memory_space<vmem_shared>>)
      %dma_wait3A_304 = arith.constant 31 : i32
      %dma_wait3A_305 = arith.constant 0 : i32
      %dma_wait3A_306 = tpu.memref_slice %arg8[%dma_wait3A_304, %dma_wait3A_305] : memref<32x80xi32, #tpu.memory_space<vmem>> -> memref<1x80xi32, #tpu.memory_space<vmem>>
      %dma_wait3A_307 = tpu.memref_squeeze %dma_wait3A_306 : memref<1x80xi32, #tpu.memory_space<vmem>> -> memref<80xi32, #tpu.memory_space<vmem>>
      %dma_wait3A_308 = arith.constant 0 : i32
      %dma_wait3A_309 = arith.constant 0 : i32
      %dma_wait3A_310 = tpu.memref_slice %arg13[%dma_wait3A_308, %dma_wait3A_309] : memref<10240x128xf32, #tpu.memory_space<vmem_shared>> -> memref<10240x128xf32, #tpu.memory_space<vmem_shared>>
      tpu.wait_indirect_dma semaphore(%arg21 : memref<!tpu.dma_semaphore, #tpu.memory_space<semaphore_mem>>) src(%arg12 : memref<80x128xf32, #tpu.memory_space<vmem>>) dst(%dma_wait3A_310 : memref<10240x128xf32, #tpu.memory_space<vmem_shared>>)
    }
    %scan3A_4 = arith.constant 8 : i32
    %barrier3A_5 = arith.constant 0 : index
    tpu.barrier barrier_id(%barrier3A_5)
    %mul3A_6 = arith.constant 624 : i32
    %mul3A_7 = arith.muli %arg1, %mul3A_6 : i32
    %mul3A_8 = arith.constant 624 : i32
    %mul3A_9 = arith.muli %arg1, %mul3A_8 : i32
    "tpu.region"() ({
      %run_scoped3A = tpu.sem_alloc : memref<!tpu.dma_semaphore, #tpu.memory_space<semaphore_mem>>
      %dma_start3A = arith.constant 0 : i32
      %dma_start3A_12 = arith.constant 0 : i32
      %dma_start3A_13 = tpu.memref_slice %arg6[%arg0, %dma_start3A, %dma_start3A_12] : memref<2x10000x128xf32, #tpu.memory_space<hbm>> -> memref<1x10000x128xf32, #tpu.memory_space<hbm>>
      %dma_start3A_14 = tpu.memref_squeeze %dma_start3A_13 : memref<1x10000x128xf32, #tpu.memory_space<hbm>> -> memref<10000x128xf32, #tpu.memory_space<hbm>>
      %dma_start3A_15 = arith.constant 0 : i32
      %dma_start3A_16 = tpu.memref_slice %dma_start3A_14[%mul3A_9, %dma_start3A_15] : memref<10000x128xf32, #tpu.memory_space<hbm>> -> memref<624x128xf32, #tpu.memory_space<hbm>>
      %dma_start3A_17 = arith.constant 0 : i32
      %dma_start3A_18 = tpu.memref_slice %arg13[%mul3A_7, %dma_start3A_17] : memref<10240x128xf32, #tpu.memory_space<vmem_shared>> -> memref<624x128xf32, #tpu.memory_space<vmem_shared>>
      tpu.enqueue_dma source(%dma_start3A_18 : memref<624x128xf32, #tpu.memory_space<vmem_shared>>) target(%dma_start3A_16 : memref<624x128xf32, #tpu.memory_space<hbm>>) target_semaphore(%run_scoped3A : memref<!tpu.dma_semaphore, #tpu.memory_space<semaphore_mem>>)
      %dma_wait3A = arith.constant 0 : i32
      %dma_wait3A_19 = arith.constant 0 : i32
      %dma_wait3A_20 = tpu.memref_slice %arg6[%arg0, %dma_wait3A, %dma_wait3A_19] : memref<2x10000x128xf32, #tpu.memory_space<hbm>> -> memref<1x10000x128xf32, #tpu.memory_space<hbm>>
      %dma_wait3A_21 = tpu.memref_squeeze %dma_wait3A_20 : memref<1x10000x128xf32, #tpu.memory_space<hbm>> -> memref<10000x128xf32, #tpu.memory_space<hbm>>
      %dma_wait3A_22 = arith.constant 0 : i32
      %dma_wait3A_23 = tpu.memref_slice %dma_wait3A_21[%mul3A_9, %dma_wait3A_22] : memref<10000x128xf32, #tpu.memory_space<hbm>> -> memref<624x128xf32, #tpu.memory_space<hbm>>
      %dma_wait3A_24 = arith.constant 0 : i32
      %dma_wait3A_25 = tpu.memref_slice %arg13[%mul3A_7, %dma_wait3A_24] : memref<10240x128xf32, #tpu.memory_space<vmem_shared>> -> memref<624x128xf32, #tpu.memory_space<vmem_shared>>
      tpu.wait_dma2 semaphore(%run_scoped3A : memref<!tpu.dma_semaphore, #tpu.memory_space<semaphore_mem>>) src(%dma_wait3A_25 : memref<624x128xf32, #tpu.memory_space<vmem_shared>>) dst(%dma_wait3A_23 : memref<624x128xf32, #tpu.memory_space<hbm>>)
      tpu.yield
    }) : () -> ()
    %eq3A = arith.constant 15 : i32
    %eq3A_10 = arith.cmpi eq, %arg1, %eq3A : i32
    %convert_element_type3A = arith.extui %eq3A_10 : i1 to i32
    %cond3A = arith.constant 0 : i32
    %cond3A_11 = arith.cmpi ne, %convert_element_type3A, %cond3A : i32
    scf.if %cond3A_11 {
      "tpu.region"() ({
        %run_scoped3A = tpu.sem_alloc : memref<!tpu.dma_semaphore, #tpu.memory_space<semaphore_mem>>
        %dma_start3A = arith.constant 0 : i32
        %dma_start3A_12 = arith.constant 0 : i32
        %dma_start3A_13 = tpu.memref_slice %arg6[%arg0, %dma_start3A, %dma_start3A_12] : memref<2x10000x128xf32, #tpu.memory_space<hbm>> -> memref<1x10000x128xf32, #tpu.memory_space<hbm>>
        %dma_start3A_14 = tpu.memref_squeeze %dma_start3A_13 : memref<1x10000x128xf32, #tpu.memory_space<hbm>> -> memref<10000x128xf32, #tpu.memory_space<hbm>>
        %dma_start3A_15 = arith.constant 9984 : i32
        %dma_start3A_16 = arith.constant 0 : i32
        %dma_start3A_17 = tpu.memref_slice %dma_start3A_14[%dma_start3A_15, %dma_start3A_16] : memref<10000x128xf32, #tpu.memory_space<hbm>> -> memref<16x128xf32, #tpu.memory_space<hbm>>
        %dma_start3A_18 = arith.constant 9984 : i32
        %dma_start3A_19 = arith.constant 0 : i32
        %dma_start3A_20 = tpu.memref_slice %arg13[%dma_start3A_18, %dma_start3A_19] : memref<10240x128xf32, #tpu.memory_space<vmem_shared>> -> memref<16x128xf32, #tpu.memory_space<vmem_shared>>
        tpu.enqueue_dma source(%dma_start3A_20 : memref<16x128xf32, #tpu.memory_space<vmem_shared>>) target(%dma_start3A_17 : memref<16x128xf32, #tpu.memory_space<hbm>>) target_semaphore(%run_scoped3A : memref<!tpu.dma_semaphore, #tpu.memory_space<semaphore_mem>>)
        %dma_wait3A = arith.constant 0 : i32
        %dma_wait3A_21 = arith.constant 0 : i32
        %dma_wait3A_22 = tpu.memref_slice %arg6[%arg0, %dma_wait3A, %dma_wait3A_21] : memref<2x10000x128xf32, #tpu.memory_space<hbm>> -> memref<1x10000x128xf32, #tpu.memory_space<hbm>>
        %dma_wait3A_23 = tpu.memref_squeeze %dma_wait3A_22 : memref<1x10000x128xf32, #tpu.memory_space<hbm>> -> memref<10000x128xf32, #tpu.memory_space<hbm>>
        %dma_wait3A_24 = arith.constant 9984 : i32
        %dma_wait3A_25 = arith.constant 0 : i32
        %dma_wait3A_26 = tpu.memref_slice %dma_wait3A_23[%dma_wait3A_24, %dma_wait3A_25] : memref<10000x128xf32, #tpu.memory_space<hbm>> -> memref<16x128xf32, #tpu.memory_space<hbm>>
        %dma_wait3A_27 = arith.constant 9984 : i32
        %dma_wait3A_28 = arith.constant 0 : i32
        %dma_wait3A_29 = tpu.memref_slice %arg13[%dma_wait3A_27, %dma_wait3A_28] : memref<10240x128xf32, #tpu.memory_space<vmem_shared>> -> memref<16x128xf32, #tpu.memory_space<vmem_shared>>
        tpu.wait_dma2 semaphore(%run_scoped3A : memref<!tpu.dma_semaphore, #tpu.memory_space<semaphore_mem>>) src(%dma_wait3A_29 : memref<16x128xf32, #tpu.memory_space<vmem_shared>>) dst(%dma_wait3A_26 : memref<16x128xf32, #tpu.memory_space<hbm>>)
        tpu.yield
      }) : () -> ()
    } else {
    }
    return
  }
}

module attributes {stable_mosaic.version = 14 : i64} {
  func.func @_tc1_body(%arg0: i32, %arg1: memref<1000x128xf32, #tpu.memory_space<vmem>>, %arg2: memref<128x128xf32, #tpu.memory_space<vmem>>, %arg3: memref<128x128xf32, #tpu.memory_space<vmem>>, %arg4: memref<2x1000x1xf32, #tpu.memory_space<vmem>>, %arg5: memref<2x1000x128xf32, #tpu.memory_space<vmem>>) attributes {dimension_semantics = [#tpu.dimension_semantics<arbitrary>], iteration_bounds = array<i64: 10>, scalar_prefetch = 0 : i64, scratch_operands = 0 : i64, tpu.core_type = #tpu.core_type<tc>, window_params = [{transform_indices = @transform_0, window_bounds = array<i64: 1000, 128>}, {pipeline_mode = #tpu.pipeline_mode<synchronous>, transform_indices = @transform_1, window_bounds = array<i64: 128, 128>}, {pipeline_mode = #tpu.pipeline_mode<synchronous>, transform_indices = @transform_2, window_bounds = array<i64: 128, 128>}, {transform_indices = @transform_3, window_bounds = array<i64: 2, 1000, 1>}, {transform_indices = @transform_4, window_bounds = array<i64: 2, 1000, 128>}]} {
    %get3A = arith.constant 0 : index
    %get3A_0 = arith.constant 0 : index
    %get3A_1 = vector.load %arg1[%get3A, %get3A_0] : memref<1000x128xf32, #tpu.memory_space<vmem>>, vector<1000x128xf32>
    %get3A_2 = arith.constant 0 : index
    %get3A_3 = arith.constant 0 : index
    %get3A_4 = arith.constant 0 : index
    %get3A_5 = vector.load %arg4[%get3A_2, %get3A_3, %get3A_4] : memref<2x1000x1xf32, #tpu.memory_space<vmem>>, vector<2x1000x1xf32>
    %slice3A = vector.extract_strided_slice %get3A_5 {offsets = [0, 0, 0], sizes = [1, 1000, 1], strides = [1, 1, 1]} : vector<2x1000x1xf32> to vector<1x1000x1xf32>
    %squeeze3A = vector.shape_cast %slice3A : vector<1x1000x1xf32> to vector<1000x1xf32>
    %get3A_6 = arith.constant 0 : index
    %get3A_7 = arith.constant 0 : index
    %get3A_8 = vector.load %arg2[%get3A_6, %get3A_7] : memref<128x128xf32, #tpu.memory_space<vmem>>, vector<128x128xf32>
    %dot_general3A = arith.constant dense<0.000000e+00> : vector<1000x128xf32>
    %dot_general3A_9 = tpu.matmul %get3A_1, %get3A_8, %dot_general3A {dimension_numbers = #tpu.dot_dimension_numbers<[1], [0], [0], [1], [0, 0, 1, 1], [], []>, transpose_lhs_hint = false} : vector<1000x128xf32>, vector<128x128xf32>, vector<1000x128xf32> -> vector<1000x128xf32>
    %mul3A = vector.broadcast %squeeze3A : vector<1000x1xf32> to vector<1000x128xf32>
    %mul3A_10 = arith.mulf %mul3A, %dot_general3A_9 : vector<1000x128xf32>
    %swap3A = arith.constant 0 : index
    %swap3A_11 = arith.constant 0 : index
    %swap3A_12 = arith.constant 0 : index
    %swap3A_13 = vector.load %arg5[%swap3A, %swap3A_11, %swap3A_12] : memref<2x1000x128xf32, #tpu.memory_space<vmem>>, vector<1x1000x128xf32>
    %swap3A_14 = vector.shape_cast %swap3A_13 : vector<1x1000x128xf32> to vector<1000x128xf32>
    %swap3A_15 = vector.shape_cast %mul3A_10 : vector<1000x128xf32> to vector<1x1000x128xf32>
    tpu.vector_store %arg5[%swap3A, %swap3A_11, %swap3A_12], %swap3A_15 {strides = array<i32>} : memref<2x1000x128xf32, #tpu.memory_space<vmem>>, vector<1x1000x128xf32>,
    %slice3A_16 = vector.extract_strided_slice %get3A_5 {offsets = [1, 0, 0], sizes = [1, 1000, 1], strides = [1, 1, 1]} : vector<2x1000x1xf32> to vector<1x1000x1xf32>
    %squeeze3A_17 = vector.shape_cast %slice3A_16 : vector<1x1000x1xf32> to vector<1000x1xf32>
    %get3A_18 = arith.constant 0 : index
    %get3A_19 = arith.constant 0 : index
    %get3A_20 = vector.load %arg3[%get3A_18, %get3A_19] : memref<128x128xf32, #tpu.memory_space<vmem>>, vector<128x128xf32>
    %dot_general3A_21 = arith.constant dense<0.000000e+00> : vector<1000x128xf32>
    %dot_general3A_22 = tpu.matmul %get3A_1, %get3A_20, %dot_general3A_21 {dimension_numbers = #tpu.dot_dimension_numbers<[1], [0], [0], [1], [0, 0, 1, 1], [], []>, transpose_lhs_hint = false} : vector<1000x128xf32>, vector<128x128xf32>, vector<1000x128xf32> -> vector<1000x128xf32>
    %mul3A_23 = vector.broadcast %squeeze3A_17 : vector<1000x1xf32> to vector<1000x128xf32>
    %mul3A_24 = arith.mulf %mul3A_23, %dot_general3A_22 : vector<1000x128xf32>
    %swap3A_25 = arith.constant 1 : index
    %swap3A_26 = arith.constant 0 : index
    %swap3A_27 = arith.constant 0 : index
    %swap3A_28 = vector.load %arg5[%swap3A_25, %swap3A_26, %swap3A_27] : memref<2x1000x128xf32, #tpu.memory_space<vmem>>, vector<1x1000x128xf32>
    %swap3A_29 = vector.shape_cast %swap3A_28 : vector<1x1000x128xf32> to vector<1000x128xf32>
    %swap3A_30 = vector.shape_cast %mul3A_24 : vector<1000x128xf32> to vector<1x1000x128xf32>
    tpu.vector_store %arg5[%swap3A_25, %swap3A_26, %swap3A_27], %swap3A_30 {strides = array<i32>} : memref<2x1000x128xf32, #tpu.memory_space<vmem>>, vector<1x1000x128xf32>,
    return
  }
  func.func @transform_0(%arg0: i32) -> (i32, i32) {
    %c0_i32 = arith.constant 0 : i32
    %c0_i32_0 = arith.constant 0 : i32
    return %arg0, %c0_i32 : i32, i32
  }
  func.func @transform_1(%arg0: i32) -> (i32, i32) {
    %c0_i32 = arith.constant 0 : i32
    %c0_i32_0 = arith.constant 0 : i32
    %c0_i32_1 = arith.constant 0 : i32
    return %c0_i32, %c0_i32_0 : i32, i32
  }
  func.func @transform_2(%arg0: i32) -> (i32, i32) {
    %c0_i32 = arith.constant 0 : i32
    %c0_i32_0 = arith.constant 0 : i32
    %c0_i32_1 = arith.constant 0 : i32
    return %c0_i32, %c0_i32_0 : i32, i32
  }
  func.func @transform_3(%arg0: i32) -> (i32, i32, i32) {
    %c0_i32 = arith.constant 0 : i32
    %c0_i32_0 = arith.constant 0 : i32
    %c0_i32_1 = arith.constant 0 : i32
    return %c0_i32, %arg0, %c0_i32_0 : i32, i32, i32
  }
  func.func @transform_4(%arg0: i32) -> (i32, i32, i32) {
    %c0_i32 = arith.constant 0 : i32
    %c0_i32_0 = arith.constant 0 : i32
    %c0_i32_1 = arith.constant 0 : i32
    return %c0_i32, %arg0, %c0_i32_0 : i32, i32, i32
  }
}

module attributes {stable_mosaic.version = 14 : i64} {
  func.func @_tc2_body(%arg0: i32, %arg1: memref<2x1000x128xf32, #tpu.memory_space<vmem>>, %arg2: memref<2x1000x128xf32, #tpu.memory_space<vmem>>, %arg3: memref<2x1000x1xf32, #tpu.memory_space<vmem>>, %arg4: memref<2x1x128xf32, #tpu.memory_space<vmem>>, %arg5: memref<128x128xf32, #tpu.memory_space<vmem>>, %arg6: memref<128x128xf32, #tpu.memory_space<vmem>>, %arg7: memref<2x1000x128xf32, #tpu.memory_space<vmem>>) attributes {dimension_semantics = [#tpu.dimension_semantics<arbitrary>], iteration_bounds = array<i64: 10>, scalar_prefetch = 0 : i64, scratch_operands = 0 : i64, tpu.core_type = #tpu.core_type<tc>, window_params = [{transform_indices = @transform_0, window_bounds = array<i64: 2, 1000, 128>}, {transform_indices = @transform_1, window_bounds = array<i64: 2, 1000, 128>}, {transform_indices = @transform_2, window_bounds = array<i64: 2, 1000, 1>}, {pipeline_mode = #tpu.pipeline_mode<synchronous>, transform_indices = @transform_3, window_bounds = array<i64: 2, 1, 128>}, {pipeline_mode = #tpu.pipeline_mode<synchronous>, transform_indices = @transform_4, window_bounds = array<i64: 128, 128>}, {pipeline_mode = #tpu.pipeline_mode<synchronous>, transform_indices = @transform_5, window_bounds = array<i64: 128, 128>}, {transform_indices = @transform_6, window_bounds = array<i64: 2, 1000, 128>}]} {
    %get3A = arith.constant 0 : index
    %get3A_0 = arith.constant 0 : index
    %get3A_1 = arith.constant 0 : index
    %get3A_2 = vector.load %arg1[%get3A, %get3A_0, %get3A_1] : memref<2x1000x128xf32, #tpu.memory_space<vmem>>, vector<2x1000x128xf32>
    %get3A_3 = arith.constant 0 : index
    %get3A_4 = arith.constant 0 : index
    %get3A_5 = arith.constant 0 : index
    %get3A_6 = vector.load %arg2[%get3A_3, %get3A_4, %get3A_5] : memref<2x1000x128xf32, #tpu.memory_space<vmem>>, vector<2x1000x128xf32>
    %get3A_7 = arith.constant 0 : index
    %get3A_8 = arith.constant 0 : index
    %get3A_9 = arith.constant 0 : index
    %get3A_10 = vector.load %arg3[%get3A_7, %get3A_8, %get3A_9] : memref<2x1000x1xf32, #tpu.memory_space<vmem>>, vector<2x1000x1xf32>
    %get3A_11 = arith.constant 0 : index
    %get3A_12 = arith.constant 0 : index
    %get3A_13 = arith.constant 0 : index
    %get3A_14 = vector.load %arg4[%get3A_11, %get3A_12, %get3A_13] : memref<2x1x128xf32, #tpu.memory_space<vmem>>, vector<2x1x128xf32>
    %slice3A = vector.extract_strided_slice %get3A_10 {offsets = [0, 0, 0], sizes = [1, 1000, 1], strides = [1, 1, 1]} : vector<2x1000x1xf32> to vector<1x1000x1xf32>
    %squeeze3A = vector.shape_cast %slice3A : vector<1x1000x1xf32> to vector<1000x1xf32>
    %slice3A_15 = vector.extract_strided_slice %get3A_2 {offsets = [0, 0, 0], sizes = [1, 1000, 128], strides = [1, 1, 1]} : vector<2x1000x128xf32> to vector<1x1000x128xf32>
    %squeeze3A_16 = vector.shape_cast %slice3A_15 : vector<1x1000x128xf32> to vector<1000x128xf32>
    %slice3A_17 = vector.extract_strided_slice %get3A_6 {offsets = [0, 0, 0], sizes = [1, 1000, 128], strides = [1, 1, 1]} : vector<2x1000x128xf32> to vector<1x1000x128xf32>
    %squeeze3A_18 = vector.shape_cast %slice3A_17 : vector<1x1000x128xf32> to vector<1000x128xf32>
    %add3A = arith.addf %squeeze3A_16, %squeeze3A_18 : vector<1000x128xf32>
    %mul3A = vector.broadcast %squeeze3A : vector<1000x1xf32> to vector<1000x128xf32>
    %mul3A_19 = arith.mulf %mul3A, %add3A : vector<1000x128xf32>
    %slice3A_20 = vector.extract_strided_slice %get3A_14 {offsets = [0, 0, 0], sizes = [1, 1, 128], strides = [1, 1, 1]} : vector<2x1x128xf32> to vector<1x1x128xf32>
    %squeeze3A_21 = vector.shape_cast %slice3A_20 : vector<1x1x128xf32> to vector<1x128xf32>
    %add3A_22 = vector.broadcast %squeeze3A_21 : vector<1x128xf32> to vector<1000x128xf32>
    %add3A_23 = arith.addf %mul3A_19, %add3A_22 : vector<1000x128xf32>
    %slice3A_24 = vector.extract_strided_slice %get3A_10 {offsets = [1, 0, 0], sizes = [1, 1000, 1], strides = [1, 1, 1]} : vector<2x1000x1xf32> to vector<1x1000x1xf32>
    %squeeze3A_25 = vector.shape_cast %slice3A_24 : vector<1x1000x1xf32> to vector<1000x1xf32>
    %slice3A_26 = vector.extract_strided_slice %get3A_2 {offsets = [1, 0, 0], sizes = [1, 1000, 128], strides = [1, 1, 1]} : vector<2x1000x128xf32> to vector<1x1000x128xf32>
    %squeeze3A_27 = vector.shape_cast %slice3A_26 : vector<1x1000x128xf32> to vector<1000x128xf32>
    %slice3A_28 = vector.extract_strided_slice %get3A_6 {offsets = [1, 0, 0], sizes = [1, 1000, 128], strides = [1, 1, 1]} : vector<2x1000x128xf32> to vector<1x1000x128xf32>
    %squeeze3A_29 = vector.shape_cast %slice3A_28 : vector<1x1000x128xf32> to vector<1000x128xf32>
    %add3A_30 = arith.addf %squeeze3A_27, %squeeze3A_29 : vector<1000x128xf32>
    %mul3A_31 = vector.broadcast %squeeze3A_25 : vector<1000x1xf32> to vector<1000x128xf32>
    %mul3A_32 = arith.mulf %mul3A_31, %add3A_30 : vector<1000x128xf32>
    %add3A_33 = arith.addf %add3A_23, %mul3A_32 : vector<1000x128xf32>
    %slice3A_34 = vector.extract_strided_slice %get3A_14 {offsets = [1, 0, 0], sizes = [1, 1, 128], strides = [1, 1, 1]} : vector<2x1x128xf32> to vector<1x1x128xf32>
    %squeeze3A_35 = vector.shape_cast %slice3A_34 : vector<1x1x128xf32> to vector<1x128xf32>
    %add3A_36 = vector.broadcast %squeeze3A_35 : vector<1x128xf32> to vector<1000x128xf32>
    %add3A_37 = arith.addf %add3A_33, %add3A_36 : vector<1000x128xf32>
    %max3A = arith.constant 0.000000e+00 : f32
    %max3A_38 = vector.broadcast %max3A : f32 to vector<1000x128xf32>
    %max3A_39 = arith.maximumf %add3A_37, %max3A_38 : vector<1000x128xf32>
    %slice3A_40 = vector.extract_strided_slice %get3A_10 {offsets = [0, 0, 0], sizes = [1, 1000, 1], strides = [1, 1, 1]} : vector<2x1000x1xf32> to vector<1x1000x1xf32>
    %squeeze3A_41 = vector.shape_cast %slice3A_40 : vector<1x1000x1xf32> to vector<1000x1xf32>
    %get3A_42 = arith.constant 0 : index
    %get3A_43 = arith.constant 0 : index
    %get3A_44 = vector.load %arg5[%get3A_42, %get3A_43] : memref<128x128xf32, #tpu.memory_space<vmem>>, vector<128x128xf32>
    %dot_general3A = arith.constant dense<0.000000e+00> : vector<1000x128xf32>
    %dot_general3A_45 = tpu.matmul %max3A_39, %get3A_44, %dot_general3A {dimension_numbers = #tpu.dot_dimension_numbers<[1], [0], [0], [1], [0, 0, 1, 1], [], []>, transpose_lhs_hint = false} : vector<1000x128xf32>, vector<128x128xf32>, vector<1000x128xf32> -> vector<1000x128xf32>
    %mul3A_46 = vector.broadcast %squeeze3A_41 : vector<1000x1xf32> to vector<1000x128xf32>
    %mul3A_47 = arith.mulf %mul3A_46, %dot_general3A_45 : vector<1000x128xf32>
    %swap3A = arith.constant 0 : index
    %swap3A_48 = arith.constant 0 : index
    %swap3A_49 = arith.constant 0 : index
    %swap3A_50 = vector.load %arg7[%swap3A, %swap3A_48, %swap3A_49] : memref<2x1000x128xf32, #tpu.memory_space<vmem>>, vector<1x1000x128xf32>
    %swap3A_51 = vector.shape_cast %swap3A_50 : vector<1x1000x128xf32> to vector<1000x128xf32>
    %swap3A_52 = vector.shape_cast %mul3A_47 : vector<1000x128xf32> to vector<1x1000x128xf32>
    tpu.vector_store %arg7[%swap3A, %swap3A_48, %swap3A_49], %swap3A_52 {strides = array<i32>} : memref<2x1000x128xf32, #tpu.memory_space<vmem>>, vector<1x1000x128xf32>,
    %slice3A_53 = vector.extract_strided_slice %get3A_10 {offsets = [1, 0, 0], sizes = [1, 1000, 1], strides = [1, 1, 1]} : vector<2x1000x1xf32> to vector<1x1000x1xf32>
    %squeeze3A_54 = vector.shape_cast %slice3A_53 : vector<1x1000x1xf32> to vector<1000x1xf32>
    %get3A_55 = arith.constant 0 : index
    %get3A_56 = arith.constant 0 : index
    %get3A_57 = vector.load %arg6[%get3A_55, %get3A_56] : memref<128x128xf32, #tpu.memory_space<vmem>>, vector<128x128xf32>
    %dot_general3A_58 = arith.constant dense<0.000000e+00> : vector<1000x128xf32>
    %dot_general3A_59 = tpu.matmul %max3A_39, %get3A_57, %dot_general3A_58 {dimension_numbers = #tpu.dot_dimension_numbers<[1], [0], [0], [1], [0, 0, 1, 1], [], []>, transpose_lhs_hint = false} : vector<1000x128xf32>, vector<128x128xf32>, vector<1000x128xf32> -> vector<1000x128xf32>
    %mul3A_60 = vector.broadcast %squeeze3A_54 : vector<1000x1xf32> to vector<1000x128xf32>
    %mul3A_61 = arith.mulf %mul3A_60, %dot_general3A_59 : vector<1000x128xf32>
    %swap3A_62 = arith.constant 1 : index
    %swap3A_63 = arith.constant 0 : index
    %swap3A_64 = arith.constant 0 : index
    %swap3A_65 = vector.load %arg7[%swap3A_62, %swap3A_63, %swap3A_64] : memref<2x1000x128xf32, #tpu.memory_space<vmem>>, vector<1x1000x128xf32>
    %swap3A_66 = vector.shape_cast %swap3A_65 : vector<1x1000x128xf32> to vector<1000x128xf32>
    %swap3A_67 = vector.shape_cast %mul3A_61 : vector<1000x128xf32> to vector<1x1000x128xf32>
    tpu.vector_store %arg7[%swap3A_62, %swap3A_63, %swap3A_64], %swap3A_67 {strides = array<i32>} : memref<2x1000x128xf32, #tpu.memory_space<vmem>>, vector<1x1000x128xf32>,
    return
  }
  func.func @transform_0(%arg0: i32) -> (i32, i32, i32) {
    %c0_i32 = arith.constant 0 : i32
    %c0_i32_0 = arith.constant 0 : i32
    %c0_i32_1 = arith.constant 0 : i32
    return %c0_i32, %arg0, %c0_i32_0 : i32, i32, i32
  }
  func.func @transform_1(%arg0: i32) -> (i32, i32, i32) {
    %c0_i32 = arith.constant 0 : i32
    %c0_i32_0 = arith.constant 0 : i32
    %c0_i32_1 = arith.constant 0 : i32
    return %c0_i32, %arg0, %c0_i32_0 : i32, i32, i32
  }
  func.func @transform_2(%arg0: i32) -> (i32, i32, i32) {
    %c0_i32 = arith.constant 0 : i32
    %c0_i32_0 = arith.constant 0 : i32
    %c0_i32_1 = arith.constant 0 : i32
    return %c0_i32, %arg0, %c0_i32_0 : i32, i32, i32
  }
  func.func @transform_3(%arg0: i32) -> (i32, i32, i32) {
    %c0_i32 = arith.constant 0 : i32
    %c0_i32_0 = arith.constant 0 : i32
    %c0_i32_1 = arith.constant 0 : i32
    %c0_i32_2 = arith.constant 0 : i32
    return %c0_i32, %c0_i32_0, %c0_i32_1 : i32, i32, i32
  }
  func.func @transform_4(%arg0: i32) -> (i32, i32) {
    %c0_i32 = arith.constant 0 : i32
    %c0_i32_0 = arith.constant 0 : i32
    %c0_i32_1 = arith.constant 0 : i32
    return %c0_i32, %c0_i32_0 : i32, i32
  }
  func.func @transform_5(%arg0: i32) -> (i32, i32) {
    %c0_i32 = arith.constant 0 : i32
    %c0_i32_0 = arith.constant 0 : i32
    %c0_i32_1 = arith.constant 0 : i32
    return %c0_i32, %c0_i32_0 : i32, i32
  }
  func.func @transform_6(%arg0: i32) -> (i32, i32, i32) {
    %c0_i32 = arith.constant 0 : i32
    %c0_i32_0 = arith.constant 0 : i32
    %c0_i32_1 = arith.constant 0 : i32
    return %c0_i32, %arg0, %c0_i32_0 : i32, i32, i32
  }
}

module attributes {stable_mosaic.version = 14 : i64} {
  func.func @_tc3_body(%arg0: i32, %arg1: memref<2x1000x128xf32, #tpu.memory_space<vmem>>, %arg2: memref<2x1000x128xf32, #tpu.memory_space<vmem>>, %arg3: memref<2x1000x1xf32, #tpu.memory_space<vmem>>, %arg4: memref<2x1x128xf32, #tpu.memory_space<vmem>>, %arg5: memref<1000x128xf32, #tpu.memory_space<vmem>>) attributes {dimension_semantics = [#tpu.dimension_semantics<arbitrary>], iteration_bounds = array<i64: 10>, scalar_prefetch = 0 : i64, scratch_operands = 0 : i64, tpu.core_type = #tpu.core_type<tc>, window_params = [{transform_indices = @transform_0, window_bounds = array<i64: 2, 1000, 128>}, {transform_indices = @transform_1, window_bounds = array<i64: 2, 1000, 128>}, {transform_indices = @transform_2, window_bounds = array<i64: 2, 1000, 1>}, {pipeline_mode = #tpu.pipeline_mode<synchronous>, transform_indices = @transform_3, window_bounds = array<i64: 2, 1, 128>}, {transform_indices = @transform_4, window_bounds = array<i64: 1000, 128>}]} {
    %get3A = arith.constant 0 : index
    %get3A_0 = arith.constant 0 : index
    %get3A_1 = arith.constant 0 : index
    %get3A_2 = vector.load %arg1[%get3A, %get3A_0, %get3A_1] : memref<2x1000x128xf32, #tpu.memory_space<vmem>>, vector<2x1000x128xf32>
    %get3A_3 = arith.constant 0 : index
    %get3A_4 = arith.constant 0 : index
    %get3A_5 = arith.constant 0 : index
    %get3A_6 = vector.load %arg2[%get3A_3, %get3A_4, %get3A_5] : memref<2x1000x128xf32, #tpu.memory_space<vmem>>, vector<2x1000x128xf32>
    %get3A_7 = arith.constant 0 : index
    %get3A_8 = arith.constant 0 : index
    %get3A_9 = arith.constant 0 : index
    %get3A_10 = vector.load %arg3[%get3A_7, %get3A_8, %get3A_9] : memref<2x1000x1xf32, #tpu.memory_space<vmem>>, vector<2x1000x1xf32>
    %get3A_11 = arith.constant 0 : index
    %get3A_12 = arith.constant 0 : index
    %get3A_13 = arith.constant 0 : index
    %get3A_14 = vector.load %arg4[%get3A_11, %get3A_12, %get3A_13] : memref<2x1x128xf32, #tpu.memory_space<vmem>>, vector<2x1x128xf32>
    %slice3A = vector.extract_strided_slice %get3A_10 {offsets = [0, 0, 0], sizes = [1, 1000, 1], strides = [1, 1, 1]} : vector<2x1000x1xf32> to vector<1x1000x1xf32>
    %squeeze3A = vector.shape_cast %slice3A : vector<1x1000x1xf32> to vector<1000x1xf32>
    %slice3A_15 = vector.extract_strided_slice %get3A_2 {offsets = [0, 0, 0], sizes = [1, 1000, 128], strides = [1, 1, 1]} : vector<2x1000x128xf32> to vector<1x1000x128xf32>
    %squeeze3A_16 = vector.shape_cast %slice3A_15 : vector<1x1000x128xf32> to vector<1000x128xf32>
    %slice3A_17 = vector.extract_strided_slice %get3A_6 {offsets = [0, 0, 0], sizes = [1, 1000, 128], strides = [1, 1, 1]} : vector<2x1000x128xf32> to vector<1x1000x128xf32>
    %squeeze3A_18 = vector.shape_cast %slice3A_17 : vector<1x1000x128xf32> to vector<1000x128xf32>
    %add3A = arith.addf %squeeze3A_16, %squeeze3A_18 : vector<1000x128xf32>
    %mul3A = vector.broadcast %squeeze3A : vector<1000x1xf32> to vector<1000x128xf32>
    %mul3A_19 = arith.mulf %mul3A, %add3A : vector<1000x128xf32>
    %slice3A_20 = vector.extract_strided_slice %get3A_14 {offsets = [0, 0, 0], sizes = [1, 1, 128], strides = [1, 1, 1]} : vector<2x1x128xf32> to vector<1x1x128xf32>
    %squeeze3A_21 = vector.shape_cast %slice3A_20 : vector<1x1x128xf32> to vector<1x128xf32>
    %add3A_22 = vector.broadcast %squeeze3A_21 : vector<1x128xf32> to vector<1000x128xf32>
    %add3A_23 = arith.addf %mul3A_19, %add3A_22 : vector<1000x128xf32>
    %slice3A_24 = vector.extract_strided_slice %get3A_10 {offsets = [1, 0, 0], sizes = [1, 1000, 1], strides = [1, 1, 1]} : vector<2x1000x1xf32> to vector<1x1000x1xf32>
    %squeeze3A_25 = vector.shape_cast %slice3A_24 : vector<1x1000x1xf32> to vector<1000x1xf32>
    %slice3A_26 = vector.extract_strided_slice %get3A_2 {offsets = [1, 0, 0], sizes = [1, 1000, 128], strides = [1, 1, 1]} : vector<2x1000x128xf32> to vector<1x1000x128xf32>
    %squeeze3A_27 = vector.shape_cast %slice3A_26 : vector<1x1000x128xf32> to vector<1000x128xf32>
    %slice3A_28 = vector.extract_strided_slice %get3A_6 {offsets = [1, 0, 0], sizes = [1, 1000, 128], strides = [1, 1, 1]} : vector<2x1000x128xf32> to vector<1x1000x128xf32>
    %squeeze3A_29 = vector.shape_cast %slice3A_28 : vector<1x1000x128xf32> to vector<1000x128xf32>
    %add3A_30 = arith.addf %squeeze3A_27, %squeeze3A_29 : vector<1000x128xf32>
    %mul3A_31 = vector.broadcast %squeeze3A_25 : vector<1000x1xf32> to vector<1000x128xf32>
    %mul3A_32 = arith.mulf %mul3A_31, %add3A_30 : vector<1000x128xf32>
    %add3A_33 = arith.addf %add3A_23, %mul3A_32 : vector<1000x128xf32>
    %slice3A_34 = vector.extract_strided_slice %get3A_14 {offsets = [1, 0, 0], sizes = [1, 1, 128], strides = [1, 1, 1]} : vector<2x1x128xf32> to vector<1x1x128xf32>
    %squeeze3A_35 = vector.shape_cast %slice3A_34 : vector<1x1x128xf32> to vector<1x128xf32>
    %add3A_36 = vector.broadcast %squeeze3A_35 : vector<1x128xf32> to vector<1000x128xf32>
    %add3A_37 = arith.addf %add3A_33, %add3A_36 : vector<1000x128xf32>
    %swap3A = arith.constant 0 : index
    %swap3A_38 = arith.constant 0 : index
    %swap3A_39 = vector.load %arg5[%swap3A, %swap3A_38] : memref<1000x128xf32, #tpu.memory_space<vmem>>, vector<1000x128xf32>
    tpu.vector_store %arg5[%swap3A, %swap3A_38], %add3A_37 {strides = array<i32>} : memref<1000x128xf32, #tpu.memory_space<vmem>>, vector<1000x128xf32>,
    return
  }
  func.func @transform_0(%arg0: i32) -> (i32, i32, i32) {
    %c0_i32 = arith.constant 0 : i32
    %c0_i32_0 = arith.constant 0 : i32
    %c0_i32_1 = arith.constant 0 : i32
    return %c0_i32, %arg0, %c0_i32_0 : i32, i32, i32
  }
  func.func @transform_1(%arg0: i32) -> (i32, i32, i32) {
    %c0_i32 = arith.constant 0 : i32
    %c0_i32_0 = arith.constant 0 : i32
    %c0_i32_1 = arith.constant 0 : i32
    return %c0_i32, %arg0, %c0_i32_0 : i32, i32, i32
  }
  func.func @transform_2(%arg0: i32) -> (i32, i32, i32) {
    %c0_i32 = arith.constant 0 : i32
    %c0_i32_0 = arith.constant 0 : i32
    %c0_i32_1 = arith.constant 0 : i32
    return %c0_i32, %arg0, %c0_i32_0 : i32, i32, i32
  }
  func.func @transform_3(%arg0: i32) -> (i32, i32, i32) {
    %c0_i32 = arith.constant 0 : i32
    %c0_i32_0 = arith.constant 0 : i32
    %c0_i32_1 = arith.constant 0 : i32
    %c0_i32_2 = arith.constant 0 : i32
    return %c0_i32, %c0_i32_0, %c0_i32_1 : i32, i32, i32
  }
  func.func @transform_4(%arg0: i32) -> (i32, i32) {
    %c0_i32 = arith.constant 0 : i32
    %c0_i32_0 = arith.constant 0 : i32
    return %arg0, %c0_i32 : i32, i32
  }
}

</mosaic_0001>

<sc_bundles>
// kernel: kernel.11.cloned.1.call-start
scs
__scs_entry_jumppad:
0x0: {  	(pc) =	sbr.rel $0x88, $3  }
0x1: {  	(tag) =	ssettag $0x0;
	lr =	simm.s32 $0x1  }
0x2: {  	[smem:$0x3F96] =	sst lr;
	_ =	strace $0xD0000000  }
0x3: {  	_ = 	snop  }
0x4: {  	_ = 	snop  }
0x5: {  	_ = 	snop  }
0x6: {  	_ = 	snop  }
0x7: {  	_ = 	snop  }
__scs_overlays_trampoline_lowered:
0x8: {  	[smem:$0x3FA5] =	sst s0  }
0x9: {  	[smem:$0x3FA6] =	sst s1  }
0xa: {  	[smem:$0x3FA7] =	sst s2  }
0xb: {  	[smem:$0x3FA8] =	sst s3  }
0xc: {  	[smem:$0x3FA9] =	sst s4  }
0xd: {  	[smem:$0x3FAA] =	sst s5  }
0xe: {  	[smem:$0x3FAB] =	sst s6  }
0xf: {  	[smem:$0x3FAC] =	sst s7  }
0x10: {  	[smem:$0x3FAD] =	sst s8  }
0x11: {  	[smem:$0x3FAE] =	sst s9;
	s0 =	simm.s32 @!p0 $0x0  }
0x12: {  	s1 =	sld [smem:$0x3F94];
	s0 =	simm.s32 @p0 $0x1  }
0x13: {  	[smem:$0x3FAF] =	sst s0;
	s0 =	simm.s32 @!p1 $0x0  }
0x14: {  	s2 =	sld [smem:$0x3F93];
	s0 =	simm.s32 @p1 $0x1  }
0x15: {  	[smem:$0x3FB0] =	sst s0;
	s0 =	simm.s32 @!p2 $0x0  }
0x16: {  	s3 =	sld [smem:$0x3FDB];
	s0 =	simm.s32 @p2 $0x1  }
0x17: {  	s4 =	simm.s32 $0x1BF5;
	[smem:$0x3FB2] =	sst s0  }
0x18: {  	s0 =	sld [smem:$0x3F95];
	_ =	swait.ge [sflag:s4], $0x0  }
0x19: {  	s7 =	sld [smem:$0x3F96]  }
0x1a: {  	s8 =	sadd.s32 $0xFFFFE003, lr  }
0x1b: {  	s9 =	sadd.s32 $0xFFFFFEF7, lr;
	s5 =	simm.s32 $0xFFFFFFFF;
	p2 =	slt.u32 s8, $0xFFFFF086  }
0x1c: {  	p1 =	slt.u32 s9, $0xF7A;
	s5 =	simm.s32 @!p2 $0x0  }
0x1d: {  	s5 =	simm.s32 @p1 $0x1;
	p0 =	seq.s32 s7, s2  }
0x1e: {  	s7 =	smul.u32 @!p0 $0xF7A, s2;
	p2 =	seq.s32 @!p0 s5, $0x0  }
0x1f: {  	s9 =	smul.u32 $0xF7A, s1;
	s8 =	simm.s32 @!p0 $0x1BF5;
	p2 =	por !p2, p0  }
0x20: {  	[sflag:s8] =	ssyncset.s32 @!p0 $0xFFFFF086;
	s6 =	sadd.s32 @!p0 s3, s7;
	s7 =	simm.s32 @!p0 $0x108  }
0x21: {  	s3 =	sadd.s32 s3, s9;
	s6 =	sadd.s32 @!p0 $0x88, s6;
	s7 =	simm.s32 @p2 $0x1082  }
0x22: {  	[simem:s7], [sflag:s8] =	dma.local @!p0 [hbm:s6], $0xF7A  }
0x23: {  	s9 =	sor.u32 $0xD0000000, s2;
	s6 =	simm.s32 $0x108;
	_ =	swait.ge @!p0 [sflag:s8], $0x0  }
0x24: {  	s3 =	sadd.s32 $0x88, s3;
	s6 =	simm.s32 @!p1 $0x1082;
	[sflag:s4] =	ssyncset.s32 $0xFFFFF086  }
0x25: {  	[simem:s6], [sflag:s4] =	dma.local [hbm:s3], $0xF7A  }
0x26: {  	[smem:$0x3F96] =	sst s1;
	(tag) =	ssettag s2;
	_ =	strace s9  }
0x27: {  	s1 =	sld [smem:$0x3FA6]  }
0x28: {  	s2 =	sld [smem:$0x3FA7]  }
0x29: {  	s4 =	sld [smem:$0x3FA9]  }
0x2a: {  	p0 =	seq.s32 s5, $0x0;
	s5 =	sld [smem:$0x3FAA]  }
0x2b: {  	s6 =	sld [smem:$0x3FAB]  }
0x2c: {  	s7 =	sld [smem:$0x3FAC]  }
0x2d: {  	s3 =	simm.s32 $0x108;
	s8 =	sld [smem:$0x3FAD]  }
0x2e: {  	s3 =	simm.s32 @!p0 $0x1082;
	s9 =	sld [smem:$0x3FAE]  }
0x2f: {  	lr =	sadd.s32 s0, s3;
	s0 =	sld [smem:$0x3FA5]  }
0x30: {  	s3 =	sld [smem:$0x3FA8]  }
0x31: {  	[smem:$0x3FB1] =	sst s10  }
0x32: {  	s10 =	sld [smem:$0x3FAF];
	_ =	sdelay $0x3  }
0x33: {  	p0 =	seq.s32 s10, $0x1;
	s10 =	sld [smem:$0x3FB1];
	_ =	sdelay $0x3  }
0x34: {  	[smem:$0x3FB1] =	sst s10  }
0x35: {  	s10 =	sld [smem:$0x3FB0];
	_ =	sdelay $0x3  }
0x36: {  	p1 =	seq.s32 s10, $0x1;
	s10 =	sld [smem:$0x3FB1];
	_ =	sdelay $0x3  }
0x37: {  	[smem:$0x3FB1] =	sst s10  }
0x38: {  	s10 =	sld [smem:$0x3FB2]  }
0x39: {  	_ = 	snop;
	(pc) =	sbr.ind lr, $3  }
0x3a: {  	_ = 	snop  }
0x3b: {  	_ = 	snop  }
0x3c: {  	p2 =	seq.s32 s10, $0x1;
	s10 =	sld [smem:$0x3FB1]  }
0x3d: {  	_ =	shalt  }
0x3e: {  	_ =	shalt  }
0x3f: {  	_ =	shalt  }
0x40: {  	_ =	shalt  }
0x41: {  	_ =	shalt  }
0x42: {  	_ =	shalt  }
0x43: {  	_ =	shalt  }
0x44: {  	_ =	shalt  }
0x45: {  	_ =	shalt  }
0x46: {  	_ =	shalt  }
0x47: {  	_ =	shalt  }
0x48: {  	_ =	shalt  }
0x49: {  	_ =	shalt  }
0x4a: {  	_ =	shalt  }
0x4b: {  	_ =	shalt  }
0x4c: {  	_ =	shalt  }
0x4d: {  	_ =	shalt  }
0x4e: {  	_ =	shalt  }
0x4f: {  	_ =	shalt  }
0x50: {  	_ =	shalt  }
0x51: {  	_ =	shalt  }
0x52: {  	_ =	shalt  }
0x53: {  	_ =	shalt  }
0x54: {  	_ =	shalt  }
0x55: {  	_ =	shalt  }
0x56: {  	_ =	shalt  }
0x57: {  	_ =	shalt  }
0x58: {  	_ =	shalt  }
0x59: {  	_ =	shalt  }
0x5a: {  	_ =	shalt  }
0x5b: {  	_ =	shalt  }
0x5c: {  	_ =	shalt  }
0x5d: {  	_ =	shalt  }
0x5e: {  	_ =	shalt  }
0x5f: {  	_ =	shalt  }
0x60: {  	_ =	shalt  }
0x61: {  	_ =	shalt  }
0x62: {  	_ =	shalt  }
0x63: {  	_ =	shalt  }
0x64: {  	_ =	shalt  }
0x65: {  	_ =	shalt  }
0x66: {  	_ =	shalt  }
0x67: {  	_ =	shalt  }
0x68: {  	_ =	shalt  }
0x69: {  	_ =	shalt  }
0x6a: {  	_ =	shalt  }
0x6b: {  	_ =	shalt  }
0x6c: {  	_ =	shalt  }
0x6d: {  	_ =	shalt  }
0x6e: {  	_ =	shalt  }
0x6f: {  	_ =	shalt  }
0x70: {  	_ =	shalt  }
0x71: {  	_ =	shalt  }
0x72: {  	_ =	shalt  }
0x73: {  	_ =	shalt  }
0x74: {  	_ =	shalt  }
0x75: {  	_ =	shalt  }
0x76: {  	_ =	shalt  }
0x77: {  	_ =	shalt  }
0x78: {  	_ =	shalt  }
0x79: {  	_ =	shalt  }
0x7a: {  	_ =	shalt  }
0x7b: {  	_ =	shalt  }
0x7c: {  	_ =	shalt  }
0x7d: {  	_ =	shalt  }
0x7e: {  	_ =	shalt  }
0x7f: {  	_ =	shalt  }
0x80: {  	_ =	shalt  }
0x81: {  	_ =	shalt  }
0x82: {  	_ =	shalt  }
0x83: {  	_ =	shalt  }
0x84: {  	_ =	shalt  }
0x85: {  	_ =	shalt  }
0x86: {  	_ =	shalt  }
0x87: {  	_ =	shalt  }
.Lfunc_end0:
.L_simem_size_0:
called_computation.1_lowered:
.L_overlay_start_0:
0x88: {  	s2 =	sld [smem:$0x3FD9]  }
0x89: {  	s3 =	sld [smem:$0x3FFE];
	_ =	sdelay $0x1  }
0x8a: {  	s1 =	srdreg.scid  }
0x8b: {  	s0 =	sand.u32 $0x1, s1  }
0x8c: {  	s17 =	sshll.u32 s0, $0xA;
	s2 =	sadd.s32 s3, s2  }
0x8d: {  	s2 =	sadd.s32 s2, s17  }
0x8e: {  	[smem:$0x3FBD] =	sst s2  }
0x8f: {  	_ = 	snop  }
0x90: {  	s2 =	sld [smem:$0x3FD0];
	(tm) =	ssettm $0x1  }
0x91: {  	s18 =	sld [smem:$0x3FFB];
	_ =	sdelay $0x3  }
0x92: {  	_ =	strace s18  }
0x93: {  	s3 =	sld [smem:$0x3FFC];
	_ =	sdelay $0x3  }
0x94: {  	_ =	strace s3  }
0x95: {  	s3 =	sld [smem:$0x3FFD];
	_ =	sdelay $0x3  }
0x96: {  	_ =	strace s3  }
0x97: {  	_ =	strace $0x8FFFFFFF  }
0x98: {  	s19 =	sld [smem:$0x3FDB];
	_ =	sdelay $0x1  }
0x99: {  	s4 =	simm.s32 $_scs_section_size  }
0x9a: {  	s5 =	simm.s32 $_size__tile_overlayer_lowered;
	s6 =	simm.s32 $_tile_overlayer_lowered  }
0x9b: {  	s22 =	simm.s32 $0x1BFF;
	s21 =	sshll.u32 s6, $0x1;
	s3 =	sadd.s32 s4, s19  }
0x9c: {  	s7 =	simm.s32 $0x0;
	s20 =	sshll.u32 s5, $0x1;
	s5 =	sadd.s32 s21, s3  }
0x9d: {  	[timem:s7], [sflag:s22] =	dma.local [hbm:s5], s20  }
0x9e: {  	_ =	swait.ge [sflag:s22], s20  }
0x9f: {  	s4 =	ssub.s32 $0x0, s20;
	[sflag:s22] =	ssyncset.done $0x0  }
0xa0: {  	[sflag:s22] =	ssyncadd.s32 s4;
	_ =	sdelay $0x1  }
0xa1: {  	s23 =	simm.s32 $0x1B8B  }
0xa2: {  	_ =	swait.ge [sflag:s23], $0x1  }
0xa3: {  	[sflag:s23] =	ssyncset.done $0x0  }
0xa4: {  	s25 =	simm.s32 $0x1B8E;
	s24 =	sld [smem:$0x3FFE];
	[sflag:s23] =	ssyncadd.s32 $0xFFFFFFFF  }
0xa5: {  	s26 =	simm.s32 $execute0_lowered;
	[smem:$0x3FD2] =	sst s25  }
0xa6: {  	s5 =	sshll.u32 s26, $0x1;
	_ =	strace $0x80000049;
	[dreg:$0x1] =	wrdreg $0xFFFFFFFF  }
0xa7: {  	s28 =	simm.s32 $_size_execute0_lowered;
	s3 =	sadd.s32 s3, s5;
	[dreg:$0x0] =	wrdreg $0x0  }
0xa8: {  	s5 =	sshll.u32 s28, $0x1;
	[dreg:$0x2] =	wrdreg s3  }
0xa9: {  	[dreg:$0x3] =	wrdreg s5  }
0xaa: {  	[dreg:$0x4] =	wrdreg $0xC0  }
0xab: {  	_ =	task [dreg:s7], $0x5FFFF  }
0xac: {  	[dreg:$0x1] =	wrdreg $0xFFFFFFFF  }
0xad: {  	[dreg:$0x0] =	wrdreg $0x60  }
0xae: {  	[dreg:$0x2] =	wrdreg s24  }
0xaf: {  	[dreg:$0x3] =	wrdreg s2  }
0xb0: {  	[dreg:$0x4] =	wrdreg $0xC0000  }
0xb1: {  	[dreg:$0x5] =	wrdreg $0x9  }
0xb2: {  	_ =	task.clear_ibuf [dreg:s7], $0x6FFFF;
	_ =	strace $0x90000049  }
0xb3: {  	s29 =	simm.s32 $0x9;
	_ =	strace $0x8000004B  }
0xb4: {  	_ =	swait.ge [sflag:s29], $0x1  }
0xb5: {  	[sflag:s29] =	ssyncadd.s32 $0xFFFFFFFF  }
0xb6: {  	_ =	strace $0x9000004B  }
0xb7: {  	_ =	sfence  }
0xb8: {  	s30 =	sld [smem:$0x0];
	_ =	sdelay $0x2  }
0xb9: {  	s31 =	sshll.u32 s1, $0xD;
	s1 =	sshrl.u32 s1, $0x2  }
0xba: {  	s3 =	sand.u32 $0x4000, s31;
	s1 =	sadd.s32 s1, s30  }
0xbb: {  	s0 =	sor.u32 s3, s0;
	s1 =	sshll.u32 s1, $0x11  }
0xbc: {  	s0 =	sor.u32 s1, s0  }
0xbd: {  	s0 =	sadd.s32 $0x8F2B, s0  }
0xbe: {  	[sflag:s0] =	ssyncadd.remote.s32 $0x1  }
0xbf: {  	_ =	sfence.sel $0xFFFF  }
0xc0: {  	[dreg:$0x0] =	wrdreg $0xFFFFFFFF;
	(pc) =	sbr.abs _section_cstart, $3  }
0xc1: {  	[dreg:$0x1] =	wrdreg $0xFFFFFFFF  }
0xc2: {  	_ =	task.clear_ibuf [dreg:s7], $0x2FFFF;
	_ =	strace $0x9FFFFFFF  }
0xc3: {  	(tm) =	ssettm $0x7FFFFFFF  }
tec
execute0_lowered:
.L_overlay_start_1:
0x0: {  	(tag) =	ssettag $0x1  }
0x1: {  	s0 =	rddreg [dreg:$0x0]  }
0x2: {  	s4 =	rddreg [dreg:$0x1]  }
0x3: {  	s1 =	rddreg [dreg:$0x2];
	s3 =	simm.s32 $0x0  }
0x4: {  	s25 =	simm.s32 $0x80;
	[smem:$0x7FF] =	sst s3  }
0x5: {  	s26 =	simm.s32 $0x100;
	_ =	strace $0x8000004A;
	[dreg:$0x6] =	wrdreg s25  }
0x6: {  	s8 =	simm.s32 $0x200;
	[dreg:$0x7] =	wrdreg s26  }
0x7: {  	s10 =	simm.s32 $0x1180;
	[dreg:$0xb] =	wrdreg s8  }
0x8: {  	s11 =	simm.s32 $0x280;
	[dreg:$0xc] =	wrdreg s10  }
0x9: {  	s12 =	simm.s32 $0x1200;
	[dreg:$0xd] =	wrdreg s11  }
0xa: {  	s13 =	simm.s32 $0x300;
	[dreg:$0xe] =	wrdreg s12  }
0xb: {  	s14 =	simm.s32 $0x1280;
	[dreg:$0xf] =	wrdreg s13  }
0xc: {  	s15 =	simm.s32 $0x380;
	[dreg:$0x10] =	wrdreg s14  }
0xd: {  	s16 =	simm.s32 $0x1300;
	[dreg:$0x11] =	wrdreg s15  }
0xe: {  	s17 =	simm.s32 $0x400;
	[dreg:$0x12] =	wrdreg s16  }
0xf: {  	s18 =	simm.s32 $0x1380;
	[dreg:$0x13] =	wrdreg s17  }
0x10: {  	s19 =	simm.s32 $0x480;
	[dreg:$0x14] =	wrdreg s18  }
0x11: {  	s20 =	simm.s32 $0x1400;
	[dreg:$0x15] =	wrdreg s19  }
0x12: {  	s21 =	simm.s32 $0x500;
	[dreg:$0x16] =	wrdreg s20  }
0x13: {  	s22 =	simm.s32 $0x1480;
	[dreg:$0x17] =	wrdreg s21  }
0x14: {  	s23 =	simm.s32 $0x580;
	[dreg:$0x18] =	wrdreg s22  }
0x15: {  	[dreg:$0x19] =	wrdreg s23;
	s26 =	simm.s32 $0x600  }
0x16: {  	s8 =	simm.s32 $0x1580;
	[dreg:$0x1b] =	wrdreg s26  }
0x17: {  	s2 =	srdreg.scid;
	s10 =	simm.s32 $0x680;
	[dreg:$0x1c] =	wrdreg s8  }
0x18: {  	s9 =	stileid.u32;
	s11 =	simm.s32 $0x1600;
	[dreg:$0x1d] =	wrdreg s10  }
0x19: {  	s28 =	simm.s32 $0x8;
	s13 =	simm.s32 $0x700;
	[dreg:$0x1e] =	wrdreg s11  }
0x1a: {  	s29 =	simm.s32 $0xE00;
	s15 =	simm.s32 $0x1680;
	[dreg:$0x1f] =	wrdreg s13  }
0x1b: {  	s30 =	simm.s32 $0x1D80;
	s16 =	simm.s32 $0x780;
	[smem:$0x7DC] =	sst s15  }
0x1c: {  	s31 =	simm.s32 $0xE80;
	s18 =	simm.s32 $0x1700;
	[smem:$0x7DD] =	sst s16  }
0x1d: {  	s2 =	sand.u32 $0x1, s2;
	s19 =	simm.s32 $0x800;
	[smem:$0x7DE] =	sst s18  }
0x1e: {  	s5 =	sshll.u32 s2, $0x10;
	s21 =	simm.s32 $0x1780;
	[smem:$0x7DF] =	sst s19  }
0x1f: {  	s22 =	simm.s32 $0x880;
	s6 =	sadd.s32 s5, s0;
	[smem:$0x7E0] =	sst s21  }
0x20: {  	s4 =	sadd.s32 s4, s5;
	s5 =	simm.s32 $0x180;
	[smem:$0x7E1] =	sst s22  }
0x21: {  	s7 =	sshll.u32 s9, $0xC;
	s26 =	simm.s32 $0x900;
	[dreg:$0x8] =	wrdreg s5  }
0x22: {  	p0 =	sne.s32 s9, $0xF;
	s8 =	simm.s32 $0x980;
	[smem:$0x7E3] =	sst s26  }
0x23: {  	s25 =	smul.u32 $0x27100, s2;
	s10 =	simm.s32 $0x1900;
	[smem:$0x7E5] =	sst s8  }
0x24: {  	s2 =	ssub.s32 $0x2, s2;
	s11 =	simm.s32 $0xA00;
	[smem:$0x7E6] =	sst s10  }
0x25: {  	s14 =	smul.u32 $0x50000, s9;
	s13 =	simm.s32 $0xA80;
	[smem:$0x7E7] =	sst s11  }
0x26: {  	s20 =	sshll.u32 s9, $0x6;
	s15 =	simm.s32 $0x1A00;
	[smem:$0x7EB] =	sst s13  }
0x27: {  	s12 =	sshrl.u32 s2, $0x1;
	s16 =	simm.s32 $0xB00;
	[smem:$0x7EC] =	sst s15  }
0x28: {  	s23 =	sor.u32 $0x1C09, s20;
	s18 =	simm.s32 $0xB80;
	[smem:$0x7ED] =	sst s16  }
0x29: {  	s19 =	simm.s32 $0x1B00;
	s20 =	simm.s32 $0xC00;
	[smem:$0x7EF] =	sst s18  }
0x2a: {  	s21 =	simm.s32 $0x1B80;
	s22 =	simm.s32 $0xC80;
	[smem:$0x7F0] =	sst s19  }
0x2b: {  	s6 =	sadd.s32 $0x2400, s6;
	s4 =	sadd.s32 s7, s4;
	[smem:$0x7F1] =	sst s20  }
0x2c: {  	s2 =	ssub.s32 s2, s12;
	s17 =	sshrl.u32 s14, $0x2;
	[smem:$0x7F2] =	sst s21  }
0x2d: {  	s8 =	sadd.s32 $0x138000, s1;
	s12 =	simm.s32 $0x1980;
	[smem:$0x7F3] =	sst s22  }
0x2e: {  	s10 =	simm.s32 $0x9;
	s11 =	simm.s32 $0x1000;
	[smem:$0x7FD] =	sst s23  }
0x2f: {  	s13 =	simm.s32 $0x2000;
	s15 =	simm.s32 $0x7000;
	[dreg:$0x5] =	wrdreg s4  }
0x30: {  	s16 =	simm.s32 $0x9800;
	s26 =	simm.s32 $0xD00;
	[smem:$0x7E9] =	sst s12  }
0x31: {  	s18 =	simm.s32 $0x2;
	s22 =	simm.s32 $0x1D00;
	[smem:$0x7F5] =	sst s26  }
0x32: {  	s19 =	simm.s32 $0x3;
	s24 =	sadd.s32 s7, s6;
	[smem:$0x7F8] =	sst s22  }
0x33: {  	s20 =	simm.s32 $0x5;
	s6 =	simm.s32 $0x1080;
	[dreg:$0x4] =	wrdreg s24  }
0x34: {  	s21 =	simm.s32 $0x4;
	s7 =	simm.s32 $0x1100;
	[dreg:$0x9] =	wrdreg s6  }
0x35: {  	s5 =	sadd.s32 s17, s1;
	s4 =	simm.s32 $0x1880;
	[dreg:$0xa] =	wrdreg s7  }
0x36: {  	s2 =	smax.u32 s2, $0x1;
	s17 =	simm.s32 $0x1A80;
	[smem:$0x7E4] =	sst s4  }
0x37: {  	s12 =	simm.s32 $0x50;
	s22 =	simm.s32 $0x6;
	[smem:$0x7E8] =	sst s2  }
0x38: {  	s24 =	simm.s32 $0x1500;
	s7 =	sadd.s32 $0xBE800, s0;
	[smem:$0x7EE] =	sst s17  }
0x39: {  	s0 =	sadd.s32 s25, s0;
	s25 =	smul.u32 $0x4E000, s9;
	[dreg:$0x1a] =	wrdreg s24  }
0x3a: {  	s14 =	sshrl.u32 s5, $0x3;
	s17 =	simm.s32 $0x1;
	[smem:$0x7DB] =	sst s7  }
0x3b: {  	s2 =	simm.s32 $0x1C80;
	s5 =	simm.s32 $0xD80;
	[smem:$0x7EA] =	sst s14  }
0x3c: {  	s6 =	sadd.s32 $0x70600, s0;
	s24 =	simm.s32 $0x1800;
	[smem:$0x7F6] =	sst s2  }
0x3d: {  	s14 =	simm.s32 $0x4800;
	[smem:$0x7F7] =	sst s5;
	s2 =	simm.s32 $0xF00  }
0x3e: {  	[smem:$0x7E2] =	sst s24;
	s7 =	sshrl.u32 s25, $0x2;
	s25 =	simm.s32 $0x1C00  }
0x3f: {  	s24 =	sadd.s32 $0xC1000, s0;
	s0 =	sshrl.u32 @!p0 s8, $0x3;
	[smem:$0x7F4] =	sst s25  }
0x40: {  	s8 =	simm.s32 $0xF80;
	s4 =	sadd.s32 s7, s1;
	[smem:$0x7F9] =	sst s24  }
0x41: {  	s7 =	smul.u32 $0x2700, s9;
	[smem:$0x7FC] =	sst s0;
	s0 =	simm.s32 $0x1E00  }
0x42: {  	s9 =	simm.s32 $0x1F00;
	s26 =	sshrl.u32 s4, $0x3;
	s4 =	simm.s32 $0x1E80  }
0x43: {  	s25 =	sadd.s32 s7, s24;
	[smem:$0x7FB] =	sst s26;
	s26 =	simm.s32 $0x7  }
0x44: {  	s7 =	simm.s32 $0x1F80;
	[smem:$0x7FA] =	sst s25;
	s25 =	simm.s32 $0x0  }
.LBB2_1:
0x45: {  	s5 =	sld [smem:$0x7DB]  }
0x46: {  	s24 =	sld [smem:$0x7EA];
	_ =	sdelay $0x1  }
0x47: {  	[smem:$0x7DA] =	sst s25  }
0x48: {  	[spmem:s24], [sflag:s23] =	dma.local [hbm:s5], $0x2800  }
0x49: {  	_ =	swait.ge [sflag:s10], $0x2800  }
0x4a: {  	[sflag:s10] =	ssyncset.done $0x0  }
0x4b: {  	[sflag:s10] =	ssyncadd.s32 $0xFFFFD800  }
0x4c: {  	[bflag:$0x0] =	sbarrier.arrive $0xFFFF  }
0x4d: {  	s25 =	rddreg [dreg:$0x4]  }
0x4e: {  	s5 =	sadd.s32 $0x0, s25  }
0x4f: {  	[tilespmem:s3], [sflag:$0x9] =	stream.linear.gather [hbm4b:s5+s3], $0x1000, $0x38;
	v63 =	vld [tilespmem:$0x0]  }
0x50: {  	_ =	swait.ge [sflag:s10], $0x1000  }
0x51: {  	s23 =	rddreg [dreg:$0x5];
	[sflag:s10] =	ssyncset.done $0x0  }
0x52: {  	[sflag:s10] =	ssyncadd.s32 $0xFFFFF000;
	s5 =	sadd.s32 $0x0, s23  }
0x53: {  	[tilespmem:s11], [sflag:$0x9] =	stream.linear.gather [hbm4b:s5+s3], $0x1000, $0x38;
	v63 =	vld [tilespmem:$0x0]  }
0x54: {  	_ =	swait.ge [sflag:s10], $0x1000  }
0x55: {  	[sflag:s10] =	ssyncset.done $0x0  }
0x56: {  	[sflag:s10] =	ssyncadd.s32 $0xFFFFF000  }
0x57: {  	[tilespmem:s13], [sflag:$0x1] =	stream.indirect.gather [hbm4b:s6+s12], $0x80, s3, s12, $0xb8;
	v63 =	vld [tilespmem:$0x0]  }
0x58: {  	s24 =	rddreg [dreg:$0x6]  }
0x59: {  	[tilespmem:s14], [sflag:$0x2] =	stream.indirect.gather [hbm4b:s6+s12], $0x80, s24, s12, $0xb8;
	v63 =	vld [tilespmem:$0x0]  }
0x5a: {  	s25 =	rddreg [dreg:$0x7]  }
0x5b: {  	[tilespmem:s15], [sflag:$0x3] =	stream.indirect.gather [hbm4b:s6+s12], $0x80, s25, s12, $0xb8;
	v63 =	vld [tilespmem:$0x0]  }
0x5c: {  	s23 =	rddreg [dreg:$0x8]  }
0x5d: {  	[tilespmem:s16], [sflag:$0x4] =	stream.indirect.gather [hbm4b:s6+s12], $0x80, s23, s12, $0xb8;
	v63 =	vld [tilespmem:$0x0]  }
0x5e: {  	_ =	swait.ge [sflag:s17], $0x2800  }
0x5f: {  	[sflag:s17] =	ssyncset.done $0x0  }
0x60: {  	[sflag:s17] =	ssyncadd.s32 $0xFFFFD800  }
0x61: {  	[spmem:s1] =	stream.indirect.scatter.add.f32 [tilespmem:s13], [sflag:$0x5], $0x80, s11, s12, $0xb8;
	v63 =	vld [tilespmem:$0x0]  }
0x62: {  	_ =	swait.ge [sflag:s18], $0x2800  }
0x63: {  	[sflag:s18] =	ssyncset.done $0x0  }
0x64: {  	s24 =	rddreg [dreg:$0x9];
	[sflag:s18] =	ssyncadd.s32 $0xFFFFD800  }
0x65: {  	[spmem:s1] =	stream.indirect.scatter.add.f32 [tilespmem:s14], [sflag:$0x6], $0x80, s24, s12, $0xb8;
	v63 =	vld [tilespmem:$0x0]  }
0x66: {  	_ =	swait.ge [sflag:s19], $0x2800  }
0x67: {  	[sflag:s19] =	ssyncset.done $0x0  }
0x68: {  	s25 =	rddreg [dreg:$0xa];
	[sflag:s19] =	ssyncadd.s32 $0xFFFFD800  }
0x69: {  	[spmem:s1] =	stream.indirect.scatter.add.f32 [tilespmem:s15], [sflag:$0x7], $0x80, s25, s12, $0xb8;
	v63 =	vld [tilespmem:$0x0]  }
0x6a: {  	_ =	swait.ge [sflag:s20], $0x2800  }
0x6b: {  	[sflag:s20] =	ssyncset.done $0x0  }
0x6c: {  	s23 =	rddreg [dreg:$0xb];
	[sflag:s20] =	ssyncadd.s32 $0xFFFFD800  }
0x6d: {  	[tilespmem:s13], [sflag:$0x1] =	stream.indirect.gather [hbm4b:s6+s12], $0x80, s23, s12, $0xb8;
	v63 =	vld [tilespmem:$0x0]  }
0x6e: {  	_ =	swait.ge [sflag:s21], $0x2800  }
0x6f: {  	[sflag:s21] =	ssyncset.done $0x0  }
0x70: {  	s24 =	rddreg [dreg:$0xc];
	[sflag:s21] =	ssyncadd.s32 $0xFFFFD800  }
0x71: {  	[spmem:s1] =	stream.indirect.scatter.add.f32 [tilespmem:s16], [sflag:$0x8], $0x80, s24, s12, $0xb8;
	v63 =	vld [tilespmem:$0x0]  }
0x72: {  	_ =	swait.ge [sflag:s22], $0x2800  }
0x73: {  	[sflag:s22] =	ssyncset.done $0x0  }
0x74: {  	s25 =	rddreg [dreg:$0xd];
	[sflag:s22] =	ssyncadd.s32 $0xFFFFD800  }
0x75: {  	[tilespmem:s14], [sflag:$0x2] =	stream.indirect.gather [hbm4b:s6+s12], $0x80, s25, s12, $0xb8;
	v63 =	vld [tilespmem:$0x0]  }
0x76: {  	_ =	swait.ge [sflag:s17], $0x2800  }
0x77: {  	[sflag:s17] =	ssyncset.done $0x0  }
0x78: {  	s23 =	rddreg [dreg:$0xe];
	[sflag:s17] =	ssyncadd.s32 $0xFFFFD800  }
0x79: {  	[spmem:s1] =	stream.indirect.scatter.add.f32 [tilespmem:s13], [sflag:$0x5], $0x80, s23, s12, $0xb8;
	v63 =	vld [tilespmem:$0x0]  }
0x7a: {  	_ =	swait.ge [sflag:s26], $0x2800  }
0x7b: {  	[sflag:s26] =	ssyncset.done $0x0  }
0x7c: {  	s24 =	rddreg [dreg:$0xf];
	[sflag:s26] =	ssyncadd.s32 $0xFFFFD800  }
0x7d: {  	[tilespmem:s15], [sflag:$0x3] =	stream.indirect.gather [hbm4b:s6+s12], $0x80, s24, s12, $0xb8;
	v63 =	vld [tilespmem:$0x0]  }
0x7e: {  	_ =	swait.ge [sflag:s18], $0x2800  }
0x7f: {  	[sflag:s18] =	ssyncset.done $0x0  }
0x80: {  	s25 =	rddreg [dreg:$0x10];
	[sflag:s18] =	ssyncadd.s32 $0xFFFFD800  }
0x81: {  	[spmem:s1] =	stream.indirect.scatter.add.f32 [tilespmem:s14], [sflag:$0x6], $0x80, s25, s12, $0xb8;
	v63 =	vld [tilespmem:$0x0]  }
0x82: {  	_ =	swait.ge [sflag:s28], $0x2800  }
0x83: {  	[sflag:s28] =	ssyncset.done $0x0  }
0x84: {  	s23 =	rddreg [dreg:$0x11];
	[sflag:s28] =	ssyncadd.s32 $0xFFFFD800  }
0x85: {  	[tilespmem:s16], [sflag:$0x4] =	stream.indirect.gather [hbm4b:s6+s12], $0x80, s23, s12, $0xb8;
	v63 =	vld [tilespmem:$0x0]  }
0x86: {  	_ =	swait.ge [sflag:s19], $0x2800  }
0x87: {  	[sflag:s19] =	ssyncset.done $0x0  }
0x88: {  	s24 =	rddreg [dreg:$0x12];
	[sflag:s19] =	ssyncadd.s32 $0xFFFFD800  }
0x89: {  	[spmem:s1] =	stream.indirect.scatter.add.f32 [tilespmem:s15], [sflag:$0x7], $0x80, s24, s12, $0xb8;
	v63 =	vld [tilespmem:$0x0]  }
0x8a: {  	_ =	swait.ge [sflag:s20], $0x2800  }
0x8b: {  	[sflag:s20] =	ssyncset.done $0x0  }
0x8c: {  	s25 =	rddreg [dreg:$0x13];
	[sflag:s20] =	ssyncadd.s32 $0xFFFFD800  }
0x8d: {  	[tilespmem:s13], [sflag:$0x1] =	stream.indirect.gather [hbm4b:s6+s12], $0x80, s25, s12, $0xb8;
	v63 =	vld [tilespmem:$0x0]  }
0x8e: {  	_ =	swait.ge [sflag:s21], $0x2800  }
0x8f: {  	[sflag:s21] =	ssyncset.done $0x0  }
0x90: {  	s23 =	rddreg [dreg:$0x14];
	[sflag:s21] =	ssyncadd.s32 $0xFFFFD800  }
0x91: {  	[spmem:s1] =	stream.indirect.scatter.add.f32 [tilespmem:s16], [sflag:$0x8], $0x80, s23, s12, $0xb8;
	v63 =	vld [tilespmem:$0x0]  }
0x92: {  	_ =	swait.ge [sflag:s22], $0x2800  }
0x93: {  	[sflag:s22] =	ssyncset.done $0x0  }
0x94: {  	s24 =	rddreg [dreg:$0x15];
	[sflag:s22] =	ssyncadd.s32 $0xFFFFD800  }
0x95: {  	[tilespmem:s14], [sflag:$0x2] =	stream.indirect.gather [hbm4b:s6+s12], $0x80, s24, s12, $0xb8;
	v63 =	vld [tilespmem:$0x0]  }
0x96: {  	_ =	swait.ge [sflag:s17], $0x2800  }
0x97: {  	[sflag:s17] =	ssyncset.done $0x0  }
0x98: {  	s25 =	rddreg [dreg:$0x16];
	[sflag:s17] =	ssyncadd.s32 $0xFFFFD800  }
0x99: {  	[spmem:s1] =	stream.indirect.scatter.add.f32 [tilespmem:s13], [sflag:$0x5], $0x80, s25, s12, $0xb8;
	v63 =	vld [tilespmem:$0x0]  }
0x9a: {  	_ =	swait.ge [sflag:s26], $0x2800  }
0x9b: {  	[sflag:s26] =	ssyncset.done $0x0  }
0x9c: {  	s23 =	rddreg [dreg:$0x17];
	[sflag:s26] =	ssyncadd.s32 $0xFFFFD800  }
0x9d: {  	[tilespmem:s15], [sflag:$0x3] =	stream.indirect.gather [hbm4b:s6+s12], $0x80, s23, s12, $0xb8;
	v63 =	vld [tilespmem:$0x0]  }
0x9e: {  	_ =	swait.ge [sflag:s18], $0x2800  }
0x9f: {  	[sflag:s18] =	ssyncset.done $0x0  }
0xa0: {  	s24 =	rddreg [dreg:$0x18];
	[sflag:s18] =	ssyncadd.s32 $0xFFFFD800  }
0xa1: {  	[spmem:s1] =	stream.indirect.scatter.add.f32 [tilespmem:s14], [sflag:$0x6], $0x80, s24, s12, $0xb8;
	v63 =	vld [tilespmem:$0x0]  }
0xa2: {  	_ =	swait.ge [sflag:s28], $0x2800  }
0xa3: {  	[sflag:s28] =	ssyncset.done $0x0  }
0xa4: {  	s25 =	rddreg [dreg:$0x19];
	[sflag:s28] =	ssyncadd.s32 $0xFFFFD800  }
0xa5: {  	[tilespmem:s16], [sflag:$0x4] =	stream.indirect.gather [hbm4b:s6+s12], $0x80, s25, s12, $0xb8;
	v63 =	vld [tilespmem:$0x0]  }
0xa6: {  	_ =	swait.ge [sflag:s19], $0x2800  }
0xa7: {  	[sflag:s19] =	ssyncset.done $0x0  }
0xa8: {  	s23 =	rddreg [dreg:$0x1a];
	[sflag:s19] =	ssyncadd.s32 $0xFFFFD800  }
0xa9: {  	[spmem:s1] =	stream.indirect.scatter.add.f32 [tilespmem:s15], [sflag:$0x7], $0x80, s23, s12, $0xb8;
	v63 =	vld [tilespmem:$0x0]  }
0xaa: {  	_ =	swait.ge [sflag:s20], $0x2800  }
0xab: {  	[sflag:s20] =	ssyncset.done $0x0  }
0xac: {  	s24 =	rddreg [dreg:$0x1b];
	[sflag:s20] =	ssyncadd.s32 $0xFFFFD800  }
0xad: {  	[tilespmem:s13], [sflag:$0x1] =	stream.indirect.gather [hbm4b:s6+s12], $0x80, s24, s12, $0xb8;
	v63 =	vld [tilespmem:$0x0]  }
0xae: {  	_ =	swait.ge [sflag:s21], $0x2800  }
0xaf: {  	[sflag:s21] =	ssyncset.done $0x0  }
0xb0: {  	s25 =	rddreg [dreg:$0x1c];
	[sflag:s21] =	ssyncadd.s32 $0xFFFFD800  }
0xb1: {  	[spmem:s1] =	stream.indirect.scatter.add.f32 [tilespmem:s16], [sflag:$0x8], $0x80, s25, s12, $0xb8;
	v63 =	vld [tilespmem:$0x0]  }
0xb2: {  	_ =	swait.ge [sflag:s22], $0x2800  }
0xb3: {  	[sflag:s22] =	ssyncset.done $0x0  }
0xb4: {  	s23 =	rddreg [dreg:$0x1d];
	[sflag:s22] =	ssyncadd.s32 $0xFFFFD800  }
0xb5: {  	[tilespmem:s14], [sflag:$0x2] =	stream.indirect.gather [hbm4b:s6+s12], $0x80, s23, s12, $0xb8;
	v63 =	vld [tilespmem:$0x0]  }
0xb6: {  	_ =	swait.ge [sflag:s17], $0x2800  }
0xb7: {  	[sflag:s17] =	ssyncset.done $0x0  }
0xb8: {  	s24 =	rddreg [dreg:$0x1e];
	[sflag:s17] =	ssyncadd.s32 $0xFFFFD800  }
0xb9: {  	[spmem:s1] =	stream.indirect.scatter.add.f32 [tilespmem:s13], [sflag:$0x5], $0x80, s24, s12, $0xb8;
	v63 =	vld [tilespmem:$0x0]  }
0xba: {  	_ =	swait.ge [sflag:s26], $0x2800  }
0xbb: {  	[sflag:s26] =	ssyncset.done $0x0  }
0xbc: {  	s25 =	rddreg [dreg:$0x1f];
	[sflag:s26] =	ssyncadd.s32 $0xFFFFD800  }
0xbd: {  	[tilespmem:s15], [sflag:$0x3] =	stream.indirect.gather [hbm4b:s6+s12], $0x80, s25, s12, $0xb8;
	v63 =	vld [tilespmem:$0x0]  }
0xbe: {  	_ =	swait.ge [sflag:s18], $0x2800  }
0xbf: {  	s23 =	sld [smem:$0x7DC]  }
0xc0: {  	[sflag:s18] =	ssyncset.done $0x0  }
0xc1: {  	[sflag:s18] =	ssyncadd.s32 $0xFFFFD800  }
0xc2: {  	[spmem:s1] =	stream.indirect.scatter.add.f32 [tilespmem:s14], [sflag:$0x6], $0x80, s23, s12, $0xb8;
	v63 =	vld [tilespmem:$0x0]  }
0xc3: {  	_ =	swait.ge [sflag:s28], $0x2800  }
0xc4: {  	s24 =	sld [smem:$0x7DD]  }
0xc5: {  	[sflag:s28] =	ssyncset.done $0x0  }
0xc6: {  	[sflag:s28] =	ssyncadd.s32 $0xFFFFD800  }
0xc7: {  	[tilespmem:s16], [sflag:$0x4] =	stream.indirect.gather [hbm4b:s6+s12], $0x80, s24, s12, $0xb8;
	v63 =	vld [tilespmem:$0x0]  }
0xc8: {  	_ =	swait.ge [sflag:s19], $0x2800  }
0xc9: {  	s25 =	sld [smem:$0x7DE]  }
0xca: {  	[sflag:s19] =	ssyncset.done $0x0  }
0xcb: {  	[sflag:s19] =	ssyncadd.s32 $0xFFFFD800  }
0xcc: {  	[spmem:s1] =	stream.indirect.scatter.add.f32 [tilespmem:s15], [sflag:$0x7], $0x80, s25, s12, $0xb8;
	v63 =	vld [tilespmem:$0x0]  }
0xcd: {  	_ =	swait.ge [sflag:s20], $0x2800  }
0xce: {  	s23 =	sld [smem:$0x7DF]  }
0xcf: {  	[sflag:s20] =	ssyncset.done $0x0  }
0xd0: {  	[sflag:s20] =	ssyncadd.s32 $0xFFFFD800  }
0xd1: {  	[tilespmem:s13], [sflag:$0x1] =	stream.indirect.gather [hbm4b:s6+s12], $0x80, s23, s12, $0xb8;
	v63 =	vld [tilespmem:$0x0]  }
0xd2: {  	_ =	swait.ge [sflag:s21], $0x2800  }
0xd3: {  	s24 =	sld [smem:$0x7E0]  }
0xd4: {  	[sflag:s21] =	ssyncset.done $0x0  }
0xd5: {  	[sflag:s21] =	ssyncadd.s32 $0xFFFFD800  }
0xd6: {  	[spmem:s1] =	stream.indirect.scatter.add.f32 [tilespmem:s16], [sflag:$0x8], $0x80, s24, s12, $0xb8;
	v63 =	vld [tilespmem:$0x0]  }
0xd7: {  	_ =	swait.ge [sflag:s22], $0x2800  }
0xd8: {  	s25 =	sld [smem:$0x7E1]  }
0xd9: {  	[sflag:s22] =	ssyncset.done $0x0  }
0xda: {  	[sflag:s22] =	ssyncadd.s32 $0xFFFFD800  }
0xdb: {  	[tilespmem:s14], [sflag:$0x2] =	stream.indirect.gather [hbm4b:s6+s12], $0x80, s25, s12, $0xb8;
	v63 =	vld [tilespmem:$0x0]  }
0xdc: {  	_ =	swait.ge [sflag:s17], $0x2800  }
0xdd: {  	s23 =	sld [smem:$0x7E2]  }
0xde: {  	[sflag:s17] =	ssyncset.done $0x0  }
0xdf: {  	[sflag:s17] =	ssyncadd.s32 $0xFFFFD800  }
0xe0: {  	[spmem:s1] =	stream.indirect.scatter.add.f32 [tilespmem:s13], [sflag:$0x5], $0x80, s23, s12, $0xb8;
	v63 =	vld [tilespmem:$0x0]  }
0xe1: {  	_ =	swait.ge [sflag:s26], $0x2800  }
0xe2: {  	s24 =	sld [smem:$0x7E3]  }
0xe3: {  	[sflag:s26] =	ssyncset.done $0x0  }
0xe4: {  	[sflag:s26] =	ssyncadd.s32 $0xFFFFD800  }
0xe5: {  	[tilespmem:s15], [sflag:$0x3] =	stream.indirect.gather [hbm4b:s6+s12], $0x80, s24, s12, $0xb8;
	v63 =	vld [tilespmem:$0x0]  }
0xe6: {  	_ =	swait.ge [sflag:s18], $0x2800  }
0xe7: {  	s25 =	sld [smem:$0x7E4]  }
0xe8: {  	[sflag:s18] =	ssyncset.done $0x0  }
0xe9: {  	[sflag:s18] =	ssyncadd.s32 $0xFFFFD800  }
0xea: {  	[spmem:s1] =	stream.indirect.scatter.add.f32 [tilespmem:s14], [sflag:$0x6], $0x80, s25, s12, $0xb8;
	v63 =	vld [tilespmem:$0x0]  }
0xeb: {  	_ =	swait.ge [sflag:s28], $0x2800  }
0xec: {  	s23 =	sld [smem:$0x7E5]  }
0xed: {  	[sflag:s28] =	ssyncset.done $0x0  }
0xee: {  	[sflag:s28] =	ssyncadd.s32 $0xFFFFD800  }
0xef: {  	[tilespmem:s16], [sflag:$0x4] =	stream.indirect.gather [hbm4b:s6+s12], $0x80, s23, s12, $0xb8;
	v63 =	vld [tilespmem:$0x0]  }
0xf0: {  	_ =	swait.ge [sflag:s19], $0x2800  }
0xf1: {  	s24 =	sld [smem:$0x7E6]  }
0xf2: {  	[sflag:s19] =	ssyncset.done $0x0  }
0xf3: {  	[sflag:s19] =	ssyncadd.s32 $0xFFFFD800  }
0xf4: {  	[spmem:s1] =	stream.indirect.scatter.add.f32 [tilespmem:s15], [sflag:$0x7], $0x80, s24, s12, $0xb8;
	v63 =	vld [tilespmem:$0x0]  }
0xf5: {  	_ =	swait.ge [sflag:s20], $0x2800  }
0xf6: {  	s25 =	sld [smem:$0x7E7]  }
0xf7: {  	[sflag:s20] =	ssyncset.done $0x0  }
0xf8: {  	[sflag:s20] =	ssyncadd.s32 $0xFFFFD800  }
0xf9: {  	[tilespmem:s13], [sflag:$0x1] =	stream.indirect.gather [hbm4b:s6+s12], $0x80, s25, s12, $0xb8;
	v63 =	vld [tilespmem:$0x0]  }
0xfa: {  	_ =	swait.ge [sflag:s21], $0x2800  }
0xfb: {  	s23 =	sld [smem:$0x7E9]  }
0xfc: {  	[sflag:s21] =	ssyncset.done $0x0  }
0xfd: {  	[sflag:s21] =	ssyncadd.s32 $0xFFFFD800  }
0xfe: {  	[spmem:s1] =	stream.indirect.scatter.add.f32 [tilespmem:s16], [sflag:$0x8], $0x80, s23, s12, $0xb8;
	v63 =	vld [tilespmem:$0x0]  }
0xff: {  	_ =	swait.ge [sflag:s22], $0x2800  }
0x100: {  	s24 =	sld [smem:$0x7EB]  }
0x101: {  	[sflag:s22] =	ssyncset.done $0x0  }
0x102: {  	[sflag:s22] =	ssyncadd.s32 $0xFFFFD800  }
0x103: {  	[tilespmem:s14], [sflag:$0x2] =	stream.indirect.gather [hbm4b:s6+s12], $0x80, s24, s12, $0xb8;
	v63 =	vld [tilespmem:$0x0]  }
0x104: {  	_ =	swait.ge [sflag:s17], $0x2800  }
0x105: {  	s25 =	sld [smem:$0x7EC]  }
0x106: {  	[sflag:s17] =	ssyncset.done $0x0  }
0x107: {  	[sflag:s17] =	ssyncadd.s32 $0xFFFFD800  }
0x108: {  	[spmem:s1] =	stream.indirect.scatter.add.f32 [tilespmem:s13], [sflag:$0x5], $0x80, s25, s12, $0xb8;
	v63 =	vld [tilespmem:$0x0]  }
0x109: {  	_ =	swait.ge [sflag:s26], $0x2800  }
0x10a: {  	s23 =	sld [smem:$0x7ED]  }
0x10b: {  	[sflag:s26] =	ssyncset.done $0x0  }
0x10c: {  	[sflag:s26] =	ssyncadd.s32 $0xFFFFD800  }
0x10d: {  	[tilespmem:s15], [sflag:$0x3] =	stream.indirect.gather [hbm4b:s6+s12], $0x80, s23, s12, $0xb8;
	v63 =	vld [tilespmem:$0x0]  }
0x10e: {  	_ =	swait.ge [sflag:s18], $0x2800  }
0x10f: {  	s24 =	sld [smem:$0x7EE]  }
0x110: {  	[sflag:s18] =	ssyncset.done $0x0  }
0x111: {  	[sflag:s18] =	ssyncadd.s32 $0xFFFFD800  }
0x112: {  	[spmem:s1] =	stream.indirect.scatter.add.f32 [tilespmem:s14], [sflag:$0x6], $0x80, s24, s12, $0xb8;
	v63 =	vld [tilespmem:$0x0]  }
0x113: {  	_ =	swait.ge [sflag:s28], $0x2800  }
0x114: {  	s25 =	sld [smem:$0x7EF]  }
0x115: {  	[sflag:s28] =	ssyncset.done $0x0  }
0x116: {  	[sflag:s28] =	ssyncadd.s32 $0xFFFFD800  }
0x117: {  	[tilespmem:s16], [sflag:$0x4] =	stream.indirect.gather [hbm4b:s6+s12], $0x80, s25, s12, $0xb8;
	v63 =	vld [tilespmem:$0x0]  }
0x118: {  	_ =	swait.ge [sflag:s19], $0x2800  }
0x119: {  	s23 =	sld [smem:$0x7F0]  }
0x11a: {  	[sflag:s19] =	ssyncset.done $0x0  }
0x11b: {  	[sflag:s19] =	ssyncadd.s32 $0xFFFFD800  }
0x11c: {  	[spmem:s1] =	stream.indirect.scatter.add.f32 [tilespmem:s15], [sflag:$0x7], $0x80, s23, s12, $0xb8;
	v63 =	vld [tilespmem:$0x0]  }
0x11d: {  	_ =	swait.ge [sflag:s20], $0x2800  }
0x11e: {  	s24 =	sld [smem:$0x7F1]  }
0x11f: {  	[sflag:s20] =	ssyncset.done $0x0  }
0x120: {  	[sflag:s20] =	ssyncadd.s32 $0xFFFFD800  }
0x121: {  	[tilespmem:s13], [sflag:$0x1] =	stream.indirect.gather [hbm4b:s6+s12], $0x80, s24, s12, $0xb8;
	v63 =	vld [tilespmem:$0x0]  }
0x122: {  	_ =	swait.ge [sflag:s21], $0x2800  }
0x123: {  	s25 =	sld [smem:$0x7F2]  }
0x124: {  	[sflag:s21] =	ssyncset.done $0x0  }
0x125: {  	[sflag:s21] =	ssyncadd.s32 $0xFFFFD800  }
0x126: {  	[spmem:s1] =	stream.indirect.scatter.add.f32 [tilespmem:s16], [sflag:$0x8], $0x80, s25, s12, $0xb8;
	v63 =	vld [tilespmem:$0x0]  }
0x127: {  	_ =	swait.ge [sflag:s22], $0x2800  }
0x128: {  	s23 =	sld [smem:$0x7F3]  }
0x129: {  	[sflag:s22] =	ssyncset.done $0x0  }
0x12a: {  	[sflag:s22] =	ssyncadd.s32 $0xFFFFD800  }
0x12b: {  	[tilespmem:s14], [sflag:$0x2] =	stream.indirect.gather [hbm4b:s6+s12], $0x80, s23, s12, $0xb8;
	v63 =	vld [tilespmem:$0x0]  }
0x12c: {  	_ =	swait.ge [sflag:s17], $0x2800  }
0x12d: {  	s24 =	sld [smem:$0x7F4]  }
0x12e: {  	[sflag:s17] =	ssyncset.done $0x0  }
0x12f: {  	[sflag:s17] =	ssyncadd.s32 $0xFFFFD800  }
0x130: {  	[spmem:s1] =	stream.indirect.scatter.add.f32 [tilespmem:s13], [sflag:$0x5], $0x80, s24, s12, $0xb8;
	v63 =	vld [tilespmem:$0x0]  }
0x131: {  	_ =	swait.ge [sflag:s26], $0x2800  }
0x132: {  	s25 =	sld [smem:$0x7F5]  }
0x133: {  	[sflag:s26] =	ssyncset.done $0x0  }
0x134: {  	[sflag:s26] =	ssyncadd.s32 $0xFFFFD800  }
0x135: {  	[tilespmem:s15], [sflag:$0x3] =	stream.indirect.gather [hbm4b:s6+s12], $0x80, s25, s12, $0xb8;
	v63 =	vld [tilespmem:$0x0]  }
0x136: {  	_ =	swait.ge [sflag:s18], $0x2800  }
0x137: {  	s23 =	sld [smem:$0x7F6]  }
0x138: {  	[sflag:s18] =	ssyncset.done $0x0  }
0x139: {  	[sflag:s18] =	ssyncadd.s32 $0xFFFFD800  }
0x13a: {  	[spmem:s1] =	stream.indirect.scatter.add.f32 [tilespmem:s14], [sflag:$0x6], $0x80, s23, s12, $0xb8;
	v63 =	vld [tilespmem:$0x0]  }
0x13b: {  	_ =	swait.ge [sflag:s28], $0x2800  }
0x13c: {  	s24 =	sld [smem:$0x7F7]  }
0x13d: {  	[sflag:s28] =	ssyncset.done $0x0  }
0x13e: {  	[sflag:s28] =	ssyncadd.s32 $0xFFFFD800  }
0x13f: {  	[tilespmem:s16], [sflag:$0x4] =	stream.indirect.gather [hbm4b:s6+s12], $0x80, s24, s12, $0xb8;
	v63 =	vld [tilespmem:$0x0]  }
0x140: {  	_ =	swait.ge [sflag:s19], $0x2800  }
0x141: {  	s25 =	sld [smem:$0x7F8]  }
0x142: {  	[sflag:s19] =	ssyncset.done $0x0  }
0x143: {  	[sflag:s19] =	ssyncadd.s32 $0xFFFFD800  }
0x144: {  	[spmem:s1] =	stream.indirect.scatter.add.f32 [tilespmem:s15], [sflag:$0x7], $0x80, s25, s12, $0xb8;
	v63 =	vld [tilespmem:$0x0]  }
0x145: {  	_ =	swait.ge [sflag:s20], $0x2800  }
0x146: {  	[sflag:s20] =	ssyncset.done $0x0  }
0x147: {  	[sflag:s20] =	ssyncadd.s32 $0xFFFFD800  }
0x148: {  	[tilespmem:s13], [sflag:$0x1] =	stream.indirect.gather [hbm4b:s6+s12], $0x80, s29, s12, $0xb8;
	v63 =	vld [tilespmem:$0x0]  }
0x149: {  	_ =	swait.ge [sflag:s21], $0x2800  }
0x14a: {  	[sflag:s21] =	ssyncset.done $0x0  }
0x14b: {  	[sflag:s21] =	ssyncadd.s32 $0xFFFFD800  }
0x14c: {  	[spmem:s1] =	stream.indirect.scatter.add.f32 [tilespmem:s16], [sflag:$0x8], $0x80, s30, s12, $0xb8;
	v63 =	vld [tilespmem:$0x0]  }
0x14d: {  	_ =	swait.ge [sflag:s22], $0x2800  }
0x14e: {  	[sflag:s22] =	ssyncset.done $0x0  }
0x14f: {  	[sflag:s22] =	ssyncadd.s32 $0xFFFFD800  }
0x150: {  	[tilespmem:s14], [sflag:$0x2] =	stream.indirect.gather [hbm4b:s6+s12], $0x80, s31, s12, $0xb8;
	v63 =	vld [tilespmem:$0x0]  }
0x151: {  	_ =	swait.ge [sflag:s17], $0x2800  }
0x152: {  	[sflag:s17] =	ssyncset.done $0x0  }
0x153: {  	[sflag:s17] =	ssyncadd.s32 $0xFFFFD800  }
0x154: {  	[spmem:s1] =	stream.indirect.scatter.add.f32 [tilespmem:s13], [sflag:$0x5], $0x80, s0, s12, $0xb8;
	v63 =	vld [tilespmem:$0x0]  }
0x155: {  	_ =	swait.ge [sflag:s26], $0x2800  }
0x156: {  	[sflag:s26] =	ssyncset.done $0x0  }
0x157: {  	[sflag:s26] =	ssyncadd.s32 $0xFFFFD800  }
0x158: {  	[tilespmem:s15], [sflag:$0x3] =	stream.indirect.gather [hbm4b:s6+s12], $0x80, s2, s12, $0xb8;
	v63 =	vld [tilespmem:$0x0]  }
0x159: {  	_ =	swait.ge [sflag:s18], $0x2800  }
0x15a: {  	[sflag:s18] =	ssyncset.done $0x0  }
0x15b: {  	[sflag:s18] =	ssyncadd.s32 $0xFFFFD800  }
0x15c: {  	[spmem:s1] =	stream.indirect.scatter.add.f32 [tilespmem:s14], [sflag:$0x6], $0x80, s4, s12, $0xb8;
	v63 =	vld [tilespmem:$0x0]  }
0x15d: {  	_ =	swait.ge [sflag:s28], $0x2800  }
0x15e: {  	[sflag:s28] =	ssyncset.done $0x0  }
0x15f: {  	[sflag:s28] =	ssyncadd.s32 $0xFFFFD800  }
0x160: {  	[tilespmem:s16], [sflag:$0x4] =	stream.indirect.gather [hbm4b:s6+s12], $0x80, s8, s12, $0xb8;
	v63 =	vld [tilespmem:$0x0]  }
0x161: {  	_ =	swait.ge [sflag:s19], $0x2800  }
0x162: {  	[sflag:s19] =	ssyncset.done $0x0  }
0x163: {  	[sflag:s19] =	ssyncadd.s32 $0xFFFFD800  }
0x164: {  	[spmem:s1] =	stream.indirect.scatter.add.f32 [tilespmem:s15], [sflag:$0x7], $0x80, s9, s12, $0xb8;
	v63 =	vld [tilespmem:$0x0]  }
0x165: {  	_ =	swait.ge [sflag:s20], $0x2800  }
0x166: {  	[sflag:s20] =	ssyncset.done $0x0  }
0x167: {  	[sflag:s20] =	ssyncadd.s32 $0xFFFFD800  }
0x168: {  	_ =	swait.ge [sflag:s21], $0x2800  }
0x169: {  	[sflag:s21] =	ssyncset.done $0x0  }
0x16a: {  	[sflag:s21] =	ssyncadd.s32 $0xFFFFD800  }
0x16b: {  	[spmem:s1] =	stream.indirect.scatter.add.f32 [tilespmem:s16], [sflag:$0x8], $0x80, s7, s12, $0xb8;
	v63 =	vld [tilespmem:$0x0]  }
0x16c: {  	_ =	swait.ge [sflag:s22], $0x2800  }
0x16d: {  	[sflag:s22] =	ssyncset.done $0x0  }
0x16e: {  	[sflag:s22] =	ssyncadd.s32 $0xFFFFD800  }
0x16f: {  	_ =	swait.ge [sflag:s26], $0x2800  }
0x170: {  	[sflag:s26] =	ssyncset.done $0x0  }
0x171: {  	[sflag:s26] =	ssyncadd.s32 $0xFFFFD800  }
0x172: {  	s24 =	simm.s32 $0x200;
	_ =	swait.ge [sflag:s28], $0x2800  }
0x173: {  	s25 =	simm.s32 $0x400;
	s5 =	rddreg [dreg:$0x4];
	[sflag:s28] =	ssyncset.done $0x0  }
.LBB2_2:
0x174: {  	[sflag:s28] =	ssyncadd.s32 $0xFFFFD800;
	s5 =	sadd.s32 s24, s5  }
0x175: {  	[tilespmem:s3], [sflag:$0x9] =	stream.linear.gather [hbm4b:s5+s3], $0x1000, $0x38;
	v63 =	vld [tilespmem:$0x0]  }
0x176: {  	_ =	swait.ge [sflag:s10], $0x1000  }
0x177: {  	s5 =	rddreg [dreg:$0x5];
	[sflag:s10] =	ssyncset.done $0x0  }
0x178: {  	[sflag:s10] =	ssyncadd.s32 $0xFFFFF000;
	s5 =	sadd.s32 s24, s5  }
0x179: {  	[tilespmem:s11], [sflag:$0x9] =	stream.linear.gather [hbm4b:s5+s3], $0x1000, $0x38;
	v63 =	vld [tilespmem:$0x0]  }
0x17a: {  	_ =	swait.ge [sflag:s10], $0x1000  }
0x17b: {  	[sflag:s10] =	ssyncset.done $0x0  }
0x17c: {  	[sflag:s10] =	ssyncadd.s32 $0xFFFFF000  }
0x17d: {  	[tilespmem:s13], [sflag:$0x1] =	stream.indirect.gather [hbm4b:s6+s12], $0x80, s3, s12, $0xb8;
	v63 =	vld [tilespmem:$0x0]  }
0x17e: {  	s23 =	smov.u32 s25;
	s5 =	rddreg [dreg:$0x6]  }
0x17f: {  	[tilespmem:s14], [sflag:$0x2] =	stream.indirect.gather [hbm4b:s6+s12], $0x80, s5, s12, $0xb8;
	v63 =	vld [tilespmem:$0x0]  }
0x180: {  	s24 =	smov.u32 s23;
	s23 =	rddreg [dreg:$0x7]  }
0x181: {  	[tilespmem:s15], [sflag:$0x3] =	stream.indirect.gather [hbm4b:s6+s12], $0x80, s23, s12, $0xb8;
	v63 =	vld [tilespmem:$0x0]  }
0x182: {  	s5 =	rddreg [dreg:$0x8]  }
0x183: {  	[tilespmem:s16], [sflag:$0x4] =	stream.indirect.gather [hbm4b:s6+s12], $0x80, s5, s12, $0xb8;
	v63 =	vld [tilespmem:$0x0]  }
0x184: {  	_ =	swait.ge [sflag:s17], $0x2800  }
0x185: {  	[sflag:s17] =	ssyncset.done $0x0  }
0x186: {  	[sflag:s17] =	ssyncadd.s32 $0xFFFFD800  }
0x187: {  	[spmem:s1] =	stream.indirect.scatter.add.f32 [tilespmem:s13], [sflag:$0x5], $0x80, s11, s12, $0xb8;
	v63 =	vld [tilespmem:$0x0]  }
0x188: {  	_ =	swait.ge [sflag:s18], $0x2800  }
0x189: {  	[sflag:s18] =	ssyncset.done $0x0  }
0x18a: {  	s23 =	rddreg [dreg:$0x9];
	[sflag:s18] =	ssyncadd.s32 $0xFFFFD800  }
0x18b: {  	[spmem:s1] =	stream.indirect.scatter.add.f32 [tilespmem:s14], [sflag:$0x6], $0x80, s23, s12, $0xb8;
	v63 =	vld [tilespmem:$0x0]  }
0x18c: {  	_ =	swait.ge [sflag:s19], $0x2800  }
0x18d: {  	[sflag:s19] =	ssyncset.done $0x0  }
0x18e: {  	s23 =	rddreg [dreg:$0xa];
	[sflag:s19] =	ssyncadd.s32 $0xFFFFD800  }
0x18f: {  	[spmem:s1] =	stream.indirect.scatter.add.f32 [tilespmem:s15], [sflag:$0x7], $0x80, s23, s12, $0xb8;
	v63 =	vld [tilespmem:$0x0]  }
0x190: {  	_ =	swait.ge [sflag:s20], $0x2800  }
0x191: {  	[sflag:s20] =	ssyncset.done $0x0  }
0x192: {  	s23 =	rddreg [dreg:$0xb];
	[sflag:s20] =	ssyncadd.s32 $0xFFFFD800  }
0x193: {  	[tilespmem:s13], [sflag:$0x1] =	stream.indirect.gather [hbm4b:s6+s12], $0x80, s23, s12, $0xb8;
	v63 =	vld [tilespmem:$0x0]  }
0x194: {  	_ =	swait.ge [sflag:s21], $0x2800  }
0x195: {  	[sflag:s21] =	ssyncset.done $0x0  }
0x196: {  	s23 =	rddreg [dreg:$0xc];
	[sflag:s21] =	ssyncadd.s32 $0xFFFFD800  }
0x197: {  	[spmem:s1] =	stream.indirect.scatter.add.f32 [tilespmem:s16], [sflag:$0x8], $0x80, s23, s12, $0xb8;
	v63 =	vld [tilespmem:$0x0]  }
0x198: {  	_ =	swait.ge [sflag:s22], $0x2800  }
0x199: {  	[sflag:s22] =	ssyncset.done $0x0  }
0x19a: {  	s23 =	rddreg [dreg:$0xd];
	[sflag:s22] =	ssyncadd.s32 $0xFFFFD800  }
0x19b: {  	[tilespmem:s14], [sflag:$0x2] =	stream.indirect.gather [hbm4b:s6+s12], $0x80, s23, s12, $0xb8;
	v63 =	vld [tilespmem:$0x0]  }
0x19c: {  	_ =	swait.ge [sflag:s17], $0x2800  }
0x19d: {  	[sflag:s17] =	ssyncset.done $0x0  }
0x19e: {  	s23 =	rddreg [dreg:$0xe];
	[sflag:s17] =	ssyncadd.s32 $0xFFFFD800  }
0x19f: {  	[spmem:s1] =	stream.indirect.scatter.add.f32 [tilespmem:s13], [sflag:$0x5], $0x80, s23, s12, $0xb8;
	v63 =	vld [tilespmem:$0x0]  }
0x1a0: {  	_ =	swait.ge [sflag:s26], $0x2800  }
0x1a1: {  	[sflag:s26] =	ssyncset.done $0x0  }
0x1a2: {  	s23 =	rddreg [dreg:$0xf];
	[sflag:s26] =	ssyncadd.s32 $0xFFFFD800  }
0x1a3: {  	[tilespmem:s15], [sflag:$0x3] =	stream.indirect.gather [hbm4b:s6+s12], $0x80, s23, s12, $0xb8;
	v63 =	vld [tilespmem:$0x0]  }
0x1a4: {  	_ =	swait.ge [sflag:s18], $0x2800  }
0x1a5: {  	[sflag:s18] =	ssyncset.done $0x0  }
0x1a6: {  	s23 =	rddreg [dreg:$0x10];
	[sflag:s18] =	ssyncadd.s32 $0xFFFFD800  }
0x1a7: {  	[spmem:s1] =	stream.indirect.scatter.add.f32 [tilespmem:s14], [sflag:$0x6], $0x80, s23, s12, $0xb8;
	v63 =	vld [tilespmem:$0x0]  }
0x1a8: {  	_ =	swait.ge [sflag:s28], $0x2800  }
0x1a9: {  	[sflag:s28] =	ssyncset.done $0x0  }
0x1aa: {  	s23 =	rddreg [dreg:$0x11];
	[sflag:s28] =	ssyncadd.s32 $0xFFFFD800  }
0x1ab: {  	[tilespmem:s16], [sflag:$0x4] =	stream.indirect.gather [hbm4b:s6+s12], $0x80, s23, s12, $0xb8;
	v63 =	vld [tilespmem:$0x0]  }
0x1ac: {  	_ =	swait.ge [sflag:s19], $0x2800  }
0x1ad: {  	[sflag:s19] =	ssyncset.done $0x0  }
0x1ae: {  	s23 =	rddreg [dreg:$0x12];
	[sflag:s19] =	ssyncadd.s32 $0xFFFFD800  }
0x1af: {  	[spmem:s1] =	stream.indirect.scatter.add.f32 [tilespmem:s15], [sflag:$0x7], $0x80, s23, s12, $0xb8;
	v63 =	vld [tilespmem:$0x0]  }
0x1b0: {  	_ =	swait.ge [sflag:s20], $0x2800  }
0x1b1: {  	[sflag:s20] =	ssyncset.done $0x0  }
0x1b2: {  	s23 =	rddreg [dreg:$0x13];
	[sflag:s20] =	ssyncadd.s32 $0xFFFFD800  }
0x1b3: {  	[tilespmem:s13], [sflag:$0x1] =	stream.indirect.gather [hbm4b:s6+s12], $0x80, s23, s12, $0xb8;
	v63 =	vld [tilespmem:$0x0]  }
0x1b4: {  	_ =	swait.ge [sflag:s21], $0x2800  }
0x1b5: {  	[sflag:s21] =	ssyncset.done $0x0  }
0x1b6: {  	s23 =	rddreg [dreg:$0x14];
	[sflag:s21] =	ssyncadd.s32 $0xFFFFD800  }
0x1b7: {  	[spmem:s1] =	stream.indirect.scatter.add.f32 [tilespmem:s16], [sflag:$0x8], $0x80, s23, s12, $0xb8;
	v63 =	vld [tilespmem:$0x0]  }
0x1b8: {  	_ =	swait.ge [sflag:s22], $0x2800  }
0x1b9: {  	[sflag:s22] =	ssyncset.done $0x0  }
0x1ba: {  	s23 =	rddreg [dreg:$0x15];
	[sflag:s22] =	ssyncadd.s32 $0xFFFFD800  }
0x1bb: {  	[tilespmem:s14], [sflag:$0x2] =	stream.indirect.gather [hbm4b:s6+s12], $0x80, s23, s12, $0xb8;
	v63 =	vld [tilespmem:$0x0]  }
0x1bc: {  	_ =	swait.ge [sflag:s17], $0x2800  }
0x1bd: {  	[sflag:s17] =	ssyncset.done $0x0  }
0x1be: {  	s23 =	rddreg [dreg:$0x16];
	[sflag:s17] =	ssyncadd.s32 $0xFFFFD800  }
0x1bf: {  	[spmem:s1] =	stream.indirect.scatter.add.f32 [tilespmem:s13], [sflag:$0x5], $0x80, s23, s12, $0xb8;
	v63 =	vld [tilespmem:$0x0]  }
0x1c0: {  	_ =	swait.ge [sflag:s26], $0x2800  }
0x1c1: {  	[sflag:s26] =	ssyncset.done $0x0  }
0x1c2: {  	s23 =	rddreg [dreg:$0x17];
	[sflag:s26] =	ssyncadd.s32 $0xFFFFD800  }
0x1c3: {  	[tilespmem:s15], [sflag:$0x3] =	stream.indirect.gather [hbm4b:s6+s12], $0x80, s23, s12, $0xb8;
	v63 =	vld [tilespmem:$0x0]  }
0x1c4: {  	_ =	swait.ge [sflag:s18], $0x2800  }
0x1c5: {  	[sflag:s18] =	ssyncset.done $0x0  }
0x1c6: {  	s23 =	rddreg [dreg:$0x18];
	[sflag:s18] =	ssyncadd.s32 $0xFFFFD800  }
0x1c7: {  	[spmem:s1] =	stream.indirect.scatter.add.f32 [tilespmem:s14], [sflag:$0x6], $0x80, s23, s12, $0xb8;
	v63 =	vld [tilespmem:$0x0]  }
0x1c8: {  	_ =	swait.ge [sflag:s28], $0x2800  }
0x1c9: {  	[sflag:s28] =	ssyncset.done $0x0  }
0x1ca: {  	s23 =	rddreg [dreg:$0x19];
	[sflag:s28] =	ssyncadd.s32 $0xFFFFD800  }
0x1cb: {  	[tilespmem:s16], [sflag:$0x4] =	stream.indirect.gather [hbm4b:s6+s12], $0x80, s23, s12, $0xb8;
	v63 =	vld [tilespmem:$0x0]  }
0x1cc: {  	_ =	swait.ge [sflag:s19], $0x2800  }
0x1cd: {  	[sflag:s19] =	ssyncset.done $0x0  }
0x1ce: {  	s23 =	rddreg [dreg:$0x1a];
	[sflag:s19] =	ssyncadd.s32 $0xFFFFD800  }
0x1cf: {  	[spmem:s1] =	stream.indirect.scatter.add.f32 [tilespmem:s15], [sflag:$0x7], $0x80, s23, s12, $0xb8;
	v63 =	vld [tilespmem:$0x0]  }
0x1d0: {  	_ =	swait.ge [sflag:s20], $0x2800  }
0x1d1: {  	[sflag:s20] =	ssyncset.done $0x0  }
0x1d2: {  	s23 =	rddreg [dreg:$0x1b];
	[sflag:s20] =	ssyncadd.s32 $0xFFFFD800  }
0x1d3: {  	[tilespmem:s13], [sflag:$0x1] =	stream.indirect.gather [hbm4b:s6+s12], $0x80, s23, s12, $0xb8;
	v63 =	vld [tilespmem:$0x0]  }
0x1d4: {  	_ =	swait.ge [sflag:s21], $0x2800  }
0x1d5: {  	[sflag:s21] =	ssyncset.done $0x0  }
0x1d6: {  	s23 =	rddreg [dreg:$0x1c];
	[sflag:s21] =	ssyncadd.s32 $0xFFFFD800  }
0x1d7: {  	[spmem:s1] =	stream.indirect.scatter.add.f32 [tilespmem:s16], [sflag:$0x8], $0x80, s23, s12, $0xb8;
	v63 =	vld [tilespmem:$0x0]  }
0x1d8: {  	_ =	swait.ge [sflag:s22], $0x2800  }
0x1d9: {  	[sflag:s22] =	ssyncset.done $0x0  }
0x1da: {  	s23 =	rddreg [dreg:$0x1d];
	[sflag:s22] =	ssyncadd.s32 $0xFFFFD800  }
0x1db: {  	[tilespmem:s14], [sflag:$0x2] =	stream.indirect.gather [hbm4b:s6+s12], $0x80, s23, s12, $0xb8;
	v63 =	vld [tilespmem:$0x0]  }
0x1dc: {  	_ =	swait.ge [sflag:s17], $0x2800  }
0x1dd: {  	[sflag:s17] =	ssyncset.done $0x0  }
0x1de: {  	s23 =	rddreg [dreg:$0x1e];
	[sflag:s17] =	ssyncadd.s32 $0xFFFFD800  }
0x1df: {  	[spmem:s1] =	stream.indirect.scatter.add.f32 [tilespmem:s13], [sflag:$0x5], $0x80, s23, s12, $0xb8;
	v63 =	vld [tilespmem:$0x0]  }
0x1e0: {  	_ =	swait.ge [sflag:s26], $0x2800  }
0x1e1: {  	[sflag:s26] =	ssyncset.done $0x0  }
0x1e2: {  	s23 =	rddreg [dreg:$0x1f];
	[sflag:s26] =	ssyncadd.s32 $0xFFFFD800  }
0x1e3: {  	[tilespmem:s15], [sflag:$0x3] =	stream.indirect.gather [hbm4b:s6+s12], $0x80, s23, s12, $0xb8;
	v63 =	vld [tilespmem:$0x0]  }
0x1e4: {  	_ =	swait.ge [sflag:s18], $0x2800  }
0x1e5: {  	s23 =	sld [smem:$0x7DC]  }
0x1e6: {  	[sflag:s18] =	ssyncset.done $0x0  }
0x1e7: {  	[sflag:s18] =	ssyncadd.s32 $0xFFFFD800  }
0x1e8: {  	[spmem:s1] =	stream.indirect.scatter.add.f32 [tilespmem:s14], [sflag:$0x6], $0x80, s23, s12, $0xb8;
	v63 =	vld [tilespmem:$0x0]  }
0x1e9: {  	_ =	swait.ge [sflag:s28], $0x2800  }
0x1ea: {  	s23 =	sld [smem:$0x7DD]  }
0x1eb: {  	[sflag:s28] =	ssyncset.done $0x0  }
0x1ec: {  	[sflag:s28] =	ssyncadd.s32 $0xFFFFD800  }
0x1ed: {  	[tilespmem:s16], [sflag:$0x4] =	stream.indirect.gather [hbm4b:s6+s12], $0x80, s23, s12, $0xb8;
	v63 =	vld [tilespmem:$0x0]  }
0x1ee: {  	_ =	swait.ge [sflag:s19], $0x2800  }
0x1ef: {  	s23 =	sld [smem:$0x7DE]  }
0x1f0: {  	[sflag:s19] =	ssyncset.done $0x0  }
0x1f1: {  	[sflag:s19] =	ssyncadd.s32 $0xFFFFD800  }
0x1f2: {  	[spmem:s1] =	stream.indirect.scatter.add.f32 [tilespmem:s15], [sflag:$0x7], $0x80, s23, s12, $0xb8;
	v63 =	vld [tilespmem:$0x0]  }
0x1f3: {  	_ =	swait.ge [sflag:s20], $0x2800  }
0x1f4: {  	s23 =	sld [smem:$0x7DF]  }
0x1f5: {  	[sflag:s20] =	ssyncset.done $0x0  }
0x1f6: {  	[sflag:s20] =	ssyncadd.s32 $0xFFFFD800  }
0x1f7: {  	[tilespmem:s13], [sflag:$0x1] =	stream.indirect.gather [hbm4b:s6+s12], $0x80, s23, s12, $0xb8;
	v63 =	vld [tilespmem:$0x0]  }
0x1f8: {  	_ =	swait.ge [sflag:s21], $0x2800  }
0x1f9: {  	s23 =	sld [smem:$0x7E0]  }
0x1fa: {  	[sflag:s21] =	ssyncset.done $0x0  }
0x1fb: {  	[sflag:s21] =	ssyncadd.s32 $0xFFFFD800  }
0x1fc: {  	[spmem:s1] =	stream.indirect.scatter.add.f32 [tilespmem:s16], [sflag:$0x8], $0x80, s23, s12, $0xb8;
	v63 =	vld [tilespmem:$0x0]  }
0x1fd: {  	_ =	swait.ge [sflag:s22], $0x2800  }
0x1fe: {  	s23 =	sld [smem:$0x7E1]  }
0x1ff: {  	[sflag:s22] =	ssyncset.done $0x0  }
0x200: {  	[sflag:s22] =	ssyncadd.s32 $0xFFFFD800  }
0x201: {  	[tilespmem:s14], [sflag:$0x2] =	stream.indirect.gather [hbm4b:s6+s12], $0x80, s23, s12, $0xb8;
	v63 =	vld [tilespmem:$0x0]  }
0x202: {  	_ =	swait.ge [sflag:s17], $0x2800  }
0x203: {  	s23 =	sld [smem:$0x7E2]  }
0x204: {  	[sflag:s17] =	ssyncset.done $0x0  }
0x205: {  	[sflag:s17] =	ssyncadd.s32 $0xFFFFD800  }
0x206: {  	[spmem:s1] =	stream.indirect.scatter.add.f32 [tilespmem:s13], [sflag:$0x5], $0x80, s23, s12, $0xb8;
	v63 =	vld [tilespmem:$0x0]  }
0x207: {  	_ =	swait.ge [sflag:s26], $0x2800  }
0x208: {  	s23 =	sld [smem:$0x7E3]  }
0x209: {  	[sflag:s26] =	ssyncset.done $0x0  }
0x20a: {  	[sflag:s26] =	ssyncadd.s32 $0xFFFFD800  }
0x20b: {  	[tilespmem:s15], [sflag:$0x3] =	stream.indirect.gather [hbm4b:s6+s12], $0x80, s23, s12, $0xb8;
	v63 =	vld [tilespmem:$0x0]  }
0x20c: {  	_ =	swait.ge [sflag:s18], $0x2800  }
0x20d: {  	s23 =	sld [smem:$0x7E4]  }
0x20e: {  	[sflag:s18] =	ssyncset.done $0x0  }
0x20f: {  	[sflag:s18] =	ssyncadd.s32 $0xFFFFD800  }
0x210: {  	[spmem:s1] =	stream.indirect.scatter.add.f32 [tilespmem:s14], [sflag:$0x6], $0x80, s23, s12, $0xb8;
	v63 =	vld [tilespmem:$0x0]  }
0x211: {  	_ =	swait.ge [sflag:s28], $0x2800  }
0x212: {  	s23 =	sld [smem:$0x7E5]  }
0x213: {  	[sflag:s28] =	ssyncset.done $0x0  }
0x214: {  	[sflag:s28] =	ssyncadd.s32 $0xFFFFD800  }
0x215: {  	[tilespmem:s16], [sflag:$0x4] =	stream.indirect.gather [hbm4b:s6+s12], $0x80, s23, s12, $0xb8;
	v63 =	vld [tilespmem:$0x0]  }
0x216: {  	_ =	swait.ge [sflag:s19], $0x2800  }
0x217: {  	s23 =	sld [smem:$0x7E6]  }
0x218: {  	[sflag:s19] =	ssyncset.done $0x0  }
0x219: {  	[sflag:s19] =	ssyncadd.s32 $0xFFFFD800  }
0x21a: {  	[spmem:s1] =	stream.indirect.scatter.add.f32 [tilespmem:s15], [sflag:$0x7], $0x80, s23, s12, $0xb8;
	v63 =	vld [tilespmem:$0x0]  }
0x21b: {  	_ =	swait.ge [sflag:s20], $0x2800  }
0x21c: {  	s23 =	sld [smem:$0x7E7]  }
0x21d: {  	[sflag:s20] =	ssyncset.done $0x0  }
0x21e: {  	[sflag:s20] =	ssyncadd.s32 $0xFFFFD800  }
0x21f: {  	[tilespmem:s13], [sflag:$0x1] =	stream.indirect.gather [hbm4b:s6+s12], $0x80, s23, s12, $0xb8;
	v63 =	vld [tilespmem:$0x0]  }
0x220: {  	_ =	swait.ge [sflag:s21], $0x2800  }
0x221: {  	s23 =	sld [smem:$0x7E9]  }
0x222: {  	[sflag:s21] =	ssyncset.done $0x0  }
0x223: {  	[sflag:s21] =	ssyncadd.s32 $0xFFFFD800  }
0x224: {  	[spmem:s1] =	stream.indirect.scatter.add.f32 [tilespmem:s16], [sflag:$0x8], $0x80, s23, s12, $0xb8;
	v63 =	vld [tilespmem:$0x0]  }
0x225: {  	_ =	swait.ge [sflag:s22], $0x2800  }
0x226: {  	s23 =	sld [smem:$0x7EB]  }
0x227: {  	[sflag:s22] =	ssyncset.done $0x0  }
0x228: {  	[sflag:s22] =	ssyncadd.s32 $0xFFFFD800  }
0x229: {  	[tilespmem:s14], [sflag:$0x2] =	stream.indirect.gather [hbm4b:s6+s12], $0x80, s23, s12, $0xb8;
	v63 =	vld [tilespmem:$0x0]  }
0x22a: {  	_ =	swait.ge [sflag:s17], $0x2800  }
0x22b: {  	s23 =	sld [smem:$0x7EC]  }
0x22c: {  	[sflag:s17] =	ssyncset.done $0x0  }
0x22d: {  	[sflag:s17] =	ssyncadd.s32 $0xFFFFD800  }
0x22e: {  	[spmem:s1] =	stream.indirect.scatter.add.f32 [tilespmem:s13], [sflag:$0x5], $0x80, s23, s12, $0xb8;
	v63 =	vld [tilespmem:$0x0]  }
0x22f: {  	_ =	swait.ge [sflag:s26], $0x2800  }
0x230: {  	s23 =	sld [smem:$0x7ED]  }
0x231: {  	[sflag:s26] =	ssyncset.done $0x0  }
0x232: {  	[sflag:s26] =	ssyncadd.s32 $0xFFFFD800  }
0x233: {  	[tilespmem:s15], [sflag:$0x3] =	stream.indirect.gather [hbm4b:s6+s12], $0x80, s23, s12, $0xb8;
	v63 =	vld [tilespmem:$0x0]  }
0x234: {  	_ =	swait.ge [sflag:s18], $0x2800  }
0x235: {  	s23 =	sld [smem:$0x7EE]  }
0x236: {  	[sflag:s18] =	ssyncset.done $0x0  }
0x237: {  	[sflag:s18] =	ssyncadd.s32 $0xFFFFD800  }
0x238: {  	[spmem:s1] =	stream.indirect.scatter.add.f32 [tilespmem:s14], [sflag:$0x6], $0x80, s23, s12, $0xb8;
	v63 =	vld [tilespmem:$0x0]  }
0x239: {  	_ =	swait.ge [sflag:s28], $0x2800  }
0x23a: {  	s23 =	sld [smem:$0x7EF]  }
0x23b: {  	[sflag:s28] =	ssyncset.done $0x0  }
0x23c: {  	[sflag:s28] =	ssyncadd.s32 $0xFFFFD800  }
0x23d: {  	[tilespmem:s16], [sflag:$0x4] =	stream.indirect.gather [hbm4b:s6+s12], $0x80, s23, s12, $0xb8;
	v63 =	vld [tilespmem:$0x0]  }
0x23e: {  	_ =	swait.ge [sflag:s19], $0x2800  }
0x23f: {  	s23 =	sld [smem:$0x7F0]  }
0x240: {  	[sflag:s19] =	ssyncset.done $0x0  }
0x241: {  	[sflag:s19] =	ssyncadd.s32 $0xFFFFD800  }
0x242: {  	[spmem:s1] =	stream.indirect.scatter.add.f32 [tilespmem:s15], [sflag:$0x7], $0x80, s23, s12, $0xb8;
	v63 =	vld [tilespmem:$0x0]  }
0x243: {  	_ =	swait.ge [sflag:s20], $0x2800  }
0x244: {  	s23 =	sld [smem:$0x7F1]  }
0x245: {  	[sflag:s20] =	ssyncset.done $0x0  }
0x246: {  	[sflag:s20] =	ssyncadd.s32 $0xFFFFD800  }
0x247: {  	[tilespmem:s13], [sflag:$0x1] =	stream.indirect.gather [hbm4b:s6+s12], $0x80, s23, s12, $0xb8;
	v63 =	vld [tilespmem:$0x0]  }
0x248: {  	_ =	swait.ge [sflag:s21], $0x2800  }
0x249: {  	s23 =	sld [smem:$0x7F2]  }
0x24a: {  	[sflag:s21] =	ssyncset.done $0x0  }
0x24b: {  	[sflag:s21] =	ssyncadd.s32 $0xFFFFD800  }
0x24c: {  	[spmem:s1] =	stream.indirect.scatter.add.f32 [tilespmem:s16], [sflag:$0x8], $0x80, s23, s12, $0xb8;
	v63 =	vld [tilespmem:$0x0]  }
0x24d: {  	_ =	swait.ge [sflag:s22], $0x2800  }
0x24e: {  	s23 =	sld [smem:$0x7F3]  }
0x24f: {  	[sflag:s22] =	ssyncset.done $0x0  }
0x250: {  	[sflag:s22] =	ssyncadd.s32 $0xFFFFD800  }
0x251: {  	[tilespmem:s14], [sflag:$0x2] =	stream.indirect.gather [hbm4b:s6+s12], $0x80, s23, s12, $0xb8;
	v63 =	vld [tilespmem:$0x0]  }
0x252: {  	_ =	swait.ge [sflag:s17], $0x2800  }
0x253: {  	s23 =	sld [smem:$0x7F4]  }
0x254: {  	[sflag:s17] =	ssyncset.done $0x0  }
0x255: {  	[sflag:s17] =	ssyncadd.s32 $0xFFFFD800  }
0x256: {  	[spmem:s1] =	stream.indirect.scatter.add.f32 [tilespmem:s13], [sflag:$0x5], $0x80, s23, s12, $0xb8;
	v63 =	vld [tilespmem:$0x0]  }
0x257: {  	_ =	swait.ge [sflag:s26], $0x2800  }
0x258: {  	s23 =	sld [smem:$0x7F5]  }
0x259: {  	[sflag:s26] =	ssyncset.done $0x0  }
0x25a: {  	[sflag:s26] =	ssyncadd.s32 $0xFFFFD800  }
0x25b: {  	[tilespmem:s15], [sflag:$0x3] =	stream.indirect.gather [hbm4b:s6+s12], $0x80, s23, s12, $0xb8;
	v63 =	vld [tilespmem:$0x0]  }
0x25c: {  	_ =	swait.ge [sflag:s18], $0x2800  }
0x25d: {  	s23 =	sld [smem:$0x7F6]  }
0x25e: {  	[sflag:s18] =	ssyncset.done $0x0  }
0x25f: {  	[sflag:s18] =	ssyncadd.s32 $0xFFFFD800  }
0x260: {  	[spmem:s1] =	stream.indirect.scatter.add.f32 [tilespmem:s14], [sflag:$0x6], $0x80, s23, s12, $0xb8;
	v63 =	vld [tilespmem:$0x0]  }
0x261: {  	_ =	swait.ge [sflag:s28], $0x2800  }
0x262: {  	s23 =	sld [smem:$0x7F7]  }
0x263: {  	[sflag:s28] =	ssyncset.done $0x0  }
0x264: {  	[sflag:s28] =	ssyncadd.s32 $0xFFFFD800  }
0x265: {  	[tilespmem:s16], [sflag:$0x4] =	stream.indirect.gather [hbm4b:s6+s12], $0x80, s23, s12, $0xb8;
	v63 =	vld [tilespmem:$0x0]  }
0x266: {  	_ =	swait.ge [sflag:s19], $0x2800  }
0x267: {  	s23 =	sld [smem:$0x7F8]  }
0x268: {  	[sflag:s19] =	ssyncset.done $0x0  }
0x269: {  	[sflag:s19] =	ssyncadd.s32 $0xFFFFD800  }
0x26a: {  	[spmem:s1] =	stream.indirect.scatter.add.f32 [tilespmem:s15], [sflag:$0x7], $0x80, s23, s12, $0xb8;
	v63 =	vld [tilespmem:$0x0]  }
0x26b: {  	_ =	swait.ge [sflag:s20], $0x2800  }
0x26c: {  	[sflag:s20] =	ssyncset.done $0x0  }
0x26d: {  	[sflag:s20] =	ssyncadd.s32 $0xFFFFD800  }
0x26e: {  	[tilespmem:s13], [sflag:$0x1] =	stream.indirect.gather [hbm4b:s6+s12], $0x80, s29, s12, $0xb8;
	v63 =	vld [tilespmem:$0x0]  }
0x26f: {  	_ =	swait.ge [sflag:s21], $0x2800  }
0x270: {  	[sflag:s21] =	ssyncset.done $0x0  }
0x271: {  	[sflag:s21] =	ssyncadd.s32 $0xFFFFD800  }
0x272: {  	[spmem:s1] =	stream.indirect.scatter.add.f32 [tilespmem:s16], [sflag:$0x8], $0x80, s30, s12, $0xb8;
	v63 =	vld [tilespmem:$0x0]  }
0x273: {  	_ =	swait.ge [sflag:s22], $0x2800  }
0x274: {  	[sflag:s22] =	ssyncset.done $0x0  }
0x275: {  	[sflag:s22] =	ssyncadd.s32 $0xFFFFD800  }
0x276: {  	[tilespmem:s14], [sflag:$0x2] =	stream.indirect.gather [hbm4b:s6+s12], $0x80, s31, s12, $0xb8;
	v63 =	vld [tilespmem:$0x0]  }
0x277: {  	_ =	swait.ge [sflag:s17], $0x2800  }
0x278: {  	[sflag:s17] =	ssyncset.done $0x0  }
0x279: {  	[sflag:s17] =	ssyncadd.s32 $0xFFFFD800  }
0x27a: {  	[spmem:s1] =	stream.indirect.scatter.add.f32 [tilespmem:s13], [sflag:$0x5], $0x80, s0, s12, $0xb8;
	v63 =	vld [tilespmem:$0x0]  }
0x27b: {  	_ =	swait.ge [sflag:s26], $0x2800  }
0x27c: {  	[sflag:s26] =	ssyncset.done $0x0  }
0x27d: {  	[sflag:s26] =	ssyncadd.s32 $0xFFFFD800  }
0x27e: {  	[tilespmem:s15], [sflag:$0x3] =	stream.indirect.gather [hbm4b:s6+s12], $0x80, s2, s12, $0xb8;
	v63 =	vld [tilespmem:$0x0]  }
0x27f: {  	_ =	swait.ge [sflag:s18], $0x2800  }
0x280: {  	[sflag:s18] =	ssyncset.done $0x0  }
0x281: {  	[sflag:s18] =	ssyncadd.s32 $0xFFFFD800  }
0x282: {  	[spmem:s1] =	stream.indirect.scatter.add.f32 [tilespmem:s14], [sflag:$0x6], $0x80, s4, s12, $0xb8;
	v63 =	vld [tilespmem:$0x0]  }
0x283: {  	_ =	swait.ge [sflag:s28], $0x2800  }
0x284: {  	[sflag:s28] =	ssyncset.done $0x0  }
0x285: {  	[sflag:s28] =	ssyncadd.s32 $0xFFFFD800  }
0x286: {  	[tilespmem:s16], [sflag:$0x4] =	stream.indirect.gather [hbm4b:s6+s12], $0x80, s8, s12, $0xb8;
	v63 =	vld [tilespmem:$0x0]  }
0x287: {  	_ =	swait.ge [sflag:s19], $0x2800  }
0x288: {  	[sflag:s19] =	ssyncset.done $0x0  }
0x289: {  	[sflag:s19] =	ssyncadd.s32 $0xFFFFD800  }
0x28a: {  	[spmem:s1] =	stream.indirect.scatter.add.f32 [tilespmem:s15], [sflag:$0x7], $0x80, s9, s12, $0xb8;
	v63 =	vld [tilespmem:$0x0]  }
0x28b: {  	_ =	swait.ge [sflag:s20], $0x2800  }
0x28c: {  	[sflag:s20] =	ssyncset.done $0x0  }
0x28d: {  	[sflag:s20] =	ssyncadd.s32 $0xFFFFD800  }
0x28e: {  	_ =	swait.ge [sflag:s21], $0x2800  }
0x28f: {  	[sflag:s21] =	ssyncset.done $0x0  }
0x290: {  	[sflag:s21] =	ssyncadd.s32 $0xFFFFD800  }
0x291: {  	[spmem:s1] =	stream.indirect.scatter.add.f32 [tilespmem:s16], [sflag:$0x8], $0x80, s7, s12, $0xb8;
	v63 =	vld [tilespmem:$0x0]  }
0x292: {  	_ =	swait.ge [sflag:s22], $0x2800  }
0x293: {  	[sflag:s22] =	ssyncset.done $0x0  }
0x294: {  	p1 =	sne.s32 s25, $0xE00;
	[sflag:s22] =	ssyncadd.s32 $0xFFFFD800  }
.Ltmp0:
0x295: {  	_ =	swait.ge [sflag:s26], $0x2800;
	(pc) =	sbr.rel @p1 .LBB2_2-.Ltmp0, $4  }
0x296: {  	[sflag:s26] =	ssyncset.done $0x0  }
0x297: {  	[sflag:s26] =	ssyncadd.s32 $0xFFFFD800  }
0x298: {  	_ =	swait.ge [sflag:s28], $0x2800  }
0x299: {  	s25 =	sadd.s32 $0x200, s25;
	s5 =	rddreg [dreg:$0x4];
	[sflag:s28] =	ssyncset.done $0x0  }
0x29a: {  	[sflag:s28] =	ssyncadd.s32 $0xFFFFD800;
	s5 =	sadd.s32 s24, s5  }
0x29b: {  	[tilespmem:s3], [sflag:$0x9] =	stream.linear.gather [hbm4b:s5+s3], $0x1000, $0x38;
	v63 =	vld [tilespmem:$0x0]  }
0x29c: {  	_ =	swait.ge [sflag:s10], $0x1000  }
0x29d: {  	s23 =	rddreg [dreg:$0x5];
	[sflag:s10] =	ssyncset.done $0x0  }
0x29e: {  	[sflag:s10] =	ssyncadd.s32 $0xFFFFF000;
	s5 =	sadd.s32 s24, s23  }
0x29f: {  	[tilespmem:s11], [sflag:$0x9] =	stream.linear.gather [hbm4b:s5+s3], $0x1000, $0x38;
	v63 =	vld [tilespmem:$0x0]  }
0x2a0: {  	_ =	swait.ge [sflag:s10], $0x1000  }
0x2a1: {  	[sflag:s10] =	ssyncset.done $0x0  }
0x2a2: {  	[sflag:s10] =	ssyncadd.s32 $0xFFFFF000  }
0x2a3: {  	[tilespmem:s13], [sflag:$0x1] =	stream.indirect.gather [hbm4b:s6+s12], $0x80, s3, s12, $0xb8;
	v63 =	vld [tilespmem:$0x0]  }
0x2a4: {  	s25 =	rddreg [dreg:$0x6]  }
0x2a5: {  	[tilespmem:s14], [sflag:$0x2] =	stream.indirect.gather [hbm4b:s6+s12], $0x80, s25, s12, $0xb8;
	v63 =	vld [tilespmem:$0x0]  }
0x2a6: {  	s23 =	rddreg [dreg:$0x7]  }
0x2a7: {  	[tilespmem:s15], [sflag:$0x3] =	stream.indirect.gather [hbm4b:s6+s12], $0x80, s23, s12, $0xb8;
	v63 =	vld [tilespmem:$0x0]  }
0x2a8: {  	s24 =	rddreg [dreg:$0x8]  }
0x2a9: {  	[tilespmem:s16], [sflag:$0x4] =	stream.indirect.gather [hbm4b:s6+s12], $0x80, s24, s12, $0xb8;
	v63 =	vld [tilespmem:$0x0]  }
0x2aa: {  	_ =	swait.ge [sflag:s17], $0x2800  }
0x2ab: {  	[sflag:s17] =	ssyncset.done $0x0  }
0x2ac: {  	[sflag:s17] =	ssyncadd.s32 $0xFFFFD800  }
0x2ad: {  	[spmem:s1] =	stream.indirect.scatter.add.f32 [tilespmem:s13], [sflag:$0x5], $0x80, s11, s12, $0xb8;
	v63 =	vld [tilespmem:$0x0]  }
0x2ae: {  	_ =	swait.ge [sflag:s18], $0x2800  }
0x2af: {  	[sflag:s18] =	ssyncset.done $0x0  }
0x2b0: {  	s25 =	rddreg [dreg:$0x9];
	[sflag:s18] =	ssyncadd.s32 $0xFFFFD800  }
0x2b1: {  	[spmem:s1] =	stream.indirect.scatter.add.f32 [tilespmem:s14], [sflag:$0x6], $0x80, s25, s12, $0xb8;
	v63 =	vld [tilespmem:$0x0]  }
0x2b2: {  	_ =	swait.ge [sflag:s19], $0x2800  }
0x2b3: {  	[sflag:s19] =	ssyncset.done $0x0  }
0x2b4: {  	s23 =	rddreg [dreg:$0xa];
	[sflag:s19] =	ssyncadd.s32 $0xFFFFD800  }
0x2b5: {  	[spmem:s1] =	stream.indirect.scatter.add.f32 [tilespmem:s15], [sflag:$0x7], $0x80, s23, s12, $0xb8;
	v63 =	vld [tilespmem:$0x0]  }
0x2b6: {  	_ =	swait.ge [sflag:s20], $0x2800  }
0x2b7: {  	[sflag:s20] =	ssyncset.done $0x0  }
0x2b8: {  	s24 =	rddreg [dreg:$0xb];
	[sflag:s20] =	ssyncadd.s32 $0xFFFFD800  }
0x2b9: {  	[tilespmem:s13], [sflag:$0x1] =	stream.indirect.gather [hbm4b:s6+s12], $0x80, s24, s12, $0xb8;
	v63 =	vld [tilespmem:$0x0]  }
0x2ba: {  	_ =	swait.ge [sflag:s21], $0x2800  }
0x2bb: {  	[sflag:s21] =	ssyncset.done $0x0  }
0x2bc: {  	s25 =	rddreg [dreg:$0xc];
	[sflag:s21] =	ssyncadd.s32 $0xFFFFD800  }
0x2bd: {  	[spmem:s1] =	stream.indirect.scatter.add.f32 [tilespmem:s16], [sflag:$0x8], $0x80, s25, s12, $0xb8;
	v63 =	vld [tilespmem:$0x0]  }
0x2be: {  	_ =	swait.ge [sflag:s22], $0x2800  }
0x2bf: {  	[sflag:s22] =	ssyncset.done $0x0  }
0x2c0: {  	s23 =	rddreg [dreg:$0xd];
	[sflag:s22] =	ssyncadd.s32 $0xFFFFD800  }
0x2c1: {  	[tilespmem:s14], [sflag:$0x2] =	stream.indirect.gather [hbm4b:s6+s12], $0x80, s23, s12, $0xb8;
	v63 =	vld [tilespmem:$0x0]  }
0x2c2: {  	_ =	swait.ge [sflag:s17], $0x2800  }
0x2c3: {  	[sflag:s17] =	ssyncset.done $0x0  }
0x2c4: {  	s24 =	rddreg [dreg:$0xe];
	[sflag:s17] =	ssyncadd.s32 $0xFFFFD800  }
0x2c5: {  	[spmem:s1] =	stream.indirect.scatter.add.f32 [tilespmem:s13], [sflag:$0x5], $0x80, s24, s12, $0xb8;
	v63 =	vld [tilespmem:$0x0]  }
0x2c6: {  	_ =	swait.ge [sflag:s26], $0x2800  }
0x2c7: {  	[sflag:s26] =	ssyncset.done $0x0  }
0x2c8: {  	s25 =	rddreg [dreg:$0xf];
	[sflag:s26] =	ssyncadd.s32 $0xFFFFD800  }
0x2c9: {  	[tilespmem:s15], [sflag:$0x3] =	stream.indirect.gather [hbm4b:s6+s12], $0x80, s25, s12, $0xb8;
	v63 =	vld [tilespmem:$0x0]  }
0x2ca: {  	_ =	swait.ge [sflag:s18], $0x2800  }
0x2cb: {  	[sflag:s18] =	ssyncset.done $0x0  }
0x2cc: {  	s23 =	rddreg [dreg:$0x10];
	[sflag:s18] =	ssyncadd.s32 $0xFFFFD800  }
0x2cd: {  	[spmem:s1] =	stream.indirect.scatter.add.f32 [tilespmem:s14], [sflag:$0x6], $0x80, s23, s12, $0xb8;
	v63 =	vld [tilespmem:$0x0]  }
0x2ce: {  	_ =	swait.ge [sflag:s28], $0x2800  }
0x2cf: {  	[sflag:s28] =	ssyncset.done $0x0  }
0x2d0: {  	s24 =	rddreg [dreg:$0x11];
	[sflag:s28] =	ssyncadd.s32 $0xFFFFD800  }
0x2d1: {  	[tilespmem:s16], [sflag:$0x4] =	stream.indirect.gather [hbm4b:s6+s12], $0x80, s24, s12, $0xb8;
	v63 =	vld [tilespmem:$0x0]  }
0x2d2: {  	_ =	swait.ge [sflag:s19], $0x2800  }
0x2d3: {  	[sflag:s19] =	ssyncset.done $0x0  }
0x2d4: {  	s25 =	rddreg [dreg:$0x12];
	[sflag:s19] =	ssyncadd.s32 $0xFFFFD800  }
0x2d5: {  	[spmem:s1] =	stream.indirect.scatter.add.f32 [tilespmem:s15], [sflag:$0x7], $0x80, s25, s12, $0xb8;
	v63 =	vld [tilespmem:$0x0]  }
0x2d6: {  	_ =	swait.ge [sflag:s20], $0x2800  }
0x2d7: {  	[sflag:s20] =	ssyncset.done $0x0  }
0x2d8: {  	s23 =	rddreg [dreg:$0x13];
	[sflag:s20] =	ssyncadd.s32 $0xFFFFD800  }
0x2d9: {  	[tilespmem:s13], [sflag:$0x1] =	stream.indirect.gather [hbm4b:s6+s12], $0x80, s23, s12, $0xb8;
	v63 =	vld [tilespmem:$0x0]  }
0x2da: {  	_ =	swait.ge [sflag:s21], $0x2800  }
0x2db: {  	[sflag:s21] =	ssyncset.done $0x0  }
0x2dc: {  	s24 =	rddreg [dreg:$0x14];
	[sflag:s21] =	ssyncadd.s32 $0xFFFFD800  }
0x2dd: {  	[spmem:s1] =	stream.indirect.scatter.add.f32 [tilespmem:s16], [sflag:$0x8], $0x80, s24, s12, $0xb8;
	v63 =	vld [tilespmem:$0x0]  }
0x2de: {  	_ =	swait.ge [sflag:s22], $0x2800  }
0x2df: {  	[sflag:s22] =	ssyncset.done $0x0  }
0x2e0: {  	s25 =	rddreg [dreg:$0x15];
	[sflag:s22] =	ssyncadd.s32 $0xFFFFD800  }
0x2e1: {  	[tilespmem:s14], [sflag:$0x2] =	stream.indirect.gather [hbm4b:s6+s12], $0x80, s25, s12, $0xb8;
	v63 =	vld [tilespmem:$0x0]  }
0x2e2: {  	_ =	swait.ge [sflag:s17], $0x2800  }
0x2e3: {  	[sflag:s17] =	ssyncset.done $0x0  }
0x2e4: {  	s23 =	rddreg [dreg:$0x16];
	[sflag:s17] =	ssyncadd.s32 $0xFFFFD800  }
0x2e5: {  	[spmem:s1] =	stream.indirect.scatter.add.f32 [tilespmem:s13], [sflag:$0x5], $0x80, s23, s12, $0xb8;
	v63 =	vld [tilespmem:$0x0]  }
0x2e6: {  	_ =	swait.ge [sflag:s26], $0x2800  }
0x2e7: {  	[sflag:s26] =	ssyncset.done $0x0  }
0x2e8: {  	s24 =	rddreg [dreg:$0x17];
	[sflag:s26] =	ssyncadd.s32 $0xFFFFD800  }
0x2e9: {  	[tilespmem:s15], [sflag:$0x3] =	stream.indirect.gather [hbm4b:s6+s12], $0x80, s24, s12, $0xb8;
	v63 =	vld [tilespmem:$0x0]  }
0x2ea: {  	_ =	swait.ge [sflag:s18], $0x2800  }
0x2eb: {  	[sflag:s18] =	ssyncset.done $0x0  }
0x2ec: {  	s25 =	rddreg [dreg:$0x18];
	[sflag:s18] =	ssyncadd.s32 $0xFFFFD800  }
0x2ed: {  	[spmem:s1] =	stream.indirect.scatter.add.f32 [tilespmem:s14], [sflag:$0x6], $0x80, s25, s12, $0xb8;
	v63 =	vld [tilespmem:$0x0]  }
0x2ee: {  	_ =	swait.ge [sflag:s28], $0x2800  }
0x2ef: {  	[sflag:s28] =	ssyncset.done $0x0  }
0x2f0: {  	s23 =	rddreg [dreg:$0x19];
	[sflag:s28] =	ssyncadd.s32 $0xFFFFD800  }
0x2f1: {  	[tilespmem:s16], [sflag:$0x4] =	stream.indirect.gather [hbm4b:s6+s12], $0x80, s23, s12, $0xb8;
	v63 =	vld [tilespmem:$0x0]  }
0x2f2: {  	_ =	swait.ge [sflag:s19], $0x2800  }
0x2f3: {  	[sflag:s19] =	ssyncset.done $0x0  }
0x2f4: {  	s24 =	rddreg [dreg:$0x1a];
	[sflag:s19] =	ssyncadd.s32 $0xFFFFD800  }
0x2f5: {  	[spmem:s1] =	stream.indirect.scatter.add.f32 [tilespmem:s15], [sflag:$0x7], $0x80, s24, s12, $0xb8;
	v63 =	vld [tilespmem:$0x0]  }
0x2f6: {  	_ =	swait.ge [sflag:s20], $0x2800  }
0x2f7: {  	[sflag:s20] =	ssyncset.done $0x0  }
0x2f8: {  	s25 =	rddreg [dreg:$0x1b];
	[sflag:s20] =	ssyncadd.s32 $0xFFFFD800  }
0x2f9: {  	[tilespmem:s13], [sflag:$0x1] =	stream.indirect.gather [hbm4b:s6+s12], $0x80, s25, s12, $0xb8;
	v63 =	vld [tilespmem:$0x0]  }
0x2fa: {  	_ =	swait.ge [sflag:s21], $0x2800  }
0x2fb: {  	[sflag:s21] =	ssyncset.done $0x0  }
0x2fc: {  	s23 =	rddreg [dreg:$0x1c];
	[sflag:s21] =	ssyncadd.s32 $0xFFFFD800  }
0x2fd: {  	[spmem:s1] =	stream.indirect.scatter.add.f32 [tilespmem:s16], [sflag:$0x8], $0x80, s23, s12, $0xb8;
	v63 =	vld [tilespmem:$0x0]  }
0x2fe: {  	_ =	swait.ge [sflag:s22], $0x2800  }
0x2ff: {  	[sflag:s22] =	ssyncset.done $0x0  }
0x300: {  	s24 =	rddreg [dreg:$0x1d];
	[sflag:s22] =	ssyncadd.s32 $0xFFFFD800  }
0x301: {  	[tilespmem:s14], [sflag:$0x2] =	stream.indirect.gather [hbm4b:s6+s12], $0x80, s24, s12, $0xb8;
	v63 =	vld [tilespmem:$0x0]  }
0x302: {  	_ =	swait.ge [sflag:s17], $0x2800  }
0x303: {  	[sflag:s17] =	ssyncset.done $0x0  }
0x304: {  	s25 =	rddreg [dreg:$0x1e];
	[sflag:s17] =	ssyncadd.s32 $0xFFFFD800  }
0x305: {  	[spmem:s1] =	stream.indirect.scatter.add.f32 [tilespmem:s13], [sflag:$0x5], $0x80, s25, s12, $0xb8;
	v63 =	vld [tilespmem:$0x0]  }
0x306: {  	_ =	swait.ge [sflag:s26], $0x2800  }
0x307: {  	[sflag:s26] =	ssyncset.done $0x0  }
0x308: {  	s23 =	rddreg [dreg:$0x1f];
	[sflag:s26] =	ssyncadd.s32 $0xFFFFD800  }
0x309: {  	[tilespmem:s15], [sflag:$0x3] =	stream.indirect.gather [hbm4b:s6+s12], $0x80, s23, s12, $0xb8;
	v63 =	vld [tilespmem:$0x0]  }
0x30a: {  	_ =	swait.ge [sflag:s18], $0x2800  }
0x30b: {  	s24 =	sld [smem:$0x7DC]  }
0x30c: {  	[sflag:s18] =	ssyncset.done $0x0  }
0x30d: {  	[sflag:s18] =	ssyncadd.s32 $0xFFFFD800  }
0x30e: {  	[spmem:s1] =	stream.indirect.scatter.add.f32 [tilespmem:s14], [sflag:$0x6], $0x80, s24, s12, $0xb8;
	v63 =	vld [tilespmem:$0x0]  }
0x30f: {  	_ =	swait.ge [sflag:s28], $0x2800  }
0x310: {  	s25 =	sld [smem:$0x7DD]  }
0x311: {  	[sflag:s28] =	ssyncset.done $0x0  }
0x312: {  	[sflag:s28] =	ssyncadd.s32 $0xFFFFD800  }
0x313: {  	[tilespmem:s16], [sflag:$0x4] =	stream.indirect.gather [hbm4b:s6+s12], $0x80, s25, s12, $0xb8;
	v63 =	vld [tilespmem:$0x0]  }
0x314: {  	_ =	swait.ge [sflag:s19], $0x2800  }
0x315: {  	s23 =	sld [smem:$0x7DE]  }
0x316: {  	[sflag:s19] =	ssyncset.done $0x0  }
0x317: {  	[sflag:s19] =	ssyncadd.s32 $0xFFFFD800  }
0x318: {  	[spmem:s1] =	stream.indirect.scatter.add.f32 [tilespmem:s15], [sflag:$0x7], $0x80, s23, s12, $0xb8;
	v63 =	vld [tilespmem:$0x0]  }
0x319: {  	_ =	swait.ge [sflag:s20], $0x2800  }
0x31a: {  	s24 =	sld [smem:$0x7DF]  }
0x31b: {  	[sflag:s20] =	ssyncset.done $0x0  }
0x31c: {  	[sflag:s20] =	ssyncadd.s32 $0xFFFFD800  }
0x31d: {  	[tilespmem:s13], [sflag:$0x1] =	stream.indirect.gather [hbm4b:s6+s12], $0x80, s24, s12, $0xb8;
	v63 =	vld [tilespmem:$0x0]  }
0x31e: {  	_ =	swait.ge [sflag:s21], $0x2800  }
0x31f: {  	s25 =	sld [smem:$0x7E0]  }
0x320: {  	[sflag:s21] =	ssyncset.done $0x0  }
0x321: {  	[sflag:s21] =	ssyncadd.s32 $0xFFFFD800  }
0x322: {  	[spmem:s1] =	stream.indirect.scatter.add.f32 [tilespmem:s16], [sflag:$0x8], $0x80, s25, s12, $0xb8;
	v63 =	vld [tilespmem:$0x0]  }
0x323: {  	_ =	swait.ge [sflag:s22], $0x2800  }
0x324: {  	s23 =	sld [smem:$0x7E1]  }
0x325: {  	[sflag:s22] =	ssyncset.done $0x0  }
0x326: {  	[sflag:s22] =	ssyncadd.s32 $0xFFFFD800  }
0x327: {  	[tilespmem:s14], [sflag:$0x2] =	stream.indirect.gather [hbm4b:s6+s12], $0x80, s23, s12, $0xb8;
	v63 =	vld [tilespmem:$0x0]  }
0x328: {  	_ =	swait.ge [sflag:s17], $0x2800  }
0x329: {  	s24 =	sld [smem:$0x7E2]  }
0x32a: {  	[sflag:s17] =	ssyncset.done $0x0  }
0x32b: {  	[sflag:s17] =	ssyncadd.s32 $0xFFFFD800  }
0x32c: {  	[spmem:s1] =	stream.indirect.scatter.add.f32 [tilespmem:s13], [sflag:$0x5], $0x80, s24, s12, $0xb8;
	v63 =	vld [tilespmem:$0x0]  }
0x32d: {  	_ =	swait.ge [sflag:s26], $0x2800  }
0x32e: {  	s25 =	sld [smem:$0x7E3]  }
0x32f: {  	[sflag:s26] =	ssyncset.done $0x0  }
0x330: {  	[sflag:s26] =	ssyncadd.s32 $0xFFFFD800  }
0x331: {  	[tilespmem:s15], [sflag:$0x3] =	stream.indirect.gather [hbm4b:s6+s12], $0x80, s25, s12, $0xb8;
	v63 =	vld [tilespmem:$0x0]  }
0x332: {  	_ =	swait.ge [sflag:s18], $0x2800  }
0x333: {  	s23 =	sld [smem:$0x7E4]  }
0x334: {  	[sflag:s18] =	ssyncset.done $0x0  }
0x335: {  	[sflag:s18] =	ssyncadd.s32 $0xFFFFD800  }
0x336: {  	[spmem:s1] =	stream.indirect.scatter.add.f32 [tilespmem:s14], [sflag:$0x6], $0x80, s23, s12, $0xb8;
	v63 =	vld [tilespmem:$0x0]  }
0x337: {  	_ =	swait.ge [sflag:s28], $0x2800  }
0x338: {  	s24 =	sld [smem:$0x7E5]  }
0x339: {  	[sflag:s28] =	ssyncset.done $0x0  }
0x33a: {  	[sflag:s28] =	ssyncadd.s32 $0xFFFFD800  }
0x33b: {  	[tilespmem:s16], [sflag:$0x4] =	stream.indirect.gather [hbm4b:s6+s12], $0x80, s24, s12, $0xb8;
	v63 =	vld [tilespmem:$0x0]  }
0x33c: {  	_ =	swait.ge [sflag:s19], $0x2800  }
0x33d: {  	s25 =	sld [smem:$0x7E6]  }
0x33e: {  	[sflag:s19] =	ssyncset.done $0x0  }
0x33f: {  	[sflag:s19] =	ssyncadd.s32 $0xFFFFD800  }
0x340: {  	[spmem:s1] =	stream.indirect.scatter.add.f32 [tilespmem:s15], [sflag:$0x7], $0x80, s25, s12, $0xb8;
	v63 =	vld [tilespmem:$0x0]  }
0x341: {  	_ =	swait.ge [sflag:s20], $0x2800  }
0x342: {  	s23 =	sld [smem:$0x7E7]  }
0x343: {  	[sflag:s20] =	ssyncset.done $0x0  }
0x344: {  	[sflag:s20] =	ssyncadd.s32 $0xFFFFD800  }
0x345: {  	[tilespmem:s13], [sflag:$0x1] =	stream.indirect.gather [hbm4b:s6+s12], $0x80, s23, s12, $0xb8;
	v63 =	vld [tilespmem:$0x0]  }
0x346: {  	_ =	swait.ge [sflag:s21], $0x2800  }
0x347: {  	s24 =	sld [smem:$0x7E9]  }
0x348: {  	[sflag:s21] =	ssyncset.done $0x0  }
0x349: {  	[sflag:s21] =	ssyncadd.s32 $0xFFFFD800  }
0x34a: {  	[spmem:s1] =	stream.indirect.scatter.add.f32 [tilespmem:s16], [sflag:$0x8], $0x80, s24, s12, $0xb8;
	v63 =	vld [tilespmem:$0x0]  }
0x34b: {  	_ =	swait.ge [sflag:s22], $0x2800  }
0x34c: {  	s25 =	sld [smem:$0x7EB]  }
0x34d: {  	[sflag:s22] =	ssyncset.done $0x0  }
0x34e: {  	[sflag:s22] =	ssyncadd.s32 $0xFFFFD800  }
0x34f: {  	[tilespmem:s14], [sflag:$0x2] =	stream.indirect.gather [hbm4b:s6+s12], $0x80, s25, s12, $0xb8;
	v63 =	vld [tilespmem:$0x0]  }
0x350: {  	_ =	swait.ge [sflag:s17], $0x2800  }
0x351: {  	s23 =	sld [smem:$0x7EC]  }
0x352: {  	[sflag:s17] =	ssyncset.done $0x0  }
0x353: {  	[sflag:s17] =	ssyncadd.s32 $0xFFFFD800  }
0x354: {  	[spmem:s1] =	stream.indirect.scatter.add.f32 [tilespmem:s13], [sflag:$0x5], $0x80, s23, s12, $0xb8;
	v63 =	vld [tilespmem:$0x0]  }
0x355: {  	_ =	swait.ge [sflag:s26], $0x2800  }
0x356: {  	s24 =	sld [smem:$0x7ED]  }
0x357: {  	[sflag:s26] =	ssyncset.done $0x0  }
0x358: {  	[sflag:s26] =	ssyncadd.s32 $0xFFFFD800  }
0x359: {  	[tilespmem:s15], [sflag:$0x3] =	stream.indirect.gather [hbm4b:s6+s12], $0x80, s24, s12, $0xb8;
	v63 =	vld [tilespmem:$0x0]  }
0x35a: {  	_ =	swait.ge [sflag:s18], $0x2800  }
0x35b: {  	s25 =	sld [smem:$0x7EE]  }
0x35c: {  	[sflag:s18] =	ssyncset.done $0x0  }
0x35d: {  	[sflag:s18] =	ssyncadd.s32 $0xFFFFD800  }
0x35e: {  	[spmem:s1] =	stream.indirect.scatter.add.f32 [tilespmem:s14], [sflag:$0x6], $0x80, s25, s12, $0xb8;
	v63 =	vld [tilespmem:$0x0]  }
0x35f: {  	_ =	swait.ge [sflag:s28], $0x2800  }
0x360: {  	s23 =	sld [smem:$0x7EF]  }
0x361: {  	[sflag:s28] =	ssyncset.done $0x0  }
0x362: {  	[sflag:s28] =	ssyncadd.s32 $0xFFFFD800  }
0x363: {  	[tilespmem:s16], [sflag:$0x4] =	stream.indirect.gather [hbm4b:s6+s12], $0x80, s23, s12, $0xb8;
	v63 =	vld [tilespmem:$0x0]  }
0x364: {  	_ =	swait.ge [sflag:s19], $0x2800  }
0x365: {  	s24 =	sld [smem:$0x7F0]  }
0x366: {  	[sflag:s19] =	ssyncset.done $0x0  }
0x367: {  	[sflag:s19] =	ssyncadd.s32 $0xFFFFD800  }
0x368: {  	[spmem:s1] =	stream.indirect.scatter.add.f32 [tilespmem:s15], [sflag:$0x7], $0x80, s24, s12, $0xb8;
	v63 =	vld [tilespmem:$0x0]  }
0x369: {  	_ =	swait.ge [sflag:s20], $0x2800  }
0x36a: {  	s25 =	sld [smem:$0x7F1]  }
0x36b: {  	[sflag:s20] =	ssyncset.done $0x0  }
0x36c: {  	[sflag:s20] =	ssyncadd.s32 $0xFFFFD800  }
0x36d: {  	[tilespmem:s13], [sflag:$0x1] =	stream.indirect.gather [hbm4b:s6+s12], $0x80, s25, s12, $0xb8;
	v63 =	vld [tilespmem:$0x0]  }
0x36e: {  	_ =	swait.ge [sflag:s21], $0x2800  }
0x36f: {  	s23 =	sld [smem:$0x7F2]  }
0x370: {  	[sflag:s21] =	ssyncset.done $0x0  }
0x371: {  	[sflag:s21] =	ssyncadd.s32 $0xFFFFD800  }
0x372: {  	[spmem:s1] =	stream.indirect.scatter.add.f32 [tilespmem:s16], [sflag:$0x8], $0x80, s23, s12, $0xb8;
	v63 =	vld [tilespmem:$0x0]  }
0x373: {  	_ =	swait.ge [sflag:s22], $0x2800  }
0x374: {  	s24 =	sld [smem:$0x7F3]  }
0x375: {  	[sflag:s22] =	ssyncset.done $0x0  }
0x376: {  	[sflag:s22] =	ssyncadd.s32 $0xFFFFD800  }
0x377: {  	[tilespmem:s14], [sflag:$0x2] =	stream.indirect.gather [hbm4b:s6+s12], $0x80, s24, s12, $0xb8;
	v63 =	vld [tilespmem:$0x0]  }
0x378: {  	_ =	swait.ge [sflag:s17], $0x2800  }
0x379: {  	s25 =	sld [smem:$0x7F4]  }
0x37a: {  	[sflag:s17] =	ssyncset.done $0x0  }
0x37b: {  	[sflag:s17] =	ssyncadd.s32 $0xFFFFD800  }
0x37c: {  	[spmem:s1] =	stream.indirect.scatter.add.f32 [tilespmem:s13], [sflag:$0x5], $0x80, s25, s12, $0xb8;
	v63 =	vld [tilespmem:$0x0]  }
0x37d: {  	_ =	swait.ge [sflag:s26], $0x2800  }
0x37e: {  	s23 =	sld [smem:$0x7F5]  }
0x37f: {  	[sflag:s26] =	ssyncset.done $0x0  }
0x380: {  	[sflag:s26] =	ssyncadd.s32 $0xFFFFD800  }
0x381: {  	[tilespmem:s15], [sflag:$0x3] =	stream.indirect.gather [hbm4b:s6+s12], $0x80, s23, s12, $0xb8;
	v63 =	vld [tilespmem:$0x0]  }
0x382: {  	_ =	swait.ge [sflag:s18], $0x2800  }
0x383: {  	s24 =	sld [smem:$0x7F6]  }
0x384: {  	[sflag:s18] =	ssyncset.done $0x0  }
0x385: {  	[sflag:s18] =	ssyncadd.s32 $0xFFFFD800  }
0x386: {  	[spmem:s1] =	stream.indirect.scatter.add.f32 [tilespmem:s14], [sflag:$0x6], $0x80, s24, s12, $0xb8;
	v63 =	vld [tilespmem:$0x0]  }
0x387: {  	_ =	swait.ge [sflag:s28], $0x2800  }
0x388: {  	s25 =	sld [smem:$0x7F7]  }
0x389: {  	[sflag:s28] =	ssyncset.done $0x0  }
0x38a: {  	[sflag:s28] =	ssyncadd.s32 $0xFFFFD800  }
0x38b: {  	[tilespmem:s16], [sflag:$0x4] =	stream.indirect.gather [hbm4b:s6+s12], $0x80, s25, s12, $0xb8;
	v63 =	vld [tilespmem:$0x0]  }
0x38c: {  	_ =	swait.ge [sflag:s19], $0x2800  }
0x38d: {  	s23 =	sld [smem:$0x7F8]  }
0x38e: {  	[sflag:s19] =	ssyncset.done $0x0  }
0x38f: {  	[sflag:s19] =	ssyncadd.s32 $0xFFFFD800  }
0x390: {  	[spmem:s1] =	stream.indirect.scatter.add.f32 [tilespmem:s15], [sflag:$0x7], $0x80, s23, s12, $0xb8;
	v63 =	vld [tilespmem:$0x0]  }
0x391: {  	_ =	swait.ge [sflag:s20], $0x2800  }
0x392: {  	[sflag:s20] =	ssyncset.done $0x0  }
0x393: {  	[sflag:s20] =	ssyncadd.s32 $0xFFFFD800  }
0x394: {  	[tilespmem:s13], [sflag:$0x1] =	stream.indirect.gather [hbm4b:s6+s12], $0x80, s29, s12, $0xb8;
	v63 =	vld [tilespmem:$0x0]  }
0x395: {  	_ =	swait.ge [sflag:s21], $0x2800  }
0x396: {  	[sflag:s21] =	ssyncset.done $0x0  }
0x397: {  	[sflag:s21] =	ssyncadd.s32 $0xFFFFD800  }
0x398: {  	[spmem:s1] =	stream.indirect.scatter.add.f32 [tilespmem:s16], [sflag:$0x8], $0x80, s30, s12, $0xb8;
	v63 =	vld [tilespmem:$0x0]  }
0x399: {  	_ =	swait.ge [sflag:s22], $0x2800  }
0x39a: {  	[sflag:s22] =	ssyncset.done $0x0  }
0x39b: {  	[sflag:s22] =	ssyncadd.s32 $0xFFFFD800  }
0x39c: {  	[tilespmem:s14], [sflag:$0x2] =	stream.indirect.gather [hbm4b:s6+s12], $0x80, s31, s12, $0xb8;
	v63 =	vld [tilespmem:$0x0]  }
0x39d: {  	_ =	swait.ge [sflag:s17], $0x2800  }
0x39e: {  	[sflag:s17] =	ssyncset.done $0x0  }
0x39f: {  	[sflag:s17] =	ssyncadd.s32 $0xFFFFD800  }
0x3a0: {  	[spmem:s1] =	stream.indirect.scatter.add.f32 [tilespmem:s13], [sflag:$0x5], $0x80, s0, s12, $0xb8;
	v63 =	vld [tilespmem:$0x0]  }
0x3a1: {  	_ =	swait.ge [sflag:s26], $0x2800  }
0x3a2: {  	[sflag:s26] =	ssyncset.done $0x0  }
0x3a3: {  	[sflag:s26] =	ssyncadd.s32 $0xFFFFD800  }
0x3a4: {  	[tilespmem:s15], [sflag:$0x3] =	stream.indirect.gather [hbm4b:s6+s12], $0x80, s2, s12, $0xb8;
	v63 =	vld [tilespmem:$0x0]  }
0x3a5: {  	_ =	swait.ge [sflag:s18], $0x2800  }
0x3a6: {  	[sflag:s18] =	ssyncset.done $0x0  }
0x3a7: {  	[sflag:s18] =	ssyncadd.s32 $0xFFFFD800  }
0x3a8: {  	[spmem:s1] =	stream.indirect.scatter.add.f32 [tilespmem:s14], [sflag:$0x6], $0x80, s4, s12, $0xb8;
	v63 =	vld [tilespmem:$0x0]  }
0x3a9: {  	_ =	swait.ge [sflag:s28], $0x2800  }
0x3aa: {  	[sflag:s28] =	ssyncset.done $0x0  }
0x3ab: {  	[sflag:s28] =	ssyncadd.s32 $0xFFFFD800  }
0x3ac: {  	[tilespmem:s16], [sflag:$0x4] =	stream.indirect.gather [hbm4b:s6+s12], $0x80, s8, s12, $0xb8;
	v63 =	vld [tilespmem:$0x0]  }
0x3ad: {  	_ =	swait.ge [sflag:s19], $0x2800  }
0x3ae: {  	[sflag:s19] =	ssyncset.done $0x0  }
0x3af: {  	[sflag:s19] =	ssyncadd.s32 $0xFFFFD800  }
0x3b0: {  	[spmem:s1] =	stream.indirect.scatter.add.f32 [tilespmem:s15], [sflag:$0x7], $0x80, s9, s12, $0xb8;
	v63 =	vld [tilespmem:$0x0]  }
0x3b1: {  	_ =	swait.ge [sflag:s20], $0x2800  }
0x3b2: {  	[sflag:s20] =	ssyncset.done $0x0  }
0x3b3: {  	[sflag:s20] =	ssyncadd.s32 $0xFFFFD800  }
0x3b4: {  	_ =	swait.ge [sflag:s21], $0x2800  }
0x3b5: {  	[sflag:s21] =	ssyncset.done $0x0  }
0x3b6: {  	[sflag:s21] =	ssyncadd.s32 $0xFFFFD800  }
0x3b7: {  	[spmem:s1] =	stream.indirect.scatter.add.f32 [tilespmem:s16], [sflag:$0x8], $0x80, s7, s12, $0xb8;
	v63 =	vld [tilespmem:$0x0]  }
0x3b8: {  	_ =	swait.ge [sflag:s22], $0x2800  }
0x3b9: {  	[sflag:s22] =	ssyncset.done $0x0  }
0x3ba: {  	[sflag:s22] =	ssyncadd.s32 $0xFFFFD800  }
0x3bb: {  	_ =	swait.ge [sflag:s26], $0x2800  }
0x3bc: {  	[sflag:s26] =	ssyncset.done $0x0  }
0x3bd: {  	[sflag:s26] =	ssyncadd.s32 $0xFFFFD800  }
0x3be: {  	_ =	swait.ge [sflag:s28], $0x2800  }
0x3bf: {  	[sflag:s28] =	ssyncset.done $0x0  }
0x3c0: {  	[sflag:s28] =	ssyncadd.s32 $0xFFFFD800  }
0x3c1: {  	[bflag:$0x0] =	sbarrier.arrive $0xFFFF  }
0x3c2: {  	s23 =	sld [smem:$0x7FD]  }
0x3c3: {  	s24 =	sld [smem:$0x7FA]  }
0x3c4: {  	s25 =	sld [smem:$0x7FB];
	_ =	sdelay $0x2  }
0x3c5: {  	[hbm:s24], [sflag:s23] =	dma.local [spmem:s25], $0x2700  }
0x3c6: {  	_ =	swait.ge [sflag:s10], $0x2700  }
0x3c7: {  	s5 =	sld [smem:$0x7F9]  }
0x3c8: {  	s24 =	sld [smem:$0x7FC]  }
0x3c9: {  	[sflag:s10] =	ssyncset.done $0x0  }
0x3ca: {  	[sflag:s10] =	ssyncadd.s32 $0xFFFFD900;
	s5 =	sadd.s32 @!p0 $0x27000, s5  }
0x3cb: {  	[hbm:s5], [sflag:s23] =	dma.local @!p0 [spmem:s24], $0x100  }
0x3cc: {  	s5 =	simm.s32 @!p0 $0x9  }
0x3cd: {  	_ =	swait.ge @!p0 [sflag:s5], $0x100  }
0x3ce: {  	s25 =	sld [smem:$0x7DA]  }
0x3cf: {  	s24 =	sld [smem:$0x7E8];
	_ =	sdelay $0x1  }
0x3d0: {  	s25 =	sadd.s32 $0x1, s25  }
0x3d1: {  	p1 =	sne.s32 s25, s24  }
.Ltmp1:
0x3d2: {  	_ = 	snop;
	(pc) =	sbr.rel @p1 .LBB2_1-.Ltmp1, $3  }
0x3d3: {  	_ =	sdelay $0x1  }
0x3d4: {  	[sflag:s5] =	ssyncset.done @!p0 $0x0  }
0x3d5: {  	[sflag:s5] =	ssyncadd.s32 @!p0 $0xFFFFFF00  }
0x3d6: {  	_ =	sfence.sel $0x180000  }
0x3d7: {  	[bflag:$0x0] =	sbarrier.arrive $0xFFFF  }
0x3d8: {  	_ =	strace $0x9000004A  }
0x3d9: {  	s0 =	stileid.u32;
	[bflag:$0x2] =	sbarrier.arrive $0xFFFF  }
0x3da: {  	p0 =	sne.s32 s0, $0x0;
	s0 =	rddreg [dreg:$0x3]  }
0x3db: {  	s0 =	sadd.s32 @!p0 $0x100000, s0  }
0x3dc: {  	[sflag:s0] =	ssyncadd.tile.s32 @!p0 $0x1;
	_ =	shalt  }
.Lfunc_end2:
_tile_overlayer_lowered:
.L_overlay_start_2:
0x3dd: {  	(tag) =	ssettag $0x2  }
0x3de: {  	s0 =	rddreg [dreg:$0x0];
	s2 =	stileid.u32  }
0x3df: {  	s1 =	rddreg [dreg:$0x1];
	p0 =	sne.s32 s2, $0x0  }
0x3e0: {  	s3 =	rddreg [dreg:$0x2];
	[bflag:$0x3] =	sbarrier.arrive $0xFFFF;
	s2 =	simm.s32 @!p0 $0x1C09  }
0x3e1: {  	[timem:s3], [sflag:s2] =	dma.local @!p0 [hbm:s0], s1  }
0x3e2: {  	s0 =	simm.s32 @!p0 $0x9  }
0x3e3: {  	_ =	swait.ge @!p0 [sflag:s0], s1  }
0x3e4: {  	s1 =	ssub.s32 @!p0 $0x0, s1;
	[sflag:s0] =	ssyncset.done @!p0 $0x0  }
0x3e5: {  	[sflag:s0] =	ssyncadd.s32 @!p0 s1  }
0x3e6: {  	[bflag:$0x3] =	sbarrier.arrive $0xFFFF  }
0x3e7: {  	_ =	shalt  }

// kernel: kernel.14.cloned.1.call-start
scs
__scs_entry_jumppad:
0x0: {  	(pc) =	sbr.rel $0x88, $3  }
0x1: {  	(tag) =	ssettag $0x0;
	lr =	simm.s32 $0x1  }
0x2: {  	[smem:$0x3F96] =	sst lr;
	_ =	strace $0xD0000000  }
0x3: {  	_ = 	snop  }
0x4: {  	_ = 	snop  }
0x5: {  	_ = 	snop  }
0x6: {  	_ = 	snop  }
0x7: {  	_ = 	snop  }
__scs_overlays_trampoline_lowered:
0x8: {  	[smem:$0x3FA5] =	sst s0  }
0x9: {  	[smem:$0x3FA6] =	sst s1  }
0xa: {  	[smem:$0x3FA7] =	sst s2  }
0xb: {  	[smem:$0x3FA8] =	sst s3  }
0xc: {  	[smem:$0x3FA9] =	sst s4  }
0xd: {  	[smem:$0x3FAA] =	sst s5  }
0xe: {  	[smem:$0x3FAB] =	sst s6  }
0xf: {  	[smem:$0x3FAC] =	sst s7  }
0x10: {  	[smem:$0x3FAD] =	sst s8  }
0x11: {  	[smem:$0x3FAE] =	sst s9;
	s0 =	simm.s32 @!p0 $0x0  }
0x12: {  	s1 =	sld [smem:$0x3F94];
	s0 =	simm.s32 @p0 $0x1  }
0x13: {  	[smem:$0x3FAF] =	sst s0;
	s0 =	simm.s32 @!p1 $0x0  }
0x14: {  	s2 =	sld [smem:$0x3F93];
	s0 =	simm.s32 @p1 $0x1  }
0x15: {  	[smem:$0x3FB0] =	sst s0;
	s0 =	simm.s32 @!p2 $0x0  }
0x16: {  	s3 =	sld [smem:$0x3FDB];
	s0 =	simm.s32 @p2 $0x1  }
0x17: {  	s4 =	simm.s32 $0x1BF5;
	[smem:$0x3FB2] =	sst s0  }
0x18: {  	s0 =	sld [smem:$0x3F95];
	_ =	swait.ge [sflag:s4], $0x0  }
0x19: {  	s7 =	sld [smem:$0x3F96]  }
0x1a: {  	s8 =	sadd.s32 $0xFFFFE003, lr  }
0x1b: {  	s9 =	sadd.s32 $0xFFFFFEF7, lr;
	s5 =	simm.s32 $0xFFFFFFFF;
	p2 =	slt.u32 s8, $0xFFFFF086  }
0x1c: {  	p1 =	slt.u32 s9, $0xF7A;
	s5 =	simm.s32 @!p2 $0x0  }
0x1d: {  	s5 =	simm.s32 @p1 $0x1;
	p0 =	seq.s32 s7, s2  }
0x1e: {  	s7 =	smul.u32 @!p0 $0xF7A, s2;
	p2 =	seq.s32 @!p0 s5, $0x0  }
0x1f: {  	s9 =	smul.u32 $0xF7A, s1;
	s8 =	simm.s32 @!p0 $0x1BF5;
	p2 =	por !p2, p0  }
0x20: {  	[sflag:s8] =	ssyncset.s32 @!p0 $0xFFFFF086;
	s6 =	sadd.s32 @!p0 s3, s7;
	s7 =	simm.s32 @!p0 $0x108  }
0x21: {  	s3 =	sadd.s32 s3, s9;
	s6 =	sadd.s32 @!p0 $0x88, s6;
	s7 =	simm.s32 @p2 $0x1082  }
0x22: {  	[simem:s7], [sflag:s8] =	dma.local @!p0 [hbm:s6], $0xF7A  }
0x23: {  	s9 =	sor.u32 $0xD0000000, s2;
	s6 =	simm.s32 $0x108;
	_ =	swait.ge @!p0 [sflag:s8], $0x0  }
0x24: {  	s3 =	sadd.s32 $0x88, s3;
	s6 =	simm.s32 @!p1 $0x1082;
	[sflag:s4] =	ssyncset.s32 $0xFFFFF086  }
0x25: {  	[simem:s6], [sflag:s4] =	dma.local [hbm:s3], $0xF7A  }
0x26: {  	[smem:$0x3F96] =	sst s1;
	(tag) =	ssettag s2;
	_ =	strace s9  }
0x27: {  	s1 =	sld [smem:$0x3FA6]  }
0x28: {  	s2 =	sld [smem:$0x3FA7]  }
0x29: {  	s4 =	sld [smem:$0x3FA9]  }
0x2a: {  	p0 =	seq.s32 s5, $0x0;
	s5 =	sld [smem:$0x3FAA]  }
0x2b: {  	s6 =	sld [smem:$0x3FAB]  }
0x2c: {  	s7 =	sld [smem:$0x3FAC]  }
0x2d: {  	s3 =	simm.s32 $0x108;
	s8 =	sld [smem:$0x3FAD]  }
0x2e: {  	s3 =	simm.s32 @!p0 $0x1082;
	s9 =	sld [smem:$0x3FAE]  }
0x2f: {  	lr =	sadd.s32 s0, s3;
	s0 =	sld [smem:$0x3FA5]  }
0x30: {  	s3 =	sld [smem:$0x3FA8]  }
0x31: {  	[smem:$0x3FB1] =	sst s10  }
0x32: {  	s10 =	sld [smem:$0x3FAF];
	_ =	sdelay $0x3  }
0x33: {  	p0 =	seq.s32 s10, $0x1;
	s10 =	sld [smem:$0x3FB1];
	_ =	sdelay $0x3  }
0x34: {  	[smem:$0x3FB1] =	sst s10  }
0x35: {  	s10 =	sld [smem:$0x3FB0];
	_ =	sdelay $0x3  }
0x36: {  	p1 =	seq.s32 s10, $0x1;
	s10 =	sld [smem:$0x3FB1];
	_ =	sdelay $0x3  }
0x37: {  	[smem:$0x3FB1] =	sst s10  }
0x38: {  	s10 =	sld [smem:$0x3FB2]  }
0x39: {  	_ = 	snop;
	(pc) =	sbr.ind lr, $3  }
0x3a: {  	_ = 	snop  }
0x3b: {  	_ = 	snop  }
0x3c: {  	p2 =	seq.s32 s10, $0x1;
	s10 =	sld [smem:$0x3FB1]  }
0x3d: {  	_ =	shalt  }
0x3e: {  	_ =	shalt  }
0x3f: {  	_ =	shalt  }
0x40: {  	_ =	shalt  }
0x41: {  	_ =	shalt  }
0x42: {  	_ =	shalt  }
0x43: {  	_ =	shalt  }
0x44: {  	_ =	shalt  }
0x45: {  	_ =	shalt  }
0x46: {  	_ =	shalt  }
0x47: {  	_ =	shalt  }
0x48: {  	_ =	shalt  }
0x49: {  	_ =	shalt  }
0x4a: {  	_ =	shalt  }
0x4b: {  	_ =	shalt  }
0x4c: {  	_ =	shalt  }
0x4d: {  	_ =	shalt  }
0x4e: {  	_ =	shalt  }
0x4f: {  	_ =	shalt  }
0x50: {  	_ =	shalt  }
0x51: {  	_ =	shalt  }
0x52: {  	_ =	shalt  }
0x53: {  	_ =	shalt  }
0x54: {  	_ =	shalt  }
0x55: {  	_ =	shalt  }
0x56: {  	_ =	shalt  }
0x57: {  	_ =	shalt  }
0x58: {  	_ =	shalt  }
0x59: {  	_ =	shalt  }
0x5a: {  	_ =	shalt  }
0x5b: {  	_ =	shalt  }
0x5c: {  	_ =	shalt  }
0x5d: {  	_ =	shalt  }
0x5e: {  	_ =	shalt  }
0x5f: {  	_ =	shalt  }
0x60: {  	_ =	shalt  }
0x61: {  	_ =	shalt  }
0x62: {  	_ =	shalt  }
0x63: {  	_ =	shalt  }
0x64: {  	_ =	shalt  }
0x65: {  	_ =	shalt  }
0x66: {  	_ =	shalt  }
0x67: {  	_ =	shalt  }
0x68: {  	_ =	shalt  }
0x69: {  	_ =	shalt  }
0x6a: {  	_ =	shalt  }
0x6b: {  	_ =	shalt  }
0x6c: {  	_ =	shalt  }
0x6d: {  	_ =	shalt  }
0x6e: {  	_ =	shalt  }
0x6f: {  	_ =	shalt  }
0x70: {  	_ =	shalt  }
0x71: {  	_ =	shalt  }
0x72: {  	_ =	shalt  }
0x73: {  	_ =	shalt  }
0x74: {  	_ =	shalt  }
0x75: {  	_ =	shalt  }
0x76: {  	_ =	shalt  }
0x77: {  	_ =	shalt  }
0x78: {  	_ =	shalt  }
0x79: {  	_ =	shalt  }
0x7a: {  	_ =	shalt  }
0x7b: {  	_ =	shalt  }
0x7c: {  	_ =	shalt  }
0x7d: {  	_ =	shalt  }
0x7e: {  	_ =	shalt  }
0x7f: {  	_ =	shalt  }
0x80: {  	_ =	shalt  }
0x81: {  	_ =	shalt  }
0x82: {  	_ =	shalt  }
0x83: {  	_ =	shalt  }
0x84: {  	_ =	shalt  }
0x85: {  	_ =	shalt  }
0x86: {  	_ =	shalt  }
0x87: {  	_ =	shalt  }
.Lfunc_end0:
.L_simem_size_0:
called_computation.2_lowered:
.L_overlay_start_0:
0x88: {  	s2 =	sld [smem:$0x3FD9]  }
0x89: {  	s3 =	sld [smem:$0x3FFE];
	_ =	sdelay $0x1  }
0x8a: {  	s1 =	srdreg.scid  }
0x8b: {  	s0 =	sand.u32 $0x1, s1  }
0x8c: {  	s17 =	sshll.u32 s0, $0xA;
	s2 =	sadd.s32 s3, s2  }
0x8d: {  	s2 =	sadd.s32 s2, s17  }
0x8e: {  	[smem:$0x3FBD] =	sst s2  }
0x8f: {  	_ = 	snop  }
0x90: {  	s2 =	sld [smem:$0x3FD0];
	(tm) =	ssettm $0x1  }
0x91: {  	s18 =	sld [smem:$0x3FFB];
	_ =	sdelay $0x3  }
0x92: {  	_ =	strace s18  }
0x93: {  	s3 =	sld [smem:$0x3FFC];
	_ =	sdelay $0x3  }
0x94: {  	_ =	strace s3  }
0x95: {  	s3 =	sld [smem:$0x3FFD];
	_ =	sdelay $0x3  }
0x96: {  	_ =	strace s3  }
0x97: {  	_ =	strace $0x8FFFFFFF  }
0x98: {  	s19 =	sld [smem:$0x3FDB];
	_ =	sdelay $0x1  }
0x99: {  	s4 =	simm.s32 $_scs_section_size  }
0x9a: {  	s5 =	simm.s32 $_size__tile_overlayer_lowered;
	s6 =	simm.s32 $_tile_overlayer_lowered  }
0x9b: {  	s22 =	simm.s32 $0x1BFF;
	s21 =	sshll.u32 s6, $0x1;
	s3 =	sadd.s32 s4, s19  }
0x9c: {  	s7 =	simm.s32 $0x0;
	s20 =	sshll.u32 s5, $0x1;
	s5 =	sadd.s32 s21, s3  }
0x9d: {  	[timem:s7], [sflag:s22] =	dma.local [hbm:s5], s20  }
0x9e: {  	_ =	swait.ge [sflag:s22], s20  }
0x9f: {  	s4 =	ssub.s32 $0x0, s20;
	[sflag:s22] =	ssyncset.done $0x0  }
0xa0: {  	[sflag:s22] =	ssyncadd.s32 s4;
	_ =	sdelay $0x1  }
0xa1: {  	s23 =	simm.s32 $0x1B8B  }
0xa2: {  	_ =	swait.ge [sflag:s23], $0x1  }
0xa3: {  	[sflag:s23] =	ssyncset.done $0x0  }
0xa4: {  	s25 =	simm.s32 $0x1B8E;
	s24 =	sld [smem:$0x3FFE];
	[sflag:s23] =	ssyncadd.s32 $0xFFFFFFFF  }
0xa5: {  	s26 =	simm.s32 $execute0_lowered;
	[smem:$0x3FD2] =	sst s25  }
0xa6: {  	s5 =	sshll.u32 s26, $0x1;
	_ =	strace $0x8000004C;
	[dreg:$0x1] =	wrdreg $0xFFFFFFFF  }
0xa7: {  	s28 =	simm.s32 $_size_execute0_lowered;
	s3 =	sadd.s32 s3, s5;
	[dreg:$0x0] =	wrdreg $0x0  }
0xa8: {  	s5 =	sshll.u32 s28, $0x1;
	[dreg:$0x2] =	wrdreg s3  }
0xa9: {  	[dreg:$0x3] =	wrdreg s5  }
0xaa: {  	[dreg:$0x4] =	wrdreg $0xC0  }
0xab: {  	_ =	task [dreg:s7], $0x5FFFF  }
0xac: {  	[dreg:$0x1] =	wrdreg $0xFFFFFFFF  }
0xad: {  	[dreg:$0x0] =	wrdreg $0x60  }
0xae: {  	[dreg:$0x2] =	wrdreg s24  }
0xaf: {  	[dreg:$0x3] =	wrdreg s2  }
0xb0: {  	[dreg:$0x4] =	wrdreg $0xC0000  }
0xb1: {  	[dreg:$0x5] =	wrdreg $0x9  }
0xb2: {  	_ =	task.clear_ibuf [dreg:s7], $0x6FFFF;
	_ =	strace $0x9000004C  }
0xb3: {  	s29 =	simm.s32 $0x9;
	_ =	strace $0x8000004E  }
0xb4: {  	_ =	swait.ge [sflag:s29], $0x1  }
0xb5: {  	[sflag:s29] =	ssyncadd.s32 $0xFFFFFFFF  }
0xb6: {  	_ =	strace $0x9000004E  }
0xb7: {  	_ =	sfence  }
0xb8: {  	s30 =	sld [smem:$0x0];
	_ =	sdelay $0x2  }
0xb9: {  	s31 =	sshll.u32 s1, $0xD;
	s1 =	sshrl.u32 s1, $0x2  }
0xba: {  	s3 =	sand.u32 $0x4000, s31;
	s1 =	sadd.s32 s1, s30  }
0xbb: {  	s0 =	sor.u32 s3, s0;
	s1 =	sshll.u32 s1, $0x11  }
0xbc: {  	s0 =	sor.u32 s1, s0  }
0xbd: {  	s0 =	sadd.s32 $0x8F2B, s0  }
0xbe: {  	[sflag:s0] =	ssyncadd.remote.s32 $0x1  }
0xbf: {  	_ =	sfence.sel $0xFFFF  }
0xc0: {  	[dreg:$0x0] =	wrdreg $0xFFFFFFFF;
	(pc) =	sbr.abs _section_cstart, $3  }
0xc1: {  	[dreg:$0x1] =	wrdreg $0xFFFFFFFF  }
0xc2: {  	_ =	task.clear_ibuf [dreg:s7], $0x2FFFF;
	_ =	strace $0x9FFFFFFF  }
0xc3: {  	(tm) =	ssettm $0x7FFFFFFF  }
tec
execute0_lowered:
.L_overlay_start_1:
0x0: {  	(tag) =	ssettag $0x1  }
0x1: {  	s0 =	rddreg [dreg:$0x0]  }
0x2: {  	s4 =	rddreg [dreg:$0x1]  }
0x3: {  	s1 =	rddreg [dreg:$0x2];
	s3 =	simm.s32 $0x0  }
0x4: {  	s25 =	simm.s32 $0x80;
	[smem:$0x7FF] =	sst s3  }
0x5: {  	s26 =	simm.s32 $0x100;
	_ =	strace $0x8000004D;
	[dreg:$0x6] =	wrdreg s25  }
0x6: {  	s8 =	simm.s32 $0x200;
	[dreg:$0x7] =	wrdreg s26  }
0x7: {  	s10 =	simm.s32 $0x1180;
	[dreg:$0xb] =	wrdreg s8  }
0x8: {  	s11 =	simm.s32 $0x280;
	[dreg:$0xc] =	wrdreg s10  }
0x9: {  	s12 =	simm.s32 $0x1200;
	[dreg:$0xd] =	wrdreg s11  }
0xa: {  	s13 =	simm.s32 $0x300;
	[dreg:$0xe] =	wrdreg s12  }
0xb: {  	s14 =	simm.s32 $0x1280;
	[dreg:$0xf] =	wrdreg s13  }
0xc: {  	s15 =	simm.s32 $0x380;
	[dreg:$0x10] =	wrdreg s14  }
0xd: {  	s16 =	simm.s32 $0x1300;
	[dreg:$0x11] =	wrdreg s15  }
0xe: {  	s17 =	simm.s32 $0x400;
	[dreg:$0x12] =	wrdreg s16  }
0xf: {  	s18 =	simm.s32 $0x1380;
	[dreg:$0x13] =	wrdreg s17  }
0x10: {  	s19 =	simm.s32 $0x480;
	[dreg:$0x14] =	wrdreg s18  }
0x11: {  	s20 =	simm.s32 $0x1400;
	[dreg:$0x15] =	wrdreg s19  }
0x12: {  	s21 =	simm.s32 $0x500;
	[dreg:$0x16] =	wrdreg s20  }
0x13: {  	s22 =	simm.s32 $0x1480;
	[dreg:$0x17] =	wrdreg s21  }
0x14: {  	s23 =	simm.s32 $0x580;
	[dreg:$0x18] =	wrdreg s22  }
0x15: {  	[dreg:$0x19] =	wrdreg s23;
	s26 =	simm.s32 $0x600  }
0x16: {  	s8 =	simm.s32 $0x1580;
	[dreg:$0x1b] =	wrdreg s26  }
0x17: {  	s2 =	srdreg.scid;
	s10 =	simm.s32 $0x680;
	[dreg:$0x1c] =	wrdreg s8  }
0x18: {  	s9 =	stileid.u32;
	s11 =	simm.s32 $0x1600;
	[dreg:$0x1d] =	wrdreg s10  }
0x19: {  	s28 =	simm.s32 $0x8;
	s13 =	simm.s32 $0x700;
	[dreg:$0x1e] =	wrdreg s11  }
0x1a: {  	s29 =	simm.s32 $0xE00;
	s15 =	simm.s32 $0x1680;
	[dreg:$0x1f] =	wrdreg s13  }
0x1b: {  	s30 =	simm.s32 $0x1D80;
	s16 =	simm.s32 $0x780;
	[smem:$0x7DC] =	sst s15  }
0x1c: {  	s31 =	simm.s32 $0xE80;
	s18 =	simm.s32 $0x1700;
	[smem:$0x7DD] =	sst s16  }
0x1d: {  	s2 =	sand.u32 $0x1, s2;
	s19 =	simm.s32 $0x800;
	[smem:$0x7DE] =	sst s18  }
0x1e: {  	s5 =	sshll.u32 s2, $0x10;
	s21 =	simm.s32 $0x1780;
	[smem:$0x7DF] =	sst s19  }
0x1f: {  	s22 =	simm.s32 $0x880;
	s6 =	sadd.s32 s5, s0;
	[smem:$0x7E0] =	sst s21  }
0x20: {  	s4 =	sadd.s32 s4, s5;
	s5 =	simm.s32 $0x180;
	[smem:$0x7E1] =	sst s22  }
0x21: {  	s7 =	sshll.u32 s9, $0xC;
	s26 =	simm.s32 $0x900;
	[dreg:$0x8] =	wrdreg s5  }
0x22: {  	p0 =	sne.s32 s9, $0xF;
	s8 =	simm.s32 $0x980;
	[smem:$0x7E3] =	sst s26  }
0x23: {  	s25 =	smul.u32 $0x27100, s2;
	s10 =	simm.s32 $0x1900;
	[smem:$0x7E5] =	sst s8  }
0x24: {  	s2 =	ssub.s32 $0x2, s2;
	s11 =	simm.s32 $0xA00;
	[smem:$0x7E6] =	sst s10  }
0x25: {  	s14 =	smul.u32 $0x50000, s9;
	s13 =	simm.s32 $0xA80;
	[smem:$0x7E7] =	sst s11  }
0x26: {  	s20 =	sshll.u32 s9, $0x6;
	s15 =	simm.s32 $0x1A00;
	[smem:$0x7EB] =	sst s13  }
0x27: {  	s12 =	sshrl.u32 s2, $0x1;
	s16 =	simm.s32 $0xB00;
	[smem:$0x7EC] =	sst s15  }
0x28: {  	s23 =	sor.u32 $0x1C09, s20;
	s18 =	simm.s32 $0xB80;
	[smem:$0x7ED] =	sst s16  }
0x29: {  	s19 =	simm.s32 $0x1B00;
	s20 =	simm.s32 $0xC00;
	[smem:$0x7EF] =	sst s18  }
0x2a: {  	s21 =	simm.s32 $0x1B80;
	s22 =	simm.s32 $0xC80;
	[smem:$0x7F0] =	sst s19  }
0x2b: {  	s6 =	sadd.s32 $0x2400, s6;
	s4 =	sadd.s32 s7, s4;
	[smem:$0x7F1] =	sst s20  }
0x2c: {  	s2 =	ssub.s32 s2, s12;
	s17 =	sshrl.u32 s14, $0x2;
	[smem:$0x7F2] =	sst s21  }
0x2d: {  	s8 =	sadd.s32 $0x138000, s1;
	s12 =	simm.s32 $0x1980;
	[smem:$0x7F3] =	sst s22  }
0x2e: {  	s10 =	simm.s32 $0x9;
	s11 =	simm.s32 $0x1000;
	[smem:$0x7FD] =	sst s23  }
0x2f: {  	s13 =	simm.s32 $0x2000;
	s15 =	simm.s32 $0x7000;
	[dreg:$0x5] =	wrdreg s4  }
0x30: {  	s16 =	simm.s32 $0x9800;
	s26 =	simm.s32 $0xD00;
	[smem:$0x7E9] =	sst s12  }
0x31: {  	s18 =	simm.s32 $0x2;
	s22 =	simm.s32 $0x1D00;
	[smem:$0x7F5] =	sst s26  }
0x32: {  	s19 =	simm.s32 $0x3;
	s24 =	sadd.s32 s7, s6;
	[smem:$0x7F8] =	sst s22  }
0x33: {  	s20 =	simm.s32 $0x5;
	s6 =	simm.s32 $0x1080;
	[dreg:$0x4] =	wrdreg s24  }
0x34: {  	s21 =	simm.s32 $0x4;
	s7 =	simm.s32 $0x1100;
	[dreg:$0x9] =	wrdreg s6  }
0x35: {  	s5 =	sadd.s32 s17, s1;
	s4 =	simm.s32 $0x1880;
	[dreg:$0xa] =	wrdreg s7  }
0x36: {  	s2 =	smax.u32 s2, $0x1;
	s17 =	simm.s32 $0x1A80;
	[smem:$0x7E4] =	sst s4  }
0x37: {  	s12 =	simm.s32 $0x50;
	s22 =	simm.s32 $0x6;
	[smem:$0x7E8] =	sst s2  }
0x38: {  	s24 =	simm.s32 $0x1500;
	s7 =	sadd.s32 $0xBE800, s0;
	[smem:$0x7EE] =	sst s17  }
0x39: {  	s0 =	sadd.s32 s25, s0;
	s25 =	smul.u32 $0x4E000, s9;
	[dreg:$0x1a] =	wrdreg s24  }
0x3a: {  	s14 =	sshrl.u32 s5, $0x3;
	s17 =	simm.s32 $0x1;
	[smem:$0x7DB] =	sst s7  }
0x3b: {  	s2 =	simm.s32 $0x1C80;
	s5 =	simm.s32 $0xD80;
	[smem:$0x7EA] =	sst s14  }
0x3c: {  	s6 =	sadd.s32 $0x70600, s0;
	s24 =	simm.s32 $0x1800;
	[smem:$0x7F6] =	sst s2  }
0x3d: {  	s14 =	simm.s32 $0x4800;
	[smem:$0x7F7] =	sst s5;
	s2 =	simm.s32 $0xF00  }
0x3e: {  	[smem:$0x7E2] =	sst s24;
	s7 =	sshrl.u32 s25, $0x2;
	s25 =	simm.s32 $0x1C00  }
0x3f: {  	s24 =	sadd.s32 $0xC1000, s0;
	s0 =	sshrl.u32 @!p0 s8, $0x3;
	[smem:$0x7F4] =	sst s25  }
0x40: {  	s8 =	simm.s32 $0xF80;
	s4 =	sadd.s32 s7, s1;
	[smem:$0x7F9] =	sst s24  }
0x41: {  	s7 =	smul.u32 $0x2700, s9;
	[smem:$0x7FC] =	sst s0;
	s0 =	simm.s32 $0x1E00  }
0x42: {  	s9 =	simm.s32 $0x1F00;
	s26 =	sshrl.u32 s4, $0x3;
	s4 =	simm.s32 $0x1E80  }
0x43: {  	s25 =	sadd.s32 s7, s24;
	[smem:$0x7FB] =	sst s26;
	s26 =	simm.s32 $0x7  }
0x44: {  	s7 =	simm.s32 $0x1F80;
	[smem:$0x7FA] =	sst s25;
	s25 =	simm.s32 $0x0  }
.LBB2_1:
0x45: {  	s5 =	sld [smem:$0x7DB]  }
0x46: {  	s24 =	sld [smem:$0x7EA];
	_ =	sdelay $0x1  }
0x47: {  	[smem:$0x7DA] =	sst s25  }
0x48: {  	[spmem:s24], [sflag:s23] =	dma.local [hbm:s5], $0x2800  }
0x49: {  	_ =	swait.ge [sflag:s10], $0x2800  }
0x4a: {  	[sflag:s10] =	ssyncset.done $0x0  }
0x4b: {  	[sflag:s10] =	ssyncadd.s32 $0xFFFFD800  }
0x4c: {  	[bflag:$0x0] =	sbarrier.arrive $0xFFFF  }
0x4d: {  	s25 =	rddreg [dreg:$0x4]  }
0x4e: {  	s5 =	sadd.s32 $0x0, s25  }
0x4f: {  	[tilespmem:s3], [sflag:$0x9] =	stream.linear.gather [hbm4b:s5+s3], $0x1000, $0x38;
	v63 =	vld [tilespmem:$0x0]  }
0x50: {  	_ =	swait.ge [sflag:s10], $0x1000  }
0x51: {  	s23 =	rddreg [dreg:$0x5];
	[sflag:s10] =	ssyncset.done $0x0  }
0x52: {  	[sflag:s10] =	ssyncadd.s32 $0xFFFFF000;
	s5 =	sadd.s32 $0x0, s23  }
0x53: {  	[tilespmem:s11], [sflag:$0x9] =	stream.linear.gather [hbm4b:s5+s3], $0x1000, $0x38;
	v63 =	vld [tilespmem:$0x0]  }
0x54: {  	_ =	swait.ge [sflag:s10], $0x1000  }
0x55: {  	[sflag:s10] =	ssyncset.done $0x0  }
0x56: {  	[sflag:s10] =	ssyncadd.s32 $0xFFFFF000  }
0x57: {  	[tilespmem:s13], [sflag:$0x1] =	stream.indirect.gather [hbm4b:s6+s12], $0x80, s3, s12, $0xb8;
	v63 =	vld [tilespmem:$0x0]  }
0x58: {  	s24 =	rddreg [dreg:$0x6]  }
0x59: {  	[tilespmem:s14], [sflag:$0x2] =	stream.indirect.gather [hbm4b:s6+s12], $0x80, s24, s12, $0xb8;
	v63 =	vld [tilespmem:$0x0]  }
0x5a: {  	s25 =	rddreg [dreg:$0x7]  }
0x5b: {  	[tilespmem:s15], [sflag:$0x3] =	stream.indirect.gather [hbm4b:s6+s12], $0x80, s25, s12, $0xb8;
	v63 =	vld [tilespmem:$0x0]  }
0x5c: {  	s23 =	rddreg [dreg:$0x8]  }
0x5d: {  	[tilespmem:s16], [sflag:$0x4] =	stream.indirect.gather [hbm4b:s6+s12], $0x80, s23, s12, $0xb8;
	v63 =	vld [tilespmem:$0x0]  }
0x5e: {  	_ =	swait.ge [sflag:s17], $0x2800  }
0x5f: {  	[sflag:s17] =	ssyncset.done $0x0  }
0x60: {  	[sflag:s17] =	ssyncadd.s32 $0xFFFFD800  }
0x61: {  	[spmem:s1] =	stream.indirect.scatter.add.f32 [tilespmem:s13], [sflag:$0x5], $0x80, s11, s12, $0xb8;
	v63 =	vld [tilespmem:$0x0]  }
0x62: {  	_ =	swait.ge [sflag:s18], $0x2800  }
0x63: {  	[sflag:s18] =	ssyncset.done $0x0  }
0x64: {  	s24 =	rddreg [dreg:$0x9];
	[sflag:s18] =	ssyncadd.s32 $0xFFFFD800  }
0x65: {  	[spmem:s1] =	stream.indirect.scatter.add.f32 [tilespmem:s14], [sflag:$0x6], $0x80, s24, s12, $0xb8;
	v63 =	vld [tilespmem:$0x0]  }
0x66: {  	_ =	swait.ge [sflag:s19], $0x2800  }
0x67: {  	[sflag:s19] =	ssyncset.done $0x0  }
0x68: {  	s25 =	rddreg [dreg:$0xa];
	[sflag:s19] =	ssyncadd.s32 $0xFFFFD800  }
0x69: {  	[spmem:s1] =	stream.indirect.scatter.add.f32 [tilespmem:s15], [sflag:$0x7], $0x80, s25, s12, $0xb8;
	v63 =	vld [tilespmem:$0x0]  }
0x6a: {  	_ =	swait.ge [sflag:s20], $0x2800  }
0x6b: {  	[sflag:s20] =	ssyncset.done $0x0  }
0x6c: {  	s23 =	rddreg [dreg:$0xb];
	[sflag:s20] =	ssyncadd.s32 $0xFFFFD800  }
0x6d: {  	[tilespmem:s13], [sflag:$0x1] =	stream.indirect.gather [hbm4b:s6+s12], $0x80, s23, s12, $0xb8;
	v63 =	vld [tilespmem:$0x0]  }
0x6e: {  	_ =	swait.ge [sflag:s21], $0x2800  }
0x6f: {  	[sflag:s21] =	ssyncset.done $0x0  }
0x70: {  	s24 =	rddreg [dreg:$0xc];
	[sflag:s21] =	ssyncadd.s32 $0xFFFFD800  }
0x71: {  	[spmem:s1] =	stream.indirect.scatter.add.f32 [tilespmem:s16], [sflag:$0x8], $0x80, s24, s12, $0xb8;
	v63 =	vld [tilespmem:$0x0]  }
0x72: {  	_ =	swait.ge [sflag:s22], $0x2800  }
0x73: {  	[sflag:s22] =	ssyncset.done $0x0  }
0x74: {  	s25 =	rddreg [dreg:$0xd];
	[sflag:s22] =	ssyncadd.s32 $0xFFFFD800  }
0x75: {  	[tilespmem:s14], [sflag:$0x2] =	stream.indirect.gather [hbm4b:s6+s12], $0x80, s25, s12, $0xb8;
	v63 =	vld [tilespmem:$0x0]  }
0x76: {  	_ =	swait.ge [sflag:s17], $0x2800  }
0x77: {  	[sflag:s17] =	ssyncset.done $0x0  }
0x78: {  	s23 =	rddreg [dreg:$0xe];
	[sflag:s17] =	ssyncadd.s32 $0xFFFFD800  }
0x79: {  	[spmem:s1] =	stream.indirect.scatter.add.f32 [tilespmem:s13], [sflag:$0x5], $0x80, s23, s12, $0xb8;
	v63 =	vld [tilespmem:$0x0]  }
0x7a: {  	_ =	swait.ge [sflag:s26], $0x2800  }
0x7b: {  	[sflag:s26] =	ssyncset.done $0x0  }
0x7c: {  	s24 =	rddreg [dreg:$0xf];
	[sflag:s26] =	ssyncadd.s32 $0xFFFFD800  }
0x7d: {  	[tilespmem:s15], [sflag:$0x3] =	stream.indirect.gather [hbm4b:s6+s12], $0x80, s24, s12, $0xb8;
	v63 =	vld [tilespmem:$0x0]  }
0x7e: {  	_ =	swait.ge [sflag:s18], $0x2800  }
0x7f: {  	[sflag:s18] =	ssyncset.done $0x0  }
0x80: {  	s25 =	rddreg [dreg:$0x10];
	[sflag:s18] =	ssyncadd.s32 $0xFFFFD800  }
0x81: {  	[spmem:s1] =	stream.indirect.scatter.add.f32 [tilespmem:s14], [sflag:$0x6], $0x80, s25, s12, $0xb8;
	v63 =	vld [tilespmem:$0x0]  }
0x82: {  	_ =	swait.ge [sflag:s28], $0x2800  }
0x83: {  	[sflag:s28] =	ssyncset.done $0x0  }
0x84: {  	s23 =	rddreg [dreg:$0x11];
	[sflag:s28] =	ssyncadd.s32 $0xFFFFD800  }
0x85: {  	[tilespmem:s16], [sflag:$0x4] =	stream.indirect.gather [hbm4b:s6+s12], $0x80, s23, s12, $0xb8;
	v63 =	vld [tilespmem:$0x0]  }
0x86: {  	_ =	swait.ge [sflag:s19], $0x2800  }
0x87: {  	[sflag:s19] =	ssyncset.done $0x0  }
0x88: {  	s24 =	rddreg [dreg:$0x12];
	[sflag:s19] =	ssyncadd.s32 $0xFFFFD800  }
0x89: {  	[spmem:s1] =	stream.indirect.scatter.add.f32 [tilespmem:s15], [sflag:$0x7], $0x80, s24, s12, $0xb8;
	v63 =	vld [tilespmem:$0x0]  }
0x8a: {  	_ =	swait.ge [sflag:s20], $0x2800  }
0x8b: {  	[sflag:s20] =	ssyncset.done $0x0  }
0x8c: {  	s25 =	rddreg [dreg:$0x13];
	[sflag:s20] =	ssyncadd.s32 $0xFFFFD800  }
0x8d: {  	[tilespmem:s13], [sflag:$0x1] =	stream.indirect.gather [hbm4b:s6+s12], $0x80, s25, s12, $0xb8;
	v63 =	vld [tilespmem:$0x0]  }
0x8e: {  	_ =	swait.ge [sflag:s21], $0x2800  }
0x8f: {  	[sflag:s21] =	ssyncset.done $0x0  }
0x90: {  	s23 =	rddreg [dreg:$0x14];
	[sflag:s21] =	ssyncadd.s32 $0xFFFFD800  }
0x91: {  	[spmem:s1] =	stream.indirect.scatter.add.f32 [tilespmem:s16], [sflag:$0x8], $0x80, s23, s12, $0xb8;
	v63 =	vld [tilespmem:$0x0]  }
0x92: {  	_ =	swait.ge [sflag:s22], $0x2800  }
0x93: {  	[sflag:s22] =	ssyncset.done $0x0  }
0x94: {  	s24 =	rddreg [dreg:$0x15];
	[sflag:s22] =	ssyncadd.s32 $0xFFFFD800  }
0x95: {  	[tilespmem:s14], [sflag:$0x2] =	stream.indirect.gather [hbm4b:s6+s12], $0x80, s24, s12, $0xb8;
	v63 =	vld [tilespmem:$0x0]  }
0x96: {  	_ =	swait.ge [sflag:s17], $0x2800  }
0x97: {  	[sflag:s17] =	ssyncset.done $0x0  }
0x98: {  	s25 =	rddreg [dreg:$0x16];
	[sflag:s17] =	ssyncadd.s32 $0xFFFFD800  }
0x99: {  	[spmem:s1] =	stream.indirect.scatter.add.f32 [tilespmem:s13], [sflag:$0x5], $0x80, s25, s12, $0xb8;
	v63 =	vld [tilespmem:$0x0]  }
0x9a: {  	_ =	swait.ge [sflag:s26], $0x2800  }
0x9b: {  	[sflag:s26] =	ssyncset.done $0x0  }
0x9c: {  	s23 =	rddreg [dreg:$0x17];
	[sflag:s26] =	ssyncadd.s32 $0xFFFFD800  }
0x9d: {  	[tilespmem:s15], [sflag:$0x3] =	stream.indirect.gather [hbm4b:s6+s12], $0x80, s23, s12, $0xb8;
	v63 =	vld [tilespmem:$0x0]  }
0x9e: {  	_ =	swait.ge [sflag:s18], $0x2800  }
0x9f: {  	[sflag:s18] =	ssyncset.done $0x0  }
0xa0: {  	s24 =	rddreg [dreg:$0x18];
	[sflag:s18] =	ssyncadd.s32 $0xFFFFD800  }
0xa1: {  	[spmem:s1] =	stream.indirect.scatter.add.f32 [tilespmem:s14], [sflag:$0x6], $0x80, s24, s12, $0xb8;
	v63 =	vld [tilespmem:$0x0]  }
0xa2: {  	_ =	swait.ge [sflag:s28], $0x2800  }
0xa3: {  	[sflag:s28] =	ssyncset.done $0x0  }
0xa4: {  	s25 =	rddreg [dreg:$0x19];
	[sflag:s28] =	ssyncadd.s32 $0xFFFFD800  }
0xa5: {  	[tilespmem:s16], [sflag:$0x4] =	stream.indirect.gather [hbm4b:s6+s12], $0x80, s25, s12, $0xb8;
	v63 =	vld [tilespmem:$0x0]  }
0xa6: {  	_ =	swait.ge [sflag:s19], $0x2800  }
0xa7: {  	[sflag:s19] =	ssyncset.done $0x0  }
0xa8: {  	s23 =	rddreg [dreg:$0x1a];
	[sflag:s19] =	ssyncadd.s32 $0xFFFFD800  }
0xa9: {  	[spmem:s1] =	stream.indirect.scatter.add.f32 [tilespmem:s15], [sflag:$0x7], $0x80, s23, s12, $0xb8;
	v63 =	vld [tilespmem:$0x0]  }
0xaa: {  	_ =	swait.ge [sflag:s20], $0x2800  }
0xab: {  	[sflag:s20] =	ssyncset.done $0x0  }
0xac: {  	s24 =	rddreg [dreg:$0x1b];
	[sflag:s20] =	ssyncadd.s32 $0xFFFFD800  }
0xad: {  	[tilespmem:s13], [sflag:$0x1] =	stream.indirect.gather [hbm4b:s6+s12], $0x80, s24, s12, $0xb8;
	v63 =	vld [tilespmem:$0x0]  }
0xae: {  	_ =	swait.ge [sflag:s21], $0x2800  }
0xaf: {  	[sflag:s21] =	ssyncset.done $0x0  }
0xb0: {  	s25 =	rddreg [dreg:$0x1c];
	[sflag:s21] =	ssyncadd.s32 $0xFFFFD800  }
0xb1: {  	[spmem:s1] =	stream.indirect.scatter.add.f32 [tilespmem:s16], [sflag:$0x8], $0x80, s25, s12, $0xb8;
	v63 =	vld [tilespmem:$0x0]  }
0xb2: {  	_ =	swait.ge [sflag:s22], $0x2800  }
0xb3: {  	[sflag:s22] =	ssyncset.done $0x0  }
0xb4: {  	s23 =	rddreg [dreg:$0x1d];
	[sflag:s22] =	ssyncadd.s32 $0xFFFFD800  }
0xb5: {  	[tilespmem:s14], [sflag:$0x2] =	stream.indirect.gather [hbm4b:s6+s12], $0x80, s23, s12, $0xb8;
	v63 =	vld [tilespmem:$0x0]  }
0xb6: {  	_ =	swait.ge [sflag:s17], $0x2800  }
0xb7: {  	[sflag:s17] =	ssyncset.done $0x0  }
0xb8: {  	s24 =	rddreg [dreg:$0x1e];
	[sflag:s17] =	ssyncadd.s32 $0xFFFFD800  }
0xb9: {  	[spmem:s1] =	stream.indirect.scatter.add.f32 [tilespmem:s13], [sflag:$0x5], $0x80, s24, s12, $0xb8;
	v63 =	vld [tilespmem:$0x0]  }
0xba: {  	_ =	swait.ge [sflag:s26], $0x2800  }
0xbb: {  	[sflag:s26] =	ssyncset.done $0x0  }
0xbc: {  	s25 =	rddreg [dreg:$0x1f];
	[sflag:s26] =	ssyncadd.s32 $0xFFFFD800  }
0xbd: {  	[tilespmem:s15], [sflag:$0x3] =	stream.indirect.gather [hbm4b:s6+s12], $0x80, s25, s12, $0xb8;
	v63 =	vld [tilespmem:$0x0]  }
0xbe: {  	_ =	swait.ge [sflag:s18], $0x2800  }
0xbf: {  	s23 =	sld [smem:$0x7DC]  }
0xc0: {  	[sflag:s18] =	ssyncset.done $0x0  }
0xc1: {  	[sflag:s18] =	ssyncadd.s32 $0xFFFFD800  }
0xc2: {  	[spmem:s1] =	stream.indirect.scatter.add.f32 [tilespmem:s14], [sflag:$0x6], $0x80, s23, s12, $0xb8;
	v63 =	vld [tilespmem:$0x0]  }
0xc3: {  	_ =	swait.ge [sflag:s28], $0x2800  }
0xc4: {  	s24 =	sld [smem:$0x7DD]  }
0xc5: {  	[sflag:s28] =	ssyncset.done $0x0  }
0xc6: {  	[sflag:s28] =	ssyncadd.s32 $0xFFFFD800  }
0xc7: {  	[tilespmem:s16], [sflag:$0x4] =	stream.indirect.gather [hbm4b:s6+s12], $0x80, s24, s12, $0xb8;
	v63 =	vld [tilespmem:$0x0]  }
0xc8: {  	_ =	swait.ge [sflag:s19], $0x2800  }
0xc9: {  	s25 =	sld [smem:$0x7DE]  }
0xca: {  	[sflag:s19] =	ssyncset.done $0x0  }
0xcb: {  	[sflag:s19] =	ssyncadd.s32 $0xFFFFD800  }
0xcc: {  	[spmem:s1] =	stream.indirect.scatter.add.f32 [tilespmem:s15], [sflag:$0x7], $0x80, s25, s12, $0xb8;
	v63 =	vld [tilespmem:$0x0]  }
0xcd: {  	_ =	swait.ge [sflag:s20], $0x2800  }
0xce: {  	s23 =	sld [smem:$0x7DF]  }
0xcf: {  	[sflag:s20] =	ssyncset.done $0x0  }
0xd0: {  	[sflag:s20] =	ssyncadd.s32 $0xFFFFD800  }
0xd1: {  	[tilespmem:s13], [sflag:$0x1] =	stream.indirect.gather [hbm4b:s6+s12], $0x80, s23, s12, $0xb8;
	v63 =	vld [tilespmem:$0x0]  }
0xd2: {  	_ =	swait.ge [sflag:s21], $0x2800  }
0xd3: {  	s24 =	sld [smem:$0x7E0]  }
0xd4: {  	[sflag:s21] =	ssyncset.done $0x0  }
0xd5: {  	[sflag:s21] =	ssyncadd.s32 $0xFFFFD800  }
0xd6: {  	[spmem:s1] =	stream.indirect.scatter.add.f32 [tilespmem:s16], [sflag:$0x8], $0x80, s24, s12, $0xb8;
	v63 =	vld [tilespmem:$0x0]  }
0xd7: {  	_ =	swait.ge [sflag:s22], $0x2800  }
0xd8: {  	s25 =	sld [smem:$0x7E1]  }
0xd9: {  	[sflag:s22] =	ssyncset.done $0x0  }
0xda: {  	[sflag:s22] =	ssyncadd.s32 $0xFFFFD800  }
0xdb: {  	[tilespmem:s14], [sflag:$0x2] =	stream.indirect.gather [hbm4b:s6+s12], $0x80, s25, s12, $0xb8;
	v63 =	vld [tilespmem:$0x0]  }
0xdc: {  	_ =	swait.ge [sflag:s17], $0x2800  }
0xdd: {  	s23 =	sld [smem:$0x7E2]  }
0xde: {  	[sflag:s17] =	ssyncset.done $0x0  }
0xdf: {  	[sflag:s17] =	ssyncadd.s32 $0xFFFFD800  }
0xe0: {  	[spmem:s1] =	stream.indirect.scatter.add.f32 [tilespmem:s13], [sflag:$0x5], $0x80, s23, s12, $0xb8;
	v63 =	vld [tilespmem:$0x0]  }
0xe1: {  	_ =	swait.ge [sflag:s26], $0x2800  }
0xe2: {  	s24 =	sld [smem:$0x7E3]  }
0xe3: {  	[sflag:s26] =	ssyncset.done $0x0  }
0xe4: {  	[sflag:s26] =	ssyncadd.s32 $0xFFFFD800  }
0xe5: {  	[tilespmem:s15], [sflag:$0x3] =	stream.indirect.gather [hbm4b:s6+s12], $0x80, s24, s12, $0xb8;
	v63 =	vld [tilespmem:$0x0]  }
0xe6: {  	_ =	swait.ge [sflag:s18], $0x2800  }
0xe7: {  	s25 =	sld [smem:$0x7E4]  }
0xe8: {  	[sflag:s18] =	ssyncset.done $0x0  }
0xe9: {  	[sflag:s18] =	ssyncadd.s32 $0xFFFFD800  }
0xea: {  	[spmem:s1] =	stream.indirect.scatter.add.f32 [tilespmem:s14], [sflag:$0x6], $0x80, s25, s12, $0xb8;
	v63 =	vld [tilespmem:$0x0]  }
0xeb: {  	_ =	swait.ge [sflag:s28], $0x2800  }
0xec: {  	s23 =	sld [smem:$0x7E5]  }
0xed: {  	[sflag:s28] =	ssyncset.done $0x0  }
0xee: {  	[sflag:s28] =	ssyncadd.s32 $0xFFFFD800  }
0xef: {  	[tilespmem:s16], [sflag:$0x4] =	stream.indirect.gather [hbm4b:s6+s12], $0x80, s23, s12, $0xb8;
	v63 =	vld [tilespmem:$0x0]  }
0xf0: {  	_ =	swait.ge [sflag:s19], $0x2800  }
0xf1: {  	s24 =	sld [smem:$0x7E6]  }
0xf2: {  	[sflag:s19] =	ssyncset.done $0x0  }
0xf3: {  	[sflag:s19] =	ssyncadd.s32 $0xFFFFD800  }
0xf4: {  	[spmem:s1] =	stream.indirect.scatter.add.f32 [tilespmem:s15], [sflag:$0x7], $0x80, s24, s12, $0xb8;
	v63 =	vld [tilespmem:$0x0]  }
0xf5: {  	_ =	swait.ge [sflag:s20], $0x2800  }
0xf6: {  	s25 =	sld [smem:$0x7E7]  }
0xf7: {  	[sflag:s20] =	ssyncset.done $0x0  }
0xf8: {  	[sflag:s20] =	ssyncadd.s32 $0xFFFFD800  }
0xf9: {  	[tilespmem:s13], [sflag:$0x1] =	stream.indirect.gather [hbm4b:s6+s12], $0x80, s25, s12, $0xb8;
	v63 =	vld [tilespmem:$0x0]  }
0xfa: {  	_ =	swait.ge [sflag:s21], $0x2800  }
0xfb: {  	s23 =	sld [smem:$0x7E9]  }
0xfc: {  	[sflag:s21] =	ssyncset.done $0x0  }
0xfd: {  	[sflag:s21] =	ssyncadd.s32 $0xFFFFD800  }
0xfe: {  	[spmem:s1] =	stream.indirect.scatter.add.f32 [tilespmem:s16], [sflag:$0x8], $0x80, s23, s12, $0xb8;
	v63 =	vld [tilespmem:$0x0]  }
0xff: {  	_ =	swait.ge [sflag:s22], $0x2800  }
0x100: {  	s24 =	sld [smem:$0x7EB]  }
0x101: {  	[sflag:s22] =	ssyncset.done $0x0  }
0x102: {  	[sflag:s22] =	ssyncadd.s32 $0xFFFFD800  }
0x103: {  	[tilespmem:s14], [sflag:$0x2] =	stream.indirect.gather [hbm4b:s6+s12], $0x80, s24, s12, $0xb8;
	v63 =	vld [tilespmem:$0x0]  }
0x104: {  	_ =	swait.ge [sflag:s17], $0x2800  }
0x105: {  	s25 =	sld [smem:$0x7EC]  }
0x106: {  	[sflag:s17] =	ssyncset.done $0x0  }
0x107: {  	[sflag:s17] =	ssyncadd.s32 $0xFFFFD800  }
0x108: {  	[spmem:s1] =	stream.indirect.scatter.add.f32 [tilespmem:s13], [sflag:$0x5], $0x80, s25, s12, $0xb8;
	v63 =	vld [tilespmem:$0x0]  }
0x109: {  	_ =	swait.ge [sflag:s26], $0x2800  }
0x10a: {  	s23 =	sld [smem:$0x7ED]  }
0x10b: {  	[sflag:s26] =	ssyncset.done $0x0  }
0x10c: {  	[sflag:s26] =	ssyncadd.s32 $0xFFFFD800  }
0x10d: {  	[tilespmem:s15], [sflag:$0x3] =	stream.indirect.gather [hbm4b:s6+s12], $0x80, s23, s12, $0xb8;
	v63 =	vld [tilespmem:$0x0]  }
0x10e: {  	_ =	swait.ge [sflag:s18], $0x2800  }
0x10f: {  	s24 =	sld [smem:$0x7EE]  }
0x110: {  	[sflag:s18] =	ssyncset.done $0x0  }
0x111: {  	[sflag:s18] =	ssyncadd.s32 $0xFFFFD800  }
0x112: {  	[spmem:s1] =	stream.indirect.scatter.add.f32 [tilespmem:s14], [sflag:$0x6], $0x80, s24, s12, $0xb8;
	v63 =	vld [tilespmem:$0x0]  }
0x113: {  	_ =	swait.ge [sflag:s28], $0x2800  }
0x114: {  	s25 =	sld [smem:$0x7EF]  }
0x115: {  	[sflag:s28] =	ssyncset.done $0x0  }
0x116: {  	[sflag:s28] =	ssyncadd.s32 $0xFFFFD800  }
0x117: {  	[tilespmem:s16], [sflag:$0x4] =	stream.indirect.gather [hbm4b:s6+s12], $0x80, s25, s12, $0xb8;
	v63 =	vld [tilespmem:$0x0]  }
0x118: {  	_ =	swait.ge [sflag:s19], $0x2800  }
0x119: {  	s23 =	sld [smem:$0x7F0]  }
0x11a: {  	[sflag:s19] =	ssyncset.done $0x0  }
0x11b: {  	[sflag:s19] =	ssyncadd.s32 $0xFFFFD800  }
0x11c: {  	[spmem:s1] =	stream.indirect.scatter.add.f32 [tilespmem:s15], [sflag:$0x7], $0x80, s23, s12, $0xb8;
	v63 =	vld [tilespmem:$0x0]  }
0x11d: {  	_ =	swait.ge [sflag:s20], $0x2800  }
0x11e: {  	s24 =	sld [smem:$0x7F1]  }
0x11f: {  	[sflag:s20] =	ssyncset.done $0x0  }
0x120: {  	[sflag:s20] =	ssyncadd.s32 $0xFFFFD800  }
0x121: {  	[tilespmem:s13], [sflag:$0x1] =	stream.indirect.gather [hbm4b:s6+s12], $0x80, s24, s12, $0xb8;
	v63 =	vld [tilespmem:$0x0]  }
0x122: {  	_ =	swait.ge [sflag:s21], $0x2800  }
0x123: {  	s25 =	sld [smem:$0x7F2]  }
0x124: {  	[sflag:s21] =	ssyncset.done $0x0  }
0x125: {  	[sflag:s21] =	ssyncadd.s32 $0xFFFFD800  }
0x126: {  	[spmem:s1] =	stream.indirect.scatter.add.f32 [tilespmem:s16], [sflag:$0x8], $0x80, s25, s12, $0xb8;
	v63 =	vld [tilespmem:$0x0]  }
0x127: {  	_ =	swait.ge [sflag:s22], $0x2800  }
0x128: {  	s23 =	sld [smem:$0x7F3]  }
0x129: {  	[sflag:s22] =	ssyncset.done $0x0  }
0x12a: {  	[sflag:s22] =	ssyncadd.s32 $0xFFFFD800  }
0x12b: {  	[tilespmem:s14], [sflag:$0x2] =	stream.indirect.gather [hbm4b:s6+s12], $0x80, s23, s12, $0xb8;
	v63 =	vld [tilespmem:$0x0]  }
0x12c: {  	_ =	swait.ge [sflag:s17], $0x2800  }
0x12d: {  	s24 =	sld [smem:$0x7F4]  }
0x12e: {  	[sflag:s17] =	ssyncset.done $0x0  }
0x12f: {  	[sflag:s17] =	ssyncadd.s32 $0xFFFFD800  }
0x130: {  	[spmem:s1] =	stream.indirect.scatter.add.f32 [tilespmem:s13], [sflag:$0x5], $0x80, s24, s12, $0xb8;
	v63 =	vld [tilespmem:$0x0]  }
0x131: {  	_ =	swait.ge [sflag:s26], $0x2800  }
0x132: {  	s25 =	sld [smem:$0x7F5]  }
0x133: {  	[sflag:s26] =	ssyncset.done $0x0  }
0x134: {  	[sflag:s26] =	ssyncadd.s32 $0xFFFFD800  }
0x135: {  	[tilespmem:s15], [sflag:$0x3] =	stream.indirect.gather [hbm4b:s6+s12], $0x80, s25, s12, $0xb8;
	v63 =	vld [tilespmem:$0x0]  }
0x136: {  	_ =	swait.ge [sflag:s18], $0x2800  }
0x137: {  	s23 =	sld [smem:$0x7F6]  }
0x138: {  	[sflag:s18] =	ssyncset.done $0x0  }
0x139: {  	[sflag:s18] =	ssyncadd.s32 $0xFFFFD800  }
0x13a: {  	[spmem:s1] =	stream.indirect.scatter.add.f32 [tilespmem:s14], [sflag:$0x6], $0x80, s23, s12, $0xb8;
	v63 =	vld [tilespmem:$0x0]  }
0x13b: {  	_ =	swait.ge [sflag:s28], $0x2800  }
0x13c: {  	s24 =	sld [smem:$0x7F7]  }
0x13d: {  	[sflag:s28] =	ssyncset.done $0x0  }
0x13e: {  	[sflag:s28] =	ssyncadd.s32 $0xFFFFD800  }
0x13f: {  	[tilespmem:s16], [sflag:$0x4] =	stream.indirect.gather [hbm4b:s6+s12], $0x80, s24, s12, $0xb8;
	v63 =	vld [tilespmem:$0x0]  }
0x140: {  	_ =	swait.ge [sflag:s19], $0x2800  }
0x141: {  	s25 =	sld [smem:$0x7F8]  }
0x142: {  	[sflag:s19] =	ssyncset.done $0x0  }
0x143: {  	[sflag:s19] =	ssyncadd.s32 $0xFFFFD800  }
0x144: {  	[spmem:s1] =	stream.indirect.scatter.add.f32 [tilespmem:s15], [sflag:$0x7], $0x80, s25, s12, $0xb8;
	v63 =	vld [tilespmem:$0x0]  }
0x145: {  	_ =	swait.ge [sflag:s20], $0x2800  }
0x146: {  	[sflag:s20] =	ssyncset.done $0x0  }
0x147: {  	[sflag:s20] =	ssyncadd.s32 $0xFFFFD800  }
0x148: {  	[tilespmem:s13], [sflag:$0x1] =	stream.indirect.gather [hbm4b:s6+s12], $0x80, s29, s12, $0xb8;
	v63 =	vld [tilespmem:$0x0]  }
0x149: {  	_ =	swait.ge [sflag:s21], $0x2800  }
0x14a: {  	[sflag:s21] =	ssyncset.done $0x0  }
0x14b: {  	[sflag:s21] =	ssyncadd.s32 $0xFFFFD800  }
0x14c: {  	[spmem:s1] =	stream.indirect.scatter.add.f32 [tilespmem:s16], [sflag:$0x8], $0x80, s30, s12, $0xb8;
	v63 =	vld [tilespmem:$0x0]  }
0x14d: {  	_ =	swait.ge [sflag:s22], $0x2800  }
0x14e: {  	[sflag:s22] =	ssyncset.done $0x0  }
0x14f: {  	[sflag:s22] =	ssyncadd.s32 $0xFFFFD800  }
0x150: {  	[tilespmem:s14], [sflag:$0x2] =	stream.indirect.gather [hbm4b:s6+s12], $0x80, s31, s12, $0xb8;
	v63 =	vld [tilespmem:$0x0]  }
0x151: {  	_ =	swait.ge [sflag:s17], $0x2800  }
0x152: {  	[sflag:s17] =	ssyncset.done $0x0  }
0x153: {  	[sflag:s17] =	ssyncadd.s32 $0xFFFFD800  }
0x154: {  	[spmem:s1] =	stream.indirect.scatter.add.f32 [tilespmem:s13], [sflag:$0x5], $0x80, s0, s12, $0xb8;
	v63 =	vld [tilespmem:$0x0]  }
0x155: {  	_ =	swait.ge [sflag:s26], $0x2800  }
0x156: {  	[sflag:s26] =	ssyncset.done $0x0  }
0x157: {  	[sflag:s26] =	ssyncadd.s32 $0xFFFFD800  }
0x158: {  	[tilespmem:s15], [sflag:$0x3] =	stream.indirect.gather [hbm4b:s6+s12], $0x80, s2, s12, $0xb8;
	v63 =	vld [tilespmem:$0x0]  }
0x159: {  	_ =	swait.ge [sflag:s18], $0x2800  }
0x15a: {  	[sflag:s18] =	ssyncset.done $0x0  }
0x15b: {  	[sflag:s18] =	ssyncadd.s32 $0xFFFFD800  }
0x15c: {  	[spmem:s1] =	stream.indirect.scatter.add.f32 [tilespmem:s14], [sflag:$0x6], $0x80, s4, s12, $0xb8;
	v63 =	vld [tilespmem:$0x0]  }
0x15d: {  	_ =	swait.ge [sflag:s28], $0x2800  }
0x15e: {  	[sflag:s28] =	ssyncset.done $0x0  }
0x15f: {  	[sflag:s28] =	ssyncadd.s32 $0xFFFFD800  }
0x160: {  	[tilespmem:s16], [sflag:$0x4] =	stream.indirect.gather [hbm4b:s6+s12], $0x80, s8, s12, $0xb8;
	v63 =	vld [tilespmem:$0x0]  }
0x161: {  	_ =	swait.ge [sflag:s19], $0x2800  }
0x162: {  	[sflag:s19] =	ssyncset.done $0x0  }
0x163: {  	[sflag:s19] =	ssyncadd.s32 $0xFFFFD800  }
0x164: {  	[spmem:s1] =	stream.indirect.scatter.add.f32 [tilespmem:s15], [sflag:$0x7], $0x80, s9, s12, $0xb8;
	v63 =	vld [tilespmem:$0x0]  }
0x165: {  	_ =	swait.ge [sflag:s20], $0x2800  }
0x166: {  	[sflag:s20] =	ssyncset.done $0x0  }
0x167: {  	[sflag:s20] =	ssyncadd.s32 $0xFFFFD800  }
0x168: {  	_ =	swait.ge [sflag:s21], $0x2800  }
0x169: {  	[sflag:s21] =	ssyncset.done $0x0  }
0x16a: {  	[sflag:s21] =	ssyncadd.s32 $0xFFFFD800  }
0x16b: {  	[spmem:s1] =	stream.indirect.scatter.add.f32 [tilespmem:s16], [sflag:$0x8], $0x80, s7, s12, $0xb8;
	v63 =	vld [tilespmem:$0x0]  }
0x16c: {  	_ =	swait.ge [sflag:s22], $0x2800  }
0x16d: {  	[sflag:s22] =	ssyncset.done $0x0  }
0x16e: {  	[sflag:s22] =	ssyncadd.s32 $0xFFFFD800  }
0x16f: {  	_ =	swait.ge [sflag:s26], $0x2800  }
0x170: {  	[sflag:s26] =	ssyncset.done $0x0  }
0x171: {  	[sflag:s26] =	ssyncadd.s32 $0xFFFFD800  }
0x172: {  	s24 =	simm.s32 $0x200;
	_ =	swait.ge [sflag:s28], $0x2800  }
0x173: {  	s25 =	simm.s32 $0x400;
	s5 =	rddreg [dreg:$0x4];
	[sflag:s28] =	ssyncset.done $0x0  }
.LBB2_2:
0x174: {  	[sflag:s28] =	ssyncadd.s32 $0xFFFFD800;
	s5 =	sadd.s32 s24, s5  }
0x175: {  	[tilespmem:s3], [sflag:$0x9] =	stream.linear.gather [hbm4b:s5+s3], $0x1000, $0x38;
	v63 =	vld [tilespmem:$0x0]  }
0x176: {  	_ =	swait.ge [sflag:s10], $0x1000  }
0x177: {  	s5 =	rddreg [dreg:$0x5];
	[sflag:s10] =	ssyncset.done $0x0  }
0x178: {  	[sflag:s10] =	ssyncadd.s32 $0xFFFFF000;
	s5 =	sadd.s32 s24, s5  }
0x179: {  	[tilespmem:s11], [sflag:$0x9] =	stream.linear.gather [hbm4b:s5+s3], $0x1000, $0x38;
	v63 =	vld [tilespmem:$0x0]  }
0x17a: {  	_ =	swait.ge [sflag:s10], $0x1000  }
0x17b: {  	[sflag:s10] =	ssyncset.done $0x0  }
0x17c: {  	[sflag:s10] =	ssyncadd.s32 $0xFFFFF000  }
0x17d: {  	[tilespmem:s13], [sflag:$0x1] =	stream.indirect.gather [hbm4b:s6+s12], $0x80, s3, s12, $0xb8;
	v63 =	vld [tilespmem:$0x0]  }
0x17e: {  	s23 =	smov.u32 s25;
	s5 =	rddreg [dreg:$0x6]  }
0x17f: {  	[tilespmem:s14], [sflag:$0x2] =	stream.indirect.gather [hbm4b:s6+s12], $0x80, s5, s12, $0xb8;
	v63 =	vld [tilespmem:$0x0]  }
0x180: {  	s24 =	smov.u32 s23;
	s23 =	rddreg [dreg:$0x7]  }
0x181: {  	[tilespmem:s15], [sflag:$0x3] =	stream.indirect.gather [hbm4b:s6+s12], $0x80, s23, s12, $0xb8;
	v63 =	vld [tilespmem:$0x0]  }
0x182: {  	s5 =	rddreg [dreg:$0x8]  }
0x183: {  	[tilespmem:s16], [sflag:$0x4] =	stream.indirect.gather [hbm4b:s6+s12], $0x80, s5, s12, $0xb8;
	v63 =	vld [tilespmem:$0x0]  }
0x184: {  	_ =	swait.ge [sflag:s17], $0x2800  }
0x185: {  	[sflag:s17] =	ssyncset.done $0x0  }
0x186: {  	[sflag:s17] =	ssyncadd.s32 $0xFFFFD800  }
0x187: {  	[spmem:s1] =	stream.indirect.scatter.add.f32 [tilespmem:s13], [sflag:$0x5], $0x80, s11, s12, $0xb8;
	v63 =	vld [tilespmem:$0x0]  }
0x188: {  	_ =	swait.ge [sflag:s18], $0x2800  }
0x189: {  	[sflag:s18] =	ssyncset.done $0x0  }
0x18a: {  	s23 =	rddreg [dreg:$0x9];
	[sflag:s18] =	ssyncadd.s32 $0xFFFFD800  }
0x18b: {  	[spmem:s1] =	stream.indirect.scatter.add.f32 [tilespmem:s14], [sflag:$0x6], $0x80, s23, s12, $0xb8;
	v63 =	vld [tilespmem:$0x0]  }
0x18c: {  	_ =	swait.ge [sflag:s19], $0x2800  }
0x18d: {  	[sflag:s19] =	ssyncset.done $0x0  }
0x18e: {  	s23 =	rddreg [dreg:$0xa];
	[sflag:s19] =	ssyncadd.s32 $0xFFFFD800  }
0x18f: {  	[spmem:s1] =	stream.indirect.scatter.add.f32 [tilespmem:s15], [sflag:$0x7], $0x80, s23, s12, $0xb8;
	v63 =	vld [tilespmem:$0x0]  }
0x190: {  	_ =	swait.ge [sflag:s20], $0x2800  }
0x191: {  	[sflag:s20] =	ssyncset.done $0x0  }
0x192: {  	s23 =	rddreg [dreg:$0xb];
	[sflag:s20] =	ssyncadd.s32 $0xFFFFD800  }
0x193: {  	[tilespmem:s13], [sflag:$0x1] =	stream.indirect.gather [hbm4b:s6+s12], $0x80, s23, s12, $0xb8;
	v63 =	vld [tilespmem:$0x0]  }
0x194: {  	_ =	swait.ge [sflag:s21], $0x2800  }
0x195: {  	[sflag:s21] =	ssyncset.done $0x0  }
0x196: {  	s23 =	rddreg [dreg:$0xc];
	[sflag:s21] =	ssyncadd.s32 $0xFFFFD800  }
0x197: {  	[spmem:s1] =	stream.indirect.scatter.add.f32 [tilespmem:s16], [sflag:$0x8], $0x80, s23, s12, $0xb8;
	v63 =	vld [tilespmem:$0x0]  }
0x198: {  	_ =	swait.ge [sflag:s22], $0x2800  }
0x199: {  	[sflag:s22] =	ssyncset.done $0x0  }
0x19a: {  	s23 =	rddreg [dreg:$0xd];
	[sflag:s22] =	ssyncadd.s32 $0xFFFFD800  }
0x19b: {  	[tilespmem:s14], [sflag:$0x2] =	stream.indirect.gather [hbm4b:s6+s12], $0x80, s23, s12, $0xb8;
	v63 =	vld [tilespmem:$0x0]  }
0x19c: {  	_ =	swait.ge [sflag:s17], $0x2800  }
0x19d: {  	[sflag:s17] =	ssyncset.done $0x0  }
0x19e: {  	s23 =	rddreg [dreg:$0xe];
	[sflag:s17] =	ssyncadd.s32 $0xFFFFD800  }
0x19f: {  	[spmem:s1] =	stream.indirect.scatter.add.f32 [tilespmem:s13], [sflag:$0x5], $0x80, s23, s12, $0xb8;
	v63 =	vld [tilespmem:$0x0]  }
0x1a0: {  	_ =	swait.ge [sflag:s26], $0x2800  }
0x1a1: {  	[sflag:s26] =	ssyncset.done $0x0  }
0x1a2: {  	s23 =	rddreg [dreg:$0xf];
	[sflag:s26] =	ssyncadd.s32 $0xFFFFD800  }
0x1a3: {  	[tilespmem:s15], [sflag:$0x3] =	stream.indirect.gather [hbm4b:s6+s12], $0x80, s23, s12, $0xb8;
	v63 =	vld [tilespmem:$0x0]  }
0x1a4: {  	_ =	swait.ge [sflag:s18], $0x2800  }
0x1a5: {  	[sflag:s18] =	ssyncset.done $0x0  }
0x1a6: {  	s23 =	rddreg [dreg:$0x10];
	[sflag:s18] =	ssyncadd.s32 $0xFFFFD800  }
0x1a7: {  	[spmem:s1] =	stream.indirect.scatter.add.f32 [tilespmem:s14], [sflag:$0x6], $0x80, s23, s12, $0xb8;
	v63 =	vld [tilespmem:$0x0]  }
0x1a8: {  	_ =	swait.ge [sflag:s28], $0x2800  }
0x1a9: {  	[sflag:s28] =	ssyncset.done $0x0  }
0x1aa: {  	s23 =	rddreg [dreg:$0x11];
	[sflag:s28] =	ssyncadd.s32 $0xFFFFD800  }
0x1ab: {  	[tilespmem:s16], [sflag:$0x4] =	stream.indirect.gather [hbm4b:s6+s12], $0x80, s23, s12, $0xb8;
	v63 =	vld [tilespmem:$0x0]  }
0x1ac: {  	_ =	swait.ge [sflag:s19], $0x2800  }
0x1ad: {  	[sflag:s19] =	ssyncset.done $0x0  }
0x1ae: {  	s23 =	rddreg [dreg:$0x12];
	[sflag:s19] =	ssyncadd.s32 $0xFFFFD800  }
0x1af: {  	[spmem:s1] =	stream.indirect.scatter.add.f32 [tilespmem:s15], [sflag:$0x7], $0x80, s23, s12, $0xb8;
	v63 =	vld [tilespmem:$0x0]  }
0x1b0: {  	_ =	swait.ge [sflag:s20], $0x2800  }
0x1b1: {  	[sflag:s20] =	ssyncset.done $0x0  }
0x1b2: {  	s23 =	rddreg [dreg:$0x13];
	[sflag:s20] =	ssyncadd.s32 $0xFFFFD800  }
0x1b3: {  	[tilespmem:s13], [sflag:$0x1] =	stream.indirect.gather [hbm4b:s6+s12], $0x80, s23, s12, $0xb8;
	v63 =	vld [tilespmem:$0x0]  }
0x1b4: {  	_ =	swait.ge [sflag:s21], $0x2800  }
0x1b5: {  	[sflag:s21] =	ssyncset.done $0x0  }
0x1b6: {  	s23 =	rddreg [dreg:$0x14];
	[sflag:s21] =	ssyncadd.s32 $0xFFFFD800  }
0x1b7: {  	[spmem:s1] =	stream.indirect.scatter.add.f32 [tilespmem:s16], [sflag:$0x8], $0x80, s23, s12, $0xb8;
	v63 =	vld [tilespmem:$0x0]  }
0x1b8: {  	_ =	swait.ge [sflag:s22], $0x2800  }
0x1b9: {  	[sflag:s22] =	ssyncset.done $0x0  }
0x1ba: {  	s23 =	rddreg [dreg:$0x15];
	[sflag:s22] =	ssyncadd.s32 $0xFFFFD800  }
0x1bb: {  	[tilespmem:s14], [sflag:$0x2] =	stream.indirect.gather [hbm4b:s6+s12], $0x80, s23, s12, $0xb8;
	v63 =	vld [tilespmem:$0x0]  }
0x1bc: {  	_ =	swait.ge [sflag:s17], $0x2800  }
0x1bd: {  	[sflag:s17] =	ssyncset.done $0x0  }
0x1be: {  	s23 =	rddreg [dreg:$0x16];
	[sflag:s17] =	ssyncadd.s32 $0xFFFFD800  }
0x1bf: {  	[spmem:s1] =	stream.indirect.scatter.add.f32 [tilespmem:s13], [sflag:$0x5], $0x80, s23, s12, $0xb8;
	v63 =	vld [tilespmem:$0x0]  }
0x1c0: {  	_ =	swait.ge [sflag:s26], $0x2800  }
0x1c1: {  	[sflag:s26] =	ssyncset.done $0x0  }
0x1c2: {  	s23 =	rddreg [dreg:$0x17];
	[sflag:s26] =	ssyncadd.s32 $0xFFFFD800  }
0x1c3: {  	[tilespmem:s15], [sflag:$0x3] =	stream.indirect.gather [hbm4b:s6+s12], $0x80, s23, s12, $0xb8;
	v63 =	vld [tilespmem:$0x0]  }
0x1c4: {  	_ =	swait.ge [sflag:s18], $0x2800  }
0x1c5: {  	[sflag:s18] =	ssyncset.done $0x0  }
0x1c6: {  	s23 =	rddreg [dreg:$0x18];
	[sflag:s18] =	ssyncadd.s32 $0xFFFFD800  }
0x1c7: {  	[spmem:s1] =	stream.indirect.scatter.add.f32 [tilespmem:s14], [sflag:$0x6], $0x80, s23, s12, $0xb8;
	v63 =	vld [tilespmem:$0x0]  }
0x1c8: {  	_ =	swait.ge [sflag:s28], $0x2800  }
0x1c9: {  	[sflag:s28] =	ssyncset.done $0x0  }
0x1ca: {  	s23 =	rddreg [dreg:$0x19];
	[sflag:s28] =	ssyncadd.s32 $0xFFFFD800  }
0x1cb: {  	[tilespmem:s16], [sflag:$0x4] =	stream.indirect.gather [hbm4b:s6+s12], $0x80, s23, s12, $0xb8;
	v63 =	vld [tilespmem:$0x0]  }
0x1cc: {  	_ =	swait.ge [sflag:s19], $0x2800  }
0x1cd: {  	[sflag:s19] =	ssyncset.done $0x0  }
0x1ce: {  	s23 =	rddreg [dreg:$0x1a];
	[sflag:s19] =	ssyncadd.s32 $0xFFFFD800  }
0x1cf: {  	[spmem:s1] =	stream.indirect.scatter.add.f32 [tilespmem:s15], [sflag:$0x7], $0x80, s23, s12, $0xb8;
	v63 =	vld [tilespmem:$0x0]  }
0x1d0: {  	_ =	swait.ge [sflag:s20], $0x2800  }
0x1d1: {  	[sflag:s20] =	ssyncset.done $0x0  }
0x1d2: {  	s23 =	rddreg [dreg:$0x1b];
	[sflag:s20] =	ssyncadd.s32 $0xFFFFD800  }
0x1d3: {  	[tilespmem:s13], [sflag:$0x1] =	stream.indirect.gather [hbm4b:s6+s12], $0x80, s23, s12, $0xb8;
	v63 =	vld [tilespmem:$0x0]  }
0x1d4: {  	_ =	swait.ge [sflag:s21], $0x2800  }
0x1d5: {  	[sflag:s21] =	ssyncset.done $0x0  }
0x1d6: {  	s23 =	rddreg [dreg:$0x1c];
	[sflag:s21] =	ssyncadd.s32 $0xFFFFD800  }
0x1d7: {  	[spmem:s1] =	stream.indirect.scatter.add.f32 [tilespmem:s16], [sflag:$0x8], $0x80, s23, s12, $0xb8;
	v63 =	vld [tilespmem:$0x0]  }
0x1d8: {  	_ =	swait.ge [sflag:s22], $0x2800  }
0x1d9: {  	[sflag:s22] =	ssyncset.done $0x0  }
0x1da: {  	s23 =	rddreg [dreg:$0x1d];
	[sflag:s22] =	ssyncadd.s32 $0xFFFFD800  }
0x1db: {  	[tilespmem:s14], [sflag:$0x2] =	stream.indirect.gather [hbm4b:s6+s12], $0x80, s23, s12, $0xb8;
	v63 =	vld [tilespmem:$0x0]  }
0x1dc: {  	_ =	swait.ge [sflag:s17], $0x2800  }
0x1dd: {  	[sflag:s17] =	ssyncset.done $0x0  }
0x1de: {  	s23 =	rddreg [dreg:$0x1e];
	[sflag:s17] =	ssyncadd.s32 $0xFFFFD800  }
0x1df: {  	[spmem:s1] =	stream.indirect.scatter.add.f32 [tilespmem:s13], [sflag:$0x5], $0x80, s23, s12, $0xb8;
	v63 =	vld [tilespmem:$0x0]  }
0x1e0: {  	_ =	swait.ge [sflag:s26], $0x2800  }
0x1e1: {  	[sflag:s26] =	ssyncset.done $0x0  }
0x1e2: {  	s23 =	rddreg [dreg:$0x1f];
	[sflag:s26] =	ssyncadd.s32 $0xFFFFD800  }
0x1e3: {  	[tilespmem:s15], [sflag:$0x3] =	stream.indirect.gather [hbm4b:s6+s12], $0x80, s23, s12, $0xb8;
	v63 =	vld [tilespmem:$0x0]  }
0x1e4: {  	_ =	swait.ge [sflag:s18], $0x2800  }
0x1e5: {  	s23 =	sld [smem:$0x7DC]  }
0x1e6: {  	[sflag:s18] =	ssyncset.done $0x0  }
0x1e7: {  	[sflag:s18] =	ssyncadd.s32 $0xFFFFD800  }
0x1e8: {  	[spmem:s1] =	stream.indirect.scatter.add.f32 [tilespmem:s14], [sflag:$0x6], $0x80, s23, s12, $0xb8;
	v63 =	vld [tilespmem:$0x0]  }
0x1e9: {  	_ =	swait.ge [sflag:s28], $0x2800  }
0x1ea: {  	s23 =	sld [smem:$0x7DD]  }
0x1eb: {  	[sflag:s28] =	ssyncset.done $0x0  }
0x1ec: {  	[sflag:s28] =	ssyncadd.s32 $0xFFFFD800  }
0x1ed: {  	[tilespmem:s16], [sflag:$0x4] =	stream.indirect.gather [hbm4b:s6+s12], $0x80, s23, s12, $0xb8;
	v63 =	vld [tilespmem:$0x0]  }
0x1ee: {  	_ =	swait.ge [sflag:s19], $0x2800  }
0x1ef: {  	s23 =	sld [smem:$0x7DE]  }
0x1f0: {  	[sflag:s19] =	ssyncset.done $0x0  }
0x1f1: {  	[sflag:s19] =	ssyncadd.s32 $0xFFFFD800  }
0x1f2: {  	[spmem:s1] =	stream.indirect.scatter.add.f32 [tilespmem:s15], [sflag:$0x7], $0x80, s23, s12, $0xb8;
	v63 =	vld [tilespmem:$0x0]  }
0x1f3: {  	_ =	swait.ge [sflag:s20], $0x2800  }
0x1f4: {  	s23 =	sld [smem:$0x7DF]  }
0x1f5: {  	[sflag:s20] =	ssyncset.done $0x0  }
0x1f6: {  	[sflag:s20] =	ssyncadd.s32 $0xFFFFD800  }
0x1f7: {  	[tilespmem:s13], [sflag:$0x1] =	stream.indirect.gather [hbm4b:s6+s12], $0x80, s23, s12, $0xb8;
	v63 =	vld [tilespmem:$0x0]  }
0x1f8: {  	_ =	swait.ge [sflag:s21], $0x2800  }
0x1f9: {  	s23 =	sld [smem:$0x7E0]  }
0x1fa: {  	[sflag:s21] =	ssyncset.done $0x0  }
0x1fb: {  	[sflag:s21] =	ssyncadd.s32 $0xFFFFD800  }
0x1fc: {  	[spmem:s1] =	stream.indirect.scatter.add.f32 [tilespmem:s16], [sflag:$0x8], $0x80, s23, s12, $0xb8;
	v63 =	vld [tilespmem:$0x0]  }
0x1fd: {  	_ =	swait.ge [sflag:s22], $0x2800  }
0x1fe: {  	s23 =	sld [smem:$0x7E1]  }
0x1ff: {  	[sflag:s22] =	ssyncset.done $0x0  }
0x200: {  	[sflag:s22] =	ssyncadd.s32 $0xFFFFD800  }
0x201: {  	[tilespmem:s14], [sflag:$0x2] =	stream.indirect.gather [hbm4b:s6+s12], $0x80, s23, s12, $0xb8;
	v63 =	vld [tilespmem:$0x0]  }
0x202: {  	_ =	swait.ge [sflag:s17], $0x2800  }
0x203: {  	s23 =	sld [smem:$0x7E2]  }
0x204: {  	[sflag:s17] =	ssyncset.done $0x0  }
0x205: {  	[sflag:s17] =	ssyncadd.s32 $0xFFFFD800  }
0x206: {  	[spmem:s1] =	stream.indirect.scatter.add.f32 [tilespmem:s13], [sflag:$0x5], $0x80, s23, s12, $0xb8;
	v63 =	vld [tilespmem:$0x0]  }
0x207: {  	_ =	swait.ge [sflag:s26], $0x2800  }
0x208: {  	s23 =	sld [smem:$0x7E3]  }
0x209: {  	[sflag:s26] =	ssyncset.done $0x0  }
0x20a: {  	[sflag:s26] =	ssyncadd.s32 $0xFFFFD800  }
0x20b: {  	[tilespmem:s15], [sflag:$0x3] =	stream.indirect.gather [hbm4b:s6+s12], $0x80, s23, s12, $0xb8;
	v63 =	vld [tilespmem:$0x0]  }
0x20c: {  	_ =	swait.ge [sflag:s18], $0x2800  }
0x20d: {  	s23 =	sld [smem:$0x7E4]  }
0x20e: {  	[sflag:s18] =	ssyncset.done $0x0  }
0x20f: {  	[sflag:s18] =	ssyncadd.s32 $0xFFFFD800  }
0x210: {  	[spmem:s1] =	stream.indirect.scatter.add.f32 [tilespmem:s14], [sflag:$0x6], $0x80, s23, s12, $0xb8;
	v63 =	vld [tilespmem:$0x0]  }
0x211: {  	_ =	swait.ge [sflag:s28], $0x2800  }
0x212: {  	s23 =	sld [smem:$0x7E5]  }
0x213: {  	[sflag:s28] =	ssyncset.done $0x0  }
0x214: {  	[sflag:s28] =	ssyncadd.s32 $0xFFFFD800  }
0x215: {  	[tilespmem:s16], [sflag:$0x4] =	stream.indirect.gather [hbm4b:s6+s12], $0x80, s23, s12, $0xb8;
	v63 =	vld [tilespmem:$0x0]  }
0x216: {  	_ =	swait.ge [sflag:s19], $0x2800  }
0x217: {  	s23 =	sld [smem:$0x7E6]  }
0x218: {  	[sflag:s19] =	ssyncset.done $0x0  }
0x219: {  	[sflag:s19] =	ssyncadd.s32 $0xFFFFD800  }
0x21a: {  	[spmem:s1] =	stream.indirect.scatter.add.f32 [tilespmem:s15], [sflag:$0x7], $0x80, s23, s12, $0xb8;
	v63 =	vld [tilespmem:$0x0]  }
0x21b: {  	_ =	swait.ge [sflag:s20], $0x2800  }
0x21c: {  	s23 =	sld [smem:$0x7E7]  }
0x21d: {  	[sflag:s20] =	ssyncset.done $0x0  }
0x21e: {  	[sflag:s20] =	ssyncadd.s32 $0xFFFFD800  }
0x21f: {  	[tilespmem:s13], [sflag:$0x1] =	stream.indirect.gather [hbm4b:s6+s12], $0x80, s23, s12, $0xb8;
	v63 =	vld [tilespmem:$0x0]  }
0x220: {  	_ =	swait.ge [sflag:s21], $0x2800  }
0x221: {  	s23 =	sld [smem:$0x7E9]  }
0x222: {  	[sflag:s21] =	ssyncset.done $0x0  }
0x223: {  	[sflag:s21] =	ssyncadd.s32 $0xFFFFD800  }
0x224: {  	[spmem:s1] =	stream.indirect.scatter.add.f32 [tilespmem:s16], [sflag:$0x8], $0x80, s23, s12, $0xb8;
	v63 =	vld [tilespmem:$0x0]  }
0x225: {  	_ =	swait.ge [sflag:s22], $0x2800  }
0x226: {  	s23 =	sld [smem:$0x7EB]  }
0x227: {  	[sflag:s22] =	ssyncset.done $0x0  }
0x228: {  	[sflag:s22] =	ssyncadd.s32 $0xFFFFD800  }
0x229: {  	[tilespmem:s14], [sflag:$0x2] =	stream.indirect.gather [hbm4b:s6+s12], $0x80, s23, s12, $0xb8;
	v63 =	vld [tilespmem:$0x0]  }
0x22a: {  	_ =	swait.ge [sflag:s17], $0x2800  }
0x22b: {  	s23 =	sld [smem:$0x7EC]  }
0x22c: {  	[sflag:s17] =	ssyncset.done $0x0  }
0x22d: {  	[sflag:s17] =	ssyncadd.s32 $0xFFFFD800  }
0x22e: {  	[spmem:s1] =	stream.indirect.scatter.add.f32 [tilespmem:s13], [sflag:$0x5], $0x80, s23, s12, $0xb8;
	v63 =	vld [tilespmem:$0x0]  }
0x22f: {  	_ =	swait.ge [sflag:s26], $0x2800  }
0x230: {  	s23 =	sld [smem:$0x7ED]  }
0x231: {  	[sflag:s26] =	ssyncset.done $0x0  }
0x232: {  	[sflag:s26] =	ssyncadd.s32 $0xFFFFD800  }
0x233: {  	[tilespmem:s15], [sflag:$0x3] =	stream.indirect.gather [hbm4b:s6+s12], $0x80, s23, s12, $0xb8;
	v63 =	vld [tilespmem:$0x0]  }
0x234: {  	_ =	swait.ge [sflag:s18], $0x2800  }
0x235: {  	s23 =	sld [smem:$0x7EE]  }
0x236: {  	[sflag:s18] =	ssyncset.done $0x0  }
0x237: {  	[sflag:s18] =	ssyncadd.s32 $0xFFFFD800  }
0x238: {  	[spmem:s1] =	stream.indirect.scatter.add.f32 [tilespmem:s14], [sflag:$0x6], $0x80, s23, s12, $0xb8;
	v63 =	vld [tilespmem:$0x0]  }
0x239: {  	_ =	swait.ge [sflag:s28], $0x2800  }
0x23a: {  	s23 =	sld [smem:$0x7EF]  }
0x23b: {  	[sflag:s28] =	ssyncset.done $0x0  }
0x23c: {  	[sflag:s28] =	ssyncadd.s32 $0xFFFFD800  }
0x23d: {  	[tilespmem:s16], [sflag:$0x4] =	stream.indirect.gather [hbm4b:s6+s12], $0x80, s23, s12, $0xb8;
	v63 =	vld [tilespmem:$0x0]  }
0x23e: {  	_ =	swait.ge [sflag:s19], $0x2800  }
0x23f: {  	s23 =	sld [smem:$0x7F0]  }
0x240: {  	[sflag:s19] =	ssyncset.done $0x0  }
0x241: {  	[sflag:s19] =	ssyncadd.s32 $0xFFFFD800  }
0x242: {  	[spmem:s1] =	stream.indirect.scatter.add.f32 [tilespmem:s15], [sflag:$0x7], $0x80, s23, s12, $0xb8;
	v63 =	vld [tilespmem:$0x0]  }
0x243: {  	_ =	swait.ge [sflag:s20], $0x2800  }
0x244: {  	s23 =	sld [smem:$0x7F1]  }
0x245: {  	[sflag:s20] =	ssyncset.done $0x0  }
0x246: {  	[sflag:s20] =	ssyncadd.s32 $0xFFFFD800  }
0x247: {  	[tilespmem:s13], [sflag:$0x1] =	stream.indirect.gather [hbm4b:s6+s12], $0x80, s23, s12, $0xb8;
	v63 =	vld [tilespmem:$0x0]  }
0x248: {  	_ =	swait.ge [sflag:s21], $0x2800  }
0x249: {  	s23 =	sld [smem:$0x7F2]  }
0x24a: {  	[sflag:s21] =	ssyncset.done $0x0  }
0x24b: {  	[sflag:s21] =	ssyncadd.s32 $0xFFFFD800  }
0x24c: {  	[spmem:s1] =	stream.indirect.scatter.add.f32 [tilespmem:s16], [sflag:$0x8], $0x80, s23, s12, $0xb8;
	v63 =	vld [tilespmem:$0x0]  }
0x24d: {  	_ =	swait.ge [sflag:s22], $0x2800  }
0x24e: {  	s23 =	sld [smem:$0x7F3]  }
0x24f: {  	[sflag:s22] =	ssyncset.done $0x0  }
0x250: {  	[sflag:s22] =	ssyncadd.s32 $0xFFFFD800  }
0x251: {  	[tilespmem:s14], [sflag:$0x2] =	stream.indirect.gather [hbm4b:s6+s12], $0x80, s23, s12, $0xb8;
	v63 =	vld [tilespmem:$0x0]  }
0x252: {  	_ =	swait.ge [sflag:s17], $0x2800  }
0x253: {  	s23 =	sld [smem:$0x7F4]  }
0x254: {  	[sflag:s17] =	ssyncset.done $0x0  }
0x255: {  	[sflag:s17] =	ssyncadd.s32 $0xFFFFD800  }
0x256: {  	[spmem:s1] =	stream.indirect.scatter.add.f32 [tilespmem:s13], [sflag:$0x5], $0x80, s23, s12, $0xb8;
	v63 =	vld [tilespmem:$0x0]  }
0x257: {  	_ =	swait.ge [sflag:s26], $0x2800  }
0x258: {  	s23 =	sld [smem:$0x7F5]  }
0x259: {  	[sflag:s26] =	ssyncset.done $0x0  }
0x25a: {  	[sflag:s26] =	ssyncadd.s32 $0xFFFFD800  }
0x25b: {  	[tilespmem:s15], [sflag:$0x3] =	stream.indirect.gather [hbm4b:s6+s12], $0x80, s23, s12, $0xb8;
	v63 =	vld [tilespmem:$0x0]  }
0x25c: {  	_ =	swait.ge [sflag:s18], $0x2800  }
0x25d: {  	s23 =	sld [smem:$0x7F6]  }
0x25e: {  	[sflag:s18] =	ssyncset.done $0x0  }
0x25f: {  	[sflag:s18] =	ssyncadd.s32 $0xFFFFD800  }
0x260: {  	[spmem:s1] =	stream.indirect.scatter.add.f32 [tilespmem:s14], [sflag:$0x6], $0x80, s23, s12, $0xb8;
	v63 =	vld [tilespmem:$0x0]  }
0x261: {  	_ =	swait.ge [sflag:s28], $0x2800  }
0x262: {  	s23 =	sld [smem:$0x7F7]  }
0x263: {  	[sflag:s28] =	ssyncset.done $0x0  }
0x264: {  	[sflag:s28] =	ssyncadd.s32 $0xFFFFD800  }
0x265: {  	[tilespmem:s16], [sflag:$0x4] =	stream.indirect.gather [hbm4b:s6+s12], $0x80, s23, s12, $0xb8;
	v63 =	vld [tilespmem:$0x0]  }
0x266: {  	_ =	swait.ge [sflag:s19], $0x2800  }
0x267: {  	s23 =	sld [smem:$0x7F8]  }
0x268: {  	[sflag:s19] =	ssyncset.done $0x0  }
0x269: {  	[sflag:s19] =	ssyncadd.s32 $0xFFFFD800  }
0x26a: {  	[spmem:s1] =	stream.indirect.scatter.add.f32 [tilespmem:s15], [sflag:$0x7], $0x80, s23, s12, $0xb8;
	v63 =	vld [tilespmem:$0x0]  }
0x26b: {  	_ =	swait.ge [sflag:s20], $0x2800  }
0x26c: {  	[sflag:s20] =	ssyncset.done $0x0  }
0x26d: {  	[sflag:s20] =	ssyncadd.s32 $0xFFFFD800  }
0x26e: {  	[tilespmem:s13], [sflag:$0x1] =	stream.indirect.gather [hbm4b:s6+s12], $0x80, s29, s12, $0xb8;
	v63 =	vld [tilespmem:$0x0]  }
0x26f: {  	_ =	swait.ge [sflag:s21], $0x2800  }
0x270: {  	[sflag:s21] =	ssyncset.done $0x0  }
0x271: {  	[sflag:s21] =	ssyncadd.s32 $0xFFFFD800  }
0x272: {  	[spmem:s1] =	stream.indirect.scatter.add.f32 [tilespmem:s16], [sflag:$0x8], $0x80, s30, s12, $0xb8;
	v63 =	vld [tilespmem:$0x0]  }
0x273: {  	_ =	swait.ge [sflag:s22], $0x2800  }
0x274: {  	[sflag:s22] =	ssyncset.done $0x0  }
0x275: {  	[sflag:s22] =	ssyncadd.s32 $0xFFFFD800  }
0x276: {  	[tilespmem:s14], [sflag:$0x2] =	stream.indirect.gather [hbm4b:s6+s12], $0x80, s31, s12, $0xb8;
	v63 =	vld [tilespmem:$0x0]  }
0x277: {  	_ =	swait.ge [sflag:s17], $0x2800  }
0x278: {  	[sflag:s17] =	ssyncset.done $0x0  }
0x279: {  	[sflag:s17] =	ssyncadd.s32 $0xFFFFD800  }
0x27a: {  	[spmem:s1] =	stream.indirect.scatter.add.f32 [tilespmem:s13], [sflag:$0x5], $0x80, s0, s12, $0xb8;
	v63 =	vld [tilespmem:$0x0]  }
0x27b: {  	_ =	swait.ge [sflag:s26], $0x2800  }
0x27c: {  	[sflag:s26] =	ssyncset.done $0x0  }
0x27d: {  	[sflag:s26] =	ssyncadd.s32 $0xFFFFD800  }
0x27e: {  	[tilespmem:s15], [sflag:$0x3] =	stream.indirect.gather [hbm4b:s6+s12], $0x80, s2, s12, $0xb8;
	v63 =	vld [tilespmem:$0x0]  }
0x27f: {  	_ =	swait.ge [sflag:s18], $0x2800  }
0x280: {  	[sflag:s18] =	ssyncset.done $0x0  }
0x281: {  	[sflag:s18] =	ssyncadd.s32 $0xFFFFD800  }
0x282: {  	[spmem:s1] =	stream.indirect.scatter.add.f32 [tilespmem:s14], [sflag:$0x6], $0x80, s4, s12, $0xb8;
	v63 =	vld [tilespmem:$0x0]  }
0x283: {  	_ =	swait.ge [sflag:s28], $0x2800  }
0x284: {  	[sflag:s28] =	ssyncset.done $0x0  }
0x285: {  	[sflag:s28] =	ssyncadd.s32 $0xFFFFD800  }
0x286: {  	[tilespmem:s16], [sflag:$0x4] =	stream.indirect.gather [hbm4b:s6+s12], $0x80, s8, s12, $0xb8;
	v63 =	vld [tilespmem:$0x0]  }
0x287: {  	_ =	swait.ge [sflag:s19], $0x2800  }
0x288: {  	[sflag:s19] =	ssyncset.done $0x0  }
0x289: {  	[sflag:s19] =	ssyncadd.s32 $0xFFFFD800  }
0x28a: {  	[spmem:s1] =	stream.indirect.scatter.add.f32 [tilespmem:s15], [sflag:$0x7], $0x80, s9, s12, $0xb8;
	v63 =	vld [tilespmem:$0x0]  }
0x28b: {  	_ =	swait.ge [sflag:s20], $0x2800  }
0x28c: {  	[sflag:s20] =	ssyncset.done $0x0  }
0x28d: {  	[sflag:s20] =	ssyncadd.s32 $0xFFFFD800  }
0x28e: {  	_ =	swait.ge [sflag:s21], $0x2800  }
0x28f: {  	[sflag:s21] =	ssyncset.done $0x0  }
0x290: {  	[sflag:s21] =	ssyncadd.s32 $0xFFFFD800  }
0x291: {  	[spmem:s1] =	stream.indirect.scatter.add.f32 [tilespmem:s16], [sflag:$0x8], $0x80, s7, s12, $0xb8;
	v63 =	vld [tilespmem:$0x0]  }
0x292: {  	_ =	swait.ge [sflag:s22], $0x2800  }
0x293: {  	[sflag:s22] =	ssyncset.done $0x0  }
0x294: {  	p1 =	sne.s32 s25, $0xE00;
	[sflag:s22] =	ssyncadd.s32 $0xFFFFD800  }
.Ltmp0:
0x295: {  	_ =	swait.ge [sflag:s26], $0x2800;
	(pc) =	sbr.rel @p1 .LBB2_2-.Ltmp0, $4  }
0x296: {  	[sflag:s26] =	ssyncset.done $0x0  }
0x297: {  	[sflag:s26] =	ssyncadd.s32 $0xFFFFD800  }
0x298: {  	_ =	swait.ge [sflag:s28], $0x2800  }
0x299: {  	s25 =	sadd.s32 $0x200, s25;
	s5 =	rddreg [dreg:$0x4];
	[sflag:s28] =	ssyncset.done $0x0  }
0x29a: {  	[sflag:s28] =	ssyncadd.s32 $0xFFFFD800;
	s5 =	sadd.s32 s24, s5  }
0x29b: {  	[tilespmem:s3], [sflag:$0x9] =	stream.linear.gather [hbm4b:s5+s3], $0x1000, $0x38;
	v63 =	vld [tilespmem:$0x0]  }
0x29c: {  	_ =	swait.ge [sflag:s10], $0x1000  }
0x29d: {  	s23 =	rddreg [dreg:$0x5];
	[sflag:s10] =	ssyncset.done $0x0  }
0x29e: {  	[sflag:s10] =	ssyncadd.s32 $0xFFFFF000;
	s5 =	sadd.s32 s24, s23  }
0x29f: {  	[tilespmem:s11], [sflag:$0x9] =	stream.linear.gather [hbm4b:s5+s3], $0x1000, $0x38;
	v63 =	vld [tilespmem:$0x0]  }
0x2a0: {  	_ =	swait.ge [sflag:s10], $0x1000  }
0x2a1: {  	[sflag:s10] =	ssyncset.done $0x0  }
0x2a2: {  	[sflag:s10] =	ssyncadd.s32 $0xFFFFF000  }
0x2a3: {  	[tilespmem:s13], [sflag:$0x1] =	stream.indirect.gather [hbm4b:s6+s12], $0x80, s3, s12, $0xb8;
	v63 =	vld [tilespmem:$0x0]  }
0x2a4: {  	s25 =	rddreg [dreg:$0x6]  }
0x2a5: {  	[tilespmem:s14], [sflag:$0x2] =	stream.indirect.gather [hbm4b:s6+s12], $0x80, s25, s12, $0xb8;
	v63 =	vld [tilespmem:$0x0]  }
0x2a6: {  	s23 =	rddreg [dreg:$0x7]  }
0x2a7: {  	[tilespmem:s15], [sflag:$0x3] =	stream.indirect.gather [hbm4b:s6+s12], $0x80, s23, s12, $0xb8;
	v63 =	vld [tilespmem:$0x0]  }
0x2a8: {  	s24 =	rddreg [dreg:$0x8]  }
0x2a9: {  	[tilespmem:s16], [sflag:$0x4] =	stream.indirect.gather [hbm4b:s6+s12], $0x80, s24, s12, $0xb8;
	v63 =	vld [tilespmem:$0x0]  }
0x2aa: {  	_ =	swait.ge [sflag:s17], $0x2800  }
0x2ab: {  	[sflag:s17] =	ssyncset.done $0x0  }
0x2ac: {  	[sflag:s17] =	ssyncadd.s32 $0xFFFFD800  }
0x2ad: {  	[spmem:s1] =	stream.indirect.scatter.add.f32 [tilespmem:s13], [sflag:$0x5], $0x80, s11, s12, $0xb8;
	v63 =	vld [tilespmem:$0x0]  }
0x2ae: {  	_ =	swait.ge [sflag:s18], $0x2800  }
0x2af: {  	[sflag:s18] =	ssyncset.done $0x0  }
0x2b0: {  	s25 =	rddreg [dreg:$0x9];
	[sflag:s18] =	ssyncadd.s32 $0xFFFFD800  }
0x2b1: {  	[spmem:s1] =	stream.indirect.scatter.add.f32 [tilespmem:s14], [sflag:$0x6], $0x80, s25, s12, $0xb8;
	v63 =	vld [tilespmem:$0x0]  }
0x2b2: {  	_ =	swait.ge [sflag:s19], $0x2800  }
0x2b3: {  	[sflag:s19] =	ssyncset.done $0x0  }
0x2b4: {  	s23 =	rddreg [dreg:$0xa];
	[sflag:s19] =	ssyncadd.s32 $0xFFFFD800  }
0x2b5: {  	[spmem:s1] =	stream.indirect.scatter.add.f32 [tilespmem:s15], [sflag:$0x7], $0x80, s23, s12, $0xb8;
	v63 =	vld [tilespmem:$0x0]  }
0x2b6: {  	_ =	swait.ge [sflag:s20], $0x2800  }
0x2b7: {  	[sflag:s20] =	ssyncset.done $0x0  }
0x2b8: {  	s24 =	rddreg [dreg:$0xb];
	[sflag:s20] =	ssyncadd.s32 $0xFFFFD800  }
0x2b9: {  	[tilespmem:s13], [sflag:$0x1] =	stream.indirect.gather [hbm4b:s6+s12], $0x80, s24, s12, $0xb8;
	v63 =	vld [tilespmem:$0x0]  }
0x2ba: {  	_ =	swait.ge [sflag:s21], $0x2800  }
0x2bb: {  	[sflag:s21] =	ssyncset.done $0x0  }
0x2bc: {  	s25 =	rddreg [dreg:$0xc];
	[sflag:s21] =	ssyncadd.s32 $0xFFFFD800  }
0x2bd: {  	[spmem:s1] =	stream.indirect.scatter.add.f32 [tilespmem:s16], [sflag:$0x8], $0x80, s25, s12, $0xb8;
	v63 =	vld [tilespmem:$0x0]  }
0x2be: {  	_ =	swait.ge [sflag:s22], $0x2800  }
0x2bf: {  	[sflag:s22] =	ssyncset.done $0x0  }
0x2c0: {  	s23 =	rddreg [dreg:$0xd];
	[sflag:s22] =	ssyncadd.s32 $0xFFFFD800  }
0x2c1: {  	[tilespmem:s14], [sflag:$0x2] =	stream.indirect.gather [hbm4b:s6+s12], $0x80, s23, s12, $0xb8;
	v63 =	vld [tilespmem:$0x0]  }
0x2c2: {  	_ =	swait.ge [sflag:s17], $0x2800  }
0x2c3: {  	[sflag:s17] =	ssyncset.done $0x0  }
0x2c4: {  	s24 =	rddreg [dreg:$0xe];
	[sflag:s17] =	ssyncadd.s32 $0xFFFFD800  }
0x2c5: {  	[spmem:s1] =	stream.indirect.scatter.add.f32 [tilespmem:s13], [sflag:$0x5], $0x80, s24, s12, $0xb8;
	v63 =	vld [tilespmem:$0x0]  }
0x2c6: {  	_ =	swait.ge [sflag:s26], $0x2800  }
0x2c7: {  	[sflag:s26] =	ssyncset.done $0x0  }
0x2c8: {  	s25 =	rddreg [dreg:$0xf];
	[sflag:s26] =	ssyncadd.s32 $0xFFFFD800  }
0x2c9: {  	[tilespmem:s15], [sflag:$0x3] =	stream.indirect.gather [hbm4b:s6+s12], $0x80, s25, s12, $0xb8;
	v63 =	vld [tilespmem:$0x0]  }
0x2ca: {  	_ =	swait.ge [sflag:s18], $0x2800  }
0x2cb: {  	[sflag:s18] =	ssyncset.done $0x0  }
0x2cc: {  	s23 =	rddreg [dreg:$0x10];
	[sflag:s18] =	ssyncadd.s32 $0xFFFFD800  }
0x2cd: {  	[spmem:s1] =	stream.indirect.scatter.add.f32 [tilespmem:s14], [sflag:$0x6], $0x80, s23, s12, $0xb8;
	v63 =	vld [tilespmem:$0x0]  }
0x2ce: {  	_ =	swait.ge [sflag:s28], $0x2800  }
0x2cf: {  	[sflag:s28] =	ssyncset.done $0x0  }
0x2d0: {  	s24 =	rddreg [dreg:$0x11];
	[sflag:s28] =	ssyncadd.s32 $0xFFFFD800  }
0x2d1: {  	[tilespmem:s16], [sflag:$0x4] =	stream.indirect.gather [hbm4b:s6+s12], $0x80, s24, s12, $0xb8;
	v63 =	vld [tilespmem:$0x0]  }
0x2d2: {  	_ =	swait.ge [sflag:s19], $0x2800  }
0x2d3: {  	[sflag:s19] =	ssyncset.done $0x0  }
0x2d4: {  	s25 =	rddreg [dreg:$0x12];
	[sflag:s19] =	ssyncadd.s32 $0xFFFFD800  }
0x2d5: {  	[spmem:s1] =	stream.indirect.scatter.add.f32 [tilespmem:s15], [sflag:$0x7], $0x80, s25, s12, $0xb8;
	v63 =	vld [tilespmem:$0x0]  }
0x2d6: {  	_ =	swait.ge [sflag:s20], $0x2800  }
0x2d7: {  	[sflag:s20] =	ssyncset.done $0x0  }
0x2d8: {  	s23 =	rddreg [dreg:$0x13];
	[sflag:s20] =	ssyncadd.s32 $0xFFFFD800  }
0x2d9: {  	[tilespmem:s13], [sflag:$0x1] =	stream.indirect.gather [hbm4b:s6+s12], $0x80, s23, s12, $0xb8;
	v63 =	vld [tilespmem:$0x0]  }
0x2da: {  	_ =	swait.ge [sflag:s21], $0x2800  }
0x2db: {  	[sflag:s21] =	ssyncset.done $0x0  }
0x2dc: {  	s24 =	rddreg [dreg:$0x14];
	[sflag:s21] =	ssyncadd.s32 $0xFFFFD800  }
0x2dd: {  	[spmem:s1] =	stream.indirect.scatter.add.f32 [tilespmem:s16], [sflag:$0x8], $0x80, s24, s12, $0xb8;
	v63 =	vld [tilespmem:$0x0]  }
0x2de: {  	_ =	swait.ge [sflag:s22], $0x2800  }
0x2df: {  	[sflag:s22] =	ssyncset.done $0x0  }
0x2e0: {  	s25 =	rddreg [dreg:$0x15];
	[sflag:s22] =	ssyncadd.s32 $0xFFFFD800  }
0x2e1: {  	[tilespmem:s14], [sflag:$0x2] =	stream.indirect.gather [hbm4b:s6+s12], $0x80, s25, s12, $0xb8;
	v63 =	vld [tilespmem:$0x0]  }
0x2e2: {  	_ =	swait.ge [sflag:s17], $0x2800  }
0x2e3: {  	[sflag:s17] =	ssyncset.done $0x0  }
0x2e4: {  	s23 =	rddreg [dreg:$0x16];
	[sflag:s17] =	ssyncadd.s32 $0xFFFFD800  }
0x2e5: {  	[spmem:s1] =	stream.indirect.scatter.add.f32 [tilespmem:s13], [sflag:$0x5], $0x80, s23, s12, $0xb8;
	v63 =	vld [tilespmem:$0x0]  }
0x2e6: {  	_ =	swait.ge [sflag:s26], $0x2800  }
0x2e7: {  	[sflag:s26] =	ssyncset.done $0x0  }
0x2e8: {  	s24 =	rddreg [dreg:$0x17];
	[sflag:s26] =	ssyncadd.s32 $0xFFFFD800  }
0x2e9: {  	[tilespmem:s15], [sflag:$0x3] =	stream.indirect.gather [hbm4b:s6+s12], $0x80, s24, s12, $0xb8;
	v63 =	vld [tilespmem:$0x0]  }
0x2ea: {  	_ =	swait.ge [sflag:s18], $0x2800  }
0x2eb: {  	[sflag:s18] =	ssyncset.done $0x0  }
0x2ec: {  	s25 =	rddreg [dreg:$0x18];
	[sflag:s18] =	ssyncadd.s32 $0xFFFFD800  }
0x2ed: {  	[spmem:s1] =	stream.indirect.scatter.add.f32 [tilespmem:s14], [sflag:$0x6], $0x80, s25, s12, $0xb8;
	v63 =	vld [tilespmem:$0x0]  }
0x2ee: {  	_ =	swait.ge [sflag:s28], $0x2800  }
0x2ef: {  	[sflag:s28] =	ssyncset.done $0x0  }
0x2f0: {  	s23 =	rddreg [dreg:$0x19];
	[sflag:s28] =	ssyncadd.s32 $0xFFFFD800  }
0x2f1: {  	[tilespmem:s16], [sflag:$0x4] =	stream.indirect.gather [hbm4b:s6+s12], $0x80, s23, s12, $0xb8;
	v63 =	vld [tilespmem:$0x0]  }
0x2f2: {  	_ =	swait.ge [sflag:s19], $0x2800  }
0x2f3: {  	[sflag:s19] =	ssyncset.done $0x0  }
0x2f4: {  	s24 =	rddreg [dreg:$0x1a];
	[sflag:s19] =	ssyncadd.s32 $0xFFFFD800  }
0x2f5: {  	[spmem:s1] =	stream.indirect.scatter.add.f32 [tilespmem:s15], [sflag:$0x7], $0x80, s24, s12, $0xb8;
	v63 =	vld [tilespmem:$0x0]  }
0x2f6: {  	_ =	swait.ge [sflag:s20], $0x2800  }
0x2f7: {  	[sflag:s20] =	ssyncset.done $0x0  }
0x2f8: {  	s25 =	rddreg [dreg:$0x1b];
	[sflag:s20] =	ssyncadd.s32 $0xFFFFD800  }
0x2f9: {  	[tilespmem:s13], [sflag:$0x1] =	stream.indirect.gather [hbm4b:s6+s12], $0x80, s25, s12, $0xb8;
	v63 =	vld [tilespmem:$0x0]  }
0x2fa: {  	_ =	swait.ge [sflag:s21], $0x2800  }
0x2fb: {  	[sflag:s21] =	ssyncset.done $0x0  }
0x2fc: {  	s23 =	rddreg [dreg:$0x1c];
	[sflag:s21] =	ssyncadd.s32 $0xFFFFD800  }
0x2fd: {  	[spmem:s1] =	stream.indirect.scatter.add.f32 [tilespmem:s16], [sflag:$0x8], $0x80, s23, s12, $0xb8;
	v63 =	vld [tilespmem:$0x0]  }
0x2fe: {  	_ =	swait.ge [sflag:s22], $0x2800  }
0x2ff: {  	[sflag:s22] =	ssyncset.done $0x0  }
0x300: {  	s24 =	rddreg [dreg:$0x1d];
	[sflag:s22] =	ssyncadd.s32 $0xFFFFD800  }
0x301: {  	[tilespmem:s14], [sflag:$0x2] =	stream.indirect.gather [hbm4b:s6+s12], $0x80, s24, s12, $0xb8;
	v63 =	vld [tilespmem:$0x0]  }
0x302: {  	_ =	swait.ge [sflag:s17], $0x2800  }
0x303: {  	[sflag:s17] =	ssyncset.done $0x0  }
0x304: {  	s25 =	rddreg [dreg:$0x1e];
	[sflag:s17] =	ssyncadd.s32 $0xFFFFD800  }
0x305: {  	[spmem:s1] =	stream.indirect.scatter.add.f32 [tilespmem:s13], [sflag:$0x5], $0x80, s25, s12, $0xb8;
	v63 =	vld [tilespmem:$0x0]  }
0x306: {  	_ =	swait.ge [sflag:s26], $0x2800  }
0x307: {  	[sflag:s26] =	ssyncset.done $0x0  }
0x308: {  	s23 =	rddreg [dreg:$0x1f];
	[sflag:s26] =	ssyncadd.s32 $0xFFFFD800  }
0x309: {  	[tilespmem:s15], [sflag:$0x3] =	stream.indirect.gather [hbm4b:s6+s12], $0x80, s23, s12, $0xb8;
	v63 =	vld [tilespmem:$0x0]  }
0x30a: {  	_ =	swait.ge [sflag:s18], $0x2800  }
0x30b: {  	s24 =	sld [smem:$0x7DC]  }
0x30c: {  	[sflag:s18] =	ssyncset.done $0x0  }
0x30d: {  	[sflag:s18] =	ssyncadd.s32 $0xFFFFD800  }
0x30e: {  	[spmem:s1] =	stream.indirect.scatter.add.f32 [tilespmem:s14], [sflag:$0x6], $0x80, s24, s12, $0xb8;
	v63 =	vld [tilespmem:$0x0]  }
0x30f: {  	_ =	swait.ge [sflag:s28], $0x2800  }
0x310: {  	s25 =	sld [smem:$0x7DD]  }
0x311: {  	[sflag:s28] =	ssyncset.done $0x0  }
0x312: {  	[sflag:s28] =	ssyncadd.s32 $0xFFFFD800  }
0x313: {  	[tilespmem:s16], [sflag:$0x4] =	stream.indirect.gather [hbm4b:s6+s12], $0x80, s25, s12, $0xb8;
	v63 =	vld [tilespmem:$0x0]  }
0x314: {  	_ =	swait.ge [sflag:s19], $0x2800  }
0x315: {  	s23 =	sld [smem:$0x7DE]  }
0x316: {  	[sflag:s19] =	ssyncset.done $0x0  }
0x317: {  	[sflag:s19] =	ssyncadd.s32 $0xFFFFD800  }
0x318: {  	[spmem:s1] =	stream.indirect.scatter.add.f32 [tilespmem:s15], [sflag:$0x7], $0x80, s23, s12, $0xb8;
	v63 =	vld [tilespmem:$0x0]  }
0x319: {  	_ =	swait.ge [sflag:s20], $0x2800  }
0x31a: {  	s24 =	sld [smem:$0x7DF]  }
0x31b: {  	[sflag:s20] =	ssyncset.done $0x0  }
0x31c: {  	[sflag:s20] =	ssyncadd.s32 $0xFFFFD800  }
0x31d: {  	[tilespmem:s13], [sflag:$0x1] =	stream.indirect.gather [hbm4b:s6+s12], $0x80, s24, s12, $0xb8;
	v63 =	vld [tilespmem:$0x0]  }
0x31e: {  	_ =	swait.ge [sflag:s21], $0x2800  }
0x31f: {  	s25 =	sld [smem:$0x7E0]  }
0x320: {  	[sflag:s21] =	ssyncset.done $0x0  }
0x321: {  	[sflag:s21] =	ssyncadd.s32 $0xFFFFD800  }
0x322: {  	[spmem:s1] =	stream.indirect.scatter.add.f32 [tilespmem:s16], [sflag:$0x8], $0x80, s25, s12, $0xb8;
	v63 =	vld [tilespmem:$0x0]  }
0x323: {  	_ =	swait.ge [sflag:s22], $0x2800  }
0x324: {  	s23 =	sld [smem:$0x7E1]  }
0x325: {  	[sflag:s22] =	ssyncset.done $0x0  }
0x326: {  	[sflag:s22] =	ssyncadd.s32 $0xFFFFD800  }
0x327: {  	[tilespmem:s14], [sflag:$0x2] =	stream.indirect.gather [hbm4b:s6+s12], $0x80, s23, s12, $0xb8;
	v63 =	vld [tilespmem:$0x0]  }
0x328: {  	_ =	swait.ge [sflag:s17], $0x2800  }
0x329: {  	s24 =	sld [smem:$0x7E2]  }
0x32a: {  	[sflag:s17] =	ssyncset.done $0x0  }
0x32b: {  	[sflag:s17] =	ssyncadd.s32 $0xFFFFD800  }
0x32c: {  	[spmem:s1] =	stream.indirect.scatter.add.f32 [tilespmem:s13], [sflag:$0x5], $0x80, s24, s12, $0xb8;
	v63 =	vld [tilespmem:$0x0]  }
0x32d: {  	_ =	swait.ge [sflag:s26], $0x2800  }
0x32e: {  	s25 =	sld [smem:$0x7E3]  }
0x32f: {  	[sflag:s26] =	ssyncset.done $0x0  }
0x330: {  	[sflag:s26] =	ssyncadd.s32 $0xFFFFD800  }
0x331: {  	[tilespmem:s15], [sflag:$0x3] =	stream.indirect.gather [hbm4b:s6+s12], $0x80, s25, s12, $0xb8;
	v63 =	vld [tilespmem:$0x0]  }
0x332: {  	_ =	swait.ge [sflag:s18], $0x2800  }
0x333: {  	s23 =	sld [smem:$0x7E4]  }
0x334: {  	[sflag:s18] =	ssyncset.done $0x0  }
0x335: {  	[sflag:s18] =	ssyncadd.s32 $0xFFFFD800  }
0x336: {  	[spmem:s1] =	stream.indirect.scatter.add.f32 [tilespmem:s14], [sflag:$0x6], $0x80, s23, s12, $0xb8;
	v63 =	vld [tilespmem:$0x0]  }
0x337: {  	_ =	swait.ge [sflag:s28], $0x2800  }
0x338: {  	s24 =	sld [smem:$0x7E5]  }
0x339: {  	[sflag:s28] =	ssyncset.done $0x0  }
0x33a: {  	[sflag:s28] =	ssyncadd.s32 $0xFFFFD800  }
0x33b: {  	[tilespmem:s16], [sflag:$0x4] =	stream.indirect.gather [hbm4b:s6+s12], $0x80, s24, s12, $0xb8;
	v63 =	vld [tilespmem:$0x0]  }
0x33c: {  	_ =	swait.ge [sflag:s19], $0x2800  }
0x33d: {  	s25 =	sld [smem:$0x7E6]  }
0x33e: {  	[sflag:s19] =	ssyncset.done $0x0  }
0x33f: {  	[sflag:s19] =	ssyncadd.s32 $0xFFFFD800  }
0x340: {  	[spmem:s1] =	stream.indirect.scatter.add.f32 [tilespmem:s15], [sflag:$0x7], $0x80, s25, s12, $0xb8;
	v63 =	vld [tilespmem:$0x0]  }
0x341: {  	_ =	swait.ge [sflag:s20], $0x2800  }
0x342: {  	s23 =	sld [smem:$0x7E7]  }
0x343: {  	[sflag:s20] =	ssyncset.done $0x0  }
0x344: {  	[sflag:s20] =	ssyncadd.s32 $0xFFFFD800  }
0x345: {  	[tilespmem:s13], [sflag:$0x1] =	stream.indirect.gather [hbm4b:s6+s12], $0x80, s23, s12, $0xb8;
	v63 =	vld [tilespmem:$0x0]  }
0x346: {  	_ =	swait.ge [sflag:s21], $0x2800  }
0x347: {  	s24 =	sld [smem:$0x7E9]  }
0x348: {  	[sflag:s21] =	ssyncset.done $0x0  }
0x349: {  	[sflag:s21] =	ssyncadd.s32 $0xFFFFD800  }
0x34a: {  	[spmem:s1] =	stream.indirect.scatter.add.f32 [tilespmem:s16], [sflag:$0x8], $0x80, s24, s12, $0xb8;
	v63 =	vld [tilespmem:$0x0]  }
0x34b: {  	_ =	swait.ge [sflag:s22], $0x2800  }
0x34c: {  	s25 =	sld [smem:$0x7EB]  }
0x34d: {  	[sflag:s22] =	ssyncset.done $0x0  }
0x34e: {  	[sflag:s22] =	ssyncadd.s32 $0xFFFFD800  }
0x34f: {  	[tilespmem:s14], [sflag:$0x2] =	stream.indirect.gather [hbm4b:s6+s12], $0x80, s25, s12, $0xb8;
	v63 =	vld [tilespmem:$0x0]  }
0x350: {  	_ =	swait.ge [sflag:s17], $0x2800  }
0x351: {  	s23 =	sld [smem:$0x7EC]  }
0x352: {  	[sflag:s17] =	ssyncset.done $0x0  }
0x353: {  	[sflag:s17] =	ssyncadd.s32 $0xFFFFD800  }
0x354: {  	[spmem:s1] =	stream.indirect.scatter.add.f32 [tilespmem:s13], [sflag:$0x5], $0x80, s23, s12, $0xb8;
	v63 =	vld [tilespmem:$0x0]  }
0x355: {  	_ =	swait.ge [sflag:s26], $0x2800  }
0x356: {  	s24 =	sld [smem:$0x7ED]  }
0x357: {  	[sflag:s26] =	ssyncset.done $0x0  }
0x358: {  	[sflag:s26] =	ssyncadd.s32 $0xFFFFD800  }
0x359: {  	[tilespmem:s15], [sflag:$0x3] =	stream.indirect.gather [hbm4b:s6+s12], $0x80, s24, s12, $0xb8;
	v63 =	vld [tilespmem:$0x0]  }
0x35a: {  	_ =	swait.ge [sflag:s18], $0x2800  }
0x35b: {  	s25 =	sld [smem:$0x7EE]  }
0x35c: {  	[sflag:s18] =	ssyncset.done $0x0  }
0x35d: {  	[sflag:s18] =	ssyncadd.s32 $0xFFFFD800  }
0x35e: {  	[spmem:s1] =	stream.indirect.scatter.add.f32 [tilespmem:s14], [sflag:$0x6], $0x80, s25, s12, $0xb8;
	v63 =	vld [tilespmem:$0x0]  }
0x35f: {  	_ =	swait.ge [sflag:s28], $0x2800  }
0x360: {  	s23 =	sld [smem:$0x7EF]  }
0x361: {  	[sflag:s28] =	ssyncset.done $0x0  }
0x362: {  	[sflag:s28] =	ssyncadd.s32 $0xFFFFD800  }
0x363: {  	[tilespmem:s16], [sflag:$0x4] =	stream.indirect.gather [hbm4b:s6+s12], $0x80, s23, s12, $0xb8;
	v63 =	vld [tilespmem:$0x0]  }
0x364: {  	_ =	swait.ge [sflag:s19], $0x2800  }
0x365: {  	s24 =	sld [smem:$0x7F0]  }
0x366: {  	[sflag:s19] =	ssyncset.done $0x0  }
0x367: {  	[sflag:s19] =	ssyncadd.s32 $0xFFFFD800  }
0x368: {  	[spmem:s1] =	stream.indirect.scatter.add.f32 [tilespmem:s15], [sflag:$0x7], $0x80, s24, s12, $0xb8;
	v63 =	vld [tilespmem:$0x0]  }
0x369: {  	_ =	swait.ge [sflag:s20], $0x2800  }
0x36a: {  	s25 =	sld [smem:$0x7F1]  }
0x36b: {  	[sflag:s20] =	ssyncset.done $0x0  }
0x36c: {  	[sflag:s20] =	ssyncadd.s32 $0xFFFFD800  }
0x36d: {  	[tilespmem:s13], [sflag:$0x1] =	stream.indirect.gather [hbm4b:s6+s12], $0x80, s25, s12, $0xb8;
	v63 =	vld [tilespmem:$0x0]  }
0x36e: {  	_ =	swait.ge [sflag:s21], $0x2800  }
0x36f: {  	s23 =	sld [smem:$0x7F2]  }
0x370: {  	[sflag:s21] =	ssyncset.done $0x0  }
0x371: {  	[sflag:s21] =	ssyncadd.s32 $0xFFFFD800  }
0x372: {  	[spmem:s1] =	stream.indirect.scatter.add.f32 [tilespmem:s16], [sflag:$0x8], $0x80, s23, s12, $0xb8;
	v63 =	vld [tilespmem:$0x0]  }
0x373: {  	_ =	swait.ge [sflag:s22], $0x2800  }
0x374: {  	s24 =	sld [smem:$0x7F3]  }
0x375: {  	[sflag:s22] =	ssyncset.done $0x0  }
0x376: {  	[sflag:s22] =	ssyncadd.s32 $0xFFFFD800  }
0x377: {  	[tilespmem:s14], [sflag:$0x2] =	stream.indirect.gather [hbm4b:s6+s12], $0x80, s24, s12, $0xb8;
	v63 =	vld [tilespmem:$0x0]  }
0x378: {  	_ =	swait.ge [sflag:s17], $0x2800  }
0x379: {  	s25 =	sld [smem:$0x7F4]  }
0x37a: {  	[sflag:s17] =	ssyncset.done $0x0  }
0x37b: {  	[sflag:s17] =	ssyncadd.s32 $0xFFFFD800  }
0x37c: {  	[spmem:s1] =	stream.indirect.scatter.add.f32 [tilespmem:s13], [sflag:$0x5], $0x80, s25, s12, $0xb8;
	v63 =	vld [tilespmem:$0x0]  }
0x37d: {  	_ =	swait.ge [sflag:s26], $0x2800  }
0x37e: {  	s23 =	sld [smem:$0x7F5]  }
0x37f: {  	[sflag:s26] =	ssyncset.done $0x0  }
0x380: {  	[sflag:s26] =	ssyncadd.s32 $0xFFFFD800  }
0x381: {  	[tilespmem:s15], [sflag:$0x3] =	stream.indirect.gather [hbm4b:s6+s12], $0x80, s23, s12, $0xb8;
	v63 =	vld [tilespmem:$0x0]  }
0x382: {  	_ =	swait.ge [sflag:s18], $0x2800  }
0x383: {  	s24 =	sld [smem:$0x7F6]  }
0x384: {  	[sflag:s18] =	ssyncset.done $0x0  }
0x385: {  	[sflag:s18] =	ssyncadd.s32 $0xFFFFD800  }
0x386: {  	[spmem:s1] =	stream.indirect.scatter.add.f32 [tilespmem:s14], [sflag:$0x6], $0x80, s24, s12, $0xb8;
	v63 =	vld [tilespmem:$0x0]  }
0x387: {  	_ =	swait.ge [sflag:s28], $0x2800  }
0x388: {  	s25 =	sld [smem:$0x7F7]  }
0x389: {  	[sflag:s28] =	ssyncset.done $0x0  }
0x38a: {  	[sflag:s28] =	ssyncadd.s32 $0xFFFFD800  }
0x38b: {  	[tilespmem:s16], [sflag:$0x4] =	stream.indirect.gather [hbm4b:s6+s12], $0x80, s25, s12, $0xb8;
	v63 =	vld [tilespmem:$0x0]  }
0x38c: {  	_ =	swait.ge [sflag:s19], $0x2800  }
0x38d: {  	s23 =	sld [smem:$0x7F8]  }
0x38e: {  	[sflag:s19] =	ssyncset.done $0x0  }
0x38f: {  	[sflag:s19] =	ssyncadd.s32 $0xFFFFD800  }
0x390: {  	[spmem:s1] =	stream.indirect.scatter.add.f32 [tilespmem:s15], [sflag:$0x7], $0x80, s23, s12, $0xb8;
	v63 =	vld [tilespmem:$0x0]  }
0x391: {  	_ =	swait.ge [sflag:s20], $0x2800  }
0x392: {  	[sflag:s20] =	ssyncset.done $0x0  }
0x393: {  	[sflag:s20] =	ssyncadd.s32 $0xFFFFD800  }
0x394: {  	[tilespmem:s13], [sflag:$0x1] =	stream.indirect.gather [hbm4b:s6+s12], $0x80, s29, s12, $0xb8;
	v63 =	vld [tilespmem:$0x0]  }
0x395: {  	_ =	swait.ge [sflag:s21], $0x2800  }
0x396: {  	[sflag:s21] =	ssyncset.done $0x0  }
0x397: {  	[sflag:s21] =	ssyncadd.s32 $0xFFFFD800  }
0x398: {  	[spmem:s1] =	stream.indirect.scatter.add.f32 [tilespmem:s16], [sflag:$0x8], $0x80, s30, s12, $0xb8;
	v63 =	vld [tilespmem:$0x0]  }
0x399: {  	_ =	swait.ge [sflag:s22], $0x2800  }
0x39a: {  	[sflag:s22] =	ssyncset.done $0x0  }
0x39b: {  	[sflag:s22] =	ssyncadd.s32 $0xFFFFD800  }
0x39c: {  	[tilespmem:s14], [sflag:$0x2] =	stream.indirect.gather [hbm4b:s6+s12], $0x80, s31, s12, $0xb8;
	v63 =	vld [tilespmem:$0x0]  }
0x39d: {  	_ =	swait.ge [sflag:s17], $0x2800  }
0x39e: {  	[sflag:s17] =	ssyncset.done $0x0  }
0x39f: {  	[sflag:s17] =	ssyncadd.s32 $0xFFFFD800  }
0x3a0: {  	[spmem:s1] =	stream.indirect.scatter.add.f32 [tilespmem:s13], [sflag:$0x5], $0x80, s0, s12, $0xb8;
	v63 =	vld [tilespmem:$0x0]  }
0x3a1: {  	_ =	swait.ge [sflag:s26], $0x2800  }
0x3a2: {  	[sflag:s26] =	ssyncset.done $0x0  }
0x3a3: {  	[sflag:s26] =	ssyncadd.s32 $0xFFFFD800  }
0x3a4: {  	[tilespmem:s15], [sflag:$0x3] =	stream.indirect.gather [hbm4b:s6+s12], $0x80, s2, s12, $0xb8;
	v63 =	vld [tilespmem:$0x0]  }
0x3a5: {  	_ =	swait.ge [sflag:s18], $0x2800  }
0x3a6: {  	[sflag:s18] =	ssyncset.done $0x0  }
0x3a7: {  	[sflag:s18] =	ssyncadd.s32 $0xFFFFD800  }
0x3a8: {  	[spmem:s1] =	stream.indirect.scatter.add.f32 [tilespmem:s14], [sflag:$0x6], $0x80, s4, s12, $0xb8;
	v63 =	vld [tilespmem:$0x0]  }
0x3a9: {  	_ =	swait.ge [sflag:s28], $0x2800  }
0x3aa: {  	[sflag:s28] =	ssyncset.done $0x0  }
0x3ab: {  	[sflag:s28] =	ssyncadd.s32 $0xFFFFD800  }
0x3ac: {  	[tilespmem:s16], [sflag:$0x4] =	stream.indirect.gather [hbm4b:s6+s12], $0x80, s8, s12, $0xb8;
	v63 =	vld [tilespmem:$0x0]  }
0x3ad: {  	_ =	swait.ge [sflag:s19], $0x2800  }
0x3ae: {  	[sflag:s19] =	ssyncset.done $0x0  }
0x3af: {  	[sflag:s19] =	ssyncadd.s32 $0xFFFFD800  }
0x3b0: {  	[spmem:s1] =	stream.indirect.scatter.add.f32 [tilespmem:s15], [sflag:$0x7], $0x80, s9, s12, $0xb8;
	v63 =	vld [tilespmem:$0x0]  }
0x3b1: {  	_ =	swait.ge [sflag:s20], $0x2800  }
0x3b2: {  	[sflag:s20] =	ssyncset.done $0x0  }
0x3b3: {  	[sflag:s20] =	ssyncadd.s32 $0xFFFFD800  }
0x3b4: {  	_ =	swait.ge [sflag:s21], $0x2800  }
0x3b5: {  	[sflag:s21] =	ssyncset.done $0x0  }
0x3b6: {  	[sflag:s21] =	ssyncadd.s32 $0xFFFFD800  }
0x3b7: {  	[spmem:s1] =	stream.indirect.scatter.add.f32 [tilespmem:s16], [sflag:$0x8], $0x80, s7, s12, $0xb8;
	v63 =	vld [tilespmem:$0x0]  }
0x3b8: {  	_ =	swait.ge [sflag:s22], $0x2800  }
0x3b9: {  	[sflag:s22] =	ssyncset.done $0x0  }
0x3ba: {  	[sflag:s22] =	ssyncadd.s32 $0xFFFFD800  }
0x3bb: {  	_ =	swait.ge [sflag:s26], $0x2800  }
0x3bc: {  	[sflag:s26] =	ssyncset.done $0x0  }
0x3bd: {  	[sflag:s26] =	ssyncadd.s32 $0xFFFFD800  }
0x3be: {  	_ =	swait.ge [sflag:s28], $0x2800  }
0x3bf: {  	[sflag:s28] =	ssyncset.done $0x0  }
0x3c0: {  	[sflag:s28] =	ssyncadd.s32 $0xFFFFD800  }
0x3c1: {  	[bflag:$0x0] =	sbarrier.arrive $0xFFFF  }
0x3c2: {  	s23 =	sld [smem:$0x7FD]  }
0x3c3: {  	s24 =	sld [smem:$0x7FA]  }
0x3c4: {  	s25 =	sld [smem:$0x7FB];
	_ =	sdelay $0x2  }
0x3c5: {  	[hbm:s24], [sflag:s23] =	dma.local [spmem:s25], $0x2700  }
0x3c6: {  	_ =	swait.ge [sflag:s10], $0x2700  }
0x3c7: {  	s5 =	sld [smem:$0x7F9]  }
0x3c8: {  	s24 =	sld [smem:$0x7FC]  }
0x3c9: {  	[sflag:s10] =	ssyncset.done $0x0  }
0x3ca: {  	[sflag:s10] =	ssyncadd.s32 $0xFFFFD900;
	s5 =	sadd.s32 @!p0 $0x27000, s5  }
0x3cb: {  	[hbm:s5], [sflag:s23] =	dma.local @!p0 [spmem:s24], $0x100  }
0x3cc: {  	s5 =	simm.s32 @!p0 $0x9  }
0x3cd: {  	_ =	swait.ge @!p0 [sflag:s5], $0x100  }
0x3ce: {  	s25 =	sld [smem:$0x7DA]  }
0x3cf: {  	s24 =	sld [smem:$0x7E8];
	_ =	sdelay $0x1  }
0x3d0: {  	s25 =	sadd.s32 $0x1, s25  }
0x3d1: {  	p1 =	sne.s32 s25, s24  }
.Ltmp1:
0x3d2: {  	_ = 	snop;
	(pc) =	sbr.rel @p1 .LBB2_1-.Ltmp1, $3  }
0x3d3: {  	_ =	sdelay $0x1  }
0x3d4: {  	[sflag:s5] =	ssyncset.done @!p0 $0x0  }
0x3d5: {  	[sflag:s5] =	ssyncadd.s32 @!p0 $0xFFFFFF00  }
0x3d6: {  	_ =	sfence.sel $0x180000  }
0x3d7: {  	[bflag:$0x0] =	sbarrier.arrive $0xFFFF  }
0x3d8: {  	_ =	strace $0x9000004D  }
0x3d9: {  	s0 =	stileid.u32;
	[bflag:$0x2] =	sbarrier.arrive $0xFFFF  }
0x3da: {  	p0 =	sne.s32 s0, $0x0;
	s0 =	rddreg [dreg:$0x3]  }
0x3db: {  	s0 =	sadd.s32 @!p0 $0x100000, s0  }
0x3dc: {  	[sflag:s0] =	ssyncadd.tile.s32 @!p0 $0x1;
	_ =	shalt  }
.Lfunc_end2:
_tile_overlayer_lowered:
.L_overlay_start_2:
0x3dd: {  	(tag) =	ssettag $0x2  }
0x3de: {  	s0 =	rddreg [dreg:$0x0];
	s2 =	stileid.u32  }
0x3df: {  	s1 =	rddreg [dreg:$0x1];
	p0 =	sne.s32 s2, $0x0  }
0x3e0: {  	s3 =	rddreg [dreg:$0x2];
	[bflag:$0x3] =	sbarrier.arrive $0xFFFF;
	s2 =	simm.s32 @!p0 $0x1C09  }
0x3e1: {  	[timem:s3], [sflag:s2] =	dma.local @!p0 [hbm:s0], s1  }
0x3e2: {  	s0 =	simm.s32 @!p0 $0x9  }
0x3e3: {  	_ =	swait.ge @!p0 [sflag:s0], s1  }
0x3e4: {  	s1 =	ssub.s32 @!p0 $0x0, s1;
	[sflag:s0] =	ssyncset.done @!p0 $0x0  }
0x3e5: {  	[sflag:s0] =	ssyncadd.s32 @!p0 s1  }
0x3e6: {  	[bflag:$0x3] =	sbarrier.arrive $0xFFFF  }
0x3e7: {  	_ =	shalt  }

// kernel: kernel.8.cloned.1.call-start
scs
__scs_entry_jumppad:
0x0: {  	(pc) =	sbr.rel $0x88, $3  }
0x1: {  	(tag) =	ssettag $0x0;
	lr =	simm.s32 $0x1  }
0x2: {  	[smem:$0x3F96] =	sst lr;
	_ =	strace $0xD0000000  }
0x3: {  	_ = 	snop  }
0x4: {  	_ = 	snop  }
0x5: {  	_ = 	snop  }
0x6: {  	_ = 	snop  }
0x7: {  	_ = 	snop  }
__scs_overlays_trampoline_lowered:
0x8: {  	[smem:$0x3FA5] =	sst s0  }
0x9: {  	[smem:$0x3FA6] =	sst s1  }
0xa: {  	[smem:$0x3FA7] =	sst s2  }
0xb: {  	[smem:$0x3FA8] =	sst s3  }
0xc: {  	[smem:$0x3FA9] =	sst s4  }
0xd: {  	[smem:$0x3FAA] =	sst s5  }
0xe: {  	[smem:$0x3FAB] =	sst s6  }
0xf: {  	[smem:$0x3FAC] =	sst s7  }
0x10: {  	[smem:$0x3FAD] =	sst s8  }
0x11: {  	[smem:$0x3FAE] =	sst s9;
	s0 =	simm.s32 @!p0 $0x0  }
0x12: {  	s1 =	sld [smem:$0x3F94];
	s0 =	simm.s32 @p0 $0x1  }
0x13: {  	[smem:$0x3FAF] =	sst s0;
	s0 =	simm.s32 @!p1 $0x0  }
0x14: {  	s2 =	sld [smem:$0x3F93];
	s0 =	simm.s32 @p1 $0x1  }
0x15: {  	[smem:$0x3FB0] =	sst s0;
	s0 =	simm.s32 @!p2 $0x0  }
0x16: {  	s3 =	sld [smem:$0x3FDB];
	s0 =	simm.s32 @p2 $0x1  }
0x17: {  	s4 =	simm.s32 $0x1BF5;
	[smem:$0x3FB2] =	sst s0  }
0x18: {  	s0 =	sld [smem:$0x3F95];
	_ =	swait.ge [sflag:s4], $0x0  }
0x19: {  	s7 =	sld [smem:$0x3F96]  }
0x1a: {  	s8 =	sadd.s32 $0xFFFFE003, lr  }
0x1b: {  	s9 =	sadd.s32 $0xFFFFFEF7, lr;
	s5 =	simm.s32 $0xFFFFFFFF;
	p2 =	slt.u32 s8, $0xFFFFF086  }
0x1c: {  	p1 =	slt.u32 s9, $0xF7A;
	s5 =	simm.s32 @!p2 $0x0  }
0x1d: {  	s5 =	simm.s32 @p1 $0x1;
	p0 =	seq.s32 s7, s2  }
0x1e: {  	s7 =	smul.u32 @!p0 $0xF7A, s2;
	p2 =	seq.s32 @!p0 s5, $0x0  }
0x1f: {  	s9 =	smul.u32 $0xF7A, s1;
	s8 =	simm.s32 @!p0 $0x1BF5;
	p2 =	por !p2, p0  }
0x20: {  	[sflag:s8] =	ssyncset.s32 @!p0 $0xFFFFF086;
	s6 =	sadd.s32 @!p0 s3, s7;
	s7 =	simm.s32 @!p0 $0x108  }
0x21: {  	s3 =	sadd.s32 s3, s9;
	s6 =	sadd.s32 @!p0 $0x88, s6;
	s7 =	simm.s32 @p2 $0x1082  }
0x22: {  	[simem:s7], [sflag:s8] =	dma.local @!p0 [hbm:s6], $0xF7A  }
0x23: {  	s9 =	sor.u32 $0xD0000000, s2;
	s6 =	simm.s32 $0x108;
	_ =	swait.ge @!p0 [sflag:s8], $0x0  }
0x24: {  	s3 =	sadd.s32 $0x88, s3;
	s6 =	simm.s32 @!p1 $0x1082;
	[sflag:s4] =	ssyncset.s32 $0xFFFFF086  }
0x25: {  	[simem:s6], [sflag:s4] =	dma.local [hbm:s3], $0xF7A  }
0x26: {  	[smem:$0x3F96] =	sst s1;
	(tag) =	ssettag s2;
	_ =	strace s9  }
0x27: {  	s1 =	sld [smem:$0x3FA6]  }
0x28: {  	s2 =	sld [smem:$0x3FA7]  }
0x29: {  	s4 =	sld [smem:$0x3FA9]  }
0x2a: {  	p0 =	seq.s32 s5, $0x0;
	s5 =	sld [smem:$0x3FAA]  }
0x2b: {  	s6 =	sld [smem:$0x3FAB]  }
0x2c: {  	s7 =	sld [smem:$0x3FAC]  }
0x2d: {  	s3 =	simm.s32 $0x108;
	s8 =	sld [smem:$0x3FAD]  }
0x2e: {  	s3 =	simm.s32 @!p0 $0x1082;
	s9 =	sld [smem:$0x3FAE]  }
0x2f: {  	lr =	sadd.s32 s0, s3;
	s0 =	sld [smem:$0x3FA5]  }
0x30: {  	s3 =	sld [smem:$0x3FA8]  }
0x31: {  	[smem:$0x3FB1] =	sst s10  }
0x32: {  	s10 =	sld [smem:$0x3FAF];
	_ =	sdelay $0x3  }
0x33: {  	p0 =	seq.s32 s10, $0x1;
	s10 =	sld [smem:$0x3FB1];
	_ =	sdelay $0x3  }
0x34: {  	[smem:$0x3FB1] =	sst s10  }
0x35: {  	s10 =	sld [smem:$0x3FB0];
	_ =	sdelay $0x3  }
0x36: {  	p1 =	seq.s32 s10, $0x1;
	s10 =	sld [smem:$0x3FB1];
	_ =	sdelay $0x3  }
0x37: {  	[smem:$0x3FB1] =	sst s10  }
0x38: {  	s10 =	sld [smem:$0x3FB2]  }
0x39: {  	_ = 	snop;
	(pc) =	sbr.ind lr, $3  }
0x3a: {  	_ = 	snop  }
0x3b: {  	_ = 	snop  }
0x3c: {  	p2 =	seq.s32 s10, $0x1;
	s10 =	sld [smem:$0x3FB1]  }
0x3d: {  	_ =	shalt  }
0x3e: {  	_ =	shalt  }
0x3f: {  	_ =	shalt  }
0x40: {  	_ =	shalt  }
0x41: {  	_ =	shalt  }
0x42: {  	_ =	shalt  }
0x43: {  	_ =	shalt  }
0x44: {  	_ =	shalt  }
0x45: {  	_ =	shalt  }
0x46: {  	_ =	shalt  }
0x47: {  	_ =	shalt  }
0x48: {  	_ =	shalt  }
0x49: {  	_ =	shalt  }
0x4a: {  	_ =	shalt  }
0x4b: {  	_ =	shalt  }
0x4c: {  	_ =	shalt  }
0x4d: {  	_ =	shalt  }
0x4e: {  	_ =	shalt  }
0x4f: {  	_ =	shalt  }
0x50: {  	_ =	shalt  }
0x51: {  	_ =	shalt  }
0x52: {  	_ =	shalt  }
0x53: {  	_ =	shalt  }
0x54: {  	_ =	shalt  }
0x55: {  	_ =	shalt  }
0x56: {  	_ =	shalt  }
0x57: {  	_ =	shalt  }
0x58: {  	_ =	shalt  }
0x59: {  	_ =	shalt  }
0x5a: {  	_ =	shalt  }
0x5b: {  	_ =	shalt  }
0x5c: {  	_ =	shalt  }
0x5d: {  	_ =	shalt  }
0x5e: {  	_ =	shalt  }
0x5f: {  	_ =	shalt  }
0x60: {  	_ =	shalt  }
0x61: {  	_ =	shalt  }
0x62: {  	_ =	shalt  }
0x63: {  	_ =	shalt  }
0x64: {  	_ =	shalt  }
0x65: {  	_ =	shalt  }
0x66: {  	_ =	shalt  }
0x67: {  	_ =	shalt  }
0x68: {  	_ =	shalt  }
0x69: {  	_ =	shalt  }
0x6a: {  	_ =	shalt  }
0x6b: {  	_ =	shalt  }
0x6c: {  	_ =	shalt  }
0x6d: {  	_ =	shalt  }
0x6e: {  	_ =	shalt  }
0x6f: {  	_ =	shalt  }
0x70: {  	_ =	shalt  }
0x71: {  	_ =	shalt  }
0x72: {  	_ =	shalt  }
0x73: {  	_ =	shalt  }
0x74: {  	_ =	shalt  }
0x75: {  	_ =	shalt  }
0x76: {  	_ =	shalt  }
0x77: {  	_ =	shalt  }
0x78: {  	_ =	shalt  }
0x79: {  	_ =	shalt  }
0x7a: {  	_ =	shalt  }
0x7b: {  	_ =	shalt  }
0x7c: {  	_ =	shalt  }
0x7d: {  	_ =	shalt  }
0x7e: {  	_ =	shalt  }
0x7f: {  	_ =	shalt  }
0x80: {  	_ =	shalt  }
0x81: {  	_ =	shalt  }
0x82: {  	_ =	shalt  }
0x83: {  	_ =	shalt  }
0x84: {  	_ =	shalt  }
0x85: {  	_ =	shalt  }
0x86: {  	_ =	shalt  }
0x87: {  	_ =	shalt  }
.Lfunc_end0:
.L_simem_size_0:
called_computation_lowered:
.L_overlay_start_0:
0x88: {  	s2 =	sld [smem:$0x3FD9]  }
0x89: {  	s3 =	sld [smem:$0x3FFE];
	_ =	sdelay $0x1  }
0x8a: {  	s1 =	srdreg.scid  }
0x8b: {  	s0 =	sand.u32 $0x1, s1  }
0x8c: {  	s17 =	sshll.u32 s0, $0xA;
	s2 =	sadd.s32 s3, s2  }
0x8d: {  	s2 =	sadd.s32 s2, s17  }
0x8e: {  	[smem:$0x3FBD] =	sst s2  }
0x8f: {  	_ = 	snop  }
0x90: {  	s2 =	sld [smem:$0x3FD0];
	(tm) =	ssettm $0x1  }
0x91: {  	s18 =	sld [smem:$0x3FFB];
	_ =	sdelay $0x3  }
0x92: {  	_ =	strace s18  }
0x93: {  	s3 =	sld [smem:$0x3FFC];
	_ =	sdelay $0x3  }
0x94: {  	_ =	strace s3  }
0x95: {  	s3 =	sld [smem:$0x3FFD];
	_ =	sdelay $0x3  }
0x96: {  	_ =	strace s3  }
0x97: {  	_ =	strace $0x8FFFFFFF  }
0x98: {  	s19 =	sld [smem:$0x3FDB];
	_ =	sdelay $0x1  }
0x99: {  	s4 =	simm.s32 $_scs_section_size  }
0x9a: {  	s5 =	simm.s32 $_size__tile_overlayer_lowered;
	s6 =	simm.s32 $_tile_overlayer_lowered  }
0x9b: {  	s22 =	simm.s32 $0x1BFF;
	s21 =	sshll.u32 s6, $0x1;
	s3 =	sadd.s32 s4, s19  }
0x9c: {  	s7 =	simm.s32 $0x0;
	s20 =	sshll.u32 s5, $0x1;
	s5 =	sadd.s32 s21, s3  }
0x9d: {  	[timem:s7], [sflag:s22] =	dma.local [hbm:s5], s20  }
0x9e: {  	_ =	swait.ge [sflag:s22], s20  }
0x9f: {  	s4 =	ssub.s32 $0x0, s20;
	[sflag:s22] =	ssyncset.done $0x0  }
0xa0: {  	[sflag:s22] =	ssyncadd.s32 s4;
	_ =	sdelay $0x1  }
0xa1: {  	s23 =	simm.s32 $0x1B8B  }
0xa2: {  	_ =	swait.ge [sflag:s23], $0x1  }
0xa3: {  	[sflag:s23] =	ssyncset.done $0x0  }
0xa4: {  	s25 =	simm.s32 $0x1B8E;
	s24 =	sld [smem:$0x3FFE];
	[sflag:s23] =	ssyncadd.s32 $0xFFFFFFFF  }
0xa5: {  	s26 =	simm.s32 $execute0_lowered;
	[smem:$0x3FD2] =	sst s25  }
0xa6: {  	s5 =	sshll.u32 s26, $0x1;
	_ =	strace $0x80000046;
	[dreg:$0x1] =	wrdreg $0xFFFFFFFF  }
0xa7: {  	s28 =	simm.s32 $_size_execute0_lowered;
	s3 =	sadd.s32 s3, s5;
	[dreg:$0x0] =	wrdreg $0x0  }
0xa8: {  	s5 =	sshll.u32 s28, $0x1;
	[dreg:$0x2] =	wrdreg s3  }
0xa9: {  	[dreg:$0x3] =	wrdreg s5  }
0xaa: {  	[dreg:$0x4] =	wrdreg $0xC0  }
0xab: {  	_ =	task [dreg:s7], $0x5FFFF  }
0xac: {  	[dreg:$0x1] =	wrdreg $0xFFFFFFFF  }
0xad: {  	[dreg:$0x0] =	wrdreg $0x60  }
0xae: {  	[dreg:$0x2] =	wrdreg s2  }
0xaf: {  	[dreg:$0x3] =	wrdreg s24  }
0xb0: {  	[dreg:$0x4] =	wrdreg $0x80800  }
0xb1: {  	[dreg:$0x5] =	wrdreg $0x9  }
0xb2: {  	_ =	task.clear_ibuf [dreg:s7], $0x6FFFF;
	_ =	strace $0x90000046  }
0xb3: {  	s29 =	simm.s32 $0x9;
	_ =	strace $0x80000048  }
0xb4: {  	_ =	swait.ge [sflag:s29], $0x1  }
0xb5: {  	[sflag:s29] =	ssyncadd.s32 $0xFFFFFFFF  }
0xb6: {  	_ =	strace $0x90000048  }
0xb7: {  	_ =	sfence  }
0xb8: {  	s30 =	sld [smem:$0x0];
	_ =	sdelay $0x2  }
0xb9: {  	s31 =	sshll.u32 s1, $0xD;
	s1 =	sshrl.u32 s1, $0x2  }
0xba: {  	s3 =	sand.u32 $0x4000, s31;
	s1 =	sadd.s32 s1, s30  }
0xbb: {  	s0 =	sor.u32 s3, s0;
	s1 =	sshll.u32 s1, $0x11  }
0xbc: {  	s0 =	sor.u32 s1, s0  }
0xbd: {  	s0 =	sadd.s32 $0x8F2B, s0  }
0xbe: {  	[sflag:s0] =	ssyncadd.remote.s32 $0x1  }
0xbf: {  	_ =	sfence.sel $0xFFFF  }
0xc0: {  	[dreg:$0x0] =	wrdreg $0xFFFFFFFF;
	(pc) =	sbr.abs _section_cstart, $3  }
0xc1: {  	[dreg:$0x1] =	wrdreg $0xFFFFFFFF  }
0xc2: {  	_ =	task.clear_ibuf [dreg:s7], $0x2FFFF;
	_ =	strace $0x9FFFFFFF  }
0xc3: {  	(tm) =	ssettm $0x7FFFFFFF  }
tec
execute0_lowered:
.L_overlay_start_1:
0x0: {  	(tag) =	ssettag $0x1  }
0x1: {  	s6 =	rddreg [dreg:$0x0]  }
0x2: {  	s5 =	rddreg [dreg:$0x1]  }
0x3: {  	s1 =	rddreg [dreg:$0x2]  }
0x4: {  	s0 =	rddreg [dreg:$0x3];
	s2 =	simm.s32 $0x0  }
0x5: {  	s3 =	srdreg.scid;
	s13 =	simm.s32 $0x2;
	s16 =	simm.s32 $0x10  }
0x6: {  	s17 =	simm.s32 $0x0;
	[smem:$0x7FF] =	sst s2;
	s7 =	sand.u32 $0x1, s3  }
0x7: {  	s3 =	stileid.u32;
	s4 =	sadd.s32 $0x22400, s5;
	_ =	strace $0x80000047  }
0x8: {  	s8 =	ssub.s32 $0x2, s7;
	s9 =	sshll.u32 s7, $0x4;
	s11 =	smul.u32 $0xA00, s3  }
0x9: {  	s30 =	sshll.u32 s3, $0x6;
	s7 =	sshll.u32 s7, $0x10;
	s12 =	sshll.u32 s3, $0xC  }
0xa: {  	s15 =	smul.u32 $0xA0, s3;
	s10 =	sshrl.u32 s8, $0x1;
	s9 =	sadd.s32 s9, s5  }
0xb: {  	s5 =	sor.u32 $0x1C03, s30;
	s31 =	sadd.s32 s6, s7;
	s8 =	ssub.s32 s8, s10  }
0xc: {  	s29 =	sshrl.u32 s11, $0x2;
	s14 =	sadd.s32 $0x22600, s9;
	s9 =	sadd.s32 s12, s31  }
0xd: {  	s10 =	simm.s32 $0x50;
	s12 =	simm.s32 $0x1;
	s11 =	sadd.s32 s29, s1  }
0xe: {  	s6 =	smax.u32 s8, $0x1;
	s8 =	simm.s32 $0x3;
	s14 =	sadd.s32 s15, s14  }
0xf: {  	v0 =	vimm.f32 $1.000000000e+00;
	s15 =	simm.s32 $0x20;
	s7 =	sshrl.u32 s11, $0x3;
	s11 =	simm.s32 $0x8000  }
.LBB2_1:
0x10: {  	[spmem:s7], [sflag:s5] =	dma.local [hbm:s4], $0x50  }
0x11: {  	_ =	swait.ge [sflag:s8], $0x50  }
0x12: {  	[sflag:s8] =	ssyncset.done $0x0  }
0x13: {  	[sflag:s8] =	ssyncadd.s32 $0xFFFFFFB0  }
0x14: {  	[tilespmem:$0x8000] =	vst v0  }
0x15: {  	[tilespmem:$0x8010] =	vst v0  }
0x16: {  	[tilespmem:$0x8020] =	vst v0  }
0x17: {  	[tilespmem:$0x8030] =	vst v0  }
0x18: {  	[tilespmem:$0x8040] =	vst v0  }
0x19: {  	[tilespmem:s2], [sflag:$0x3] =	stream.linear.gather [hbm4b:s9+s2], $0x8000, $0x38;
	[tilespmem:$0x8300] =	vst v63  }
0x1a: {  	_ =	swait.ge [sflag:s8], $0x8000  }
0x1b: {  	[sflag:s8] =	ssyncset.done $0x0  }
0x1c: {  	[sflag:s8] =	ssyncadd.s32 $0xFFFF8000  }
0x1d: {  	s18 =	simm.s32 $0x0;
	[bflag:$0x0] =	sbarrier.arrive $0xFFFF  }
0x1e: {  	[spmem:s1] =	stream.indirect.scatter.add.f32 [tilespmem:s11], [sflag:$0x1], $0x1, s18, s10, $0xb8;
	[tilespmem:$0x8300] =	vst v63  }
0x1f: {  	s31 =	simm.s32 $0x80  }
0x20: {  	[spmem:s1] =	stream.indirect.scatter.add.f32 [tilespmem:s11], [sflag:$0x2], $0x1, s31, s10, $0xb8;
	[tilespmem:$0x8300] =	vst v63  }
0x21: {  	_ =	swait.ge [sflag:s12], $0x50  }
0x22: {  	[sflag:s12] =	ssyncset.done $0x0  }
0x23: {  	[sflag:s12] =	ssyncadd.s32 $0xFFFFFFB0  }
0x24: {  	_ =	swait.ge [sflag:s13], $0x50  }
0x25: {  	s19 =	simm.s32 $0x800;
	s18 =	simm.s32 $0x400;
	[sflag:s13] =	ssyncset.done $0x0  }
.LBB2_2:
0x26: {  	s20 =	sshra.s32 s18, $0x2  }
0x27: {  	[sflag:s13] =	ssyncadd.s32 $0xFFFFFFB0;
	s18 =	smov.u32 s19;
	s21 =	sadd.s32 $0x400, s19  }
0x28: {  	[spmem:s1] =	stream.indirect.scatter.add.f32 [tilespmem:s11], [sflag:$0x1], $0x1, s20, s10, $0xb8;
	[tilespmem:$0x8300] =	vst v63  }
0x29: {  	p0 =	sne.s32 s19, $0x1FC00;
	s19 =	sadd.s32 $0x80, s20  }
0x2a: {  	[spmem:s1] =	stream.indirect.scatter.add.f32 [tilespmem:s11], [sflag:$0x2], $0x1, s19, s10, $0xb8;
	[tilespmem:$0x8300] =	vst v63  }
.Ltmp0:
0x2b: {  	_ =	swait.ge [sflag:s12], $0x50;
	(pc) =	sbr.rel @p0 .LBB2_2-.Ltmp0, $4  }
0x2c: {  	[sflag:s12] =	ssyncset.done $0x0  }
0x2d: {  	[sflag:s12] =	ssyncadd.s32 $0xFFFFFFB0  }
0x2e: {  	_ =	swait.ge [sflag:s13], $0x50  }
0x2f: {  	s19 =	smov.u32 s21;
	[sflag:s13] =	ssyncset.done $0x0  }
0x30: {  	s18 =	sshra.s32 s18, $0x2;
	[sflag:s13] =	ssyncadd.s32 $0xFFFFFFB0  }
0x31: {  	[spmem:s1] =	stream.indirect.scatter.add.f32 [tilespmem:s11], [sflag:$0x1], $0x1, s18, s10, $0xb8;
	[tilespmem:$0x8300] =	vst v63  }
0x32: {  	s18 =	sadd.s32 $0x80, s18  }
0x33: {  	[spmem:s1] =	stream.indirect.scatter.add.f32 [tilespmem:s11], [sflag:$0x2], $0x1, s18, s10, $0xb8;
	[tilespmem:$0x8300] =	vst v63  }
0x34: {  	_ =	swait.ge [sflag:s12], $0x50  }
0x35: {  	[sflag:s12] =	ssyncset.done $0x0  }
0x36: {  	[sflag:s12] =	ssyncadd.s32 $0xFFFFFFB0  }
0x37: {  	_ =	swait.ge [sflag:s13], $0x50  }
0x38: {  	s17 =	sadd.s32 $0x1, s17;
	[sflag:s13] =	ssyncset.done $0x0  }
0x39: {  	p0 =	sne.s32 s17, s6;
	[sflag:s13] =	ssyncadd.s32 $0xFFFFFFB0  }
.Ltmp1:
0x3a: {  	[bflag:$0x0] =	sbarrier.arrive $0xFFFF;
	(pc) =	sbr.rel @p0 .LBB2_1-.Ltmp1, $4  }
0x3b: {  	[hbm:s14@s15], [sflag:s5] =	dma.strided [spmem:s7@s16], $0x50, s12, $0x10   }
0x3c: {  	_ =	swait.ge [sflag:s8], $0x50  }
0x3d: {  	[sflag:s8] =	ssyncset.done $0x0  }
0x3e: {  	[sflag:s8] =	ssyncadd.s32 $0xFFFFFFB0  }
0x3f: {  	_ =	sfence.sel $0x180000  }
0x40: {  	[bflag:$0x0] =	sbarrier.arrive $0xFFFF  }
0x41: {  	p0 =	sne.s32 s3, $0x0;
	_ =	strace $0x90000047  }
0x42: {  	s0 =	sadd.s32 @!p0 $0x100000, s0;
	[bflag:$0x2] =	sbarrier.arrive $0xFFFF  }
0x43: {  	[sflag:s0] =	ssyncadd.tile.s32 @!p0 $0x1;
	_ =	shalt  }
.Lfunc_end2:
_tile_overlayer_lowered:
.L_overlay_start_2:
0x44: {  	(tag) =	ssettag $0x2  }
0x45: {  	s0 =	rddreg [dreg:$0x0];
	s2 =	stileid.u32  }
0x46: {  	s1 =	rddreg [dreg:$0x1];
	p0 =	sne.s32 s2, $0x0  }
0x47: {  	s3 =	rddreg [dreg:$0x2];
	[bflag:$0x3] =	sbarrier.arrive $0xFFFF;
	s2 =	simm.s32 @!p0 $0x1C03  }
0x48: {  	[timem:s3], [sflag:s2] =	dma.local @!p0 [hbm:s0], s1  }
0x49: {  	s0 =	simm.s32 @!p0 $0x3  }
0x4a: {  	_ =	swait.ge @!p0 [sflag:s0], s1  }
0x4b: {  	s1 =	ssub.s32 @!p0 $0x0, s1;
	[sflag:s0] =	ssyncset.done @!p0 $0x0  }
0x4c: {  	[sflag:s0] =	ssyncadd.s32 @!p0 s1  }
0x4d: {  	[bflag:$0x3] =	sbarrier.arrive $0xFFFF  }
0x4e: {  	_ =	shalt  }

</sc_bundles>
